<compile_context>
chip_gen: v7x
topology: tpu7x:2x2x1
jax: 0.10.2.dev20260603
libtpu: 0.0.44.dev20260713+nightly
codegen_flags: <defaults>
</compile_context>

<pallas_src>
import functools

import jax
import jax.numpy as jnp
from jax import lax
from jax.experimental import pallas as pl
from jax.experimental.pallas import tpu as pltpu
from jax.experimental.pallas import tpu_sc as plsc

F32 = jnp.float32
N1_, N2_, N3_, NB = 10000, 20000, 15000, 64
NC, NS = 2, 16
NW = NC * NS
CH = 128
BN = 1000


def _ceil(a, b):
    return -(-a // b)


def _elu(x):
    return jnp.where(x > 0, x, jnp.exp(x) - 1.0)



@functools.lru_cache(maxsize=None)
def _segsum_kernel(K, W, NP, CHc, SB, RD, with_counts):
    RPT = NP // NS
    LEAD = RD // 2
    mesh = plsc.VectorSubcoreMesh(core_axis_name="c", subcore_axis_name="s")
    R3 = (1, W) if SB > 1 else (W,)
    C3 = (1, 16) if SB > 1 else (16,)
    outs = [jax.ShapeDtypeStruct((NC, NP) + R3, F32)]
    scratch = [
        pltpu.VMEM_SHARED((NP,) + R3, F32),
        pltpu.VMEM((K, 1, SB * CHc), jnp.int32),
        pltpu.VMEM((K, 1, SB * CHc), jnp.int32),
        pltpu.VMEM((2 * SB * CHc,) + R3, F32),
        pltpu.SemaphoreType.DMA,
        pltpu.SemaphoreType.DMA,
    ]
    if with_counts:
        outs.append(jax.ShapeDtypeStruct((NC, NP) + C3, F32))
        scratch += [
            pltpu.VMEM_SHARED((NP,) + C3, F32),
            pltpu.VMEM((SB * CHc,) + C3, F32),
            pltpu.SemaphoreType.DMA,
        ]

    def body(*refs):
        if with_counts:
            (y, srcm, dstm, zrow, zrow_c, ones_h, out, out_c,
             acc, sv, dv, rows, gsem, ssem, acc_c, onesb, csem) = refs
        else:
            (y, srcm, dstm, zrow, out, acc, sv, dv, rows, gsem,
             ssem) = refs
        cid = lax.axis_index("c")
        sid = lax.axis_index("s")
        wid = sid * NC + cid
        pltpu.sync_copy(zrow, acc.at[pl.ds(sid * RPT, RPT)])
        if with_counts:
            pltpu.sync_copy(zrow_c, acc_c.at[pl.ds(sid * RPT, RPT)])
            pltpu.sync_copy(ones_h, onesb)
        pltpu.sync_copy(srcm.at[wid], sv)
        pltpu.sync_copy(dstm.at[wid], dv)
        plsc.subcore_barrier()

        def idx(ref, j):
            return ref.at[j] if SB > 1 else ref.at[j, 0]

        @plsc.parallel_loop(0, K, 1, unroll=2)
        def chunk(j):
            buf = rows.at[pl.ds((j % 2) * SB * CHc, SB * CHc)]
            pltpu.async_copy(y.at[idx(sv, j)], buf, gsem).wait()
            pltpu.sync_copy(buf, acc.at[idx(dv, j)], add=True)
            if with_counts:
                pltpu.sync_copy(onesb, acc_c.at[idx(dv, j)], add=True)
        plsc.subcore_barrier()
        pltpu.sync_copy(acc.at[pl.ds(sid * RPT, RPT)],
                        out.at[cid, pl.ds(sid * RPT, RPT)])
        if with_counts:
            pltpu.sync_copy(acc_c.at[pl.ds(sid * RPT, RPT)],
                            out_c.at[cid, pl.ds(sid * RPT, RPT)])

    return pl.kernel(
        body, out_type=outs, mesh=mesh, scratch_types=scratch,
        compiler_params=pltpu.CompilerParams(use_tc_tiling_on_sc=False))


_SPMEM_WORDS = 2_040_000


def _segsum_plan(E, W, nd, with_counts):
    NP = _ceil(nd + 8, 128) * 128
    acc_words = NP * W + (NP * 16 if with_counts else 0)
    budget = min((_SPMEM_WORDS - acc_words) // NS, 120_000)
    for CHc, SB, RD in ((128, 1, 0), (64, 1, 0)):
        K = _ceil(E, NW * SB * CHc)
        words = 2 * K * SB * CHc + 2 * SB * CHc * W
        if with_counts:
            words += SB * CHc * 16
        if words <= budget:
            return NP, CHc, SB, RD, K
    raise ValueError("no segsum plan fits Spmem")


def _segsum(y, src, dst, nd, with_counts=False):
    E = src.shape[0]
    W = y.shape[1]
    NP, CHc, SB, RD, K = _segsum_plan(E, W, nd, with_counts)
    Ep = K * NW * SB * CHc
    pad = Ep - E
    if pad:
        src = jnp.concatenate([src, jnp.zeros((pad,), jnp.int32)])
        dst = jnp.concatenate([dst, jnp.full((pad,), nd, jnp.int32)])
    srcm = src.reshape(NW, K, 1, SB * CHc)
    dstm = dst.reshape(NW, K, 1, SB * CHc)
    r3 = (1, W) if SB > 1 else (W,)
    c3 = (1, 16) if SB > 1 else (16,)
    y_in = y.reshape((y.shape[0],) + r3)
    zrow = jnp.zeros((NP // NS,) + r3, F32)
    fn = _segsum_kernel(K, W, NP, CHc, SB, RD, with_counts)
    if with_counts:
        zc = jnp.zeros((NP // NS,) + c3, F32)
        ones_h = jnp.ones((SB * CHc,) + c3, F32)
        S, C = fn(y_in, srcm, dstm, zrow, zc, ones_h)
        return S.reshape(NC, NP, W), C.reshape(NC, NP, 16)
    (S,) = fn(y_in, srcm, dstm, zrow)
    return (S.reshape(NC, NP, W),)



def _mm2(x, Wr, Wn, b):
    N, Din = x.shape
    Do = Wr.shape[1]

    def body(x_ref, wr_ref, wn_ref, b_ref, r_ref, y_ref):
        xb = x_ref[...]
        r_ref[...] = jnp.dot(xb, wr_ref[...],
                             preferred_element_type=F32) + b_ref[...]
        y_ref[...] = jnp.dot(xb, wn_ref[...], preferred_element_type=F32)

    return pl.pallas_call(
        body, grid=(N // BN,),
        in_specs=[
            pl.BlockSpec((BN, Din), lambda i: (i, 0)),
            pl.BlockSpec((Din, Do), lambda i: (0, 0)),
            pl.BlockSpec((Din, Do), lambda i: (0, 0)),
            pl.BlockSpec((1, Do), lambda i: (0, 0)),
        ],
        out_specs=[pl.BlockSpec((BN, Do), lambda i: (i, 0))] * 2,
        out_shape=[jax.ShapeDtypeStruct((N, Do), F32)] * 2,
    )(x, Wr, Wn, b.reshape(1, -1))


def _mid(r, P, Wr, Wn, b):
    N, Din = r.shape
    NP = P.shape[1]
    Do = Wr.shape[1]

    def body(r_ref, p_ref, wr_ref, wn_ref, b_ref, r2_ref, y2_ref):
        h = _elu(r_ref[...] + p_ref[0] + p_ref[1])
        r2_ref[...] = jnp.dot(h, wr_ref[...],
                              preferred_element_type=F32) + b_ref[...]
        y2_ref[...] = jnp.dot(h, wn_ref[...], preferred_element_type=F32)

    return pl.pallas_call(
        body, grid=(N // BN,),
        in_specs=[
            pl.BlockSpec((BN, Din), lambda i: (i, 0)),
            pl.BlockSpec((NC, BN, Din), lambda i: (0, i, 0)),
            pl.BlockSpec((Din, Do), lambda i: (0, 0)),
            pl.BlockSpec((Din, Do), lambda i: (0, 0)),
            pl.BlockSpec((1, Do), lambda i: (0, 0)),
        ],
        out_specs=[pl.BlockSpec((BN, Do), lambda i: (i, 0))] * 2,
        out_shape=[jax.ShapeDtypeStruct((N, Do), F32)] * 2,
    )(r, P, Wr, Wn, b.reshape(1, -1))


def _last_bpool(r, P, batch3d):
    N, Do = r.shape

    def body(r_ref, p_ref, b_ref, h_ref, s_ref, c_ref):
        h = _elu(r_ref[...] + p_ref[0] + p_ref[1])
        h_ref[...] = h
        bv = b_ref[0, 0, :]
        oh = (bv[None, :] ==
              lax.broadcasted_iota(jnp.int32, (NB, BN), 0)).astype(F32)

        @pl.when(pl.program_id(0) == 0)
        def _():
            s_ref[...] = jnp.zeros_like(s_ref)
            c_ref[...] = jnp.zeros_like(c_ref)

        s_ref[...] += jnp.dot(oh, h, preferred_element_type=F32)
        c_ref[...] += jnp.broadcast_to(
            jnp.sum(oh, axis=1, keepdims=True), (NB, 128))

    return pl.pallas_call(
        body, grid=(N // BN,),
        in_specs=[
            pl.BlockSpec((BN, Do), lambda i: (i, 0)),
            pl.BlockSpec((NC, BN, Do), lambda i: (0, i, 0)),
            pl.BlockSpec((1, 1, BN), lambda i: (i, 0, 0)),
        ],
        out_specs=[
            pl.BlockSpec((BN, Do), lambda i: (i, 0)),
            pl.BlockSpec((NB, Do), lambda i: (0, 0)),
            pl.BlockSpec((NB, 128), lambda i: (0, 0)),
        ],
        out_shape=[
            jax.ShapeDtypeStruct((N, Do), F32),
            jax.ShapeDtypeStruct((NB, Do), F32),
            jax.ShapeDtypeStruct((NB, 128), F32),
        ],
    )(r, P, batch3d)


def _poolstage(S, C, iso, Wr, Wn, b):
    N = iso.shape[0]
    W = S.shape[2]
    Do = Wr.shape[1]

    def body(s_ref, c_ref, iso_ref, wr_ref, wn_ref, b_ref, r_ref, y_ref):
        cnt = c_ref[0] + c_ref[1]
        m = (s_ref[0] + s_ref[1]) / jnp.clip(cnt[:, 0:1], 1.0, None)
        iso_b = iso_ref[...]
        r_ref[...] = (jnp.dot(m, wr_ref[0:W], preferred_element_type=F32)
                      + jnp.dot(iso_b, wr_ref[W:W + 16],
                                preferred_element_type=F32)
                      + b_ref[...])
        y_ref[...] = (jnp.dot(m, wn_ref[0:W], preferred_element_type=F32)
                      + jnp.dot(iso_b, wn_ref[W:W + 16],
                                preferred_element_type=F32))

    NPp = S.shape[1]
    return pl.pallas_call(
        body, grid=(N // BN,),
        in_specs=[
            pl.BlockSpec((NC, BN, W), lambda i: (0, i, 0)),
            pl.BlockSpec((NC, BN, 16), lambda i: (0, i, 0)),
            pl.BlockSpec((BN, 16), lambda i: (i, 0)),
            pl.BlockSpec((W + 16, Do), lambda i: (0, 0)),
            pl.BlockSpec((W + 16, Do), lambda i: (0, 0)),
            pl.BlockSpec((1, Do), lambda i: (0, 0)),
        ],
        out_specs=[pl.BlockSpec((BN, Do), lambda i: (i, 0))] * 2,
        out_shape=[jax.ShapeDtypeStruct((N, Do), F32)] * 2,
    )(S, C, iso, Wr, Wn, b.reshape(1, -1))


def _head(s1, c1, s2, c2, s3, c3, f1W, f1b, f2W, f2b, f3W, f3b):
    def body(s1_ref, c1_ref, s2_ref, c2_ref, s3_ref, c3_ref,
             w1_ref, b1_ref, w2_ref, b2_ref, w3_ref, b3_ref, o_ref):
        x1 = s1_ref[...] / jnp.clip(c1_ref[...][:, 0:64], 1.0, None)
        x2 = s2_ref[...] / jnp.clip(c2_ref[...][:, 0:64], 1.0, None)
        x3 = s3_ref[...] / jnp.clip(c3_ref[...][:, 0:64], 1.0, None)
        t = (jnp.dot(x1, w1_ref[0:64], preferred_element_type=F32)
             + jnp.dot(x2, w1_ref[64:128], preferred_element_type=F32)
             + jnp.dot(x3, w1_ref[128:192], preferred_element_type=F32)
             + b1_ref[...])
        t = _elu(t)
        t = _elu(jnp.dot(t, w2_ref[...], preferred_element_type=F32)
                 + b2_ref[...])
        o = jnp.dot(t, w3_ref[...], preferred_element_type=F32) + b3_ref[...]
        m = jnp.max(o, axis=1, keepdims=True)
        lse = jnp.log(jnp.sum(jnp.exp(o - m), axis=1, keepdims=True)) + m
        o_ref[...] = o - lse

    full = lambda s: pl.BlockSpec(s, lambda: tuple(0 for _ in s))
    return pl.pallas_call(
        body,
        in_specs=[
            full((NB, 64)), full((NB, 128)),
            full((NB, 64)), full((NB, 128)),
            full((NB, 64)), full((NB, 128)),
            full((192, 64)), full((1, 64)),
            full((64, 32)), full((1, 32)),
            full((32, 10)), full((1, 10)),
        ],
        out_specs=full((NB, 10)),
        out_shape=jax.ShapeDtypeStruct((NB, 10), F32),
    )(s1, c1, s2, c2, s3, c3, f1W, f1b.reshape(1, -1),
      f2W, f2b.reshape(1, -1), f3W, f3b.reshape(1, -1))



def kernel(x, edge_index, batch, a2_src, a2_dst, iso_type_2, edge_index_2,
           batch_2, a3_src, a3_dst, iso_type_3, edge_index_3, batch_3,
           Wr1, Wn1, bc1, Wr2, Wn2, bc2, Wr3, Wn3, bc3, Wr4, Wn4, bc4,
           Wr5, Wn5, bc5, Wr6, Wn6, bc6, Wr7, Wn7, bc7,
           fc1_W, fc1_b, fc2_W, fc2_b, fc3_W, fc3_b):
    i32 = jnp.int32
    e1s, e1d = edge_index[0].astype(i32), edge_index[1].astype(i32)
    e2s, e2d = edge_index_2[0].astype(i32), edge_index_2[1].astype(i32)
    e3s, e3d = edge_index_3[0].astype(i32), edge_index_3[1].astype(i32)
    a2s, a2d = a2_src.astype(i32), a2_dst.astype(i32)
    a3s, a3d = a3_src.astype(i32), a3_dst.astype(i32)
    b1 = batch.astype(i32).reshape(N1_ // BN, 1, BN)
    b2 = batch_2.astype(i32).reshape(N2_ // BN, 1, BN)
    b3 = batch_3.astype(i32).reshape(N3_ // BN, 1, BN)

    r, y = _mm2(x, Wr1, Wn1, bc1)
    (P,) = _segsum(y, e1s, e1d, N1_)
    r, y = _mid(r, P, Wr2, Wn2, bc2)
    (P,) = _segsum(y, e1s, e1d, N1_)
    r, y = _mid(r, P, Wr3, Wn3, bc3)
    (P,) = _segsum(y, e1s, e1d, N1_)
    h, s1, c1 = _last_bpool(r, P, b1)

    S, C = _segsum(h, a2s, a2d, N2_, with_counts=True)
    r, y = _poolstage(S, C, iso_type_2, Wr4, Wn4, bc4)
    (P,) = _segsum(y, e2s, e2d, N2_)
    r, y = _mid(r, P, Wr5, Wn5, bc5)
    (P,) = _segsum(y, e2s, e2d, N2_)
    h2, s2, c2 = _last_bpool(r, P, b2)

    S, C = _segsum(h2, a3s, a3d, N3_, with_counts=True)
    r, y = _poolstage(S, C, iso_type_3, Wr6, Wn6, bc6)
    (P,) = _segsum(y, e3s, e3d, N3_)
    r, y = _mid(r, P, Wr7, Wn7, bc7)
    (P,) = _segsum(y, e3s, e3d, N3_)
    _h3, s3, c3 = _last_bpool(r, P, b3)

    return _head(s1, c1, s2, c2, s3, c3,
                 fc1_W, fc1_b, fc2_W, fc2_b, fc3_W, fc3_b)

# --- scband reference (transcript-rebuilt; emitter-appended) ---
"""Pipeline reference for scband-net-90151363543364 (READ-ONLY COPY).

The authoritative reference and input builder live on the scoring server;
editing this copy changes nothing except your own understanding.
"""

import jax, jax.numpy as jnp
import numpy as np

N1, N2, N3, B = 10000, 20000, 15000, 64

def _graph_conv(x, ei, Wr, Wn, b, n):
    agg = jax.ops.segment_sum(x[ei[0]], ei[1], num_segments=n)
    return x @ Wr + agg @ Wn + b

def _scatter_mean(x, idx, n):
    s = jax.ops.segment_sum(x, idx, num_segments=n)
    c = jax.ops.segment_sum(jnp.ones((x.shape[0], 1), x.dtype), idx, num_segments=n)
    return s / jnp.clip(c, 1.0, None)

def setup_inputs(seed: int = 0):
    key = jax.random.key(seed)
    ks = jax.random.split(key, 64)
    E1, E2, E3, A2, A3, D = 320000, 400000, 300000, 40000, 45000, 128
    inp = {}
    inp['x'] = jax.random.normal(ks[0], (N1, D), jnp.float32)
    inp['edge_index'] = jax.random.randint(ks[1], (2, E1), 0, N1)
    inp['batch'] = jnp.sort(jax.random.randint(ks[2], (N1,), 0, B))
    inp['a2_src'] = jax.random.randint(ks[3], (A2,), 0, N1)
    inp['a2_dst'] = jax.random.randint(ks[4], (A2,), 0, N2)
    inp['iso_type_2'] = jax.random.normal(ks[5], (N2, 16), jnp.float32)
    inp['edge_index_2'] = jax.random.randint(ks[6], (2, E2), 0, N2)
    inp['batch_2'] = jnp.sort(jax.random.randint(ks[7], (N2,), 0, B))
    inp['a3_src'] = jax.random.randint(ks[8], (A3,), 0, N2)
    inp['a3_dst'] = jax.random.randint(ks[9], (A3,), 0, N3)
    inp['iso_type_3'] = jax.random.normal(ks[10], (N3, 16), jnp.float32)
    inp['edge_index_3'] = jax.random.randint(ks[11], (2, E3), 0, N3)
    inp['batch_3'] = jnp.sort(jax.random.randint(ks[12], (N3,), 0, B))
    dims = [(D, 32), (32, 64), (64, 64), (64 + 16, 64), (64, 64), (64 + 16, 64), (64, 64)]
    k = 13
    for i, (di, do) in enumerate(dims, start=1):
        s = 1.0 / np.sqrt(di)
        inp['Wr%d' % i] = jax.random.normal(ks[k], (di, do), jnp.float32) * s; k += 1
        inp['Wn%d' % i] = jax.random.normal(ks[k], (di, do), jnp.float32) * s; k += 1
        inp['bc%d' % i] = jnp.zeros((do,), jnp.float32)
    for name, (di, do) in [('fc1', (192, 64)), ('fc2', (64, 32)), ('fc3', (32, 10))]:
        inp[name + '_W'] = jax.random.normal(ks[k], (di, do), jnp.float32) / np.sqrt(di); k += 1
        inp[name + '_b'] = jnp.zeros((do,), jnp.float32)
    return inp

def reference(x, edge_index, batch, a2_src, a2_dst, iso_type_2, edge_index_2, batch_2, a3_src, a3_dst, iso_type_3, edge_index_3, batch_3, Wr1, Wn1, bc1, Wr2, Wn2, bc2, Wr3, Wn3, bc3, Wr4, Wn4, bc4, Wr5, Wn5, bc5, Wr6, Wn6, bc6, Wr7, Wn7, bc7, fc1_W, fc1_b, fc2_W, fc2_b, fc3_W, fc3_b):
    elu = jax.nn.elu
    h = elu(_graph_conv(x, edge_index, Wr1, Wn1, bc1, N1))
    h = elu(_graph_conv(h, edge_index, Wr2, Wn2, bc2, N1))
    h = elu(_graph_conv(h, edge_index, Wr3, Wn3, bc3, N1))
    x1 = _scatter_mean(h, batch, B)
    h2 = _scatter_mean(h[a2_src], a2_dst, N2)
    h2 = jnp.concatenate([h2, iso_type_2], axis=1)
    h2 = elu(_graph_conv(h2, edge_index_2, Wr4, Wn4, bc4, N2))
    h2 = elu(_graph_conv(h2, edge_index_2, Wr5, Wn5, bc5, N2))
    x2 = _scatter_mean(h2, batch_2, B)
    h3 = _scatter_mean(h2[a3_src], a3_dst, N3)
    h3 = jnp.concatenate([h3, iso_type_3], axis=1)
    h3 = elu(_graph_conv(h3, edge_index_3, Wr6, Wn6, bc6, N3))
    h3 = elu(_graph_conv(h3, edge_index_3, Wr7, Wn7, bc7, N3))
    x3 = _scatter_mean(h3, batch_3, B)
    xc = jnp.concatenate([x1, x2, x3], axis=1)
    xc = elu(xc @ fc1_W + fc1_b)
    xc = elu(xc @ fc2_W + fc2_b)
    xc = xc @ fc3_W + fc3_b
    return jax.nn.log_softmax(xc, axis=1)

if __name__ == "__main__":
    import jax
    _d = setup_inputs()
    print(jax.jit(kernel)(*tuple(_d.values())))

</pallas_src>

<mosaic_0001>
#map = affine_map<(d0, d1) -> (0, 0)>
#map1 = affine_map<(d0, d1) -> (0, 0, 0, 0)>
#map2 = affine_map<(d0, d1) -> (0, 0, 0)>
module attributes {stable_mosaic.version = 14 : i64} {
  func.func @body(%arg0: i32, %arg1: i32, %arg2: memref<10000x32xf32, #tpu.memory_space<hbm>>, %arg3: memref<32x79x1x128xi32, #tpu.memory_space<hbm>>, %arg4: memref<32x79x1x128xi32, #tpu.memory_space<hbm>>, %arg5: memref<632x32xf32, #tpu.memory_space<hbm>>, %arg6: memref<2x10112x32xf32, #tpu.memory_space<hbm>>, %arg7: memref<10112x32xf32, #tpu.memory_space<vmem_shared>>, %arg8: memref<79x1x128xi32, #tpu.memory_space<vmem>>, %arg9: memref<79x1x128xi32, #tpu.memory_space<vmem>>, %arg10: memref<256x32xf32, #tpu.memory_space<vmem>>, %arg11: memref<!tpu.dma_semaphore, #tpu.memory_space<semaphore_mem>>, %arg12: memref<!tpu.dma_semaphore, #tpu.memory_space<semaphore_mem>>) attributes {dimension_semantics = [#tpu.dimension_semantics<core_parallel>, #tpu.dimension_semantics<subcore_parallel>], iteration_bounds = array<i64: 2, 16>, scalar_prefetch = 0 : i64, scratch_operands = 6 : i64, tpu.core_type = #tpu.core_type<sc_vector_subcore>, window_params = [{transform_indices = #map}, {transform_indices = #map1}, {transform_indices = #map1}, {transform_indices = #map}, {transform_indices = #map2}]} {
    %mul3A = arith.constant 2 : i32
    %mul3A_0 = arith.muli %arg1, %mul3A : i32
    %add3A = arith.addi %mul3A_0, %arg0 : i32
    %mul3A_1 = arith.constant 632 : i32
    %mul3A_2 = arith.muli %arg1, %mul3A_1 : i32
    "tpu.region"() ({
      %run_scoped3A = tpu.sem_alloc : memref<!tpu.dma_semaphore, #tpu.memory_space<semaphore_mem>>
      %dma_start3A = arith.constant 0 : i32
      %dma_start3A_10 = tpu.memref_slice %arg7[%mul3A_2, %dma_start3A] : memref<10112x32xf32, #tpu.memory_space<vmem_shared>> -> memref<632x32xf32, #tpu.memory_space<vmem_shared>>
      tpu.enqueue_dma source(%arg5 : memref<632x32xf32, #tpu.memory_space<hbm>>) target(%dma_start3A_10 : memref<632x32xf32, #tpu.memory_space<vmem_shared>>) target_semaphore(%run_scoped3A : memref<!tpu.dma_semaphore, #tpu.memory_space<semaphore_mem>>)
      %dma_wait3A = arith.constant 0 : i32
      %dma_wait3A_11 = tpu.memref_slice %arg7[%mul3A_2, %dma_wait3A] : memref<10112x32xf32, #tpu.memory_space<vmem_shared>> -> memref<632x32xf32, #tpu.memory_space<vmem_shared>>
      tpu.wait_dma2 semaphore(%run_scoped3A : memref<!tpu.dma_semaphore, #tpu.memory_space<semaphore_mem>>) src(%arg5 : memref<632x32xf32, #tpu.memory_space<hbm>>) dst(%dma_wait3A_11 : memref<632x32xf32, #tpu.memory_space<vmem_shared>>)
      tpu.yield
    }) : () -> ()
    "tpu.region"() ({
      %run_scoped3A = tpu.sem_alloc : memref<!tpu.dma_semaphore, #tpu.memory_space<semaphore_mem>>
      %dma_start3A = arith.constant 0 : i32
      %dma_start3A_10 = arith.constant 0 : i32
      %dma_start3A_11 = arith.constant 0 : i32
      %dma_start3A_12 = tpu.memref_slice %arg3[%add3A, %dma_start3A, %dma_start3A_10, %dma_start3A_11] : memref<32x79x1x128xi32, #tpu.memory_space<hbm>> -> memref<1x79x1x128xi32, #tpu.memory_space<hbm>>
      %dma_start3A_13 = tpu.memref_squeeze %dma_start3A_12 : memref<1x79x1x128xi32, #tpu.memory_space<hbm>> -> memref<79x1x128xi32, #tpu.memory_space<hbm>>
      %dma_start3A_14 = arith.constant 0 : i32
      %dma_start3A_15 = arith.constant 0 : i32
      %dma_start3A_16 = arith.constant 0 : i32
      %dma_start3A_17 = tpu.memref_slice %arg3[%add3A, %dma_start3A_14, %dma_start3A_15, %dma_start3A_16] : memref<32x79x1x128xi32, #tpu.memory_space<hbm>> -> memref<1x79x1x128xi32, #tpu.memory_space<hbm>>
      %dma_start3A_18 = tpu.memref_squeeze %dma_start3A_17 : memref<1x79x1x128xi32, #tpu.memory_space<hbm>> -> memref<79x1x128xi32, #tpu.memory_space<hbm>>
      tpu.enqueue_dma source(%dma_start3A_18 : memref<79x1x128xi32, #tpu.memory_space<hbm>>) target(%arg8 : memref<79x1x128xi32, #tpu.memory_space<vmem>>) target_semaphore(%run_scoped3A : memref<!tpu.dma_semaphore, #tpu.memory_space<semaphore_mem>>)
      %dma_wait3A = arith.constant 0 : i32
      %dma_wait3A_19 = arith.constant 0 : i32
      %dma_wait3A_20 = arith.constant 0 : i32
      %dma_wait3A_21 = tpu.memref_slice %arg3[%add3A, %dma_wait3A, %dma_wait3A_19, %dma_wait3A_20] : memref<32x79x1x128xi32, #tpu.memory_space<hbm>> -> memref<1x79x1x128xi32, #tpu.memory_space<hbm>>
      %dma_wait3A_22 = tpu.memref_squeeze %dma_wait3A_21 : memref<1x79x1x128xi32, #tpu.memory_space<hbm>> -> memref<79x1x128xi32, #tpu.memory_space<hbm>>
      %dma_wait3A_23 = arith.constant 0 : i32
      %dma_wait3A_24 = arith.constant 0 : i32
      %dma_wait3A_25 = arith.constant 0 : i32
      %dma_wait3A_26 = tpu.memref_slice %arg3[%add3A, %dma_wait3A_23, %dma_wait3A_24, %dma_wait3A_25] : memref<32x79x1x128xi32, #tpu.memory_space<hbm>> -> memref<1x79x1x128xi32, #tpu.memory_space<hbm>>
      %dma_wait3A_27 = tpu.memref_squeeze %dma_wait3A_26 : memref<1x79x1x128xi32, #tpu.memory_space<hbm>> -> memref<79x1x128xi32, #tpu.memory_space<hbm>>
      tpu.wait_dma2 semaphore(%run_scoped3A : memref<!tpu.dma_semaphore, #tpu.memory_space<semaphore_mem>>) src(%dma_wait3A_27 : memref<79x1x128xi32, #tpu.memory_space<hbm>>) dst(%arg8 : memref<79x1x128xi32, #tpu.memory_space<vmem>>)
      tpu.yield
    }) : () -> ()
    "tpu.region"() ({
      %run_scoped3A = tpu.sem_alloc : memref<!tpu.dma_semaphore, #tpu.memory_space<semaphore_mem>>
      %dma_start3A = arith.constant 0 : i32
      %dma_start3A_10 = arith.constant 0 : i32
      %dma_start3A_11 = arith.constant 0 : i32
      %dma_start3A_12 = tpu.memref_slice %arg4[%add3A, %dma_start3A, %dma_start3A_10, %dma_start3A_11] : memref<32x79x1x128xi32, #tpu.memory_space<hbm>> -> memref<1x79x1x128xi32, #tpu.memory_space<hbm>>
      %dma_start3A_13 = tpu.memref_squeeze %dma_start3A_12 : memref<1x79x1x128xi32, #tpu.memory_space<hbm>> -> memref<79x1x128xi32, #tpu.memory_space<hbm>>
      %dma_start3A_14 = arith.constant 0 : i32
      %dma_start3A_15 = arith.constant 0 : i32
      %dma_start3A_16 = arith.constant 0 : i32
      %dma_start3A_17 = tpu.memref_slice %arg4[%add3A, %dma_start3A_14, %dma_start3A_15, %dma_start3A_16] : memref<32x79x1x128xi32, #tpu.memory_space<hbm>> -> memref<1x79x1x128xi32, #tpu.memory_space<hbm>>
      %dma_start3A_18 = tpu.memref_squeeze %dma_start3A_17 : memref<1x79x1x128xi32, #tpu.memory_space<hbm>> -> memref<79x1x128xi32, #tpu.memory_space<hbm>>
      tpu.enqueue_dma source(%dma_start3A_18 : memref<79x1x128xi32, #tpu.memory_space<hbm>>) target(%arg9 : memref<79x1x128xi32, #tpu.memory_space<vmem>>) target_semaphore(%run_scoped3A : memref<!tpu.dma_semaphore, #tpu.memory_space<semaphore_mem>>)
      %dma_wait3A = arith.constant 0 : i32
      %dma_wait3A_19 = arith.constant 0 : i32
      %dma_wait3A_20 = arith.constant 0 : i32
      %dma_wait3A_21 = tpu.memref_slice %arg4[%add3A, %dma_wait3A, %dma_wait3A_19, %dma_wait3A_20] : memref<32x79x1x128xi32, #tpu.memory_space<hbm>> -> memref<1x79x1x128xi32, #tpu.memory_space<hbm>>
      %dma_wait3A_22 = tpu.memref_squeeze %dma_wait3A_21 : memref<1x79x1x128xi32, #tpu.memory_space<hbm>> -> memref<79x1x128xi32, #tpu.memory_space<hbm>>
      %dma_wait3A_23 = arith.constant 0 : i32
      %dma_wait3A_24 = arith.constant 0 : i32
      %dma_wait3A_25 = arith.constant 0 : i32
      %dma_wait3A_26 = tpu.memref_slice %arg4[%add3A, %dma_wait3A_23, %dma_wait3A_24, %dma_wait3A_25] : memref<32x79x1x128xi32, #tpu.memory_space<hbm>> -> memref<1x79x1x128xi32, #tpu.memory_space<hbm>>
      %dma_wait3A_27 = tpu.memref_squeeze %dma_wait3A_26 : memref<1x79x1x128xi32, #tpu.memory_space<hbm>> -> memref<79x1x128xi32, #tpu.memory_space<hbm>>
      tpu.wait_dma2 semaphore(%run_scoped3A : memref<!tpu.dma_semaphore, #tpu.memory_space<semaphore_mem>>) src(%dma_wait3A_27 : memref<79x1x128xi32, #tpu.memory_space<hbm>>) dst(%arg9 : memref<79x1x128xi32, #tpu.memory_space<vmem>>)
      tpu.yield
    }) : () -> ()
    %barrier3A = arith.constant 0 : index
    tpu.barrier barrier_id(%barrier3A)
    %parallel_loop3A = arith.constant 0 : i32
    %parallel_loop3A_3 = arith.constant 79 : i32
    %parallel_loop3A_4 = arith.constant 1 : i32
    scf.for %parallel_loop3A_10 = %parallel_loop3A to %parallel_loop3A_3 step %parallel_loop3A_4  : i32 {
      %parallel_loop3A_11 = arith.constant 2 : i32
      %parallel_loop3A_12 = arith.constant 0 : i32
      %parallel_loop3A_13 = arith.cmpi eq, %parallel_loop3A_11, %parallel_loop3A_12 : i32
      %parallel_loop3A_14 = arith.constant 1 : i32
      %parallel_loop3A_15 = arith.select %parallel_loop3A_13, %parallel_loop3A_14, %parallel_loop3A_11 : i32
      %parallel_loop3A_16 = arith.remsi %parallel_loop3A_10, %parallel_loop3A_15 : i32
      %parallel_loop3A_17 = arith.constant 0 : i32
      %parallel_loop3A_18 = arith.cmpi ne, %parallel_loop3A_16, %parallel_loop3A_17 : i32
      %parallel_loop3A_19 = arith.constant 0 : i32
      %parallel_loop3A_20 = arith.cmpi slt, %parallel_loop3A_16, %parallel_loop3A_19 : i32
      %parallel_loop3A_21 = arith.constant 0 : i32
      %parallel_loop3A_22 = arith.cmpi slt, %parallel_loop3A_15, %parallel_loop3A_21 : i32
      %parallel_loop3A_23 = arith.xori %parallel_loop3A_20, %parallel_loop3A_22 : i1
      %parallel_loop3A_24 = arith.andi %parallel_loop3A_23, %parallel_loop3A_18 : i1
      %parallel_loop3A_25 = arith.addi %parallel_loop3A_16, %parallel_loop3A_15 : i32
      %parallel_loop3A_26 = arith.select %parallel_loop3A_24, %parallel_loop3A_25, %parallel_loop3A_16 : i32
      %parallel_loop3A_27 = arith.constant 1 : i32
      %parallel_loop3A_28 = arith.muli %parallel_loop3A_26, %parallel_loop3A_27 : i32
      %parallel_loop3A_29 = arith.constant 128 : i32
      %parallel_loop3A_30 = arith.muli %parallel_loop3A_28, %parallel_loop3A_29 : i32
      %parallel_loop3A_31 = arith.constant 0 : i32
      %parallel_loop3A_32 = arith.constant 0 : i32
      %parallel_loop3A_33 = tpu.memref_slice %arg10[%parallel_loop3A_30, %parallel_loop3A_32] : memref<256x32xf32, #tpu.memory_space<vmem>> -> memref<128x32xf32, #tpu.memory_space<vmem>>
      %parallel_loop3A_34 = arith.constant 0 : i32
      %parallel_loop3A_35 = tpu.memref_slice %arg8[%parallel_loop3A_10, %parallel_loop3A_31, %parallel_loop3A_34] : memref<79x1x128xi32, #tpu.memory_space<vmem>> -> memref<1x1x128xi32, #tpu.memory_space<vmem>>
      %parallel_loop3A_36 = tpu.memref_squeeze %parallel_loop3A_35 : memref<1x1x128xi32, #tpu.memory_space<vmem>> -> memref<128xi32, #tpu.memory_space<vmem>>
      %parallel_loop3A_37 = arith.constant 0 : i32
      %parallel_loop3A_38 = arith.constant 0 : i32
      %parallel_loop3A_39 = tpu.memref_slice %arg2[%parallel_loop3A_37, %parallel_loop3A_38] : memref<10000x32xf32, #tpu.memory_space<hbm>> -> memref<10000x32xf32, #tpu.memory_space<hbm>>
      tpu.enqueue_indirect_dma source(%parallel_loop3A_39 : memref<10000x32xf32, #tpu.memory_space<hbm>>) target(%parallel_loop3A_33 : memref<128x32xf32, #tpu.memory_space<vmem>>) offsets(%parallel_loop3A_36 : memref<128xi32, #tpu.memory_space<vmem>>) semaphore(%arg11 : memref<!tpu.dma_semaphore, #tpu.memory_space<semaphore_mem>>)
      %parallel_loop3A_40 = arith.constant 0 : i32
      %parallel_loop3A_41 = arith.constant 0 : i32
      %parallel_loop3A_42 = tpu.memref_slice %arg10[%parallel_loop3A_30, %parallel_loop3A_41] : memref<256x32xf32, #tpu.memory_space<vmem>> -> memref<128x32xf32, #tpu.memory_space<vmem>>
      %parallel_loop3A_43 = arith.constant 0 : i32
      %parallel_loop3A_44 = tpu.memref_slice %arg8[%parallel_loop3A_10, %parallel_loop3A_40, %parallel_loop3A_43] : memref<79x1x128xi32, #tpu.memory_space<vmem>> -> memref<1x1x128xi32, #tpu.memory_space<vmem>>
      %parallel_loop3A_45 = tpu.memref_squeeze %parallel_loop3A_44 : memref<1x1x128xi32, #tpu.memory_space<vmem>> -> memref<128xi32, #tpu.memory_space<vmem>>
      %parallel_loop3A_46 = arith.constant 0 : i32
      %parallel_loop3A_47 = arith.constant 0 : i32
      %parallel_loop3A_48 = tpu.memref_slice %arg2[%parallel_loop3A_46, %parallel_loop3A_47] : memref<10000x32xf32, #tpu.memory_space<hbm>> -> memref<10000x32xf32, #tpu.memory_space<hbm>>
      tpu.wait_indirect_dma semaphore(%arg11 : memref<!tpu.dma_semaphore, #tpu.memory_space<semaphore_mem>>) src(%parallel_loop3A_48 : memref<10000x32xf32, #tpu.memory_space<hbm>>) dst(%parallel_loop3A_42 : memref<128x32xf32, #tpu.memory_space<vmem>>)
      %parallel_loop3A_49 = arith.constant 0 : i32
      "tpu.region"() ({
        %parallel_loop3A_50 = tpu.sem_alloc : memref<!tpu.dma_semaphore, #tpu.memory_space<semaphore_mem>>
        %parallel_loop3A_51 = arith.constant 0 : i32
        %parallel_loop3A_52 = tpu.memref_slice %arg10[%parallel_loop3A_30, %parallel_loop3A_51] : memref<256x32xf32, #tpu.memory_space<vmem>> -> memref<128x32xf32, #tpu.memory_space<vmem>>
        %parallel_loop3A_53 = arith.constant 0 : i32
        %parallel_loop3A_54 = tpu.memref_slice %arg9[%parallel_loop3A_10, %parallel_loop3A_49, %parallel_loop3A_53] : memref<79x1x128xi32, #tpu.memory_space<vmem>> -> memref<1x1x128xi32, #tpu.memory_space<vmem>>
        %parallel_loop3A_55 = tpu.memref_squeeze %parallel_loop3A_54 : memref<1x1x128xi32, #tpu.memory_space<vmem>> -> memref<128xi32, #tpu.memory_space<vmem>>
        %parallel_loop3A_56 = arith.constant 0 : i32
        %parallel_loop3A_57 = arith.constant 0 : i32
        %parallel_loop3A_58 = tpu.memref_slice %arg7[%parallel_loop3A_56, %parallel_loop3A_57] : memref<10112x32xf32, #tpu.memory_space<vmem_shared>> -> memref<10112x32xf32, #tpu.memory_space<vmem_shared>>
        tpu.enqueue_indirect_dma source(%parallel_loop3A_52 : memref<128x32xf32, #tpu.memory_space<vmem>>) target(%parallel_loop3A_58 : memref<10112x32xf32, #tpu.memory_space<vmem_shared>>) offsets(%parallel_loop3A_55 : memref<128xi32, #tpu.memory_space<vmem>>) semaphore(%parallel_loop3A_50 : memref<!tpu.dma_semaphore, #tpu.memory_space<semaphore_mem>>) {add = true}
        %parallel_loop3A_59 = arith.constant 0 : i32
        %parallel_loop3A_60 = tpu.memref_slice %arg10[%parallel_loop3A_30, %parallel_loop3A_59] : memref<256x32xf32, #tpu.memory_space<vmem>> -> memref<128x32xf32, #tpu.memory_space<vmem>>
        %parallel_loop3A_61 = arith.constant 0 : i32
        %parallel_loop3A_62 = tpu.memref_slice %arg9[%parallel_loop3A_10, %parallel_loop3A_49, %parallel_loop3A_61] : memref<79x1x128xi32, #tpu.memory_space<vmem>> -> memref<1x1x128xi32, #tpu.memory_space<vmem>>
        %parallel_loop3A_63 = tpu.memref_squeeze %parallel_loop3A_62 : memref<1x1x128xi32, #tpu.memory_space<vmem>> -> memref<128xi32, #tpu.memory_space<vmem>>
        %parallel_loop3A_64 = arith.constant 0 : i32
        %parallel_loop3A_65 = arith.constant 0 : i32
        %parallel_loop3A_66 = tpu.memref_slice %arg7[%parallel_loop3A_64, %parallel_loop3A_65] : memref<10112x32xf32, #tpu.memory_space<vmem_shared>> -> memref<10112x32xf32, #tpu.memory_space<vmem_shared>>
        tpu.wait_indirect_dma semaphore(%parallel_loop3A_50 : memref<!tpu.dma_semaphore, #tpu.memory_space<semaphore_mem>>) src(%parallel_loop3A_60 : memref<128x32xf32, #tpu.memory_space<vmem>>) dst(%parallel_loop3A_66 : memref<10112x32xf32, #tpu.memory_space<vmem_shared>>)
        tpu.yield
      }) : () -> ()
    } {sc.loop_unroll_factor = 2 : i64, sc.parallel_access}
    %barrier3A_5 = arith.constant 0 : index
    tpu.barrier barrier_id(%barrier3A_5)
    %mul3A_6 = arith.constant 632 : i32
    %mul3A_7 = arith.muli %arg1, %mul3A_6 : i32
    %mul3A_8 = arith.constant 632 : i32
    %mul3A_9 = arith.muli %arg1, %mul3A_8 : i32
    "tpu.region"() ({
      %run_scoped3A = tpu.sem_alloc : memref<!tpu.dma_semaphore, #tpu.memory_space<semaphore_mem>>
      %dma_start3A = arith.constant 0 : i32
      %dma_start3A_10 = tpu.memref_slice %arg6[%arg0, %mul3A_9, %dma_start3A] : memref<2x10112x32xf32, #tpu.memory_space<hbm>> -> memref<1x632x32xf32, #tpu.memory_space<hbm>>
      %dma_start3A_11 = tpu.memref_squeeze %dma_start3A_10 : memref<1x632x32xf32, #tpu.memory_space<hbm>> -> memref<632x32xf32, #tpu.memory_space<hbm>>
      %dma_start3A_12 = arith.constant 0 : i32
      %dma_start3A_13 = tpu.memref_slice %arg7[%mul3A_7, %dma_start3A_12] : memref<10112x32xf32, #tpu.memory_space<vmem_shared>> -> memref<632x32xf32, #tpu.memory_space<vmem_shared>>
      tpu.enqueue_dma source(%dma_start3A_13 : memref<632x32xf32, #tpu.memory_space<vmem_shared>>) target(%dma_start3A_11 : memref<632x32xf32, #tpu.memory_space<hbm>>) target_semaphore(%run_scoped3A : memref<!tpu.dma_semaphore, #tpu.memory_space<semaphore_mem>>)
      %dma_wait3A = arith.constant 0 : i32
      %dma_wait3A_14 = tpu.memref_slice %arg6[%arg0, %mul3A_9, %dma_wait3A] : memref<2x10112x32xf32, #tpu.memory_space<hbm>> -> memref<1x632x32xf32, #tpu.memory_space<hbm>>
      %dma_wait3A_15 = tpu.memref_squeeze %dma_wait3A_14 : memref<1x632x32xf32, #tpu.memory_space<hbm>> -> memref<632x32xf32, #tpu.memory_space<hbm>>
      %dma_wait3A_16 = arith.constant 0 : i32
      %dma_wait3A_17 = tpu.memref_slice %arg7[%mul3A_7, %dma_wait3A_16] : memref<10112x32xf32, #tpu.memory_space<vmem_shared>> -> memref<632x32xf32, #tpu.memory_space<vmem_shared>>
      tpu.wait_dma2 semaphore(%run_scoped3A : memref<!tpu.dma_semaphore, #tpu.memory_space<semaphore_mem>>) src(%dma_wait3A_17 : memref<632x32xf32, #tpu.memory_space<vmem_shared>>) dst(%dma_wait3A_15 : memref<632x32xf32, #tpu.memory_space<hbm>>)
      tpu.yield
    }) : () -> ()
    return
  }
}

#map = affine_map<(d0, d1) -> (0, 0)>
#map1 = affine_map<(d0, d1) -> (0, 0, 0, 0)>
#map2 = affine_map<(d0, d1) -> (0, 0, 0)>
module attributes {stable_mosaic.version = 14 : i64} {
  func.func @body(%arg0: i32, %arg1: i32, %arg2: memref<10000x64xf32, #tpu.memory_space<hbm>>, %arg3: memref<32x79x1x128xi32, #tpu.memory_space<hbm>>, %arg4: memref<32x79x1x128xi32, #tpu.memory_space<hbm>>, %arg5: memref<632x64xf32, #tpu.memory_space<hbm>>, %arg6: memref<2x10112x64xf32, #tpu.memory_space<hbm>>, %arg7: memref<10112x64xf32, #tpu.memory_space<vmem_shared>>, %arg8: memref<79x1x128xi32, #tpu.memory_space<vmem>>, %arg9: memref<79x1x128xi32, #tpu.memory_space<vmem>>, %arg10: memref<256x64xf32, #tpu.memory_space<vmem>>, %arg11: memref<!tpu.dma_semaphore, #tpu.memory_space<semaphore_mem>>, %arg12: memref<!tpu.dma_semaphore, #tpu.memory_space<semaphore_mem>>) attributes {dimension_semantics = [#tpu.dimension_semantics<core_parallel>, #tpu.dimension_semantics<subcore_parallel>], iteration_bounds = array<i64: 2, 16>, scalar_prefetch = 0 : i64, scratch_operands = 6 : i64, tpu.core_type = #tpu.core_type<sc_vector_subcore>, window_params = [{transform_indices = #map}, {transform_indices = #map1}, {transform_indices = #map1}, {transform_indices = #map}, {transform_indices = #map2}]} {
    %mul3A = arith.constant 2 : i32
    %mul3A_0 = arith.muli %arg1, %mul3A : i32
    %add3A = arith.addi %mul3A_0, %arg0 : i32
    %mul3A_1 = arith.constant 632 : i32
    %mul3A_2 = arith.muli %arg1, %mul3A_1 : i32
    "tpu.region"() ({
      %run_scoped3A = tpu.sem_alloc : memref<!tpu.dma_semaphore, #tpu.memory_space<semaphore_mem>>
      %dma_start3A = arith.constant 0 : i32
      %dma_start3A_10 = tpu.memref_slice %arg7[%mul3A_2, %dma_start3A] : memref<10112x64xf32, #tpu.memory_space<vmem_shared>> -> memref<632x64xf32, #tpu.memory_space<vmem_shared>>
      tpu.enqueue_dma source(%arg5 : memref<632x64xf32, #tpu.memory_space<hbm>>) target(%dma_start3A_10 : memref<632x64xf32, #tpu.memory_space<vmem_shared>>) target_semaphore(%run_scoped3A : memref<!tpu.dma_semaphore, #tpu.memory_space<semaphore_mem>>)
      %dma_wait3A = arith.constant 0 : i32
      %dma_wait3A_11 = tpu.memref_slice %arg7[%mul3A_2, %dma_wait3A] : memref<10112x64xf32, #tpu.memory_space<vmem_shared>> -> memref<632x64xf32, #tpu.memory_space<vmem_shared>>
      tpu.wait_dma2 semaphore(%run_scoped3A : memref<!tpu.dma_semaphore, #tpu.memory_space<semaphore_mem>>) src(%arg5 : memref<632x64xf32, #tpu.memory_space<hbm>>) dst(%dma_wait3A_11 : memref<632x64xf32, #tpu.memory_space<vmem_shared>>)
      tpu.yield
    }) : () -> ()
    "tpu.region"() ({
      %run_scoped3A = tpu.sem_alloc : memref<!tpu.dma_semaphore, #tpu.memory_space<semaphore_mem>>
      %dma_start3A = arith.constant 0 : i32
      %dma_start3A_10 = arith.constant 0 : i32
      %dma_start3A_11 = arith.constant 0 : i32
      %dma_start3A_12 = tpu.memref_slice %arg3[%add3A, %dma_start3A, %dma_start3A_10, %dma_start3A_11] : memref<32x79x1x128xi32, #tpu.memory_space<hbm>> -> memref<1x79x1x128xi32, #tpu.memory_space<hbm>>
      %dma_start3A_13 = tpu.memref_squeeze %dma_start3A_12 : memref<1x79x1x128xi32, #tpu.memory_space<hbm>> -> memref<79x1x128xi32, #tpu.memory_space<hbm>>
      %dma_start3A_14 = arith.constant 0 : i32
      %dma_start3A_15 = arith.constant 0 : i32
      %dma_start3A_16 = arith.constant 0 : i32
      %dma_start3A_17 = tpu.memref_slice %arg3[%add3A, %dma_start3A_14, %dma_start3A_15, %dma_start3A_16] : memref<32x79x1x128xi32, #tpu.memory_space<hbm>> -> memref<1x79x1x128xi32, #tpu.memory_space<hbm>>
      %dma_start3A_18 = tpu.memref_squeeze %dma_start3A_17 : memref<1x79x1x128xi32, #tpu.memory_space<hbm>> -> memref<79x1x128xi32, #tpu.memory_space<hbm>>
      tpu.enqueue_dma source(%dma_start3A_18 : memref<79x1x128xi32, #tpu.memory_space<hbm>>) target(%arg8 : memref<79x1x128xi32, #tpu.memory_space<vmem>>) target_semaphore(%run_scoped3A : memref<!tpu.dma_semaphore, #tpu.memory_space<semaphore_mem>>)
      %dma_wait3A = arith.constant 0 : i32
      %dma_wait3A_19 = arith.constant 0 : i32
      %dma_wait3A_20 = arith.constant 0 : i32
      %dma_wait3A_21 = tpu.memref_slice %arg3[%add3A, %dma_wait3A, %dma_wait3A_19, %dma_wait3A_20] : memref<32x79x1x128xi32, #tpu.memory_space<hbm>> -> memref<1x79x1x128xi32, #tpu.memory_space<hbm>>
      %dma_wait3A_22 = tpu.memref_squeeze %dma_wait3A_21 : memref<1x79x1x128xi32, #tpu.memory_space<hbm>> -> memref<79x1x128xi32, #tpu.memory_space<hbm>>
      %dma_wait3A_23 = arith.constant 0 : i32
      %dma_wait3A_24 = arith.constant 0 : i32
      %dma_wait3A_25 = arith.constant 0 : i32
      %dma_wait3A_26 = tpu.memref_slice %arg3[%add3A, %dma_wait3A_23, %dma_wait3A_24, %dma_wait3A_25] : memref<32x79x1x128xi32, #tpu.memory_space<hbm>> -> memref<1x79x1x128xi32, #tpu.memory_space<hbm>>
      %dma_wait3A_27 = tpu.memref_squeeze %dma_wait3A_26 : memref<1x79x1x128xi32, #tpu.memory_space<hbm>> -> memref<79x1x128xi32, #tpu.memory_space<hbm>>
      tpu.wait_dma2 semaphore(%run_scoped3A : memref<!tpu.dma_semaphore, #tpu.memory_space<semaphore_mem>>) src(%dma_wait3A_27 : memref<79x1x128xi32, #tpu.memory_space<hbm>>) dst(%arg8 : memref<79x1x128xi32, #tpu.memory_space<vmem>>)
      tpu.yield
    }) : () -> ()
    "tpu.region"() ({
      %run_scoped3A = tpu.sem_alloc : memref<!tpu.dma_semaphore, #tpu.memory_space<semaphore_mem>>
      %dma_start3A = arith.constant 0 : i32
      %dma_start3A_10 = arith.constant 0 : i32
      %dma_start3A_11 = arith.constant 0 : i32
      %dma_start3A_12 = tpu.memref_slice %arg4[%add3A, %dma_start3A, %dma_start3A_10, %dma_start3A_11] : memref<32x79x1x128xi32, #tpu.memory_space<hbm>> -> memref<1x79x1x128xi32, #tpu.memory_space<hbm>>
      %dma_start3A_13 = tpu.memref_squeeze %dma_start3A_12 : memref<1x79x1x128xi32, #tpu.memory_space<hbm>> -> memref<79x1x128xi32, #tpu.memory_space<hbm>>
      %dma_start3A_14 = arith.constant 0 : i32
      %dma_start3A_15 = arith.constant 0 : i32
      %dma_start3A_16 = arith.constant 0 : i32
      %dma_start3A_17 = tpu.memref_slice %arg4[%add3A, %dma_start3A_14, %dma_start3A_15, %dma_start3A_16] : memref<32x79x1x128xi32, #tpu.memory_space<hbm>> -> memref<1x79x1x128xi32, #tpu.memory_space<hbm>>
      %dma_start3A_18 = tpu.memref_squeeze %dma_start3A_17 : memref<1x79x1x128xi32, #tpu.memory_space<hbm>> -> memref<79x1x128xi32, #tpu.memory_space<hbm>>
      tpu.enqueue_dma source(%dma_start3A_18 : memref<79x1x128xi32, #tpu.memory_space<hbm>>) target(%arg9 : memref<79x1x128xi32, #tpu.memory_space<vmem>>) target_semaphore(%run_scoped3A : memref<!tpu.dma_semaphore, #tpu.memory_space<semaphore_mem>>)
      %dma_wait3A = arith.constant 0 : i32
      %dma_wait3A_19 = arith.constant 0 : i32
      %dma_wait3A_20 = arith.constant 0 : i32
      %dma_wait3A_21 = tpu.memref_slice %arg4[%add3A, %dma_wait3A, %dma_wait3A_19, %dma_wait3A_20] : memref<32x79x1x128xi32, #tpu.memory_space<hbm>> -> memref<1x79x1x128xi32, #tpu.memory_space<hbm>>
      %dma_wait3A_22 = tpu.memref_squeeze %dma_wait3A_21 : memref<1x79x1x128xi32, #tpu.memory_space<hbm>> -> memref<79x1x128xi32, #tpu.memory_space<hbm>>
      %dma_wait3A_23 = arith.constant 0 : i32
      %dma_wait3A_24 = arith.constant 0 : i32
      %dma_wait3A_25 = arith.constant 0 : i32
      %dma_wait3A_26 = tpu.memref_slice %arg4[%add3A, %dma_wait3A_23, %dma_wait3A_24, %dma_wait3A_25] : memref<32x79x1x128xi32, #tpu.memory_space<hbm>> -> memref<1x79x1x128xi32, #tpu.memory_space<hbm>>
      %dma_wait3A_27 = tpu.memref_squeeze %dma_wait3A_26 : memref<1x79x1x128xi32, #tpu.memory_space<hbm>> -> memref<79x1x128xi32, #tpu.memory_space<hbm>>
      tpu.wait_dma2 semaphore(%run_scoped3A : memref<!tpu.dma_semaphore, #tpu.memory_space<semaphore_mem>>) src(%dma_wait3A_27 : memref<79x1x128xi32, #tpu.memory_space<hbm>>) dst(%arg9 : memref<79x1x128xi32, #tpu.memory_space<vmem>>)
      tpu.yield
    }) : () -> ()
    %barrier3A = arith.constant 0 : index
    tpu.barrier barrier_id(%barrier3A)
    %parallel_loop3A = arith.constant 0 : i32
    %parallel_loop3A_3 = arith.constant 79 : i32
    %parallel_loop3A_4 = arith.constant 1 : i32
    scf.for %parallel_loop3A_10 = %parallel_loop3A to %parallel_loop3A_3 step %parallel_loop3A_4  : i32 {
      %parallel_loop3A_11 = arith.constant 2 : i32
      %parallel_loop3A_12 = arith.constant 0 : i32
      %parallel_loop3A_13 = arith.cmpi eq, %parallel_loop3A_11, %parallel_loop3A_12 : i32
      %parallel_loop3A_14 = arith.constant 1 : i32
      %parallel_loop3A_15 = arith.select %parallel_loop3A_13, %parallel_loop3A_14, %parallel_loop3A_11 : i32
      %parallel_loop3A_16 = arith.remsi %parallel_loop3A_10, %parallel_loop3A_15 : i32
      %parallel_loop3A_17 = arith.constant 0 : i32
      %parallel_loop3A_18 = arith.cmpi ne, %parallel_loop3A_16, %parallel_loop3A_17 : i32
      %parallel_loop3A_19 = arith.constant 0 : i32
      %parallel_loop3A_20 = arith.cmpi slt, %parallel_loop3A_16, %parallel_loop3A_19 : i32
      %parallel_loop3A_21 = arith.constant 0 : i32
      %parallel_loop3A_22 = arith.cmpi slt, %parallel_loop3A_15, %parallel_loop3A_21 : i32
      %parallel_loop3A_23 = arith.xori %parallel_loop3A_20, %parallel_loop3A_22 : i1
      %parallel_loop3A_24 = arith.andi %parallel_loop3A_23, %parallel_loop3A_18 : i1
      %parallel_loop3A_25 = arith.addi %parallel_loop3A_16, %parallel_loop3A_15 : i32
      %parallel_loop3A_26 = arith.select %parallel_loop3A_24, %parallel_loop3A_25, %parallel_loop3A_16 : i32
      %parallel_loop3A_27 = arith.constant 1 : i32
      %parallel_loop3A_28 = arith.muli %parallel_loop3A_26, %parallel_loop3A_27 : i32
      %parallel_loop3A_29 = arith.constant 128 : i32
      %parallel_loop3A_30 = arith.muli %parallel_loop3A_28, %parallel_loop3A_29 : i32
      %parallel_loop3A_31 = arith.constant 0 : i32
      %parallel_loop3A_32 = arith.constant 0 : i32
      %parallel_loop3A_33 = tpu.memref_slice %arg10[%parallel_loop3A_30, %parallel_loop3A_32] : memref<256x64xf32, #tpu.memory_space<vmem>> -> memref<128x64xf32, #tpu.memory_space<vmem>>
      %parallel_loop3A_34 = arith.constant 0 : i32
      %parallel_loop3A_35 = tpu.memref_slice %arg8[%parallel_loop3A_10, %parallel_loop3A_31, %parallel_loop3A_34] : memref<79x1x128xi32, #tpu.memory_space<vmem>> -> memref<1x1x128xi32, #tpu.memory_space<vmem>>
      %parallel_loop3A_36 = tpu.memref_squeeze %parallel_loop3A_35 : memref<1x1x128xi32, #tpu.memory_space<vmem>> -> memref<128xi32, #tpu.memory_space<vmem>>
      %parallel_loop3A_37 = arith.constant 0 : i32
      %parallel_loop3A_38 = arith.constant 0 : i32
      %parallel_loop3A_39 = tpu.memref_slice %arg2[%parallel_loop3A_37, %parallel_loop3A_38] : memref<10000x64xf32, #tpu.memory_space<hbm>> -> memref<10000x64xf32, #tpu.memory_space<hbm>>
      tpu.enqueue_indirect_dma source(%parallel_loop3A_39 : memref<10000x64xf32, #tpu.memory_space<hbm>>) target(%parallel_loop3A_33 : memref<128x64xf32, #tpu.memory_space<vmem>>) offsets(%parallel_loop3A_36 : memref<128xi32, #tpu.memory_space<vmem>>) semaphore(%arg11 : memref<!tpu.dma_semaphore, #tpu.memory_space<semaphore_mem>>)
      %parallel_loop3A_40 = arith.constant 0 : i32
      %parallel_loop3A_41 = arith.constant 0 : i32
      %parallel_loop3A_42 = tpu.memref_slice %arg10[%parallel_loop3A_30, %parallel_loop3A_41] : memref<256x64xf32, #tpu.memory_space<vmem>> -> memref<128x64xf32, #tpu.memory_space<vmem>>
      %parallel_loop3A_43 = arith.constant 0 : i32
      %parallel_loop3A_44 = tpu.memref_slice %arg8[%parallel_loop3A_10, %parallel_loop3A_40, %parallel_loop3A_43] : memref<79x1x128xi32, #tpu.memory_space<vmem>> -> memref<1x1x128xi32, #tpu.memory_space<vmem>>
      %parallel_loop3A_45 = tpu.memref_squeeze %parallel_loop3A_44 : memref<1x1x128xi32, #tpu.memory_space<vmem>> -> memref<128xi32, #tpu.memory_space<vmem>>
      %parallel_loop3A_46 = arith.constant 0 : i32
      %parallel_loop3A_47 = arith.constant 0 : i32
      %parallel_loop3A_48 = tpu.memref_slice %arg2[%parallel_loop3A_46, %parallel_loop3A_47] : memref<10000x64xf32, #tpu.memory_space<hbm>> -> memref<10000x64xf32, #tpu.memory_space<hbm>>
      tpu.wait_indirect_dma semaphore(%arg11 : memref<!tpu.dma_semaphore, #tpu.memory_space<semaphore_mem>>) src(%parallel_loop3A_48 : memref<10000x64xf32, #tpu.memory_space<hbm>>) dst(%parallel_loop3A_42 : memref<128x64xf32, #tpu.memory_space<vmem>>)
      %parallel_loop3A_49 = arith.constant 0 : i32
      "tpu.region"() ({
        %parallel_loop3A_50 = tpu.sem_alloc : memref<!tpu.dma_semaphore, #tpu.memory_space<semaphore_mem>>
        %parallel_loop3A_51 = arith.constant 0 : i32
        %parallel_loop3A_52 = tpu.memref_slice %arg10[%parallel_loop3A_30, %parallel_loop3A_51] : memref<256x64xf32, #tpu.memory_space<vmem>> -> memref<128x64xf32, #tpu.memory_space<vmem>>
        %parallel_loop3A_53 = arith.constant 0 : i32
        %parallel_loop3A_54 = tpu.memref_slice %arg9[%parallel_loop3A_10, %parallel_loop3A_49, %parallel_loop3A_53] : memref<79x1x128xi32, #tpu.memory_space<vmem>> -> memref<1x1x128xi32, #tpu.memory_space<vmem>>
        %parallel_loop3A_55 = tpu.memref_squeeze %parallel_loop3A_54 : memref<1x1x128xi32, #tpu.memory_space<vmem>> -> memref<128xi32, #tpu.memory_space<vmem>>
        %parallel_loop3A_56 = arith.constant 0 : i32
        %parallel_loop3A_57 = arith.constant 0 : i32
        %parallel_loop3A_58 = tpu.memref_slice %arg7[%parallel_loop3A_56, %parallel_loop3A_57] : memref<10112x64xf32, #tpu.memory_space<vmem_shared>> -> memref<10112x64xf32, #tpu.memory_space<vmem_shared>>
        tpu.enqueue_indirect_dma source(%parallel_loop3A_52 : memref<128x64xf32, #tpu.memory_space<vmem>>) target(%parallel_loop3A_58 : memref<10112x64xf32, #tpu.memory_space<vmem_shared>>) offsets(%parallel_loop3A_55 : memref<128xi32, #tpu.memory_space<vmem>>) semaphore(%parallel_loop3A_50 : memref<!tpu.dma_semaphore, #tpu.memory_space<semaphore_mem>>) {add = true}
        %parallel_loop3A_59 = arith.constant 0 : i32
        %parallel_loop3A_60 = tpu.memref_slice %arg10[%parallel_loop3A_30, %parallel_loop3A_59] : memref<256x64xf32, #tpu.memory_space<vmem>> -> memref<128x64xf32, #tpu.memory_space<vmem>>
        %parallel_loop3A_61 = arith.constant 0 : i32
        %parallel_loop3A_62 = tpu.memref_slice %arg9[%parallel_loop3A_10, %parallel_loop3A_49, %parallel_loop3A_61] : memref<79x1x128xi32, #tpu.memory_space<vmem>> -> memref<1x1x128xi32, #tpu.memory_space<vmem>>
        %parallel_loop3A_63 = tpu.memref_squeeze %parallel_loop3A_62 : memref<1x1x128xi32, #tpu.memory_space<vmem>> -> memref<128xi32, #tpu.memory_space<vmem>>
        %parallel_loop3A_64 = arith.constant 0 : i32
        %parallel_loop3A_65 = arith.constant 0 : i32
        %parallel_loop3A_66 = tpu.memref_slice %arg7[%parallel_loop3A_64, %parallel_loop3A_65] : memref<10112x64xf32, #tpu.memory_space<vmem_shared>> -> memref<10112x64xf32, #tpu.memory_space<vmem_shared>>
        tpu.wait_indirect_dma semaphore(%parallel_loop3A_50 : memref<!tpu.dma_semaphore, #tpu.memory_space<semaphore_mem>>) src(%parallel_loop3A_60 : memref<128x64xf32, #tpu.memory_space<vmem>>) dst(%parallel_loop3A_66 : memref<10112x64xf32, #tpu.memory_space<vmem_shared>>)
        tpu.yield
      }) : () -> ()
    } {sc.loop_unroll_factor = 2 : i64, sc.parallel_access}
    %barrier3A_5 = arith.constant 0 : index
    tpu.barrier barrier_id(%barrier3A_5)
    %mul3A_6 = arith.constant 632 : i32
    %mul3A_7 = arith.muli %arg1, %mul3A_6 : i32
    %mul3A_8 = arith.constant 632 : i32
    %mul3A_9 = arith.muli %arg1, %mul3A_8 : i32
    "tpu.region"() ({
      %run_scoped3A = tpu.sem_alloc : memref<!tpu.dma_semaphore, #tpu.memory_space<semaphore_mem>>
      %dma_start3A = arith.constant 0 : i32
      %dma_start3A_10 = tpu.memref_slice %arg6[%arg0, %mul3A_9, %dma_start3A] : memref<2x10112x64xf32, #tpu.memory_space<hbm>> -> memref<1x632x64xf32, #tpu.memory_space<hbm>>
      %dma_start3A_11 = tpu.memref_squeeze %dma_start3A_10 : memref<1x632x64xf32, #tpu.memory_space<hbm>> -> memref<632x64xf32, #tpu.memory_space<hbm>>
      %dma_start3A_12 = arith.constant 0 : i32
      %dma_start3A_13 = tpu.memref_slice %arg7[%mul3A_7, %dma_start3A_12] : memref<10112x64xf32, #tpu.memory_space<vmem_shared>> -> memref<632x64xf32, #tpu.memory_space<vmem_shared>>
      tpu.enqueue_dma source(%dma_start3A_13 : memref<632x64xf32, #tpu.memory_space<vmem_shared>>) target(%dma_start3A_11 : memref<632x64xf32, #tpu.memory_space<hbm>>) target_semaphore(%run_scoped3A : memref<!tpu.dma_semaphore, #tpu.memory_space<semaphore_mem>>)
      %dma_wait3A = arith.constant 0 : i32
      %dma_wait3A_14 = tpu.memref_slice %arg6[%arg0, %mul3A_9, %dma_wait3A] : memref<2x10112x64xf32, #tpu.memory_space<hbm>> -> memref<1x632x64xf32, #tpu.memory_space<hbm>>
      %dma_wait3A_15 = tpu.memref_squeeze %dma_wait3A_14 : memref<1x632x64xf32, #tpu.memory_space<hbm>> -> memref<632x64xf32, #tpu.memory_space<hbm>>
      %dma_wait3A_16 = arith.constant 0 : i32
      %dma_wait3A_17 = tpu.memref_slice %arg7[%mul3A_7, %dma_wait3A_16] : memref<10112x64xf32, #tpu.memory_space<vmem_shared>> -> memref<632x64xf32, #tpu.memory_space<vmem_shared>>
      tpu.wait_dma2 semaphore(%run_scoped3A : memref<!tpu.dma_semaphore, #tpu.memory_space<semaphore_mem>>) src(%dma_wait3A_17 : memref<632x64xf32, #tpu.memory_space<vmem_shared>>) dst(%dma_wait3A_15 : memref<632x64xf32, #tpu.memory_space<hbm>>)
      tpu.yield
    }) : () -> ()
    return
  }
}

#map = affine_map<(d0, d1) -> (0, 0)>
#map1 = affine_map<(d0, d1) -> (0, 0, 0, 0)>
#map2 = affine_map<(d0, d1) -> (0, 0, 0)>
module attributes {stable_mosaic.version = 14 : i64} {
  func.func @body(%arg0: i32, %arg1: i32, %arg2: memref<10000x64xf32, #tpu.memory_space<hbm>>, %arg3: memref<32x10x1x128xi32, #tpu.memory_space<hbm>>, %arg4: memref<32x10x1x128xi32, #tpu.memory_space<hbm>>, %arg5: memref<1256x64xf32, #tpu.memory_space<hbm>>, %arg6: memref<1256x16xf32, #tpu.memory_space<hbm>>, %arg7: memref<128x16xf32, #tpu.memory_space<hbm>>, %arg8: memref<2x20096x64xf32, #tpu.memory_space<hbm>>, %arg9: memref<2x20096x16xf32, #tpu.memory_space<hbm>>, %arg10: memref<20096x64xf32, #tpu.memory_space<vmem_shared>>, %arg11: memref<10x1x128xi32, #tpu.memory_space<vmem>>, %arg12: memref<10x1x128xi32, #tpu.memory_space<vmem>>, %arg13: memref<256x64xf32, #tpu.memory_space<vmem>>, %arg14: memref<!tpu.dma_semaphore, #tpu.memory_space<semaphore_mem>>, %arg15: memref<!tpu.dma_semaphore, #tpu.memory_space<semaphore_mem>>, %arg16: memref<20096x16xf32, #tpu.memory_space<vmem_shared>>, %arg17: memref<128x16xf32, #tpu.memory_space<vmem>>, %arg18: memref<!tpu.dma_semaphore, #tpu.memory_space<semaphore_mem>>) attributes {dimension_semantics = [#tpu.dimension_semantics<core_parallel>, #tpu.dimension_semantics<subcore_parallel>], iteration_bounds = array<i64: 2, 16>, scalar_prefetch = 0 : i64, scratch_operands = 9 : i64, tpu.core_type = #tpu.core_type<sc_vector_subcore>, window_params = [{transform_indices = #map}, {transform_indices = #map1}, {transform_indices = #map1}, {transform_indices = #map}, {transform_indices = #map}, {transform_indices = #map}, {transform_indices = #map2}, {transform_indices = #map2}]} {
    %mul3A = arith.constant 2 : i32
    %mul3A_0 = arith.muli %arg1, %mul3A : i32
    %add3A = arith.addi %mul3A_0, %arg0 : i32
    %mul3A_1 = arith.constant 1256 : i32
    %mul3A_2 = arith.muli %arg1, %mul3A_1 : i32
    "tpu.region"() ({
      %run_scoped3A = tpu.sem_alloc : memref<!tpu.dma_semaphore, #tpu.memory_space<semaphore_mem>>
      %dma_start3A = arith.constant 0 : i32
      %dma_start3A_16 = tpu.memref_slice %arg10[%mul3A_2, %dma_start3A] : memref<20096x64xf32, #tpu.memory_space<vmem_shared>> -> memref<1256x64xf32, #tpu.memory_space<vmem_shared>>
      tpu.enqueue_dma source(%arg5 : memref<1256x64xf32, #tpu.memory_space<hbm>>) target(%dma_start3A_16 : memref<1256x64xf32, #tpu.memory_space<vmem_shared>>) target_semaphore(%run_scoped3A : memref<!tpu.dma_semaphore, #tpu.memory_space<semaphore_mem>>)
      %dma_wait3A = arith.constant 0 : i32
      %dma_wait3A_17 = tpu.memref_slice %arg10[%mul3A_2, %dma_wait3A] : memref<20096x64xf32, #tpu.memory_space<vmem_shared>> -> memref<1256x64xf32, #tpu.memory_space<vmem_shared>>
      tpu.wait_dma2 semaphore(%run_scoped3A : memref<!tpu.dma_semaphore, #tpu.memory_space<semaphore_mem>>) src(%arg5 : memref<1256x64xf32, #tpu.memory_space<hbm>>) dst(%dma_wait3A_17 : memref<1256x64xf32, #tpu.memory_space<vmem_shared>>)
      tpu.yield
    }) : () -> ()
    %mul3A_3 = arith.constant 1256 : i32
    %mul3A_4 = arith.muli %arg1, %mul3A_3 : i32
    "tpu.region"() ({
      %run_scoped3A = tpu.sem_alloc : memref<!tpu.dma_semaphore, #tpu.memory_space<semaphore_mem>>
      %dma_start3A = arith.constant 0 : i32
      %dma_start3A_16 = tpu.memref_slice %arg16[%mul3A_4, %dma_start3A] : memref<20096x16xf32, #tpu.memory_space<vmem_shared>> -> memref<1256x16xf32, #tpu.memory_space<vmem_shared>>
      tpu.enqueue_dma source(%arg6 : memref<1256x16xf32, #tpu.memory_space<hbm>>) target(%dma_start3A_16 : memref<1256x16xf32, #tpu.memory_space<vmem_shared>>) target_semaphore(%run_scoped3A : memref<!tpu.dma_semaphore, #tpu.memory_space<semaphore_mem>>)
      %dma_wait3A = arith.constant 0 : i32
      %dma_wait3A_17 = tpu.memref_slice %arg16[%mul3A_4, %dma_wait3A] : memref<20096x16xf32, #tpu.memory_space<vmem_shared>> -> memref<1256x16xf32, #tpu.memory_space<vmem_shared>>
      tpu.wait_dma2 semaphore(%run_scoped3A : memref<!tpu.dma_semaphore, #tpu.memory_space<semaphore_mem>>) src(%arg6 : memref<1256x16xf32, #tpu.memory_space<hbm>>) dst(%dma_wait3A_17 : memref<1256x16xf32, #tpu.memory_space<vmem_shared>>)
      tpu.yield
    }) : () -> ()
    "tpu.region"() ({
      %run_scoped3A = tpu.sem_alloc : memref<!tpu.dma_semaphore, #tpu.memory_space<semaphore_mem>>
      tpu.enqueue_dma source(%arg7 : memref<128x16xf32, #tpu.memory_space<hbm>>) target(%arg17 : memref<128x16xf32, #tpu.memory_space<vmem>>) target_semaphore(%run_scoped3A : memref<!tpu.dma_semaphore, #tpu.memory_space<semaphore_mem>>)
      tpu.wait_dma2 semaphore(%run_scoped3A : memref<!tpu.dma_semaphore, #tpu.memory_space<semaphore_mem>>) src(%arg7 : memref<128x16xf32, #tpu.memory_space<hbm>>) dst(%arg17 : memref<128x16xf32, #tpu.memory_space<vmem>>)
      tpu.yield
    }) : () -> ()
    "tpu.region"() ({
      %run_scoped3A = tpu.sem_alloc : memref<!tpu.dma_semaphore, #tpu.memory_space<semaphore_mem>>
      %dma_start3A = arith.constant 0 : i32
      %dma_start3A_16 = arith.constant 0 : i32
      %dma_start3A_17 = arith.constant 0 : i32
      %dma_start3A_18 = tpu.memref_slice %arg3[%add3A, %dma_start3A, %dma_start3A_16, %dma_start3A_17] : memref<32x10x1x128xi32, #tpu.memory_space<hbm>> -> memref<1x10x1x128xi32, #tpu.memory_space<hbm>>
      %dma_start3A_19 = tpu.memref_squeeze %dma_start3A_18 : memref<1x10x1x128xi32, #tpu.memory_space<hbm>> -> memref<10x1x128xi32, #tpu.memory_space<hbm>>
      %dma_start3A_20 = arith.constant 0 : i32
      %dma_start3A_21 = arith.constant 0 : i32
      %dma_start3A_22 = arith.constant 0 : i32
      %dma_start3A_23 = tpu.memref_slice %arg3[%add3A, %dma_start3A_20, %dma_start3A_21, %dma_start3A_22] : memref<32x10x1x128xi32, #tpu.memory_space<hbm>> -> memref<1x10x1x128xi32, #tpu.memory_space<hbm>>
      %dma_start3A_24 = tpu.memref_squeeze %dma_start3A_23 : memref<1x10x1x128xi32, #tpu.memory_space<hbm>> -> memref<10x1x128xi32, #tpu.memory_space<hbm>>
      tpu.enqueue_dma source(%dma_start3A_24 : memref<10x1x128xi32, #tpu.memory_space<hbm>>) target(%arg11 : memref<10x1x128xi32, #tpu.memory_space<vmem>>) target_semaphore(%run_scoped3A : memref<!tpu.dma_semaphore, #tpu.memory_space<semaphore_mem>>)
      %dma_wait3A = arith.constant 0 : i32
      %dma_wait3A_25 = arith.constant 0 : i32
      %dma_wait3A_26 = arith.constant 0 : i32
      %dma_wait3A_27 = tpu.memref_slice %arg3[%add3A, %dma_wait3A, %dma_wait3A_25, %dma_wait3A_26] : memref<32x10x1x128xi32, #tpu.memory_space<hbm>> -> memref<1x10x1x128xi32, #tpu.memory_space<hbm>>
      %dma_wait3A_28 = tpu.memref_squeeze %dma_wait3A_27 : memref<1x10x1x128xi32, #tpu.memory_space<hbm>> -> memref<10x1x128xi32, #tpu.memory_space<hbm>>
      %dma_wait3A_29 = arith.constant 0 : i32
      %dma_wait3A_30 = arith.constant 0 : i32
      %dma_wait3A_31 = arith.constant 0 : i32
      %dma_wait3A_32 = tpu.memref_slice %arg3[%add3A, %dma_wait3A_29, %dma_wait3A_30, %dma_wait3A_31] : memref<32x10x1x128xi32, #tpu.memory_space<hbm>> -> memref<1x10x1x128xi32, #tpu.memory_space<hbm>>
      %dma_wait3A_33 = tpu.memref_squeeze %dma_wait3A_32 : memref<1x10x1x128xi32, #tpu.memory_space<hbm>> -> memref<10x1x128xi32, #tpu.memory_space<hbm>>
      tpu.wait_dma2 semaphore(%run_scoped3A : memref<!tpu.dma_semaphore, #tpu.memory_space<semaphore_mem>>) src(%dma_wait3A_33 : memref<10x1x128xi32, #tpu.memory_space<hbm>>) dst(%arg11 : memref<10x1x128xi32, #tpu.memory_space<vmem>>)
      tpu.yield
    }) : () -> ()
    "tpu.region"() ({
      %run_scoped3A = tpu.sem_alloc : memref<!tpu.dma_semaphore, #tpu.memory_space<semaphore_mem>>
      %dma_start3A = arith.constant 0 : i32
      %dma_start3A_16 = arith.constant 0 : i32
      %dma_start3A_17 = arith.constant 0 : i32
      %dma_start3A_18 = tpu.memref_slice %arg4[%add3A, %dma_start3A, %dma_start3A_16, %dma_start3A_17] : memref<32x10x1x128xi32, #tpu.memory_space<hbm>> -> memref<1x10x1x128xi32, #tpu.memory_space<hbm>>
      %dma_start3A_19 = tpu.memref_squeeze %dma_start3A_18 : memref<1x10x1x128xi32, #tpu.memory_space<hbm>> -> memref<10x1x128xi32, #tpu.memory_space<hbm>>
      %dma_start3A_20 = arith.constant 0 : i32
      %dma_start3A_21 = arith.constant 0 : i32
      %dma_start3A_22 = arith.constant 0 : i32
      %dma_start3A_23 = tpu.memref_slice %arg4[%add3A, %dma_start3A_20, %dma_start3A_21, %dma_start3A_22] : memref<32x10x1x128xi32, #tpu.memory_space<hbm>> -> memref<1x10x1x128xi32, #tpu.memory_space<hbm>>
      %dma_start3A_24 = tpu.memref_squeeze %dma_start3A_23 : memref<1x10x1x128xi32, #tpu.memory_space<hbm>> -> memref<10x1x128xi32, #tpu.memory_space<hbm>>
      tpu.enqueue_dma source(%dma_start3A_24 : memref<10x1x128xi32, #tpu.memory_space<hbm>>) target(%arg12 : memref<10x1x128xi32, #tpu.memory_space<vmem>>) target_semaphore(%run_scoped3A : memref<!tpu.dma_semaphore, #tpu.memory_space<semaphore_mem>>)
      %dma_wait3A = arith.constant 0 : i32
      %dma_wait3A_25 = arith.constant 0 : i32
      %dma_wait3A_26 = arith.constant 0 : i32
      %dma_wait3A_27 = tpu.memref_slice %arg4[%add3A, %dma_wait3A, %dma_wait3A_25, %dma_wait3A_26] : memref<32x10x1x128xi32, #tpu.memory_space<hbm>> -> memref<1x10x1x128xi32, #tpu.memory_space<hbm>>
      %dma_wait3A_28 = tpu.memref_squeeze %dma_wait3A_27 : memref<1x10x1x128xi32, #tpu.memory_space<hbm>> -> memref<10x1x128xi32, #tpu.memory_space<hbm>>
      %dma_wait3A_29 = arith.constant 0 : i32
      %dma_wait3A_30 = arith.constant 0 : i32
      %dma_wait3A_31 = arith.constant 0 : i32
      %dma_wait3A_32 = tpu.memref_slice %arg4[%add3A, %dma_wait3A_29, %dma_wait3A_30, %dma_wait3A_31] : memref<32x10x1x128xi32, #tpu.memory_space<hbm>> -> memref<1x10x1x128xi32, #tpu.memory_space<hbm>>
      %dma_wait3A_33 = tpu.memref_squeeze %dma_wait3A_32 : memref<1x10x1x128xi32, #tpu.memory_space<hbm>> -> memref<10x1x128xi32, #tpu.memory_space<hbm>>
      tpu.wait_dma2 semaphore(%run_scoped3A : memref<!tpu.dma_semaphore, #tpu.memory_space<semaphore_mem>>) src(%dma_wait3A_33 : memref<10x1x128xi32, #tpu.memory_space<hbm>>) dst(%arg12 : memref<10x1x128xi32, #tpu.memory_space<vmem>>)
      tpu.yield
    }) : () -> ()
    %barrier3A = arith.constant 0 : index
    tpu.barrier barrier_id(%barrier3A)
    %parallel_loop3A = arith.constant 0 : i32
    %parallel_loop3A_5 = arith.constant 10 : i32
    %parallel_loop3A_6 = arith.constant 1 : i32
    scf.for %parallel_loop3A_16 = %parallel_loop3A to %parallel_loop3A_5 step %parallel_loop3A_6  : i32 {
      %parallel_loop3A_17 = arith.constant 2 : i32
      %parallel_loop3A_18 = arith.constant 0 : i32
      %parallel_loop3A_19 = arith.cmpi eq, %parallel_loop3A_17, %parallel_loop3A_18 : i32
      %parallel_loop3A_20 = arith.constant 1 : i32
      %parallel_loop3A_21 = arith.select %parallel_loop3A_19, %parallel_loop3A_20, %parallel_loop3A_17 : i32
      %parallel_loop3A_22 = arith.remsi %parallel_loop3A_16, %parallel_loop3A_21 : i32
      %parallel_loop3A_23 = arith.constant 0 : i32
      %parallel_loop3A_24 = arith.cmpi ne, %parallel_loop3A_22, %parallel_loop3A_23 : i32
      %parallel_loop3A_25 = arith.constant 0 : i32
      %parallel_loop3A_26 = arith.cmpi slt, %parallel_loop3A_22, %parallel_loop3A_25 : i32
      %parallel_loop3A_27 = arith.constant 0 : i32
      %parallel_loop3A_28 = arith.cmpi slt, %parallel_loop3A_21, %parallel_loop3A_27 : i32
      %parallel_loop3A_29 = arith.xori %parallel_loop3A_26, %parallel_loop3A_28 : i1
      %parallel_loop3A_30 = arith.andi %parallel_loop3A_29, %parallel_loop3A_24 : i1
      %parallel_loop3A_31 = arith.addi %parallel_loop3A_22, %parallel_loop3A_21 : i32
      %parallel_loop3A_32 = arith.select %parallel_loop3A_30, %parallel_loop3A_31, %parallel_loop3A_22 : i32
      %parallel_loop3A_33 = arith.constant 1 : i32
      %parallel_loop3A_34 = arith.muli %parallel_loop3A_32, %parallel_loop3A_33 : i32
      %parallel_loop3A_35 = arith.constant 128 : i32
      %parallel_loop3A_36 = arith.muli %parallel_loop3A_34, %parallel_loop3A_35 : i32
      %parallel_loop3A_37 = arith.constant 0 : i32
      %parallel_loop3A_38 = arith.constant 0 : i32
      %parallel_loop3A_39 = tpu.memref_slice %arg13[%parallel_loop3A_36, %parallel_loop3A_38] : memref<256x64xf32, #tpu.memory_space<vmem>> -> memref<128x64xf32, #tpu.memory_space<vmem>>
      %parallel_loop3A_40 = arith.constant 0 : i32
      %parallel_loop3A_41 = tpu.memref_slice %arg11[%parallel_loop3A_16, %parallel_loop3A_37, %parallel_loop3A_40] : memref<10x1x128xi32, #tpu.memory_space<vmem>> -> memref<1x1x128xi32, #tpu.memory_space<vmem>>
      %parallel_loop3A_42 = tpu.memref_squeeze %parallel_loop3A_41 : memref<1x1x128xi32, #tpu.memory_space<vmem>> -> memref<128xi32, #tpu.memory_space<vmem>>
      %parallel_loop3A_43 = arith.constant 0 : i32
      %parallel_loop3A_44 = arith.constant 0 : i32
      %parallel_loop3A_45 = tpu.memref_slice %arg2[%parallel_loop3A_43, %parallel_loop3A_44] : memref<10000x64xf32, #tpu.memory_space<hbm>> -> memref<10000x64xf32, #tpu.memory_space<hbm>>
      tpu.enqueue_indirect_dma source(%parallel_loop3A_45 : memref<10000x64xf32, #tpu.memory_space<hbm>>) target(%parallel_loop3A_39 : memref<128x64xf32, #tpu.memory_space<vmem>>) offsets(%parallel_loop3A_42 : memref<128xi32, #tpu.memory_space<vmem>>) semaphore(%arg14 : memref<!tpu.dma_semaphore, #tpu.memory_space<semaphore_mem>>)
      %parallel_loop3A_46 = arith.constant 0 : i32
      %parallel_loop3A_47 = arith.constant 0 : i32
      %parallel_loop3A_48 = tpu.memref_slice %arg13[%parallel_loop3A_36, %parallel_loop3A_47] : memref<256x64xf32, #tpu.memory_space<vmem>> -> memref<128x64xf32, #tpu.memory_space<vmem>>
      %parallel_loop3A_49 = arith.constant 0 : i32
      %parallel_loop3A_50 = tpu.memref_slice %arg11[%parallel_loop3A_16, %parallel_loop3A_46, %parallel_loop3A_49] : memref<10x1x128xi32, #tpu.memory_space<vmem>> -> memref<1x1x128xi32, #tpu.memory_space<vmem>>
      %parallel_loop3A_51 = tpu.memref_squeeze %parallel_loop3A_50 : memref<1x1x128xi32, #tpu.memory_space<vmem>> -> memref<128xi32, #tpu.memory_space<vmem>>
      %parallel_loop3A_52 = arith.constant 0 : i32
      %parallel_loop3A_53 = arith.constant 0 : i32
      %parallel_loop3A_54 = tpu.memref_slice %arg2[%parallel_loop3A_52, %parallel_loop3A_53] : memref<10000x64xf32, #tpu.memory_space<hbm>> -> memref<10000x64xf32, #tpu.memory_space<hbm>>
      tpu.wait_indirect_dma semaphore(%arg14 : memref<!tpu.dma_semaphore, #tpu.memory_space<semaphore_mem>>) src(%parallel_loop3A_54 : memref<10000x64xf32, #tpu.memory_space<hbm>>) dst(%parallel_loop3A_48 : memref<128x64xf32, #tpu.memory_space<vmem>>)
      %parallel_loop3A_55 = arith.constant 0 : i32
      "tpu.region"() ({
        %parallel_loop3A_57 = tpu.sem_alloc : memref<!tpu.dma_semaphore, #tpu.memory_space<semaphore_mem>>
        %parallel_loop3A_58 = arith.constant 0 : i32
        %parallel_loop3A_59 = tpu.memref_slice %arg13[%parallel_loop3A_36, %parallel_loop3A_58] : memref<256x64xf32, #tpu.memory_space<vmem>> -> memref<128x64xf32, #tpu.memory_space<vmem>>
        %parallel_loop3A_60 = arith.constant 0 : i32
        %parallel_loop3A_61 = tpu.memref_slice %arg12[%parallel_loop3A_16, %parallel_loop3A_55, %parallel_loop3A_60] : memref<10x1x128xi32, #tpu.memory_space<vmem>> -> memref<1x1x128xi32, #tpu.memory_space<vmem>>
        %parallel_loop3A_62 = tpu.memref_squeeze %parallel_loop3A_61 : memref<1x1x128xi32, #tpu.memory_space<vmem>> -> memref<128xi32, #tpu.memory_space<vmem>>
        %parallel_loop3A_63 = arith.constant 0 : i32
        %parallel_loop3A_64 = arith.constant 0 : i32
        %parallel_loop3A_65 = tpu.memref_slice %arg10[%parallel_loop3A_63, %parallel_loop3A_64] : memref<20096x64xf32, #tpu.memory_space<vmem_shared>> -> memref<20096x64xf32, #tpu.memory_space<vmem_shared>>
        tpu.enqueue_indirect_dma source(%parallel_loop3A_59 : memref<128x64xf32, #tpu.memory_space<vmem>>) target(%parallel_loop3A_65 : memref<20096x64xf32, #tpu.memory_space<vmem_shared>>) offsets(%parallel_loop3A_62 : memref<128xi32, #tpu.memory_space<vmem>>) semaphore(%parallel_loop3A_57 : memref<!tpu.dma_semaphore, #tpu.memory_space<semaphore_mem>>) {add = true}
        %parallel_loop3A_66 = arith.constant 0 : i32
        %parallel_loop3A_67 = tpu.memref_slice %arg13[%parallel_loop3A_36, %parallel_loop3A_66] : memref<256x64xf32, #tpu.memory_space<vmem>> -> memref<128x64xf32, #tpu.memory_space<vmem>>
        %parallel_loop3A_68 = arith.constant 0 : i32
        %parallel_loop3A_69 = tpu.memref_slice %arg12[%parallel_loop3A_16, %parallel_loop3A_55, %parallel_loop3A_68] : memref<10x1x128xi32, #tpu.memory_space<vmem>> -> memref<1x1x128xi32, #tpu.memory_space<vmem>>
        %parallel_loop3A_70 = tpu.memref_squeeze %parallel_loop3A_69 : memref<1x1x128xi32, #tpu.memory_space<vmem>> -> memref<128xi32, #tpu.memory_space<vmem>>
        %parallel_loop3A_71 = arith.constant 0 : i32
        %parallel_loop3A_72 = arith.constant 0 : i32
        %parallel_loop3A_73 = tpu.memref_slice %arg10[%parallel_loop3A_71, %parallel_loop3A_72] : memref<20096x64xf32, #tpu.memory_space<vmem_shared>> -> memref<20096x64xf32, #tpu.memory_space<vmem_shared>>
        tpu.wait_indirect_dma semaphore(%parallel_loop3A_57 : memref<!tpu.dma_semaphore, #tpu.memory_space<semaphore_mem>>) src(%parallel_loop3A_67 : memref<128x64xf32, #tpu.memory_space<vmem>>) dst(%parallel_loop3A_73 : memref<20096x64xf32, #tpu.memory_space<vmem_shared>>)
        tpu.yield
      }) : () -> ()
      %parallel_loop3A_56 = arith.constant 0 : i32
      "tpu.region"() ({
        %parallel_loop3A_57 = tpu.sem_alloc : memref<!tpu.dma_semaphore, #tpu.memory_space<semaphore_mem>>
        %parallel_loop3A_58 = arith.constant 0 : i32
        %parallel_loop3A_59 = tpu.memref_slice %arg12[%parallel_loop3A_16, %parallel_loop3A_56, %parallel_loop3A_58] : memref<10x1x128xi32, #tpu.memory_space<vmem>> -> memref<1x1x128xi32, #tpu.memory_space<vmem>>
        %parallel_loop3A_60 = tpu.memref_squeeze %parallel_loop3A_59 : memref<1x1x128xi32, #tpu.memory_space<vmem>> -> memref<128xi32, #tpu.memory_space<vmem>>
        %parallel_loop3A_61 = arith.constant 0 : i32
        %parallel_loop3A_62 = arith.constant 0 : i32
        %parallel_loop3A_63 = tpu.memref_slice %arg16[%parallel_loop3A_61, %parallel_loop3A_62] : memref<20096x16xf32, #tpu.memory_space<vmem_shared>> -> memref<20096x16xf32, #tpu.memory_space<vmem_shared>>
        tpu.enqueue_indirect_dma source(%arg17 : memref<128x16xf32, #tpu.memory_space<vmem>>) target(%parallel_loop3A_63 : memref<20096x16xf32, #tpu.memory_space<vmem_shared>>) offsets(%parallel_loop3A_60 : memref<128xi32, #tpu.memory_space<vmem>>) semaphore(%parallel_loop3A_57 : memref<!tpu.dma_semaphore, #tpu.memory_space<semaphore_mem>>) {add = true}
        %parallel_loop3A_64 = arith.constant 0 : i32
        %parallel_loop3A_65 = tpu.memref_slice %arg12[%parallel_loop3A_16, %parallel_loop3A_56, %parallel_loop3A_64] : memref<10x1x128xi32, #tpu.memory_space<vmem>> -> memref<1x1x128xi32, #tpu.memory_space<vmem>>
        %parallel_loop3A_66 = tpu.memref_squeeze %parallel_loop3A_65 : memref<1x1x128xi32, #tpu.memory_space<vmem>> -> memref<128xi32, #tpu.memory_space<vmem>>
        %parallel_loop3A_67 = arith.constant 0 : i32
        %parallel_loop3A_68 = arith.constant 0 : i32
        %parallel_loop3A_69 = tpu.memref_slice %arg16[%parallel_loop3A_67, %parallel_loop3A_68] : memref<20096x16xf32, #tpu.memory_space<vmem_shared>> -> memref<20096x16xf32, #tpu.memory_space<vmem_shared>>
        tpu.wait_indirect_dma semaphore(%parallel_loop3A_57 : memref<!tpu.dma_semaphore, #tpu.memory_space<semaphore_mem>>) src(%arg17 : memref<128x16xf32, #tpu.memory_space<vmem>>) dst(%parallel_loop3A_69 : memref<20096x16xf32, #tpu.memory_space<vmem_shared>>)
        tpu.yield
      }) : () -> ()
    } {sc.loop_unroll_factor = 2 : i64, sc.parallel_access}
    %barrier3A_7 = arith.constant 0 : index
    tpu.barrier barrier_id(%barrier3A_7)
    %mul3A_8 = arith.constant 1256 : i32
    %mul3A_9 = arith.muli %arg1, %mul3A_8 : i32
    %mul3A_10 = arith.constant 1256 : i32
    %mul3A_11 = arith.muli %arg1, %mul3A_10 : i32
    "tpu.region"() ({
      %run_scoped3A = tpu.sem_alloc : memref<!tpu.dma_semaphore, #tpu.memory_space<semaphore_mem>>
      %dma_start3A = arith.constant 0 : i32
      %dma_start3A_16 = tpu.memref_slice %arg8[%arg0, %mul3A_11, %dma_start3A] : memref<2x20096x64xf32, #tpu.memory_space<hbm>> -> memref<1x1256x64xf32, #tpu.memory_space<hbm>>
      %dma_start3A_17 = tpu.memref_squeeze %dma_start3A_16 : memref<1x1256x64xf32, #tpu.memory_space<hbm>> -> memref<1256x64xf32, #tpu.memory_space<hbm>>
      %dma_start3A_18 = arith.constant 0 : i32
      %dma_start3A_19 = tpu.memref_slice %arg10[%mul3A_9, %dma_start3A_18] : memref<20096x64xf32, #tpu.memory_space<vmem_shared>> -> memref<1256x64xf32, #tpu.memory_space<vmem_shared>>
      tpu.enqueue_dma source(%dma_start3A_19 : memref<1256x64xf32, #tpu.memory_space<vmem_shared>>) target(%dma_start3A_17 : memref<1256x64xf32, #tpu.memory_space<hbm>>) target_semaphore(%run_scoped3A : memref<!tpu.dma_semaphore, #tpu.memory_space<semaphore_mem>>)
      %dma_wait3A = arith.constant 0 : i32
      %dma_wait3A_20 = tpu.memref_slice %arg8[%arg0, %mul3A_11, %dma_wait3A] : memref<2x20096x64xf32, #tpu.memory_space<hbm>> -> memref<1x1256x64xf32, #tpu.memory_space<hbm>>
      %dma_wait3A_21 = tpu.memref_squeeze %dma_wait3A_20 : memref<1x1256x64xf32, #tpu.memory_space<hbm>> -> memref<1256x64xf32, #tpu.memory_space<hbm>>
      %dma_wait3A_22 = arith.constant 0 : i32
      %dma_wait3A_23 = tpu.memref_slice %arg10[%mul3A_9, %dma_wait3A_22] : memref<20096x64xf32, #tpu.memory_space<vmem_shared>> -> memref<1256x64xf32, #tpu.memory_space<vmem_shared>>
      tpu.wait_dma2 semaphore(%run_scoped3A : memref<!tpu.dma_semaphore, #tpu.memory_space<semaphore_mem>>) src(%dma_wait3A_23 : memref<1256x64xf32, #tpu.memory_space<vmem_shared>>) dst(%dma_wait3A_21 : memref<1256x64xf32, #tpu.memory_space<hbm>>)
      tpu.yield
    }) : () -> ()
    %mul3A_12 = arith.constant 1256 : i32
    %mul3A_13 = arith.muli %arg1, %mul3A_12 : i32
    %mul3A_14 = arith.constant 1256 : i32
    %mul3A_15 = arith.muli %arg1, %mul3A_14 : i32
    "tpu.region"() ({
      %run_scoped3A = tpu.sem_alloc : memref<!tpu.dma_semaphore, #tpu.memory_space<semaphore_mem>>
      %dma_start3A = arith.constant 0 : i32
      %dma_start3A_16 = tpu.memref_slice %arg9[%arg0, %mul3A_15, %dma_start3A] : memref<2x20096x16xf32, #tpu.memory_space<hbm>> -> memref<1x1256x16xf32, #tpu.memory_space<hbm>>
      %dma_start3A_17 = tpu.memref_squeeze %dma_start3A_16 : memref<1x1256x16xf32, #tpu.memory_space<hbm>> -> memref<1256x16xf32, #tpu.memory_space<hbm>>
      %dma_start3A_18 = arith.constant 0 : i32
      %dma_start3A_19 = tpu.memref_slice %arg16[%mul3A_13, %dma_start3A_18] : memref<20096x16xf32, #tpu.memory_space<vmem_shared>> -> memref<1256x16xf32, #tpu.memory_space<vmem_shared>>
      tpu.enqueue_dma source(%dma_start3A_19 : memref<1256x16xf32, #tpu.memory_space<vmem_shared>>) target(%dma_start3A_17 : memref<1256x16xf32, #tpu.memory_space<hbm>>) target_semaphore(%run_scoped3A : memref<!tpu.dma_semaphore, #tpu.memory_space<semaphore_mem>>)
      %dma_wait3A = arith.constant 0 : i32
      %dma_wait3A_20 = tpu.memref_slice %arg9[%arg0, %mul3A_15, %dma_wait3A] : memref<2x20096x16xf32, #tpu.memory_space<hbm>> -> memref<1x1256x16xf32, #tpu.memory_space<hbm>>
      %dma_wait3A_21 = tpu.memref_squeeze %dma_wait3A_20 : memref<1x1256x16xf32, #tpu.memory_space<hbm>> -> memref<1256x16xf32, #tpu.memory_space<hbm>>
      %dma_wait3A_22 = arith.constant 0 : i32
      %dma_wait3A_23 = tpu.memref_slice %arg16[%mul3A_13, %dma_wait3A_22] : memref<20096x16xf32, #tpu.memory_space<vmem_shared>> -> memref<1256x16xf32, #tpu.memory_space<vmem_shared>>
      tpu.wait_dma2 semaphore(%run_scoped3A : memref<!tpu.dma_semaphore, #tpu.memory_space<semaphore_mem>>) src(%dma_wait3A_23 : memref<1256x16xf32, #tpu.memory_space<vmem_shared>>) dst(%dma_wait3A_21 : memref<1256x16xf32, #tpu.memory_space<hbm>>)
      tpu.yield
    }) : () -> ()
    return
  }
}

#map = affine_map<(d0, d1) -> (0, 0)>
#map1 = affine_map<(d0, d1) -> (0, 0, 0, 0)>
#map2 = affine_map<(d0, d1) -> (0, 0, 0)>
module attributes {stable_mosaic.version = 14 : i64} {
  func.func @body(%arg0: i32, %arg1: i32, %arg2: memref<10000x64xf32, #tpu.memory_space<hbm>>, %arg3: memref<32x79x1x128xi32, #tpu.memory_space<hbm>>, %arg4: memref<32x79x1x128xi32, #tpu.memory_space<hbm>>, %arg5: memref<632x64xf32, #tpu.memory_space<hbm>>, %arg6: memref<2x10112x64xf32, #tpu.memory_space<hbm>>, %arg7: memref<10112x64xf32, #tpu.memory_space<vmem_shared>>, %arg8: memref<79x1x128xi32, #tpu.memory_space<vmem>>, %arg9: memref<79x1x128xi32, #tpu.memory_space<vmem>>, %arg10: memref<256x64xf32, #tpu.memory_space<vmem>>, %arg11: memref<!tpu.dma_semaphore, #tpu.memory_space<semaphore_mem>>, %arg12: memref<!tpu.dma_semaphore, #tpu.memory_space<semaphore_mem>>) attributes {dimension_semantics = [#tpu.dimension_semantics<core_parallel>, #tpu.dimension_semantics<subcore_parallel>], iteration_bounds = array<i64: 2, 16>, scalar_prefetch = 0 : i64, scratch_operands = 6 : i64, tpu.core_type = #tpu.core_type<sc_vector_subcore>, window_params = [{transform_indices = #map}, {transform_indices = #map1}, {transform_indices = #map1}, {transform_indices = #map}, {transform_indices = #map2}]} {
    %mul3A = arith.constant 2 : i32
    %mul3A_0 = arith.muli %arg1, %mul3A : i32
    %add3A = arith.addi %mul3A_0, %arg0 : i32
    %mul3A_1 = arith.constant 632 : i32
    %mul3A_2 = arith.muli %arg1, %mul3A_1 : i32
    "tpu.region"() ({
      %run_scoped3A = tpu.sem_alloc : memref<!tpu.dma_semaphore, #tpu.memory_space<semaphore_mem>>
      %dma_start3A = arith.constant 0 : i32
      %dma_start3A_10 = tpu.memref_slice %arg7[%mul3A_2, %dma_start3A] : memref<10112x64xf32, #tpu.memory_space<vmem_shared>> -> memref<632x64xf32, #tpu.memory_space<vmem_shared>>
      tpu.enqueue_dma source(%arg5 : memref<632x64xf32, #tpu.memory_space<hbm>>) target(%dma_start3A_10 : memref<632x64xf32, #tpu.memory_space<vmem_shared>>) target_semaphore(%run_scoped3A : memref<!tpu.dma_semaphore, #tpu.memory_space<semaphore_mem>>)
      %dma_wait3A = arith.constant 0 : i32
      %dma_wait3A_11 = tpu.memref_slice %arg7[%mul3A_2, %dma_wait3A] : memref<10112x64xf32, #tpu.memory_space<vmem_shared>> -> memref<632x64xf32, #tpu.memory_space<vmem_shared>>
      tpu.wait_dma2 semaphore(%run_scoped3A : memref<!tpu.dma_semaphore, #tpu.memory_space<semaphore_mem>>) src(%arg5 : memref<632x64xf32, #tpu.memory_space<hbm>>) dst(%dma_wait3A_11 : memref<632x64xf32, #tpu.memory_space<vmem_shared>>)
      tpu.yield
    }) : () -> ()
    "tpu.region"() ({
      %run_scoped3A = tpu.sem_alloc : memref<!tpu.dma_semaphore, #tpu.memory_space<semaphore_mem>>
      %dma_start3A = arith.constant 0 : i32
      %dma_start3A_10 = arith.constant 0 : i32
      %dma_start3A_11 = arith.constant 0 : i32
      %dma_start3A_12 = tpu.memref_slice %arg3[%add3A, %dma_start3A, %dma_start3A_10, %dma_start3A_11] : memref<32x79x1x128xi32, #tpu.memory_space<hbm>> -> memref<1x79x1x128xi32, #tpu.memory_space<hbm>>
      %dma_start3A_13 = tpu.memref_squeeze %dma_start3A_12 : memref<1x79x1x128xi32, #tpu.memory_space<hbm>> -> memref<79x1x128xi32, #tpu.memory_space<hbm>>
      %dma_start3A_14 = arith.constant 0 : i32
      %dma_start3A_15 = arith.constant 0 : i32
      %dma_start3A_16 = arith.constant 0 : i32
      %dma_start3A_17 = tpu.memref_slice %arg3[%add3A, %dma_start3A_14, %dma_start3A_15, %dma_start3A_16] : memref<32x79x1x128xi32, #tpu.memory_space<hbm>> -> memref<1x79x1x128xi32, #tpu.memory_space<hbm>>
      %dma_start3A_18 = tpu.memref_squeeze %dma_start3A_17 : memref<1x79x1x128xi32, #tpu.memory_space<hbm>> -> memref<79x1x128xi32, #tpu.memory_space<hbm>>
      tpu.enqueue_dma source(%dma_start3A_18 : memref<79x1x128xi32, #tpu.memory_space<hbm>>) target(%arg8 : memref<79x1x128xi32, #tpu.memory_space<vmem>>) target_semaphore(%run_scoped3A : memref<!tpu.dma_semaphore, #tpu.memory_space<semaphore_mem>>)
      %dma_wait3A = arith.constant 0 : i32
      %dma_wait3A_19 = arith.constant 0 : i32
      %dma_wait3A_20 = arith.constant 0 : i32
      %dma_wait3A_21 = tpu.memref_slice %arg3[%add3A, %dma_wait3A, %dma_wait3A_19, %dma_wait3A_20] : memref<32x79x1x128xi32, #tpu.memory_space<hbm>> -> memref<1x79x1x128xi32, #tpu.memory_space<hbm>>
      %dma_wait3A_22 = tpu.memref_squeeze %dma_wait3A_21 : memref<1x79x1x128xi32, #tpu.memory_space<hbm>> -> memref<79x1x128xi32, #tpu.memory_space<hbm>>
      %dma_wait3A_23 = arith.constant 0 : i32
      %dma_wait3A_24 = arith.constant 0 : i32
      %dma_wait3A_25 = arith.constant 0 : i32
      %dma_wait3A_26 = tpu.memref_slice %arg3[%add3A, %dma_wait3A_23, %dma_wait3A_24, %dma_wait3A_25] : memref<32x79x1x128xi32, #tpu.memory_space<hbm>> -> memref<1x79x1x128xi32, #tpu.memory_space<hbm>>
      %dma_wait3A_27 = tpu.memref_squeeze %dma_wait3A_26 : memref<1x79x1x128xi32, #tpu.memory_space<hbm>> -> memref<79x1x128xi32, #tpu.memory_space<hbm>>
      tpu.wait_dma2 semaphore(%run_scoped3A : memref<!tpu.dma_semaphore, #tpu.memory_space<semaphore_mem>>) src(%dma_wait3A_27 : memref<79x1x128xi32, #tpu.memory_space<hbm>>) dst(%arg8 : memref<79x1x128xi32, #tpu.memory_space<vmem>>)
      tpu.yield
    }) : () -> ()
    "tpu.region"() ({
      %run_scoped3A = tpu.sem_alloc : memref<!tpu.dma_semaphore, #tpu.memory_space<semaphore_mem>>
      %dma_start3A = arith.constant 0 : i32
      %dma_start3A_10 = arith.constant 0 : i32
      %dma_start3A_11 = arith.constant 0 : i32
      %dma_start3A_12 = tpu.memref_slice %arg4[%add3A, %dma_start3A, %dma_start3A_10, %dma_start3A_11] : memref<32x79x1x128xi32, #tpu.memory_space<hbm>> -> memref<1x79x1x128xi32, #tpu.memory_space<hbm>>
      %dma_start3A_13 = tpu.memref_squeeze %dma_start3A_12 : memref<1x79x1x128xi32, #tpu.memory_space<hbm>> -> memref<79x1x128xi32, #tpu.memory_space<hbm>>
      %dma_start3A_14 = arith.constant 0 : i32
      %dma_start3A_15 = arith.constant 0 : i32
      %dma_start3A_16 = arith.constant 0 : i32
      %dma_start3A_17 = tpu.memref_slice %arg4[%add3A, %dma_start3A_14, %dma_start3A_15, %dma_start3A_16] : memref<32x79x1x128xi32, #tpu.memory_space<hbm>> -> memref<1x79x1x128xi32, #tpu.memory_space<hbm>>
      %dma_start3A_18 = tpu.memref_squeeze %dma_start3A_17 : memref<1x79x1x128xi32, #tpu.memory_space<hbm>> -> memref<79x1x128xi32, #tpu.memory_space<hbm>>
      tpu.enqueue_dma source(%dma_start3A_18 : memref<79x1x128xi32, #tpu.memory_space<hbm>>) target(%arg9 : memref<79x1x128xi32, #tpu.memory_space<vmem>>) target_semaphore(%run_scoped3A : memref<!tpu.dma_semaphore, #tpu.memory_space<semaphore_mem>>)
      %dma_wait3A = arith.constant 0 : i32
      %dma_wait3A_19 = arith.constant 0 : i32
      %dma_wait3A_20 = arith.constant 0 : i32
      %dma_wait3A_21 = tpu.memref_slice %arg4[%add3A, %dma_wait3A, %dma_wait3A_19, %dma_wait3A_20] : memref<32x79x1x128xi32, #tpu.memory_space<hbm>> -> memref<1x79x1x128xi32, #tpu.memory_space<hbm>>
      %dma_wait3A_22 = tpu.memref_squeeze %dma_wait3A_21 : memref<1x79x1x128xi32, #tpu.memory_space<hbm>> -> memref<79x1x128xi32, #tpu.memory_space<hbm>>
      %dma_wait3A_23 = arith.constant 0 : i32
      %dma_wait3A_24 = arith.constant 0 : i32
      %dma_wait3A_25 = arith.constant 0 : i32
      %dma_wait3A_26 = tpu.memref_slice %arg4[%add3A, %dma_wait3A_23, %dma_wait3A_24, %dma_wait3A_25] : memref<32x79x1x128xi32, #tpu.memory_space<hbm>> -> memref<1x79x1x128xi32, #tpu.memory_space<hbm>>
      %dma_wait3A_27 = tpu.memref_squeeze %dma_wait3A_26 : memref<1x79x1x128xi32, #tpu.memory_space<hbm>> -> memref<79x1x128xi32, #tpu.memory_space<hbm>>
      tpu.wait_dma2 semaphore(%run_scoped3A : memref<!tpu.dma_semaphore, #tpu.memory_space<semaphore_mem>>) src(%dma_wait3A_27 : memref<79x1x128xi32, #tpu.memory_space<hbm>>) dst(%arg9 : memref<79x1x128xi32, #tpu.memory_space<vmem>>)
      tpu.yield
    }) : () -> ()
    %barrier3A = arith.constant 0 : index
    tpu.barrier barrier_id(%barrier3A)
    %parallel_loop3A = arith.constant 0 : i32
    %parallel_loop3A_3 = arith.constant 79 : i32
    %parallel_loop3A_4 = arith.constant 1 : i32
    scf.for %parallel_loop3A_10 = %parallel_loop3A to %parallel_loop3A_3 step %parallel_loop3A_4  : i32 {
      %parallel_loop3A_11 = arith.constant 2 : i32
      %parallel_loop3A_12 = arith.constant 0 : i32
      %parallel_loop3A_13 = arith.cmpi eq, %parallel_loop3A_11, %parallel_loop3A_12 : i32
      %parallel_loop3A_14 = arith.constant 1 : i32
      %parallel_loop3A_15 = arith.select %parallel_loop3A_13, %parallel_loop3A_14, %parallel_loop3A_11 : i32
      %parallel_loop3A_16 = arith.remsi %parallel_loop3A_10, %parallel_loop3A_15 : i32
      %parallel_loop3A_17 = arith.constant 0 : i32
      %parallel_loop3A_18 = arith.cmpi ne, %parallel_loop3A_16, %parallel_loop3A_17 : i32
      %parallel_loop3A_19 = arith.constant 0 : i32
      %parallel_loop3A_20 = arith.cmpi slt, %parallel_loop3A_16, %parallel_loop3A_19 : i32
      %parallel_loop3A_21 = arith.constant 0 : i32
      %parallel_loop3A_22 = arith.cmpi slt, %parallel_loop3A_15, %parallel_loop3A_21 : i32
      %parallel_loop3A_23 = arith.xori %parallel_loop3A_20, %parallel_loop3A_22 : i1
      %parallel_loop3A_24 = arith.andi %parallel_loop3A_23, %parallel_loop3A_18 : i1
      %parallel_loop3A_25 = arith.addi %parallel_loop3A_16, %parallel_loop3A_15 : i32
      %parallel_loop3A_26 = arith.select %parallel_loop3A_24, %parallel_loop3A_25, %parallel_loop3A_16 : i32
      %parallel_loop3A_27 = arith.constant 1 : i32
      %parallel_loop3A_28 = arith.muli %parallel_loop3A_26, %parallel_loop3A_27 : i32
      %parallel_loop3A_29 = arith.constant 128 : i32
      %parallel_loop3A_30 = arith.muli %parallel_loop3A_28, %parallel_loop3A_29 : i32
      %parallel_loop3A_31 = arith.constant 0 : i32
      %parallel_loop3A_32 = arith.constant 0 : i32
      %parallel_loop3A_33 = tpu.memref_slice %arg10[%parallel_loop3A_30, %parallel_loop3A_32] : memref<256x64xf32, #tpu.memory_space<vmem>> -> memref<128x64xf32, #tpu.memory_space<vmem>>
      %parallel_loop3A_34 = arith.constant 0 : i32
      %parallel_loop3A_35 = tpu.memref_slice %arg8[%parallel_loop3A_10, %parallel_loop3A_31, %parallel_loop3A_34] : memref<79x1x128xi32, #tpu.memory_space<vmem>> -> memref<1x1x128xi32, #tpu.memory_space<vmem>>
      %parallel_loop3A_36 = tpu.memref_squeeze %parallel_loop3A_35 : memref<1x1x128xi32, #tpu.memory_space<vmem>> -> memref<128xi32, #tpu.memory_space<vmem>>
      %parallel_loop3A_37 = arith.constant 0 : i32
      %parallel_loop3A_38 = arith.constant 0 : i32
      %parallel_loop3A_39 = tpu.memref_slice %arg2[%parallel_loop3A_37, %parallel_loop3A_38] : memref<10000x64xf32, #tpu.memory_space<hbm>> -> memref<10000x64xf32, #tpu.memory_space<hbm>>
      tpu.enqueue_indirect_dma source(%parallel_loop3A_39 : memref<10000x64xf32, #tpu.memory_space<hbm>>) target(%parallel_loop3A_33 : memref<128x64xf32, #tpu.memory_space<vmem>>) offsets(%parallel_loop3A_36 : memref<128xi32, #tpu.memory_space<vmem>>) semaphore(%arg11 : memref<!tpu.dma_semaphore, #tpu.memory_space<semaphore_mem>>)
      %parallel_loop3A_40 = arith.constant 0 : i32
      %parallel_loop3A_41 = arith.constant 0 : i32
      %parallel_loop3A_42 = tpu.memref_slice %arg10[%parallel_loop3A_30, %parallel_loop3A_41] : memref<256x64xf32, #tpu.memory_space<vmem>> -> memref<128x64xf32, #tpu.memory_space<vmem>>
      %parallel_loop3A_43 = arith.constant 0 : i32
      %parallel_loop3A_44 = tpu.memref_slice %arg8[%parallel_loop3A_10, %parallel_loop3A_40, %parallel_loop3A_43] : memref<79x1x128xi32, #tpu.memory_space<vmem>> -> memref<1x1x128xi32, #tpu.memory_space<vmem>>
      %parallel_loop3A_45 = tpu.memref_squeeze %parallel_loop3A_44 : memref<1x1x128xi32, #tpu.memory_space<vmem>> -> memref<128xi32, #tpu.memory_space<vmem>>
      %parallel_loop3A_46 = arith.constant 0 : i32
      %parallel_loop3A_47 = arith.constant 0 : i32
      %parallel_loop3A_48 = tpu.memref_slice %arg2[%parallel_loop3A_46, %parallel_loop3A_47] : memref<10000x64xf32, #tpu.memory_space<hbm>> -> memref<10000x64xf32, #tpu.memory_space<hbm>>
      tpu.wait_indirect_dma semaphore(%arg11 : memref<!tpu.dma_semaphore, #tpu.memory_space<semaphore_mem>>) src(%parallel_loop3A_48 : memref<10000x64xf32, #tpu.memory_space<hbm>>) dst(%parallel_loop3A_42 : memref<128x64xf32, #tpu.memory_space<vmem>>)
      %parallel_loop3A_49 = arith.constant 0 : i32
      "tpu.region"() ({
        %parallel_loop3A_50 = tpu.sem_alloc : memref<!tpu.dma_semaphore, #tpu.memory_space<semaphore_mem>>
        %parallel_loop3A_51 = arith.constant 0 : i32
        %parallel_loop3A_52 = tpu.memref_slice %arg10[%parallel_loop3A_30, %parallel_loop3A_51] : memref<256x64xf32, #tpu.memory_space<vmem>> -> memref<128x64xf32, #tpu.memory_space<vmem>>
        %parallel_loop3A_53 = arith.constant 0 : i32
        %parallel_loop3A_54 = tpu.memref_slice %arg9[%parallel_loop3A_10, %parallel_loop3A_49, %parallel_loop3A_53] : memref<79x1x128xi32, #tpu.memory_space<vmem>> -> memref<1x1x128xi32, #tpu.memory_space<vmem>>
        %parallel_loop3A_55 = tpu.memref_squeeze %parallel_loop3A_54 : memref<1x1x128xi32, #tpu.memory_space<vmem>> -> memref<128xi32, #tpu.memory_space<vmem>>
        %parallel_loop3A_56 = arith.constant 0 : i32
        %parallel_loop3A_57 = arith.constant 0 : i32
        %parallel_loop3A_58 = tpu.memref_slice %arg7[%parallel_loop3A_56, %parallel_loop3A_57] : memref<10112x64xf32, #tpu.memory_space<vmem_shared>> -> memref<10112x64xf32, #tpu.memory_space<vmem_shared>>
        tpu.enqueue_indirect_dma source(%parallel_loop3A_52 : memref<128x64xf32, #tpu.memory_space<vmem>>) target(%parallel_loop3A_58 : memref<10112x64xf32, #tpu.memory_space<vmem_shared>>) offsets(%parallel_loop3A_55 : memref<128xi32, #tpu.memory_space<vmem>>) semaphore(%parallel_loop3A_50 : memref<!tpu.dma_semaphore, #tpu.memory_space<semaphore_mem>>) {add = true}
        %parallel_loop3A_59 = arith.constant 0 : i32
        %parallel_loop3A_60 = tpu.memref_slice %arg10[%parallel_loop3A_30, %parallel_loop3A_59] : memref<256x64xf32, #tpu.memory_space<vmem>> -> memref<128x64xf32, #tpu.memory_space<vmem>>
        %parallel_loop3A_61 = arith.constant 0 : i32
        %parallel_loop3A_62 = tpu.memref_slice %arg9[%parallel_loop3A_10, %parallel_loop3A_49, %parallel_loop3A_61] : memref<79x1x128xi32, #tpu.memory_space<vmem>> -> memref<1x1x128xi32, #tpu.memory_space<vmem>>
        %parallel_loop3A_63 = tpu.memref_squeeze %parallel_loop3A_62 : memref<1x1x128xi32, #tpu.memory_space<vmem>> -> memref<128xi32, #tpu.memory_space<vmem>>
        %parallel_loop3A_64 = arith.constant 0 : i32
        %parallel_loop3A_65 = arith.constant 0 : i32
        %parallel_loop3A_66 = tpu.memref_slice %arg7[%parallel_loop3A_64, %parallel_loop3A_65] : memref<10112x64xf32, #tpu.memory_space<vmem_shared>> -> memref<10112x64xf32, #tpu.memory_space<vmem_shared>>
        tpu.wait_indirect_dma semaphore(%parallel_loop3A_50 : memref<!tpu.dma_semaphore, #tpu.memory_space<semaphore_mem>>) src(%parallel_loop3A_60 : memref<128x64xf32, #tpu.memory_space<vmem>>) dst(%parallel_loop3A_66 : memref<10112x64xf32, #tpu.memory_space<vmem_shared>>)
        tpu.yield
      }) : () -> ()
    } {sc.loop_unroll_factor = 2 : i64, sc.parallel_access}
    %barrier3A_5 = arith.constant 0 : index
    tpu.barrier barrier_id(%barrier3A_5)
    %mul3A_6 = arith.constant 632 : i32
    %mul3A_7 = arith.muli %arg1, %mul3A_6 : i32
    %mul3A_8 = arith.constant 632 : i32
    %mul3A_9 = arith.muli %arg1, %mul3A_8 : i32
    "tpu.region"() ({
      %run_scoped3A = tpu.sem_alloc : memref<!tpu.dma_semaphore, #tpu.memory_space<semaphore_mem>>
      %dma_start3A = arith.constant 0 : i32
      %dma_start3A_10 = tpu.memref_slice %arg6[%arg0, %mul3A_9, %dma_start3A] : memref<2x10112x64xf32, #tpu.memory_space<hbm>> -> memref<1x632x64xf32, #tpu.memory_space<hbm>>
      %dma_start3A_11 = tpu.memref_squeeze %dma_start3A_10 : memref<1x632x64xf32, #tpu.memory_space<hbm>> -> memref<632x64xf32, #tpu.memory_space<hbm>>
      %dma_start3A_12 = arith.constant 0 : i32
      %dma_start3A_13 = tpu.memref_slice %arg7[%mul3A_7, %dma_start3A_12] : memref<10112x64xf32, #tpu.memory_space<vmem_shared>> -> memref<632x64xf32, #tpu.memory_space<vmem_shared>>
      tpu.enqueue_dma source(%dma_start3A_13 : memref<632x64xf32, #tpu.memory_space<vmem_shared>>) target(%dma_start3A_11 : memref<632x64xf32, #tpu.memory_space<hbm>>) target_semaphore(%run_scoped3A : memref<!tpu.dma_semaphore, #tpu.memory_space<semaphore_mem>>)
      %dma_wait3A = arith.constant 0 : i32
      %dma_wait3A_14 = tpu.memref_slice %arg6[%arg0, %mul3A_9, %dma_wait3A] : memref<2x10112x64xf32, #tpu.memory_space<hbm>> -> memref<1x632x64xf32, #tpu.memory_space<hbm>>
      %dma_wait3A_15 = tpu.memref_squeeze %dma_wait3A_14 : memref<1x632x64xf32, #tpu.memory_space<hbm>> -> memref<632x64xf32, #tpu.memory_space<hbm>>
      %dma_wait3A_16 = arith.constant 0 : i32
      %dma_wait3A_17 = tpu.memref_slice %arg7[%mul3A_7, %dma_wait3A_16] : memref<10112x64xf32, #tpu.memory_space<vmem_shared>> -> memref<632x64xf32, #tpu.memory_space<vmem_shared>>
      tpu.wait_dma2 semaphore(%run_scoped3A : memref<!tpu.dma_semaphore, #tpu.memory_space<semaphore_mem>>) src(%dma_wait3A_17 : memref<632x64xf32, #tpu.memory_space<vmem_shared>>) dst(%dma_wait3A_15 : memref<632x64xf32, #tpu.memory_space<hbm>>)
      tpu.yield
    }) : () -> ()
    return
  }
}

#map = affine_map<(d0, d1) -> (0, 0)>
#map1 = affine_map<(d0, d1) -> (0, 0, 0, 0)>
#map2 = affine_map<(d0, d1) -> (0, 0, 0)>
module attributes {stable_mosaic.version = 14 : i64} {
  func.func @body(%arg0: i32, %arg1: i32, %arg2: memref<20000x64xf32, #tpu.memory_space<hbm>>, %arg3: memref<32x98x1x128xi32, #tpu.memory_space<hbm>>, %arg4: memref<32x98x1x128xi32, #tpu.memory_space<hbm>>, %arg5: memref<1256x64xf32, #tpu.memory_space<hbm>>, %arg6: memref<2x20096x64xf32, #tpu.memory_space<hbm>>, %arg7: memref<20096x64xf32, #tpu.memory_space<vmem_shared>>, %arg8: memref<98x1x128xi32, #tpu.memory_space<vmem>>, %arg9: memref<98x1x128xi32, #tpu.memory_space<vmem>>, %arg10: memref<256x64xf32, #tpu.memory_space<vmem>>, %arg11: memref<!tpu.dma_semaphore, #tpu.memory_space<semaphore_mem>>, %arg12: memref<!tpu.dma_semaphore, #tpu.memory_space<semaphore_mem>>) attributes {dimension_semantics = [#tpu.dimension_semantics<core_parallel>, #tpu.dimension_semantics<subcore_parallel>], iteration_bounds = array<i64: 2, 16>, scalar_prefetch = 0 : i64, scratch_operands = 6 : i64, tpu.core_type = #tpu.core_type<sc_vector_subcore>, window_params = [{transform_indices = #map}, {transform_indices = #map1}, {transform_indices = #map1}, {transform_indices = #map}, {transform_indices = #map2}]} {
    %mul3A = arith.constant 2 : i32
    %mul3A_0 = arith.muli %arg1, %mul3A : i32
    %add3A = arith.addi %mul3A_0, %arg0 : i32
    %mul3A_1 = arith.constant 1256 : i32
    %mul3A_2 = arith.muli %arg1, %mul3A_1 : i32
    "tpu.region"() ({
      %run_scoped3A = tpu.sem_alloc : memref<!tpu.dma_semaphore, #tpu.memory_space<semaphore_mem>>
      %dma_start3A = arith.constant 0 : i32
      %dma_start3A_10 = tpu.memref_slice %arg7[%mul3A_2, %dma_start3A] : memref<20096x64xf32, #tpu.memory_space<vmem_shared>> -> memref<1256x64xf32, #tpu.memory_space<vmem_shared>>
      tpu.enqueue_dma source(%arg5 : memref<1256x64xf32, #tpu.memory_space<hbm>>) target(%dma_start3A_10 : memref<1256x64xf32, #tpu.memory_space<vmem_shared>>) target_semaphore(%run_scoped3A : memref<!tpu.dma_semaphore, #tpu.memory_space<semaphore_mem>>)
      %dma_wait3A = arith.constant 0 : i32
      %dma_wait3A_11 = tpu.memref_slice %arg7[%mul3A_2, %dma_wait3A] : memref<20096x64xf32, #tpu.memory_space<vmem_shared>> -> memref<1256x64xf32, #tpu.memory_space<vmem_shared>>
      tpu.wait_dma2 semaphore(%run_scoped3A : memref<!tpu.dma_semaphore, #tpu.memory_space<semaphore_mem>>) src(%arg5 : memref<1256x64xf32, #tpu.memory_space<hbm>>) dst(%dma_wait3A_11 : memref<1256x64xf32, #tpu.memory_space<vmem_shared>>)
      tpu.yield
    }) : () -> ()
    "tpu.region"() ({
      %run_scoped3A = tpu.sem_alloc : memref<!tpu.dma_semaphore, #tpu.memory_space<semaphore_mem>>
      %dma_start3A = arith.constant 0 : i32
      %dma_start3A_10 = arith.constant 0 : i32
      %dma_start3A_11 = arith.constant 0 : i32
      %dma_start3A_12 = tpu.memref_slice %arg3[%add3A, %dma_start3A, %dma_start3A_10, %dma_start3A_11] : memref<32x98x1x128xi32, #tpu.memory_space<hbm>> -> memref<1x98x1x128xi32, #tpu.memory_space<hbm>>
      %dma_start3A_13 = tpu.memref_squeeze %dma_start3A_12 : memref<1x98x1x128xi32, #tpu.memory_space<hbm>> -> memref<98x1x128xi32, #tpu.memory_space<hbm>>
      %dma_start3A_14 = arith.constant 0 : i32
      %dma_start3A_15 = arith.constant 0 : i32
      %dma_start3A_16 = arith.constant 0 : i32
      %dma_start3A_17 = tpu.memref_slice %arg3[%add3A, %dma_start3A_14, %dma_start3A_15, %dma_start3A_16] : memref<32x98x1x128xi32, #tpu.memory_space<hbm>> -> memref<1x98x1x128xi32, #tpu.memory_space<hbm>>
      %dma_start3A_18 = tpu.memref_squeeze %dma_start3A_17 : memref<1x98x1x128xi32, #tpu.memory_space<hbm>> -> memref<98x1x128xi32, #tpu.memory_space<hbm>>
      tpu.enqueue_dma source(%dma_start3A_18 : memref<98x1x128xi32, #tpu.memory_space<hbm>>) target(%arg8 : memref<98x1x128xi32, #tpu.memory_space<vmem>>) target_semaphore(%run_scoped3A : memref<!tpu.dma_semaphore, #tpu.memory_space<semaphore_mem>>)
      %dma_wait3A = arith.constant 0 : i32
      %dma_wait3A_19 = arith.constant 0 : i32
      %dma_wait3A_20 = arith.constant 0 : i32
      %dma_wait3A_21 = tpu.memref_slice %arg3[%add3A, %dma_wait3A, %dma_wait3A_19, %dma_wait3A_20] : memref<32x98x1x128xi32, #tpu.memory_space<hbm>> -> memref<1x98x1x128xi32, #tpu.memory_space<hbm>>
      %dma_wait3A_22 = tpu.memref_squeeze %dma_wait3A_21 : memref<1x98x1x128xi32, #tpu.memory_space<hbm>> -> memref<98x1x128xi32, #tpu.memory_space<hbm>>
      %dma_wait3A_23 = arith.constant 0 : i32
      %dma_wait3A_24 = arith.constant 0 : i32
      %dma_wait3A_25 = arith.constant 0 : i32
      %dma_wait3A_26 = tpu.memref_slice %arg3[%add3A, %dma_wait3A_23, %dma_wait3A_24, %dma_wait3A_25] : memref<32x98x1x128xi32, #tpu.memory_space<hbm>> -> memref<1x98x1x128xi32, #tpu.memory_space<hbm>>
      %dma_wait3A_27 = tpu.memref_squeeze %dma_wait3A_26 : memref<1x98x1x128xi32, #tpu.memory_space<hbm>> -> memref<98x1x128xi32, #tpu.memory_space<hbm>>
      tpu.wait_dma2 semaphore(%run_scoped3A : memref<!tpu.dma_semaphore, #tpu.memory_space<semaphore_mem>>) src(%dma_wait3A_27 : memref<98x1x128xi32, #tpu.memory_space<hbm>>) dst(%arg8 : memref<98x1x128xi32, #tpu.memory_space<vmem>>)
      tpu.yield
    }) : () -> ()
    "tpu.region"() ({
      %run_scoped3A = tpu.sem_alloc : memref<!tpu.dma_semaphore, #tpu.memory_space<semaphore_mem>>
      %dma_start3A = arith.constant 0 : i32
      %dma_start3A_10 = arith.constant 0 : i32
      %dma_start3A_11 = arith.constant 0 : i32
      %dma_start3A_12 = tpu.memref_slice %arg4[%add3A, %dma_start3A, %dma_start3A_10, %dma_start3A_11] : memref<32x98x1x128xi32, #tpu.memory_space<hbm>> -> memref<1x98x1x128xi32, #tpu.memory_space<hbm>>
      %dma_start3A_13 = tpu.memref_squeeze %dma_start3A_12 : memref<1x98x1x128xi32, #tpu.memory_space<hbm>> -> memref<98x1x128xi32, #tpu.memory_space<hbm>>
      %dma_start3A_14 = arith.constant 0 : i32
      %dma_start3A_15 = arith.constant 0 : i32
      %dma_start3A_16 = arith.constant 0 : i32
      %dma_start3A_17 = tpu.memref_slice %arg4[%add3A, %dma_start3A_14, %dma_start3A_15, %dma_start3A_16] : memref<32x98x1x128xi32, #tpu.memory_space<hbm>> -> memref<1x98x1x128xi32, #tpu.memory_space<hbm>>
      %dma_start3A_18 = tpu.memref_squeeze %dma_start3A_17 : memref<1x98x1x128xi32, #tpu.memory_space<hbm>> -> memref<98x1x128xi32, #tpu.memory_space<hbm>>
      tpu.enqueue_dma source(%dma_start3A_18 : memref<98x1x128xi32, #tpu.memory_space<hbm>>) target(%arg9 : memref<98x1x128xi32, #tpu.memory_space<vmem>>) target_semaphore(%run_scoped3A : memref<!tpu.dma_semaphore, #tpu.memory_space<semaphore_mem>>)
      %dma_wait3A = arith.constant 0 : i32
      %dma_wait3A_19 = arith.constant 0 : i32
      %dma_wait3A_20 = arith.constant 0 : i32
      %dma_wait3A_21 = tpu.memref_slice %arg4[%add3A, %dma_wait3A, %dma_wait3A_19, %dma_wait3A_20] : memref<32x98x1x128xi32, #tpu.memory_space<hbm>> -> memref<1x98x1x128xi32, #tpu.memory_space<hbm>>
      %dma_wait3A_22 = tpu.memref_squeeze %dma_wait3A_21 : memref<1x98x1x128xi32, #tpu.memory_space<hbm>> -> memref<98x1x128xi32, #tpu.memory_space<hbm>>
      %dma_wait3A_23 = arith.constant 0 : i32
      %dma_wait3A_24 = arith.constant 0 : i32
      %dma_wait3A_25 = arith.constant 0 : i32
      %dma_wait3A_26 = tpu.memref_slice %arg4[%add3A, %dma_wait3A_23, %dma_wait3A_24, %dma_wait3A_25] : memref<32x98x1x128xi32, #tpu.memory_space<hbm>> -> memref<1x98x1x128xi32, #tpu.memory_space<hbm>>
      %dma_wait3A_27 = tpu.memref_squeeze %dma_wait3A_26 : memref<1x98x1x128xi32, #tpu.memory_space<hbm>> -> memref<98x1x128xi32, #tpu.memory_space<hbm>>
      tpu.wait_dma2 semaphore(%run_scoped3A : memref<!tpu.dma_semaphore, #tpu.memory_space<semaphore_mem>>) src(%dma_wait3A_27 : memref<98x1x128xi32, #tpu.memory_space<hbm>>) dst(%arg9 : memref<98x1x128xi32, #tpu.memory_space<vmem>>)
      tpu.yield
    }) : () -> ()
    %barrier3A = arith.constant 0 : index
    tpu.barrier barrier_id(%barrier3A)
    %parallel_loop3A = arith.constant 0 : i32
    %parallel_loop3A_3 = arith.constant 98 : i32
    %parallel_loop3A_4 = arith.constant 1 : i32
    scf.for %parallel_loop3A_10 = %parallel_loop3A to %parallel_loop3A_3 step %parallel_loop3A_4  : i32 {
      %parallel_loop3A_11 = arith.constant 2 : i32
      %parallel_loop3A_12 = arith.constant 0 : i32
      %parallel_loop3A_13 = arith.cmpi eq, %parallel_loop3A_11, %parallel_loop3A_12 : i32
      %parallel_loop3A_14 = arith.constant 1 : i32
      %parallel_loop3A_15 = arith.select %parallel_loop3A_13, %parallel_loop3A_14, %parallel_loop3A_11 : i32
      %parallel_loop3A_16 = arith.remsi %parallel_loop3A_10, %parallel_loop3A_15 : i32
      %parallel_loop3A_17 = arith.constant 0 : i32
      %parallel_loop3A_18 = arith.cmpi ne, %parallel_loop3A_16, %parallel_loop3A_17 : i32
      %parallel_loop3A_19 = arith.constant 0 : i32
      %parallel_loop3A_20 = arith.cmpi slt, %parallel_loop3A_16, %parallel_loop3A_19 : i32
      %parallel_loop3A_21 = arith.constant 0 : i32
      %parallel_loop3A_22 = arith.cmpi slt, %parallel_loop3A_15, %parallel_loop3A_21 : i32
      %parallel_loop3A_23 = arith.xori %parallel_loop3A_20, %parallel_loop3A_22 : i1
      %parallel_loop3A_24 = arith.andi %parallel_loop3A_23, %parallel_loop3A_18 : i1
      %parallel_loop3A_25 = arith.addi %parallel_loop3A_16, %parallel_loop3A_15 : i32
      %parallel_loop3A_26 = arith.select %parallel_loop3A_24, %parallel_loop3A_25, %parallel_loop3A_16 : i32
      %parallel_loop3A_27 = arith.constant 1 : i32
      %parallel_loop3A_28 = arith.muli %parallel_loop3A_26, %parallel_loop3A_27 : i32
      %parallel_loop3A_29 = arith.constant 128 : i32
      %parallel_loop3A_30 = arith.muli %parallel_loop3A_28, %parallel_loop3A_29 : i32
      %parallel_loop3A_31 = arith.constant 0 : i32
      %parallel_loop3A_32 = arith.constant 0 : i32
      %parallel_loop3A_33 = tpu.memref_slice %arg10[%parallel_loop3A_30, %parallel_loop3A_32] : memref<256x64xf32, #tpu.memory_space<vmem>> -> memref<128x64xf32, #tpu.memory_space<vmem>>
      %parallel_loop3A_34 = arith.constant 0 : i32
      %parallel_loop3A_35 = tpu.memref_slice %arg8[%parallel_loop3A_10, %parallel_loop3A_31, %parallel_loop3A_34] : memref<98x1x128xi32, #tpu.memory_space<vmem>> -> memref<1x1x128xi32, #tpu.memory_space<vmem>>
      %parallel_loop3A_36 = tpu.memref_squeeze %parallel_loop3A_35 : memref<1x1x128xi32, #tpu.memory_space<vmem>> -> memref<128xi32, #tpu.memory_space<vmem>>
      %parallel_loop3A_37 = arith.constant 0 : i32
      %parallel_loop3A_38 = arith.constant 0 : i32
      %parallel_loop3A_39 = tpu.memref_slice %arg2[%parallel_loop3A_37, %parallel_loop3A_38] : memref<20000x64xf32, #tpu.memory_space<hbm>> -> memref<20000x64xf32, #tpu.memory_space<hbm>>
      tpu.enqueue_indirect_dma source(%parallel_loop3A_39 : memref<20000x64xf32, #tpu.memory_space<hbm>>) target(%parallel_loop3A_33 : memref<128x64xf32, #tpu.memory_space<vmem>>) offsets(%parallel_loop3A_36 : memref<128xi32, #tpu.memory_space<vmem>>) semaphore(%arg11 : memref<!tpu.dma_semaphore, #tpu.memory_space<semaphore_mem>>)
      %parallel_loop3A_40 = arith.constant 0 : i32
      %parallel_loop3A_41 = arith.constant 0 : i32
      %parallel_loop3A_42 = tpu.memref_slice %arg10[%parallel_loop3A_30, %parallel_loop3A_41] : memref<256x64xf32, #tpu.memory_space<vmem>> -> memref<128x64xf32, #tpu.memory_space<vmem>>
      %parallel_loop3A_43 = arith.constant 0 : i32
      %parallel_loop3A_44 = tpu.memref_slice %arg8[%parallel_loop3A_10, %parallel_loop3A_40, %parallel_loop3A_43] : memref<98x1x128xi32, #tpu.memory_space<vmem>> -> memref<1x1x128xi32, #tpu.memory_space<vmem>>
      %parallel_loop3A_45 = tpu.memref_squeeze %parallel_loop3A_44 : memref<1x1x128xi32, #tpu.memory_space<vmem>> -> memref<128xi32, #tpu.memory_space<vmem>>
      %parallel_loop3A_46 = arith.constant 0 : i32
      %parallel_loop3A_47 = arith.constant 0 : i32
      %parallel_loop3A_48 = tpu.memref_slice %arg2[%parallel_loop3A_46, %parallel_loop3A_47] : memref<20000x64xf32, #tpu.memory_space<hbm>> -> memref<20000x64xf32, #tpu.memory_space<hbm>>
      tpu.wait_indirect_dma semaphore(%arg11 : memref<!tpu.dma_semaphore, #tpu.memory_space<semaphore_mem>>) src(%parallel_loop3A_48 : memref<20000x64xf32, #tpu.memory_space<hbm>>) dst(%parallel_loop3A_42 : memref<128x64xf32, #tpu.memory_space<vmem>>)
      %parallel_loop3A_49 = arith.constant 0 : i32
      "tpu.region"() ({
        %parallel_loop3A_50 = tpu.sem_alloc : memref<!tpu.dma_semaphore, #tpu.memory_space<semaphore_mem>>
        %parallel_loop3A_51 = arith.constant 0 : i32
        %parallel_loop3A_52 = tpu.memref_slice %arg10[%parallel_loop3A_30, %parallel_loop3A_51] : memref<256x64xf32, #tpu.memory_space<vmem>> -> memref<128x64xf32, #tpu.memory_space<vmem>>
        %parallel_loop3A_53 = arith.constant 0 : i32
        %parallel_loop3A_54 = tpu.memref_slice %arg9[%parallel_loop3A_10, %parallel_loop3A_49, %parallel_loop3A_53] : memref<98x1x128xi32, #tpu.memory_space<vmem>> -> memref<1x1x128xi32, #tpu.memory_space<vmem>>
        %parallel_loop3A_55 = tpu.memref_squeeze %parallel_loop3A_54 : memref<1x1x128xi32, #tpu.memory_space<vmem>> -> memref<128xi32, #tpu.memory_space<vmem>>
        %parallel_loop3A_56 = arith.constant 0 : i32
        %parallel_loop3A_57 = arith.constant 0 : i32
        %parallel_loop3A_58 = tpu.memref_slice %arg7[%parallel_loop3A_56, %parallel_loop3A_57] : memref<20096x64xf32, #tpu.memory_space<vmem_shared>> -> memref<20096x64xf32, #tpu.memory_space<vmem_shared>>
        tpu.enqueue_indirect_dma source(%parallel_loop3A_52 : memref<128x64xf32, #tpu.memory_space<vmem>>) target(%parallel_loop3A_58 : memref<20096x64xf32, #tpu.memory_space<vmem_shared>>) offsets(%parallel_loop3A_55 : memref<128xi32, #tpu.memory_space<vmem>>) semaphore(%parallel_loop3A_50 : memref<!tpu.dma_semaphore, #tpu.memory_space<semaphore_mem>>) {add = true}
        %parallel_loop3A_59 = arith.constant 0 : i32
        %parallel_loop3A_60 = tpu.memref_slice %arg10[%parallel_loop3A_30, %parallel_loop3A_59] : memref<256x64xf32, #tpu.memory_space<vmem>> -> memref<128x64xf32, #tpu.memory_space<vmem>>
        %parallel_loop3A_61 = arith.constant 0 : i32
        %parallel_loop3A_62 = tpu.memref_slice %arg9[%parallel_loop3A_10, %parallel_loop3A_49, %parallel_loop3A_61] : memref<98x1x128xi32, #tpu.memory_space<vmem>> -> memref<1x1x128xi32, #tpu.memory_space<vmem>>
        %parallel_loop3A_63 = tpu.memref_squeeze %parallel_loop3A_62 : memref<1x1x128xi32, #tpu.memory_space<vmem>> -> memref<128xi32, #tpu.memory_space<vmem>>
        %parallel_loop3A_64 = arith.constant 0 : i32
        %parallel_loop3A_65 = arith.constant 0 : i32
        %parallel_loop3A_66 = tpu.memref_slice %arg7[%parallel_loop3A_64, %parallel_loop3A_65] : memref<20096x64xf32, #tpu.memory_space<vmem_shared>> -> memref<20096x64xf32, #tpu.memory_space<vmem_shared>>
        tpu.wait_indirect_dma semaphore(%parallel_loop3A_50 : memref<!tpu.dma_semaphore, #tpu.memory_space<semaphore_mem>>) src(%parallel_loop3A_60 : memref<128x64xf32, #tpu.memory_space<vmem>>) dst(%parallel_loop3A_66 : memref<20096x64xf32, #tpu.memory_space<vmem_shared>>)
        tpu.yield
      }) : () -> ()
    } {sc.loop_unroll_factor = 2 : i64, sc.parallel_access}
    %barrier3A_5 = arith.constant 0 : index
    tpu.barrier barrier_id(%barrier3A_5)
    %mul3A_6 = arith.constant 1256 : i32
    %mul3A_7 = arith.muli %arg1, %mul3A_6 : i32
    %mul3A_8 = arith.constant 1256 : i32
    %mul3A_9 = arith.muli %arg1, %mul3A_8 : i32
    "tpu.region"() ({
      %run_scoped3A = tpu.sem_alloc : memref<!tpu.dma_semaphore, #tpu.memory_space<semaphore_mem>>
      %dma_start3A = arith.constant 0 : i32
      %dma_start3A_10 = tpu.memref_slice %arg6[%arg0, %mul3A_9, %dma_start3A] : memref<2x20096x64xf32, #tpu.memory_space<hbm>> -> memref<1x1256x64xf32, #tpu.memory_space<hbm>>
      %dma_start3A_11 = tpu.memref_squeeze %dma_start3A_10 : memref<1x1256x64xf32, #tpu.memory_space<hbm>> -> memref<1256x64xf32, #tpu.memory_space<hbm>>
      %dma_start3A_12 = arith.constant 0 : i32
      %dma_start3A_13 = tpu.memref_slice %arg7[%mul3A_7, %dma_start3A_12] : memref<20096x64xf32, #tpu.memory_space<vmem_shared>> -> memref<1256x64xf32, #tpu.memory_space<vmem_shared>>
      tpu.enqueue_dma source(%dma_start3A_13 : memref<1256x64xf32, #tpu.memory_space<vmem_shared>>) target(%dma_start3A_11 : memref<1256x64xf32, #tpu.memory_space<hbm>>) target_semaphore(%run_scoped3A : memref<!tpu.dma_semaphore, #tpu.memory_space<semaphore_mem>>)
      %dma_wait3A = arith.constant 0 : i32
      %dma_wait3A_14 = tpu.memref_slice %arg6[%arg0, %mul3A_9, %dma_wait3A] : memref<2x20096x64xf32, #tpu.memory_space<hbm>> -> memref<1x1256x64xf32, #tpu.memory_space<hbm>>
      %dma_wait3A_15 = tpu.memref_squeeze %dma_wait3A_14 : memref<1x1256x64xf32, #tpu.memory_space<hbm>> -> memref<1256x64xf32, #tpu.memory_space<hbm>>
      %dma_wait3A_16 = arith.constant 0 : i32
      %dma_wait3A_17 = tpu.memref_slice %arg7[%mul3A_7, %dma_wait3A_16] : memref<20096x64xf32, #tpu.memory_space<vmem_shared>> -> memref<1256x64xf32, #tpu.memory_space<vmem_shared>>
      tpu.wait_dma2 semaphore(%run_scoped3A : memref<!tpu.dma_semaphore, #tpu.memory_space<semaphore_mem>>) src(%dma_wait3A_17 : memref<1256x64xf32, #tpu.memory_space<vmem_shared>>) dst(%dma_wait3A_15 : memref<1256x64xf32, #tpu.memory_space<hbm>>)
      tpu.yield
    }) : () -> ()
    return
  }
}

#map = affine_map<(d0, d1) -> (0, 0)>
#map1 = affine_map<(d0, d1) -> (0, 0, 0, 0)>
#map2 = affine_map<(d0, d1) -> (0, 0, 0)>
module attributes {stable_mosaic.version = 14 : i64} {
  func.func @body(%arg0: i32, %arg1: i32, %arg2: memref<20000x64xf32, #tpu.memory_space<hbm>>, %arg3: memref<32x98x1x128xi32, #tpu.memory_space<hbm>>, %arg4: memref<32x98x1x128xi32, #tpu.memory_space<hbm>>, %arg5: memref<1256x64xf32, #tpu.memory_space<hbm>>, %arg6: memref<2x20096x64xf32, #tpu.memory_space<hbm>>, %arg7: memref<20096x64xf32, #tpu.memory_space<vmem_shared>>, %arg8: memref<98x1x128xi32, #tpu.memory_space<vmem>>, %arg9: memref<98x1x128xi32, #tpu.memory_space<vmem>>, %arg10: memref<256x64xf32, #tpu.memory_space<vmem>>, %arg11: memref<!tpu.dma_semaphore, #tpu.memory_space<semaphore_mem>>, %arg12: memref<!tpu.dma_semaphore, #tpu.memory_space<semaphore_mem>>) attributes {dimension_semantics = [#tpu.dimension_semantics<core_parallel>, #tpu.dimension_semantics<subcore_parallel>], iteration_bounds = array<i64: 2, 16>, scalar_prefetch = 0 : i64, scratch_operands = 6 : i64, tpu.core_type = #tpu.core_type<sc_vector_subcore>, window_params = [{transform_indices = #map}, {transform_indices = #map1}, {transform_indices = #map1}, {transform_indices = #map}, {transform_indices = #map2}]} {
    %mul3A = arith.constant 2 : i32
    %mul3A_0 = arith.muli %arg1, %mul3A : i32
    %add3A = arith.addi %mul3A_0, %arg0 : i32
    %mul3A_1 = arith.constant 1256 : i32
    %mul3A_2 = arith.muli %arg1, %mul3A_1 : i32
    "tpu.region"() ({
      %run_scoped3A = tpu.sem_alloc : memref<!tpu.dma_semaphore, #tpu.memory_space<semaphore_mem>>
      %dma_start3A = arith.constant 0 : i32
      %dma_start3A_10 = tpu.memref_slice %arg7[%mul3A_2, %dma_start3A] : memref<20096x64xf32, #tpu.memory_space<vmem_shared>> -> memref<1256x64xf32, #tpu.memory_space<vmem_shared>>
      tpu.enqueue_dma source(%arg5 : memref<1256x64xf32, #tpu.memory_space<hbm>>) target(%dma_start3A_10 : memref<1256x64xf32, #tpu.memory_space<vmem_shared>>) target_semaphore(%run_scoped3A : memref<!tpu.dma_semaphore, #tpu.memory_space<semaphore_mem>>)
      %dma_wait3A = arith.constant 0 : i32
      %dma_wait3A_11 = tpu.memref_slice %arg7[%mul3A_2, %dma_wait3A] : memref<20096x64xf32, #tpu.memory_space<vmem_shared>> -> memref<1256x64xf32, #tpu.memory_space<vmem_shared>>
      tpu.wait_dma2 semaphore(%run_scoped3A : memref<!tpu.dma_semaphore, #tpu.memory_space<semaphore_mem>>) src(%arg5 : memref<1256x64xf32, #tpu.memory_space<hbm>>) dst(%dma_wait3A_11 : memref<1256x64xf32, #tpu.memory_space<vmem_shared>>)
      tpu.yield
    }) : () -> ()
    "tpu.region"() ({
      %run_scoped3A = tpu.sem_alloc : memref<!tpu.dma_semaphore, #tpu.memory_space<semaphore_mem>>
      %dma_start3A = arith.constant 0 : i32
      %dma_start3A_10 = arith.constant 0 : i32
      %dma_start3A_11 = arith.constant 0 : i32
      %dma_start3A_12 = tpu.memref_slice %arg3[%add3A, %dma_start3A, %dma_start3A_10, %dma_start3A_11] : memref<32x98x1x128xi32, #tpu.memory_space<hbm>> -> memref<1x98x1x128xi32, #tpu.memory_space<hbm>>
      %dma_start3A_13 = tpu.memref_squeeze %dma_start3A_12 : memref<1x98x1x128xi32, #tpu.memory_space<hbm>> -> memref<98x1x128xi32, #tpu.memory_space<hbm>>
      %dma_start3A_14 = arith.constant 0 : i32
      %dma_start3A_15 = arith.constant 0 : i32
      %dma_start3A_16 = arith.constant 0 : i32
      %dma_start3A_17 = tpu.memref_slice %arg3[%add3A, %dma_start3A_14, %dma_start3A_15, %dma_start3A_16] : memref<32x98x1x128xi32, #tpu.memory_space<hbm>> -> memref<1x98x1x128xi32, #tpu.memory_space<hbm>>
      %dma_start3A_18 = tpu.memref_squeeze %dma_start3A_17 : memref<1x98x1x128xi32, #tpu.memory_space<hbm>> -> memref<98x1x128xi32, #tpu.memory_space<hbm>>
      tpu.enqueue_dma source(%dma_start3A_18 : memref<98x1x128xi32, #tpu.memory_space<hbm>>) target(%arg8 : memref<98x1x128xi32, #tpu.memory_space<vmem>>) target_semaphore(%run_scoped3A : memref<!tpu.dma_semaphore, #tpu.memory_space<semaphore_mem>>)
      %dma_wait3A = arith.constant 0 : i32
      %dma_wait3A_19 = arith.constant 0 : i32
      %dma_wait3A_20 = arith.constant 0 : i32
      %dma_wait3A_21 = tpu.memref_slice %arg3[%add3A, %dma_wait3A, %dma_wait3A_19, %dma_wait3A_20] : memref<32x98x1x128xi32, #tpu.memory_space<hbm>> -> memref<1x98x1x128xi32, #tpu.memory_space<hbm>>
      %dma_wait3A_22 = tpu.memref_squeeze %dma_wait3A_21 : memref<1x98x1x128xi32, #tpu.memory_space<hbm>> -> memref<98x1x128xi32, #tpu.memory_space<hbm>>
      %dma_wait3A_23 = arith.constant 0 : i32
      %dma_wait3A_24 = arith.constant 0 : i32
      %dma_wait3A_25 = arith.constant 0 : i32
      %dma_wait3A_26 = tpu.memref_slice %arg3[%add3A, %dma_wait3A_23, %dma_wait3A_24, %dma_wait3A_25] : memref<32x98x1x128xi32, #tpu.memory_space<hbm>> -> memref<1x98x1x128xi32, #tpu.memory_space<hbm>>
      %dma_wait3A_27 = tpu.memref_squeeze %dma_wait3A_26 : memref<1x98x1x128xi32, #tpu.memory_space<hbm>> -> memref<98x1x128xi32, #tpu.memory_space<hbm>>
      tpu.wait_dma2 semaphore(%run_scoped3A : memref<!tpu.dma_semaphore, #tpu.memory_space<semaphore_mem>>) src(%dma_wait3A_27 : memref<98x1x128xi32, #tpu.memory_space<hbm>>) dst(%arg8 : memref<98x1x128xi32, #tpu.memory_space<vmem>>)
      tpu.yield
    }) : () -> ()
    "tpu.region"() ({
      %run_scoped3A = tpu.sem_alloc : memref<!tpu.dma_semaphore, #tpu.memory_space<semaphore_mem>>
      %dma_start3A = arith.constant 0 : i32
      %dma_start3A_10 = arith.constant 0 : i32
      %dma_start3A_11 = arith.constant 0 : i32
      %dma_start3A_12 = tpu.memref_slice %arg4[%add3A, %dma_start3A, %dma_start3A_10, %dma_start3A_11] : memref<32x98x1x128xi32, #tpu.memory_space<hbm>> -> memref<1x98x1x128xi32, #tpu.memory_space<hbm>>
      %dma_start3A_13 = tpu.memref_squeeze %dma_start3A_12 : memref<1x98x1x128xi32, #tpu.memory_space<hbm>> -> memref<98x1x128xi32, #tpu.memory_space<hbm>>
      %dma_start3A_14 = arith.constant 0 : i32
      %dma_start3A_15 = arith.constant 0 : i32
      %dma_start3A_16 = arith.constant 0 : i32
      %dma_start3A_17 = tpu.memref_slice %arg4[%add3A, %dma_start3A_14, %dma_start3A_15, %dma_start3A_16] : memref<32x98x1x128xi32, #tpu.memory_space<hbm>> -> memref<1x98x1x128xi32, #tpu.memory_space<hbm>>
      %dma_start3A_18 = tpu.memref_squeeze %dma_start3A_17 : memref<1x98x1x128xi32, #tpu.memory_space<hbm>> -> memref<98x1x128xi32, #tpu.memory_space<hbm>>
      tpu.enqueue_dma source(%dma_start3A_18 : memref<98x1x128xi32, #tpu.memory_space<hbm>>) target(%arg9 : memref<98x1x128xi32, #tpu.memory_space<vmem>>) target_semaphore(%run_scoped3A : memref<!tpu.dma_semaphore, #tpu.memory_space<semaphore_mem>>)
      %dma_wait3A = arith.constant 0 : i32
      %dma_wait3A_19 = arith.constant 0 : i32
      %dma_wait3A_20 = arith.constant 0 : i32
      %dma_wait3A_21 = tpu.memref_slice %arg4[%add3A, %dma_wait3A, %dma_wait3A_19, %dma_wait3A_20] : memref<32x98x1x128xi32, #tpu.memory_space<hbm>> -> memref<1x98x1x128xi32, #tpu.memory_space<hbm>>
      %dma_wait3A_22 = tpu.memref_squeeze %dma_wait3A_21 : memref<1x98x1x128xi32, #tpu.memory_space<hbm>> -> memref<98x1x128xi32, #tpu.memory_space<hbm>>
      %dma_wait3A_23 = arith.constant 0 : i32
      %dma_wait3A_24 = arith.constant 0 : i32
      %dma_wait3A_25 = arith.constant 0 : i32
      %dma_wait3A_26 = tpu.memref_slice %arg4[%add3A, %dma_wait3A_23, %dma_wait3A_24, %dma_wait3A_25] : memref<32x98x1x128xi32, #tpu.memory_space<hbm>> -> memref<1x98x1x128xi32, #tpu.memory_space<hbm>>
      %dma_wait3A_27 = tpu.memref_squeeze %dma_wait3A_26 : memref<1x98x1x128xi32, #tpu.memory_space<hbm>> -> memref<98x1x128xi32, #tpu.memory_space<hbm>>
      tpu.wait_dma2 semaphore(%run_scoped3A : memref<!tpu.dma_semaphore, #tpu.memory_space<semaphore_mem>>) src(%dma_wait3A_27 : memref<98x1x128xi32, #tpu.memory_space<hbm>>) dst(%arg9 : memref<98x1x128xi32, #tpu.memory_space<vmem>>)
      tpu.yield
    }) : () -> ()
    %barrier3A = arith.constant 0 : index
    tpu.barrier barrier_id(%barrier3A)
    %parallel_loop3A = arith.constant 0 : i32
    %parallel_loop3A_3 = arith.constant 98 : i32
    %parallel_loop3A_4 = arith.constant 1 : i32
    scf.for %parallel_loop3A_10 = %parallel_loop3A to %parallel_loop3A_3 step %parallel_loop3A_4  : i32 {
      %parallel_loop3A_11 = arith.constant 2 : i32
      %parallel_loop3A_12 = arith.constant 0 : i32
      %parallel_loop3A_13 = arith.cmpi eq, %parallel_loop3A_11, %parallel_loop3A_12 : i32
      %parallel_loop3A_14 = arith.constant 1 : i32
      %parallel_loop3A_15 = arith.select %parallel_loop3A_13, %parallel_loop3A_14, %parallel_loop3A_11 : i32
      %parallel_loop3A_16 = arith.remsi %parallel_loop3A_10, %parallel_loop3A_15 : i32
      %parallel_loop3A_17 = arith.constant 0 : i32
      %parallel_loop3A_18 = arith.cmpi ne, %parallel_loop3A_16, %parallel_loop3A_17 : i32
      %parallel_loop3A_19 = arith.constant 0 : i32
      %parallel_loop3A_20 = arith.cmpi slt, %parallel_loop3A_16, %parallel_loop3A_19 : i32
      %parallel_loop3A_21 = arith.constant 0 : i32
      %parallel_loop3A_22 = arith.cmpi slt, %parallel_loop3A_15, %parallel_loop3A_21 : i32
      %parallel_loop3A_23 = arith.xori %parallel_loop3A_20, %parallel_loop3A_22 : i1
      %parallel_loop3A_24 = arith.andi %parallel_loop3A_23, %parallel_loop3A_18 : i1
      %parallel_loop3A_25 = arith.addi %parallel_loop3A_16, %parallel_loop3A_15 : i32
      %parallel_loop3A_26 = arith.select %parallel_loop3A_24, %parallel_loop3A_25, %parallel_loop3A_16 : i32
      %parallel_loop3A_27 = arith.constant 1 : i32
      %parallel_loop3A_28 = arith.muli %parallel_loop3A_26, %parallel_loop3A_27 : i32
      %parallel_loop3A_29 = arith.constant 128 : i32
      %parallel_loop3A_30 = arith.muli %parallel_loop3A_28, %parallel_loop3A_29 : i32
      %parallel_loop3A_31 = arith.constant 0 : i32
      %parallel_loop3A_32 = arith.constant 0 : i32
      %parallel_loop3A_33 = tpu.memref_slice %arg10[%parallel_loop3A_30, %parallel_loop3A_32] : memref<256x64xf32, #tpu.memory_space<vmem>> -> memref<128x64xf32, #tpu.memory_space<vmem>>
      %parallel_loop3A_34 = arith.constant 0 : i32
      %parallel_loop3A_35 = tpu.memref_slice %arg8[%parallel_loop3A_10, %parallel_loop3A_31, %parallel_loop3A_34] : memref<98x1x128xi32, #tpu.memory_space<vmem>> -> memref<1x1x128xi32, #tpu.memory_space<vmem>>
      %parallel_loop3A_36 = tpu.memref_squeeze %parallel_loop3A_35 : memref<1x1x128xi32, #tpu.memory_space<vmem>> -> memref<128xi32, #tpu.memory_space<vmem>>
      %parallel_loop3A_37 = arith.constant 0 : i32
      %parallel_loop3A_38 = arith.constant 0 : i32
      %parallel_loop3A_39 = tpu.memref_slice %arg2[%parallel_loop3A_37, %parallel_loop3A_38] : memref<20000x64xf32, #tpu.memory_space<hbm>> -> memref<20000x64xf32, #tpu.memory_space<hbm>>
      tpu.enqueue_indirect_dma source(%parallel_loop3A_39 : memref<20000x64xf32, #tpu.memory_space<hbm>>) target(%parallel_loop3A_33 : memref<128x64xf32, #tpu.memory_space<vmem>>) offsets(%parallel_loop3A_36 : memref<128xi32, #tpu.memory_space<vmem>>) semaphore(%arg11 : memref<!tpu.dma_semaphore, #tpu.memory_space<semaphore_mem>>)
      %parallel_loop3A_40 = arith.constant 0 : i32
      %parallel_loop3A_41 = arith.constant 0 : i32
      %parallel_loop3A_42 = tpu.memref_slice %arg10[%parallel_loop3A_30, %parallel_loop3A_41] : memref<256x64xf32, #tpu.memory_space<vmem>> -> memref<128x64xf32, #tpu.memory_space<vmem>>
      %parallel_loop3A_43 = arith.constant 0 : i32
      %parallel_loop3A_44 = tpu.memref_slice %arg8[%parallel_loop3A_10, %parallel_loop3A_40, %parallel_loop3A_43] : memref<98x1x128xi32, #tpu.memory_space<vmem>> -> memref<1x1x128xi32, #tpu.memory_space<vmem>>
      %parallel_loop3A_45 = tpu.memref_squeeze %parallel_loop3A_44 : memref<1x1x128xi32, #tpu.memory_space<vmem>> -> memref<128xi32, #tpu.memory_space<vmem>>
      %parallel_loop3A_46 = arith.constant 0 : i32
      %parallel_loop3A_47 = arith.constant 0 : i32
      %parallel_loop3A_48 = tpu.memref_slice %arg2[%parallel_loop3A_46, %parallel_loop3A_47] : memref<20000x64xf32, #tpu.memory_space<hbm>> -> memref<20000x64xf32, #tpu.memory_space<hbm>>
      tpu.wait_indirect_dma semaphore(%arg11 : memref<!tpu.dma_semaphore, #tpu.memory_space<semaphore_mem>>) src(%parallel_loop3A_48 : memref<20000x64xf32, #tpu.memory_space<hbm>>) dst(%parallel_loop3A_42 : memref<128x64xf32, #tpu.memory_space<vmem>>)
      %parallel_loop3A_49 = arith.constant 0 : i32
      "tpu.region"() ({
        %parallel_loop3A_50 = tpu.sem_alloc : memref<!tpu.dma_semaphore, #tpu.memory_space<semaphore_mem>>
        %parallel_loop3A_51 = arith.constant 0 : i32
        %parallel_loop3A_52 = tpu.memref_slice %arg10[%parallel_loop3A_30, %parallel_loop3A_51] : memref<256x64xf32, #tpu.memory_space<vmem>> -> memref<128x64xf32, #tpu.memory_space<vmem>>
        %parallel_loop3A_53 = arith.constant 0 : i32
        %parallel_loop3A_54 = tpu.memref_slice %arg9[%parallel_loop3A_10, %parallel_loop3A_49, %parallel_loop3A_53] : memref<98x1x128xi32, #tpu.memory_space<vmem>> -> memref<1x1x128xi32, #tpu.memory_space<vmem>>
        %parallel_loop3A_55 = tpu.memref_squeeze %parallel_loop3A_54 : memref<1x1x128xi32, #tpu.memory_space<vmem>> -> memref<128xi32, #tpu.memory_space<vmem>>
        %parallel_loop3A_56 = arith.constant 0 : i32
        %parallel_loop3A_57 = arith.constant 0 : i32
        %parallel_loop3A_58 = tpu.memref_slice %arg7[%parallel_loop3A_56, %parallel_loop3A_57] : memref<20096x64xf32, #tpu.memory_space<vmem_shared>> -> memref<20096x64xf32, #tpu.memory_space<vmem_shared>>
        tpu.enqueue_indirect_dma source(%parallel_loop3A_52 : memref<128x64xf32, #tpu.memory_space<vmem>>) target(%parallel_loop3A_58 : memref<20096x64xf32, #tpu.memory_space<vmem_shared>>) offsets(%parallel_loop3A_55 : memref<128xi32, #tpu.memory_space<vmem>>) semaphore(%parallel_loop3A_50 : memref<!tpu.dma_semaphore, #tpu.memory_space<semaphore_mem>>) {add = true}
        %parallel_loop3A_59 = arith.constant 0 : i32
        %parallel_loop3A_60 = tpu.memref_slice %arg10[%parallel_loop3A_30, %parallel_loop3A_59] : memref<256x64xf32, #tpu.memory_space<vmem>> -> memref<128x64xf32, #tpu.memory_space<vmem>>
        %parallel_loop3A_61 = arith.constant 0 : i32
        %parallel_loop3A_62 = tpu.memref_slice %arg9[%parallel_loop3A_10, %parallel_loop3A_49, %parallel_loop3A_61] : memref<98x1x128xi32, #tpu.memory_space<vmem>> -> memref<1x1x128xi32, #tpu.memory_space<vmem>>
        %parallel_loop3A_63 = tpu.memref_squeeze %parallel_loop3A_62 : memref<1x1x128xi32, #tpu.memory_space<vmem>> -> memref<128xi32, #tpu.memory_space<vmem>>
        %parallel_loop3A_64 = arith.constant 0 : i32
        %parallel_loop3A_65 = arith.constant 0 : i32
        %parallel_loop3A_66 = tpu.memref_slice %arg7[%parallel_loop3A_64, %parallel_loop3A_65] : memref<20096x64xf32, #tpu.memory_space<vmem_shared>> -> memref<20096x64xf32, #tpu.memory_space<vmem_shared>>
        tpu.wait_indirect_dma semaphore(%parallel_loop3A_50 : memref<!tpu.dma_semaphore, #tpu.memory_space<semaphore_mem>>) src(%parallel_loop3A_60 : memref<128x64xf32, #tpu.memory_space<vmem>>) dst(%parallel_loop3A_66 : memref<20096x64xf32, #tpu.memory_space<vmem_shared>>)
        tpu.yield
      }) : () -> ()
    } {sc.loop_unroll_factor = 2 : i64, sc.parallel_access}
    %barrier3A_5 = arith.constant 0 : index
    tpu.barrier barrier_id(%barrier3A_5)
    %mul3A_6 = arith.constant 1256 : i32
    %mul3A_7 = arith.muli %arg1, %mul3A_6 : i32
    %mul3A_8 = arith.constant 1256 : i32
    %mul3A_9 = arith.muli %arg1, %mul3A_8 : i32
    "tpu.region"() ({
      %run_scoped3A = tpu.sem_alloc : memref<!tpu.dma_semaphore, #tpu.memory_space<semaphore_mem>>
      %dma_start3A = arith.constant 0 : i32
      %dma_start3A_10 = tpu.memref_slice %arg6[%arg0, %mul3A_9, %dma_start3A] : memref<2x20096x64xf32, #tpu.memory_space<hbm>> -> memref<1x1256x64xf32, #tpu.memory_space<hbm>>
      %dma_start3A_11 = tpu.memref_squeeze %dma_start3A_10 : memref<1x1256x64xf32, #tpu.memory_space<hbm>> -> memref<1256x64xf32, #tpu.memory_space<hbm>>
      %dma_start3A_12 = arith.constant 0 : i32
      %dma_start3A_13 = tpu.memref_slice %arg7[%mul3A_7, %dma_start3A_12] : memref<20096x64xf32, #tpu.memory_space<vmem_shared>> -> memref<1256x64xf32, #tpu.memory_space<vmem_shared>>
      tpu.enqueue_dma source(%dma_start3A_13 : memref<1256x64xf32, #tpu.memory_space<vmem_shared>>) target(%dma_start3A_11 : memref<1256x64xf32, #tpu.memory_space<hbm>>) target_semaphore(%run_scoped3A : memref<!tpu.dma_semaphore, #tpu.memory_space<semaphore_mem>>)
      %dma_wait3A = arith.constant 0 : i32
      %dma_wait3A_14 = tpu.memref_slice %arg6[%arg0, %mul3A_9, %dma_wait3A] : memref<2x20096x64xf32, #tpu.memory_space<hbm>> -> memref<1x1256x64xf32, #tpu.memory_space<hbm>>
      %dma_wait3A_15 = tpu.memref_squeeze %dma_wait3A_14 : memref<1x1256x64xf32, #tpu.memory_space<hbm>> -> memref<1256x64xf32, #tpu.memory_space<hbm>>
      %dma_wait3A_16 = arith.constant 0 : i32
      %dma_wait3A_17 = tpu.memref_slice %arg7[%mul3A_7, %dma_wait3A_16] : memref<20096x64xf32, #tpu.memory_space<vmem_shared>> -> memref<1256x64xf32, #tpu.memory_space<vmem_shared>>
      tpu.wait_dma2 semaphore(%run_scoped3A : memref<!tpu.dma_semaphore, #tpu.memory_space<semaphore_mem>>) src(%dma_wait3A_17 : memref<1256x64xf32, #tpu.memory_space<vmem_shared>>) dst(%dma_wait3A_15 : memref<1256x64xf32, #tpu.memory_space<hbm>>)
      tpu.yield
    }) : () -> ()
    return
  }
}

#map = affine_map<(d0, d1) -> (0, 0)>
#map1 = affine_map<(d0, d1) -> (0, 0, 0, 0)>
#map2 = affine_map<(d0, d1) -> (0, 0, 0)>
module attributes {stable_mosaic.version = 14 : i64} {
  func.func @body(%arg0: i32, %arg1: i32, %arg2: memref<20000x64xf32, #tpu.memory_space<hbm>>, %arg3: memref<32x11x1x128xi32, #tpu.memory_space<hbm>>, %arg4: memref<32x11x1x128xi32, #tpu.memory_space<hbm>>, %arg5: memref<944x64xf32, #tpu.memory_space<hbm>>, %arg6: memref<944x16xf32, #tpu.memory_space<hbm>>, %arg7: memref<128x16xf32, #tpu.memory_space<hbm>>, %arg8: memref<2x15104x64xf32, #tpu.memory_space<hbm>>, %arg9: memref<2x15104x16xf32, #tpu.memory_space<hbm>>, %arg10: memref<15104x64xf32, #tpu.memory_space<vmem_shared>>, %arg11: memref<11x1x128xi32, #tpu.memory_space<vmem>>, %arg12: memref<11x1x128xi32, #tpu.memory_space<vmem>>, %arg13: memref<256x64xf32, #tpu.memory_space<vmem>>, %arg14: memref<!tpu.dma_semaphore, #tpu.memory_space<semaphore_mem>>, %arg15: memref<!tpu.dma_semaphore, #tpu.memory_space<semaphore_mem>>, %arg16: memref<15104x16xf32, #tpu.memory_space<vmem_shared>>, %arg17: memref<128x16xf32, #tpu.memory_space<vmem>>, %arg18: memref<!tpu.dma_semaphore, #tpu.memory_space<semaphore_mem>>) attributes {dimension_semantics = [#tpu.dimension_semantics<core_parallel>, #tpu.dimension_semantics<subcore_parallel>], iteration_bounds = array<i64: 2, 16>, scalar_prefetch = 0 : i64, scratch_operands = 9 : i64, tpu.core_type = #tpu.core_type<sc_vector_subcore>, window_params = [{transform_indices = #map}, {transform_indices = #map1}, {transform_indices = #map1}, {transform_indices = #map}, {transform_indices = #map}, {transform_indices = #map}, {transform_indices = #map2}, {transform_indices = #map2}]} {
    %mul3A = arith.constant 2 : i32
    %mul3A_0 = arith.muli %arg1, %mul3A : i32
    %add3A = arith.addi %mul3A_0, %arg0 : i32
    %mul3A_1 = arith.constant 944 : i32
    %mul3A_2 = arith.muli %arg1, %mul3A_1 : i32
    "tpu.region"() ({
      %run_scoped3A = tpu.sem_alloc : memref<!tpu.dma_semaphore, #tpu.memory_space<semaphore_mem>>
      %dma_start3A = arith.constant 0 : i32
      %dma_start3A_16 = tpu.memref_slice %arg10[%mul3A_2, %dma_start3A] : memref<15104x64xf32, #tpu.memory_space<vmem_shared>> -> memref<944x64xf32, #tpu.memory_space<vmem_shared>>
      tpu.enqueue_dma source(%arg5 : memref<944x64xf32, #tpu.memory_space<hbm>>) target(%dma_start3A_16 : memref<944x64xf32, #tpu.memory_space<vmem_shared>>) target_semaphore(%run_scoped3A : memref<!tpu.dma_semaphore, #tpu.memory_space<semaphore_mem>>)
      %dma_wait3A = arith.constant 0 : i32
      %dma_wait3A_17 = tpu.memref_slice %arg10[%mul3A_2, %dma_wait3A] : memref<15104x64xf32, #tpu.memory_space<vmem_shared>> -> memref<944x64xf32, #tpu.memory_space<vmem_shared>>
      tpu.wait_dma2 semaphore(%run_scoped3A : memref<!tpu.dma_semaphore, #tpu.memory_space<semaphore_mem>>) src(%arg5 : memref<944x64xf32, #tpu.memory_space<hbm>>) dst(%dma_wait3A_17 : memref<944x64xf32, #tpu.memory_space<vmem_shared>>)
      tpu.yield
    }) : () -> ()
    %mul3A_3 = arith.constant 944 : i32
    %mul3A_4 = arith.muli %arg1, %mul3A_3 : i32
    "tpu.region"() ({
      %run_scoped3A = tpu.sem_alloc : memref<!tpu.dma_semaphore, #tpu.memory_space<semaphore_mem>>
      %dma_start3A = arith.constant 0 : i32
      %dma_start3A_16 = tpu.memref_slice %arg16[%mul3A_4, %dma_start3A] : memref<15104x16xf32, #tpu.memory_space<vmem_shared>> -> memref<944x16xf32, #tpu.memory_space<vmem_shared>>
      tpu.enqueue_dma source(%arg6 : memref<944x16xf32, #tpu.memory_space<hbm>>) target(%dma_start3A_16 : memref<944x16xf32, #tpu.memory_space<vmem_shared>>) target_semaphore(%run_scoped3A : memref<!tpu.dma_semaphore, #tpu.memory_space<semaphore_mem>>)
      %dma_wait3A = arith.constant 0 : i32
      %dma_wait3A_17 = tpu.memref_slice %arg16[%mul3A_4, %dma_wait3A] : memref<15104x16xf32, #tpu.memory_space<vmem_shared>> -> memref<944x16xf32, #tpu.memory_space<vmem_shared>>
      tpu.wait_dma2 semaphore(%run_scoped3A : memref<!tpu.dma_semaphore, #tpu.memory_space<semaphore_mem>>) src(%arg6 : memref<944x16xf32, #tpu.memory_space<hbm>>) dst(%dma_wait3A_17 : memref<944x16xf32, #tpu.memory_space<vmem_shared>>)
      tpu.yield
    }) : () -> ()
    "tpu.region"() ({
      %run_scoped3A = tpu.sem_alloc : memref<!tpu.dma_semaphore, #tpu.memory_space<semaphore_mem>>
      tpu.enqueue_dma source(%arg7 : memref<128x16xf32, #tpu.memory_space<hbm>>) target(%arg17 : memref<128x16xf32, #tpu.memory_space<vmem>>) target_semaphore(%run_scoped3A : memref<!tpu.dma_semaphore, #tpu.memory_space<semaphore_mem>>)
      tpu.wait_dma2 semaphore(%run_scoped3A : memref<!tpu.dma_semaphore, #tpu.memory_space<semaphore_mem>>) src(%arg7 : memref<128x16xf32, #tpu.memory_space<hbm>>) dst(%arg17 : memref<128x16xf32, #tpu.memory_space<vmem>>)
      tpu.yield
    }) : () -> ()
    "tpu.region"() ({
      %run_scoped3A = tpu.sem_alloc : memref<!tpu.dma_semaphore, #tpu.memory_space<semaphore_mem>>
      %dma_start3A = arith.constant 0 : i32
      %dma_start3A_16 = arith.constant 0 : i32
      %dma_start3A_17 = arith.constant 0 : i32
      %dma_start3A_18 = tpu.memref_slice %arg3[%add3A, %dma_start3A, %dma_start3A_16, %dma_start3A_17] : memref<32x11x1x128xi32, #tpu.memory_space<hbm>> -> memref<1x11x1x128xi32, #tpu.memory_space<hbm>>
      %dma_start3A_19 = tpu.memref_squeeze %dma_start3A_18 : memref<1x11x1x128xi32, #tpu.memory_space<hbm>> -> memref<11x1x128xi32, #tpu.memory_space<hbm>>
      %dma_start3A_20 = arith.constant 0 : i32
      %dma_start3A_21 = arith.constant 0 : i32
      %dma_start3A_22 = arith.constant 0 : i32
      %dma_start3A_23 = tpu.memref_slice %arg3[%add3A, %dma_start3A_20, %dma_start3A_21, %dma_start3A_22] : memref<32x11x1x128xi32, #tpu.memory_space<hbm>> -> memref<1x11x1x128xi32, #tpu.memory_space<hbm>>
      %dma_start3A_24 = tpu.memref_squeeze %dma_start3A_23 : memref<1x11x1x128xi32, #tpu.memory_space<hbm>> -> memref<11x1x128xi32, #tpu.memory_space<hbm>>
      tpu.enqueue_dma source(%dma_start3A_24 : memref<11x1x128xi32, #tpu.memory_space<hbm>>) target(%arg11 : memref<11x1x128xi32, #tpu.memory_space<vmem>>) target_semaphore(%run_scoped3A : memref<!tpu.dma_semaphore, #tpu.memory_space<semaphore_mem>>)
      %dma_wait3A = arith.constant 0 : i32
      %dma_wait3A_25 = arith.constant 0 : i32
      %dma_wait3A_26 = arith.constant 0 : i32
      %dma_wait3A_27 = tpu.memref_slice %arg3[%add3A, %dma_wait3A, %dma_wait3A_25, %dma_wait3A_26] : memref<32x11x1x128xi32, #tpu.memory_space<hbm>> -> memref<1x11x1x128xi32, #tpu.memory_space<hbm>>
      %dma_wait3A_28 = tpu.memref_squeeze %dma_wait3A_27 : memref<1x11x1x128xi32, #tpu.memory_space<hbm>> -> memref<11x1x128xi32, #tpu.memory_space<hbm>>
      %dma_wait3A_29 = arith.constant 0 : i32
      %dma_wait3A_30 = arith.constant 0 : i32
      %dma_wait3A_31 = arith.constant 0 : i32
      %dma_wait3A_32 = tpu.memref_slice %arg3[%add3A, %dma_wait3A_29, %dma_wait3A_30, %dma_wait3A_31] : memref<32x11x1x128xi32, #tpu.memory_space<hbm>> -> memref<1x11x1x128xi32, #tpu.memory_space<hbm>>
      %dma_wait3A_33 = tpu.memref_squeeze %dma_wait3A_32 : memref<1x11x1x128xi32, #tpu.memory_space<hbm>> -> memref<11x1x128xi32, #tpu.memory_space<hbm>>
      tpu.wait_dma2 semaphore(%run_scoped3A : memref<!tpu.dma_semaphore, #tpu.memory_space<semaphore_mem>>) src(%dma_wait3A_33 : memref<11x1x128xi32, #tpu.memory_space<hbm>>) dst(%arg11 : memref<11x1x128xi32, #tpu.memory_space<vmem>>)
      tpu.yield
    }) : () -> ()
    "tpu.region"() ({
      %run_scoped3A = tpu.sem_alloc : memref<!tpu.dma_semaphore, #tpu.memory_space<semaphore_mem>>
      %dma_start3A = arith.constant 0 : i32
      %dma_start3A_16 = arith.constant 0 : i32
      %dma_start3A_17 = arith.constant 0 : i32
      %dma_start3A_18 = tpu.memref_slice %arg4[%add3A, %dma_start3A, %dma_start3A_16, %dma_start3A_17] : memref<32x11x1x128xi32, #tpu.memory_space<hbm>> -> memref<1x11x1x128xi32, #tpu.memory_space<hbm>>
      %dma_start3A_19 = tpu.memref_squeeze %dma_start3A_18 : memref<1x11x1x128xi32, #tpu.memory_space<hbm>> -> memref<11x1x128xi32, #tpu.memory_space<hbm>>
      %dma_start3A_20 = arith.constant 0 : i32
      %dma_start3A_21 = arith.constant 0 : i32
      %dma_start3A_22 = arith.constant 0 : i32
      %dma_start3A_23 = tpu.memref_slice %arg4[%add3A, %dma_start3A_20, %dma_start3A_21, %dma_start3A_22] : memref<32x11x1x128xi32, #tpu.memory_space<hbm>> -> memref<1x11x1x128xi32, #tpu.memory_space<hbm>>
      %dma_start3A_24 = tpu.memref_squeeze %dma_start3A_23 : memref<1x11x1x128xi32, #tpu.memory_space<hbm>> -> memref<11x1x128xi32, #tpu.memory_space<hbm>>
      tpu.enqueue_dma source(%dma_start3A_24 : memref<11x1x128xi32, #tpu.memory_space<hbm>>) target(%arg12 : memref<11x1x128xi32, #tpu.memory_space<vmem>>) target_semaphore(%run_scoped3A : memref<!tpu.dma_semaphore, #tpu.memory_space<semaphore_mem>>)
      %dma_wait3A = arith.constant 0 : i32
      %dma_wait3A_25 = arith.constant 0 : i32
      %dma_wait3A_26 = arith.constant 0 : i32
      %dma_wait3A_27 = tpu.memref_slice %arg4[%add3A, %dma_wait3A, %dma_wait3A_25, %dma_wait3A_26] : memref<32x11x1x128xi32, #tpu.memory_space<hbm>> -> memref<1x11x1x128xi32, #tpu.memory_space<hbm>>
      %dma_wait3A_28 = tpu.memref_squeeze %dma_wait3A_27 : memref<1x11x1x128xi32, #tpu.memory_space<hbm>> -> memref<11x1x128xi32, #tpu.memory_space<hbm>>
      %dma_wait3A_29 = arith.constant 0 : i32
      %dma_wait3A_30 = arith.constant 0 : i32
      %dma_wait3A_31 = arith.constant 0 : i32
      %dma_wait3A_32 = tpu.memref_slice %arg4[%add3A, %dma_wait3A_29, %dma_wait3A_30, %dma_wait3A_31] : memref<32x11x1x128xi32, #tpu.memory_space<hbm>> -> memref<1x11x1x128xi32, #tpu.memory_space<hbm>>
      %dma_wait3A_33 = tpu.memref_squeeze %dma_wait3A_32 : memref<1x11x1x128xi32, #tpu.memory_space<hbm>> -> memref<11x1x128xi32, #tpu.memory_space<hbm>>
      tpu.wait_dma2 semaphore(%run_scoped3A : memref<!tpu.dma_semaphore, #tpu.memory_space<semaphore_mem>>) src(%dma_wait3A_33 : memref<11x1x128xi32, #tpu.memory_space<hbm>>) dst(%arg12 : memref<11x1x128xi32, #tpu.memory_space<vmem>>)
      tpu.yield
    }) : () -> ()
    %barrier3A = arith.constant 0 : index
    tpu.barrier barrier_id(%barrier3A)
    %parallel_loop3A = arith.constant 0 : i32
    %parallel_loop3A_5 = arith.constant 11 : i32
    %parallel_loop3A_6 = arith.constant 1 : i32
    scf.for %parallel_loop3A_16 = %parallel_loop3A to %parallel_loop3A_5 step %parallel_loop3A_6  : i32 {
      %parallel_loop3A_17 = arith.constant 2 : i32
      %parallel_loop3A_18 = arith.constant 0 : i32
      %parallel_loop3A_19 = arith.cmpi eq, %parallel_loop3A_17, %parallel_loop3A_18 : i32
      %parallel_loop3A_20 = arith.constant 1 : i32
      %parallel_loop3A_21 = arith.select %parallel_loop3A_19, %parallel_loop3A_20, %parallel_loop3A_17 : i32
      %parallel_loop3A_22 = arith.remsi %parallel_loop3A_16, %parallel_loop3A_21 : i32
      %parallel_loop3A_23 = arith.constant 0 : i32
      %parallel_loop3A_24 = arith.cmpi ne, %parallel_loop3A_22, %parallel_loop3A_23 : i32
      %parallel_loop3A_25 = arith.constant 0 : i32
      %parallel_loop3A_26 = arith.cmpi slt, %parallel_loop3A_22, %parallel_loop3A_25 : i32
      %parallel_loop3A_27 = arith.constant 0 : i32
      %parallel_loop3A_28 = arith.cmpi slt, %parallel_loop3A_21, %parallel_loop3A_27 : i32
      %parallel_loop3A_29 = arith.xori %parallel_loop3A_26, %parallel_loop3A_28 : i1
      %parallel_loop3A_30 = arith.andi %parallel_loop3A_29, %parallel_loop3A_24 : i1
      %parallel_loop3A_31 = arith.addi %parallel_loop3A_22, %parallel_loop3A_21 : i32
      %parallel_loop3A_32 = arith.select %parallel_loop3A_30, %parallel_loop3A_31, %parallel_loop3A_22 : i32
      %parallel_loop3A_33 = arith.constant 1 : i32
      %parallel_loop3A_34 = arith.muli %parallel_loop3A_32, %parallel_loop3A_33 : i32
      %parallel_loop3A_35 = arith.constant 128 : i32
      %parallel_loop3A_36 = arith.muli %parallel_loop3A_34, %parallel_loop3A_35 : i32
      %parallel_loop3A_37 = arith.constant 0 : i32
      %parallel_loop3A_38 = arith.constant 0 : i32
      %parallel_loop3A_39 = tpu.memref_slice %arg13[%parallel_loop3A_36, %parallel_loop3A_38] : memref<256x64xf32, #tpu.memory_space<vmem>> -> memref<128x64xf32, #tpu.memory_space<vmem>>
      %parallel_loop3A_40 = arith.constant 0 : i32
      %parallel_loop3A_41 = tpu.memref_slice %arg11[%parallel_loop3A_16, %parallel_loop3A_37, %parallel_loop3A_40] : memref<11x1x128xi32, #tpu.memory_space<vmem>> -> memref<1x1x128xi32, #tpu.memory_space<vmem>>
      %parallel_loop3A_42 = tpu.memref_squeeze %parallel_loop3A_41 : memref<1x1x128xi32, #tpu.memory_space<vmem>> -> memref<128xi32, #tpu.memory_space<vmem>>
      %parallel_loop3A_43 = arith.constant 0 : i32
      %parallel_loop3A_44 = arith.constant 0 : i32
      %parallel_loop3A_45 = tpu.memref_slice %arg2[%parallel_loop3A_43, %parallel_loop3A_44] : memref<20000x64xf32, #tpu.memory_space<hbm>> -> memref<20000x64xf32, #tpu.memory_space<hbm>>
      tpu.enqueue_indirect_dma source(%parallel_loop3A_45 : memref<20000x64xf32, #tpu.memory_space<hbm>>) target(%parallel_loop3A_39 : memref<128x64xf32, #tpu.memory_space<vmem>>) offsets(%parallel_loop3A_42 : memref<128xi32, #tpu.memory_space<vmem>>) semaphore(%arg14 : memref<!tpu.dma_semaphore, #tpu.memory_space<semaphore_mem>>)
      %parallel_loop3A_46 = arith.constant 0 : i32
      %parallel_loop3A_47 = arith.constant 0 : i32
      %parallel_loop3A_48 = tpu.memref_slice %arg13[%parallel_loop3A_36, %parallel_loop3A_47] : memref<256x64xf32, #tpu.memory_space<vmem>> -> memref<128x64xf32, #tpu.memory_space<vmem>>
      %parallel_loop3A_49 = arith.constant 0 : i32
      %parallel_loop3A_50 = tpu.memref_slice %arg11[%parallel_loop3A_16, %parallel_loop3A_46, %parallel_loop3A_49] : memref<11x1x128xi32, #tpu.memory_space<vmem>> -> memref<1x1x128xi32, #tpu.memory_space<vmem>>
      %parallel_loop3A_51 = tpu.memref_squeeze %parallel_loop3A_50 : memref<1x1x128xi32, #tpu.memory_space<vmem>> -> memref<128xi32, #tpu.memory_space<vmem>>
      %parallel_loop3A_52 = arith.constant 0 : i32
      %parallel_loop3A_53 = arith.constant 0 : i32
      %parallel_loop3A_54 = tpu.memref_slice %arg2[%parallel_loop3A_52, %parallel_loop3A_53] : memref<20000x64xf32, #tpu.memory_space<hbm>> -> memref<20000x64xf32, #tpu.memory_space<hbm>>
      tpu.wait_indirect_dma semaphore(%arg14 : memref<!tpu.dma_semaphore, #tpu.memory_space<semaphore_mem>>) src(%parallel_loop3A_54 : memref<20000x64xf32, #tpu.memory_space<hbm>>) dst(%parallel_loop3A_48 : memref<128x64xf32, #tpu.memory_space<vmem>>)
      %parallel_loop3A_55 = arith.constant 0 : i32
      "tpu.region"() ({
        %parallel_loop3A_57 = tpu.sem_alloc : memref<!tpu.dma_semaphore, #tpu.memory_space<semaphore_mem>>
        %parallel_loop3A_58 = arith.constant 0 : i32
        %parallel_loop3A_59 = tpu.memref_slice %arg13[%parallel_loop3A_36, %parallel_loop3A_58] : memref<256x64xf32, #tpu.memory_space<vmem>> -> memref<128x64xf32, #tpu.memory_space<vmem>>
        %parallel_loop3A_60 = arith.constant 0 : i32
        %parallel_loop3A_61 = tpu.memref_slice %arg12[%parallel_loop3A_16, %parallel_loop3A_55, %parallel_loop3A_60] : memref<11x1x128xi32, #tpu.memory_space<vmem>> -> memref<1x1x128xi32, #tpu.memory_space<vmem>>
        %parallel_loop3A_62 = tpu.memref_squeeze %parallel_loop3A_61 : memref<1x1x128xi32, #tpu.memory_space<vmem>> -> memref<128xi32, #tpu.memory_space<vmem>>
        %parallel_loop3A_63 = arith.constant 0 : i32
        %parallel_loop3A_64 = arith.constant 0 : i32
        %parallel_loop3A_65 = tpu.memref_slice %arg10[%parallel_loop3A_63, %parallel_loop3A_64] : memref<15104x64xf32, #tpu.memory_space<vmem_shared>> -> memref<15104x64xf32, #tpu.memory_space<vmem_shared>>
        tpu.enqueue_indirect_dma source(%parallel_loop3A_59 : memref<128x64xf32, #tpu.memory_space<vmem>>) target(%parallel_loop3A_65 : memref<15104x64xf32, #tpu.memory_space<vmem_shared>>) offsets(%parallel_loop3A_62 : memref<128xi32, #tpu.memory_space<vmem>>) semaphore(%parallel_loop3A_57 : memref<!tpu.dma_semaphore, #tpu.memory_space<semaphore_mem>>) {add = true}
        %parallel_loop3A_66 = arith.constant 0 : i32
        %parallel_loop3A_67 = tpu.memref_slice %arg13[%parallel_loop3A_36, %parallel_loop3A_66] : memref<256x64xf32, #tpu.memory_space<vmem>> -> memref<128x64xf32, #tpu.memory_space<vmem>>
        %parallel_loop3A_68 = arith.constant 0 : i32
        %parallel_loop3A_69 = tpu.memref_slice %arg12[%parallel_loop3A_16, %parallel_loop3A_55, %parallel_loop3A_68] : memref<11x1x128xi32, #tpu.memory_space<vmem>> -> memref<1x1x128xi32, #tpu.memory_space<vmem>>
        %parallel_loop3A_70 = tpu.memref_squeeze %parallel_loop3A_69 : memref<1x1x128xi32, #tpu.memory_space<vmem>> -> memref<128xi32, #tpu.memory_space<vmem>>
        %parallel_loop3A_71 = arith.constant 0 : i32
        %parallel_loop3A_72 = arith.constant 0 : i32
        %parallel_loop3A_73 = tpu.memref_slice %arg10[%parallel_loop3A_71, %parallel_loop3A_72] : memref<15104x64xf32, #tpu.memory_space<vmem_shared>> -> memref<15104x64xf32, #tpu.memory_space<vmem_shared>>
        tpu.wait_indirect_dma semaphore(%parallel_loop3A_57 : memref<!tpu.dma_semaphore, #tpu.memory_space<semaphore_mem>>) src(%parallel_loop3A_67 : memref<128x64xf32, #tpu.memory_space<vmem>>) dst(%parallel_loop3A_73 : memref<15104x64xf32, #tpu.memory_space<vmem_shared>>)
        tpu.yield
      }) : () -> ()
      %parallel_loop3A_56 = arith.constant 0 : i32
      "tpu.region"() ({
        %parallel_loop3A_57 = tpu.sem_alloc : memref<!tpu.dma_semaphore, #tpu.memory_space<semaphore_mem>>
        %parallel_loop3A_58 = arith.constant 0 : i32
        %parallel_loop3A_59 = tpu.memref_slice %arg12[%parallel_loop3A_16, %parallel_loop3A_56, %parallel_loop3A_58] : memref<11x1x128xi32, #tpu.memory_space<vmem>> -> memref<1x1x128xi32, #tpu.memory_space<vmem>>
        %parallel_loop3A_60 = tpu.memref_squeeze %parallel_loop3A_59 : memref<1x1x128xi32, #tpu.memory_space<vmem>> -> memref<128xi32, #tpu.memory_space<vmem>>
        %parallel_loop3A_61 = arith.constant 0 : i32
        %parallel_loop3A_62 = arith.constant 0 : i32
        %parallel_loop3A_63 = tpu.memref_slice %arg16[%parallel_loop3A_61, %parallel_loop3A_62] : memref<15104x16xf32, #tpu.memory_space<vmem_shared>> -> memref<15104x16xf32, #tpu.memory_space<vmem_shared>>
        tpu.enqueue_indirect_dma source(%arg17 : memref<128x16xf32, #tpu.memory_space<vmem>>) target(%parallel_loop3A_63 : memref<15104x16xf32, #tpu.memory_space<vmem_shared>>) offsets(%parallel_loop3A_60 : memref<128xi32, #tpu.memory_space<vmem>>) semaphore(%parallel_loop3A_57 : memref<!tpu.dma_semaphore, #tpu.memory_space<semaphore_mem>>) {add = true}
        %parallel_loop3A_64 = arith.constant 0 : i32
        %parallel_loop3A_65 = tpu.memref_slice %arg12[%parallel_loop3A_16, %parallel_loop3A_56, %parallel_loop3A_64] : memref<11x1x128xi32, #tpu.memory_space<vmem>> -> memref<1x1x128xi32, #tpu.memory_space<vmem>>
        %parallel_loop3A_66 = tpu.memref_squeeze %parallel_loop3A_65 : memref<1x1x128xi32, #tpu.memory_space<vmem>> -> memref<128xi32, #tpu.memory_space<vmem>>
        %parallel_loop3A_67 = arith.constant 0 : i32
        %parallel_loop3A_68 = arith.constant 0 : i32
        %parallel_loop3A_69 = tpu.memref_slice %arg16[%parallel_loop3A_67, %parallel_loop3A_68] : memref<15104x16xf32, #tpu.memory_space<vmem_shared>> -> memref<15104x16xf32, #tpu.memory_space<vmem_shared>>
        tpu.wait_indirect_dma semaphore(%parallel_loop3A_57 : memref<!tpu.dma_semaphore, #tpu.memory_space<semaphore_mem>>) src(%arg17 : memref<128x16xf32, #tpu.memory_space<vmem>>) dst(%parallel_loop3A_69 : memref<15104x16xf32, #tpu.memory_space<vmem_shared>>)
        tpu.yield
      }) : () -> ()
    } {sc.loop_unroll_factor = 2 : i64, sc.parallel_access}
    %barrier3A_7 = arith.constant 0 : index
    tpu.barrier barrier_id(%barrier3A_7)
    %mul3A_8 = arith.constant 944 : i32
    %mul3A_9 = arith.muli %arg1, %mul3A_8 : i32
    %mul3A_10 = arith.constant 944 : i32
    %mul3A_11 = arith.muli %arg1, %mul3A_10 : i32
    "tpu.region"() ({
      %run_scoped3A = tpu.sem_alloc : memref<!tpu.dma_semaphore, #tpu.memory_space<semaphore_mem>>
      %dma_start3A = arith.constant 0 : i32
      %dma_start3A_16 = tpu.memref_slice %arg8[%arg0, %mul3A_11, %dma_start3A] : memref<2x15104x64xf32, #tpu.memory_space<hbm>> -> memref<1x944x64xf32, #tpu.memory_space<hbm>>
      %dma_start3A_17 = tpu.memref_squeeze %dma_start3A_16 : memref<1x944x64xf32, #tpu.memory_space<hbm>> -> memref<944x64xf32, #tpu.memory_space<hbm>>
      %dma_start3A_18 = arith.constant 0 : i32
      %dma_start3A_19 = tpu.memref_slice %arg10[%mul3A_9, %dma_start3A_18] : memref<15104x64xf32, #tpu.memory_space<vmem_shared>> -> memref<944x64xf32, #tpu.memory_space<vmem_shared>>
      tpu.enqueue_dma source(%dma_start3A_19 : memref<944x64xf32, #tpu.memory_space<vmem_shared>>) target(%dma_start3A_17 : memref<944x64xf32, #tpu.memory_space<hbm>>) target_semaphore(%run_scoped3A : memref<!tpu.dma_semaphore, #tpu.memory_space<semaphore_mem>>)
      %dma_wait3A = arith.constant 0 : i32
      %dma_wait3A_20 = tpu.memref_slice %arg8[%arg0, %mul3A_11, %dma_wait3A] : memref<2x15104x64xf32, #tpu.memory_space<hbm>> -> memref<1x944x64xf32, #tpu.memory_space<hbm>>
      %dma_wait3A_21 = tpu.memref_squeeze %dma_wait3A_20 : memref<1x944x64xf32, #tpu.memory_space<hbm>> -> memref<944x64xf32, #tpu.memory_space<hbm>>
      %dma_wait3A_22 = arith.constant 0 : i32
      %dma_wait3A_23 = tpu.memref_slice %arg10[%mul3A_9, %dma_wait3A_22] : memref<15104x64xf32, #tpu.memory_space<vmem_shared>> -> memref<944x64xf32, #tpu.memory_space<vmem_shared>>
      tpu.wait_dma2 semaphore(%run_scoped3A : memref<!tpu.dma_semaphore, #tpu.memory_space<semaphore_mem>>) src(%dma_wait3A_23 : memref<944x64xf32, #tpu.memory_space<vmem_shared>>) dst(%dma_wait3A_21 : memref<944x64xf32, #tpu.memory_space<hbm>>)
      tpu.yield
    }) : () -> ()
    %mul3A_12 = arith.constant 944 : i32
    %mul3A_13 = arith.muli %arg1, %mul3A_12 : i32
    %mul3A_14 = arith.constant 944 : i32
    %mul3A_15 = arith.muli %arg1, %mul3A_14 : i32
    "tpu.region"() ({
      %run_scoped3A = tpu.sem_alloc : memref<!tpu.dma_semaphore, #tpu.memory_space<semaphore_mem>>
      %dma_start3A = arith.constant 0 : i32
      %dma_start3A_16 = tpu.memref_slice %arg9[%arg0, %mul3A_15, %dma_start3A] : memref<2x15104x16xf32, #tpu.memory_space<hbm>> -> memref<1x944x16xf32, #tpu.memory_space<hbm>>
      %dma_start3A_17 = tpu.memref_squeeze %dma_start3A_16 : memref<1x944x16xf32, #tpu.memory_space<hbm>> -> memref<944x16xf32, #tpu.memory_space<hbm>>
      %dma_start3A_18 = arith.constant 0 : i32
      %dma_start3A_19 = tpu.memref_slice %arg16[%mul3A_13, %dma_start3A_18] : memref<15104x16xf32, #tpu.memory_space<vmem_shared>> -> memref<944x16xf32, #tpu.memory_space<vmem_shared>>
      tpu.enqueue_dma source(%dma_start3A_19 : memref<944x16xf32, #tpu.memory_space<vmem_shared>>) target(%dma_start3A_17 : memref<944x16xf32, #tpu.memory_space<hbm>>) target_semaphore(%run_scoped3A : memref<!tpu.dma_semaphore, #tpu.memory_space<semaphore_mem>>)
      %dma_wait3A = arith.constant 0 : i32
      %dma_wait3A_20 = tpu.memref_slice %arg9[%arg0, %mul3A_15, %dma_wait3A] : memref<2x15104x16xf32, #tpu.memory_space<hbm>> -> memref<1x944x16xf32, #tpu.memory_space<hbm>>
      %dma_wait3A_21 = tpu.memref_squeeze %dma_wait3A_20 : memref<1x944x16xf32, #tpu.memory_space<hbm>> -> memref<944x16xf32, #tpu.memory_space<hbm>>
      %dma_wait3A_22 = arith.constant 0 : i32
      %dma_wait3A_23 = tpu.memref_slice %arg16[%mul3A_13, %dma_wait3A_22] : memref<15104x16xf32, #tpu.memory_space<vmem_shared>> -> memref<944x16xf32, #tpu.memory_space<vmem_shared>>
      tpu.wait_dma2 semaphore(%run_scoped3A : memref<!tpu.dma_semaphore, #tpu.memory_space<semaphore_mem>>) src(%dma_wait3A_23 : memref<944x16xf32, #tpu.memory_space<vmem_shared>>) dst(%dma_wait3A_21 : memref<944x16xf32, #tpu.memory_space<hbm>>)
      tpu.yield
    }) : () -> ()
    return
  }
}

#map = affine_map<(d0, d1) -> (0, 0)>
#map1 = affine_map<(d0, d1) -> (0, 0, 0, 0)>
#map2 = affine_map<(d0, d1) -> (0, 0, 0)>
module attributes {stable_mosaic.version = 14 : i64} {
  func.func @body(%arg0: i32, %arg1: i32, %arg2: memref<15000x64xf32, #tpu.memory_space<hbm>>, %arg3: memref<32x74x1x128xi32, #tpu.memory_space<hbm>>, %arg4: memref<32x74x1x128xi32, #tpu.memory_space<hbm>>, %arg5: memref<944x64xf32, #tpu.memory_space<hbm>>, %arg6: memref<2x15104x64xf32, #tpu.memory_space<hbm>>, %arg7: memref<15104x64xf32, #tpu.memory_space<vmem_shared>>, %arg8: memref<74x1x128xi32, #tpu.memory_space<vmem>>, %arg9: memref<74x1x128xi32, #tpu.memory_space<vmem>>, %arg10: memref<256x64xf32, #tpu.memory_space<vmem>>, %arg11: memref<!tpu.dma_semaphore, #tpu.memory_space<semaphore_mem>>, %arg12: memref<!tpu.dma_semaphore, #tpu.memory_space<semaphore_mem>>) attributes {dimension_semantics = [#tpu.dimension_semantics<core_parallel>, #tpu.dimension_semantics<subcore_parallel>], iteration_bounds = array<i64: 2, 16>, scalar_prefetch = 0 : i64, scratch_operands = 6 : i64, tpu.core_type = #tpu.core_type<sc_vector_subcore>, window_params = [{transform_indices = #map}, {transform_indices = #map1}, {transform_indices = #map1}, {transform_indices = #map}, {transform_indices = #map2}]} {
    %mul3A = arith.constant 2 : i32
    %mul3A_0 = arith.muli %arg1, %mul3A : i32
    %add3A = arith.addi %mul3A_0, %arg0 : i32
    %mul3A_1 = arith.constant 944 : i32
    %mul3A_2 = arith.muli %arg1, %mul3A_1 : i32
    "tpu.region"() ({
      %run_scoped3A = tpu.sem_alloc : memref<!tpu.dma_semaphore, #tpu.memory_space<semaphore_mem>>
      %dma_start3A = arith.constant 0 : i32
      %dma_start3A_10 = tpu.memref_slice %arg7[%mul3A_2, %dma_start3A] : memref<15104x64xf32, #tpu.memory_space<vmem_shared>> -> memref<944x64xf32, #tpu.memory_space<vmem_shared>>
      tpu.enqueue_dma source(%arg5 : memref<944x64xf32, #tpu.memory_space<hbm>>) target(%dma_start3A_10 : memref<944x64xf32, #tpu.memory_space<vmem_shared>>) target_semaphore(%run_scoped3A : memref<!tpu.dma_semaphore, #tpu.memory_space<semaphore_mem>>)
      %dma_wait3A = arith.constant 0 : i32
      %dma_wait3A_11 = tpu.memref_slice %arg7[%mul3A_2, %dma_wait3A] : memref<15104x64xf32, #tpu.memory_space<vmem_shared>> -> memref<944x64xf32, #tpu.memory_space<vmem_shared>>
      tpu.wait_dma2 semaphore(%run_scoped3A : memref<!tpu.dma_semaphore, #tpu.memory_space<semaphore_mem>>) src(%arg5 : memref<944x64xf32, #tpu.memory_space<hbm>>) dst(%dma_wait3A_11 : memref<944x64xf32, #tpu.memory_space<vmem_shared>>)
      tpu.yield
    }) : () -> ()
    "tpu.region"() ({
      %run_scoped3A = tpu.sem_alloc : memref<!tpu.dma_semaphore, #tpu.memory_space<semaphore_mem>>
      %dma_start3A = arith.constant 0 : i32
      %dma_start3A_10 = arith.constant 0 : i32
      %dma_start3A_11 = arith.constant 0 : i32
      %dma_start3A_12 = tpu.memref_slice %arg3[%add3A, %dma_start3A, %dma_start3A_10, %dma_start3A_11] : memref<32x74x1x128xi32, #tpu.memory_space<hbm>> -> memref<1x74x1x128xi32, #tpu.memory_space<hbm>>
      %dma_start3A_13 = tpu.memref_squeeze %dma_start3A_12 : memref<1x74x1x128xi32, #tpu.memory_space<hbm>> -> memref<74x1x128xi32, #tpu.memory_space<hbm>>
      %dma_start3A_14 = arith.constant 0 : i32
      %dma_start3A_15 = arith.constant 0 : i32
      %dma_start3A_16 = arith.constant 0 : i32
      %dma_start3A_17 = tpu.memref_slice %arg3[%add3A, %dma_start3A_14, %dma_start3A_15, %dma_start3A_16] : memref<32x74x1x128xi32, #tpu.memory_space<hbm>> -> memref<1x74x1x128xi32, #tpu.memory_space<hbm>>
      %dma_start3A_18 = tpu.memref_squeeze %dma_start3A_17 : memref<1x74x1x128xi32, #tpu.memory_space<hbm>> -> memref<74x1x128xi32, #tpu.memory_space<hbm>>
      tpu.enqueue_dma source(%dma_start3A_18 : memref<74x1x128xi32, #tpu.memory_space<hbm>>) target(%arg8 : memref<74x1x128xi32, #tpu.memory_space<vmem>>) target_semaphore(%run_scoped3A : memref<!tpu.dma_semaphore, #tpu.memory_space<semaphore_mem>>)
      %dma_wait3A = arith.constant 0 : i32
      %dma_wait3A_19 = arith.constant 0 : i32
      %dma_wait3A_20 = arith.constant 0 : i32
      %dma_wait3A_21 = tpu.memref_slice %arg3[%add3A, %dma_wait3A, %dma_wait3A_19, %dma_wait3A_20] : memref<32x74x1x128xi32, #tpu.memory_space<hbm>> -> memref<1x74x1x128xi32, #tpu.memory_space<hbm>>
      %dma_wait3A_22 = tpu.memref_squeeze %dma_wait3A_21 : memref<1x74x1x128xi32, #tpu.memory_space<hbm>> -> memref<74x1x128xi32, #tpu.memory_space<hbm>>
      %dma_wait3A_23 = arith.constant 0 : i32
      %dma_wait3A_24 = arith.constant 0 : i32
      %dma_wait3A_25 = arith.constant 0 : i32
      %dma_wait3A_26 = tpu.memref_slice %arg3[%add3A, %dma_wait3A_23, %dma_wait3A_24, %dma_wait3A_25] : memref<32x74x1x128xi32, #tpu.memory_space<hbm>> -> memref<1x74x1x128xi32, #tpu.memory_space<hbm>>
      %dma_wait3A_27 = tpu.memref_squeeze %dma_wait3A_26 : memref<1x74x1x128xi32, #tpu.memory_space<hbm>> -> memref<74x1x128xi32, #tpu.memory_space<hbm>>
      tpu.wait_dma2 semaphore(%run_scoped3A : memref<!tpu.dma_semaphore, #tpu.memory_space<semaphore_mem>>) src(%dma_wait3A_27 : memref<74x1x128xi32, #tpu.memory_space<hbm>>) dst(%arg8 : memref<74x1x128xi32, #tpu.memory_space<vmem>>)
      tpu.yield
    }) : () -> ()
    "tpu.region"() ({
      %run_scoped3A = tpu.sem_alloc : memref<!tpu.dma_semaphore, #tpu.memory_space<semaphore_mem>>
      %dma_start3A = arith.constant 0 : i32
      %dma_start3A_10 = arith.constant 0 : i32
      %dma_start3A_11 = arith.constant 0 : i32
      %dma_start3A_12 = tpu.memref_slice %arg4[%add3A, %dma_start3A, %dma_start3A_10, %dma_start3A_11] : memref<32x74x1x128xi32, #tpu.memory_space<hbm>> -> memref<1x74x1x128xi32, #tpu.memory_space<hbm>>
      %dma_start3A_13 = tpu.memref_squeeze %dma_start3A_12 : memref<1x74x1x128xi32, #tpu.memory_space<hbm>> -> memref<74x1x128xi32, #tpu.memory_space<hbm>>
      %dma_start3A_14 = arith.constant 0 : i32
      %dma_start3A_15 = arith.constant 0 : i32
      %dma_start3A_16 = arith.constant 0 : i32
      %dma_start3A_17 = tpu.memref_slice %arg4[%add3A, %dma_start3A_14, %dma_start3A_15, %dma_start3A_16] : memref<32x74x1x128xi32, #tpu.memory_space<hbm>> -> memref<1x74x1x128xi32, #tpu.memory_space<hbm>>
      %dma_start3A_18 = tpu.memref_squeeze %dma_start3A_17 : memref<1x74x1x128xi32, #tpu.memory_space<hbm>> -> memref<74x1x128xi32, #tpu.memory_space<hbm>>
      tpu.enqueue_dma source(%dma_start3A_18 : memref<74x1x128xi32, #tpu.memory_space<hbm>>) target(%arg9 : memref<74x1x128xi32, #tpu.memory_space<vmem>>) target_semaphore(%run_scoped3A : memref<!tpu.dma_semaphore, #tpu.memory_space<semaphore_mem>>)
      %dma_wait3A = arith.constant 0 : i32
      %dma_wait3A_19 = arith.constant 0 : i32
      %dma_wait3A_20 = arith.constant 0 : i32
      %dma_wait3A_21 = tpu.memref_slice %arg4[%add3A, %dma_wait3A, %dma_wait3A_19, %dma_wait3A_20] : memref<32x74x1x128xi32, #tpu.memory_space<hbm>> -> memref<1x74x1x128xi32, #tpu.memory_space<hbm>>
      %dma_wait3A_22 = tpu.memref_squeeze %dma_wait3A_21 : memref<1x74x1x128xi32, #tpu.memory_space<hbm>> -> memref<74x1x128xi32, #tpu.memory_space<hbm>>
      %dma_wait3A_23 = arith.constant 0 : i32
      %dma_wait3A_24 = arith.constant 0 : i32
      %dma_wait3A_25 = arith.constant 0 : i32
      %dma_wait3A_26 = tpu.memref_slice %arg4[%add3A, %dma_wait3A_23, %dma_wait3A_24, %dma_wait3A_25] : memref<32x74x1x128xi32, #tpu.memory_space<hbm>> -> memref<1x74x1x128xi32, #tpu.memory_space<hbm>>
      %dma_wait3A_27 = tpu.memref_squeeze %dma_wait3A_26 : memref<1x74x1x128xi32, #tpu.memory_space<hbm>> -> memref<74x1x128xi32, #tpu.memory_space<hbm>>
      tpu.wait_dma2 semaphore(%run_scoped3A : memref<!tpu.dma_semaphore, #tpu.memory_space<semaphore_mem>>) src(%dma_wait3A_27 : memref<74x1x128xi32, #tpu.memory_space<hbm>>) dst(%arg9 : memref<74x1x128xi32, #tpu.memory_space<vmem>>)
      tpu.yield
    }) : () -> ()
    %barrier3A = arith.constant 0 : index
    tpu.barrier barrier_id(%barrier3A)
    %parallel_loop3A = arith.constant 0 : i32
    %parallel_loop3A_3 = arith.constant 74 : i32
    %parallel_loop3A_4 = arith.constant 1 : i32
    scf.for %parallel_loop3A_10 = %parallel_loop3A to %parallel_loop3A_3 step %parallel_loop3A_4  : i32 {
      %parallel_loop3A_11 = arith.constant 2 : i32
      %parallel_loop3A_12 = arith.constant 0 : i32
      %parallel_loop3A_13 = arith.cmpi eq, %parallel_loop3A_11, %parallel_loop3A_12 : i32
      %parallel_loop3A_14 = arith.constant 1 : i32
      %parallel_loop3A_15 = arith.select %parallel_loop3A_13, %parallel_loop3A_14, %parallel_loop3A_11 : i32
      %parallel_loop3A_16 = arith.remsi %parallel_loop3A_10, %parallel_loop3A_15 : i32
      %parallel_loop3A_17 = arith.constant 0 : i32
      %parallel_loop3A_18 = arith.cmpi ne, %parallel_loop3A_16, %parallel_loop3A_17 : i32
      %parallel_loop3A_19 = arith.constant 0 : i32
      %parallel_loop3A_20 = arith.cmpi slt, %parallel_loop3A_16, %parallel_loop3A_19 : i32
      %parallel_loop3A_21 = arith.constant 0 : i32
      %parallel_loop3A_22 = arith.cmpi slt, %parallel_loop3A_15, %parallel_loop3A_21 : i32
      %parallel_loop3A_23 = arith.xori %parallel_loop3A_20, %parallel_loop3A_22 : i1
      %parallel_loop3A_24 = arith.andi %parallel_loop3A_23, %parallel_loop3A_18 : i1
      %parallel_loop3A_25 = arith.addi %parallel_loop3A_16, %parallel_loop3A_15 : i32
      %parallel_loop3A_26 = arith.select %parallel_loop3A_24, %parallel_loop3A_25, %parallel_loop3A_16 : i32
      %parallel_loop3A_27 = arith.constant 1 : i32
      %parallel_loop3A_28 = arith.muli %parallel_loop3A_26, %parallel_loop3A_27 : i32
      %parallel_loop3A_29 = arith.constant 128 : i32
      %parallel_loop3A_30 = arith.muli %parallel_loop3A_28, %parallel_loop3A_29 : i32
      %parallel_loop3A_31 = arith.constant 0 : i32
      %parallel_loop3A_32 = arith.constant 0 : i32
      %parallel_loop3A_33 = tpu.memref_slice %arg10[%parallel_loop3A_30, %parallel_loop3A_32] : memref<256x64xf32, #tpu.memory_space<vmem>> -> memref<128x64xf32, #tpu.memory_space<vmem>>
      %parallel_loop3A_34 = arith.constant 0 : i32
      %parallel_loop3A_35 = tpu.memref_slice %arg8[%parallel_loop3A_10, %parallel_loop3A_31, %parallel_loop3A_34] : memref<74x1x128xi32, #tpu.memory_space<vmem>> -> memref<1x1x128xi32, #tpu.memory_space<vmem>>
      %parallel_loop3A_36 = tpu.memref_squeeze %parallel_loop3A_35 : memref<1x1x128xi32, #tpu.memory_space<vmem>> -> memref<128xi32, #tpu.memory_space<vmem>>
      %parallel_loop3A_37 = arith.constant 0 : i32
      %parallel_loop3A_38 = arith.constant 0 : i32
      %parallel_loop3A_39 = tpu.memref_slice %arg2[%parallel_loop3A_37, %parallel_loop3A_38] : memref<15000x64xf32, #tpu.memory_space<hbm>> -> memref<15000x64xf32, #tpu.memory_space<hbm>>
      tpu.enqueue_indirect_dma source(%parallel_loop3A_39 : memref<15000x64xf32, #tpu.memory_space<hbm>>) target(%parallel_loop3A_33 : memref<128x64xf32, #tpu.memory_space<vmem>>) offsets(%parallel_loop3A_36 : memref<128xi32, #tpu.memory_space<vmem>>) semaphore(%arg11 : memref<!tpu.dma_semaphore, #tpu.memory_space<semaphore_mem>>)
      %parallel_loop3A_40 = arith.constant 0 : i32
      %parallel_loop3A_41 = arith.constant 0 : i32
      %parallel_loop3A_42 = tpu.memref_slice %arg10[%parallel_loop3A_30, %parallel_loop3A_41] : memref<256x64xf32, #tpu.memory_space<vmem>> -> memref<128x64xf32, #tpu.memory_space<vmem>>
      %parallel_loop3A_43 = arith.constant 0 : i32
      %parallel_loop3A_44 = tpu.memref_slice %arg8[%parallel_loop3A_10, %parallel_loop3A_40, %parallel_loop3A_43] : memref<74x1x128xi32, #tpu.memory_space<vmem>> -> memref<1x1x128xi32, #tpu.memory_space<vmem>>
      %parallel_loop3A_45 = tpu.memref_squeeze %parallel_loop3A_44 : memref<1x1x128xi32, #tpu.memory_space<vmem>> -> memref<128xi32, #tpu.memory_space<vmem>>
      %parallel_loop3A_46 = arith.constant 0 : i32
      %parallel_loop3A_47 = arith.constant 0 : i32
      %parallel_loop3A_48 = tpu.memref_slice %arg2[%parallel_loop3A_46, %parallel_loop3A_47] : memref<15000x64xf32, #tpu.memory_space<hbm>> -> memref<15000x64xf32, #tpu.memory_space<hbm>>
      tpu.wait_indirect_dma semaphore(%arg11 : memref<!tpu.dma_semaphore, #tpu.memory_space<semaphore_mem>>) src(%parallel_loop3A_48 : memref<15000x64xf32, #tpu.memory_space<hbm>>) dst(%parallel_loop3A_42 : memref<128x64xf32, #tpu.memory_space<vmem>>)
      %parallel_loop3A_49 = arith.constant 0 : i32
      "tpu.region"() ({
        %parallel_loop3A_50 = tpu.sem_alloc : memref<!tpu.dma_semaphore, #tpu.memory_space<semaphore_mem>>
        %parallel_loop3A_51 = arith.constant 0 : i32
        %parallel_loop3A_52 = tpu.memref_slice %arg10[%parallel_loop3A_30, %parallel_loop3A_51] : memref<256x64xf32, #tpu.memory_space<vmem>> -> memref<128x64xf32, #tpu.memory_space<vmem>>
        %parallel_loop3A_53 = arith.constant 0 : i32
        %parallel_loop3A_54 = tpu.memref_slice %arg9[%parallel_loop3A_10, %parallel_loop3A_49, %parallel_loop3A_53] : memref<74x1x128xi32, #tpu.memory_space<vmem>> -> memref<1x1x128xi32, #tpu.memory_space<vmem>>
        %parallel_loop3A_55 = tpu.memref_squeeze %parallel_loop3A_54 : memref<1x1x128xi32, #tpu.memory_space<vmem>> -> memref<128xi32, #tpu.memory_space<vmem>>
        %parallel_loop3A_56 = arith.constant 0 : i32
        %parallel_loop3A_57 = arith.constant 0 : i32
        %parallel_loop3A_58 = tpu.memref_slice %arg7[%parallel_loop3A_56, %parallel_loop3A_57] : memref<15104x64xf32, #tpu.memory_space<vmem_shared>> -> memref<15104x64xf32, #tpu.memory_space<vmem_shared>>
        tpu.enqueue_indirect_dma source(%parallel_loop3A_52 : memref<128x64xf32, #tpu.memory_space<vmem>>) target(%parallel_loop3A_58 : memref<15104x64xf32, #tpu.memory_space<vmem_shared>>) offsets(%parallel_loop3A_55 : memref<128xi32, #tpu.memory_space<vmem>>) semaphore(%parallel_loop3A_50 : memref<!tpu.dma_semaphore, #tpu.memory_space<semaphore_mem>>) {add = true}
        %parallel_loop3A_59 = arith.constant 0 : i32
        %parallel_loop3A_60 = tpu.memref_slice %arg10[%parallel_loop3A_30, %parallel_loop3A_59] : memref<256x64xf32, #tpu.memory_space<vmem>> -> memref<128x64xf32, #tpu.memory_space<vmem>>
        %parallel_loop3A_61 = arith.constant 0 : i32
        %parallel_loop3A_62 = tpu.memref_slice %arg9[%parallel_loop3A_10, %parallel_loop3A_49, %parallel_loop3A_61] : memref<74x1x128xi32, #tpu.memory_space<vmem>> -> memref<1x1x128xi32, #tpu.memory_space<vmem>>
        %parallel_loop3A_63 = tpu.memref_squeeze %parallel_loop3A_62 : memref<1x1x128xi32, #tpu.memory_space<vmem>> -> memref<128xi32, #tpu.memory_space<vmem>>
        %parallel_loop3A_64 = arith.constant 0 : i32
        %parallel_loop3A_65 = arith.constant 0 : i32
        %parallel_loop3A_66 = tpu.memref_slice %arg7[%parallel_loop3A_64, %parallel_loop3A_65] : memref<15104x64xf32, #tpu.memory_space<vmem_shared>> -> memref<15104x64xf32, #tpu.memory_space<vmem_shared>>
        tpu.wait_indirect_dma semaphore(%parallel_loop3A_50 : memref<!tpu.dma_semaphore, #tpu.memory_space<semaphore_mem>>) src(%parallel_loop3A_60 : memref<128x64xf32, #tpu.memory_space<vmem>>) dst(%parallel_loop3A_66 : memref<15104x64xf32, #tpu.memory_space<vmem_shared>>)
        tpu.yield
      }) : () -> ()
    } {sc.loop_unroll_factor = 2 : i64, sc.parallel_access}
    %barrier3A_5 = arith.constant 0 : index
    tpu.barrier barrier_id(%barrier3A_5)
    %mul3A_6 = arith.constant 944 : i32
    %mul3A_7 = arith.muli %arg1, %mul3A_6 : i32
    %mul3A_8 = arith.constant 944 : i32
    %mul3A_9 = arith.muli %arg1, %mul3A_8 : i32
    "tpu.region"() ({
      %run_scoped3A = tpu.sem_alloc : memref<!tpu.dma_semaphore, #tpu.memory_space<semaphore_mem>>
      %dma_start3A = arith.constant 0 : i32
      %dma_start3A_10 = tpu.memref_slice %arg6[%arg0, %mul3A_9, %dma_start3A] : memref<2x15104x64xf32, #tpu.memory_space<hbm>> -> memref<1x944x64xf32, #tpu.memory_space<hbm>>
      %dma_start3A_11 = tpu.memref_squeeze %dma_start3A_10 : memref<1x944x64xf32, #tpu.memory_space<hbm>> -> memref<944x64xf32, #tpu.memory_space<hbm>>
      %dma_start3A_12 = arith.constant 0 : i32
      %dma_start3A_13 = tpu.memref_slice %arg7[%mul3A_7, %dma_start3A_12] : memref<15104x64xf32, #tpu.memory_space<vmem_shared>> -> memref<944x64xf32, #tpu.memory_space<vmem_shared>>
      tpu.enqueue_dma source(%dma_start3A_13 : memref<944x64xf32, #tpu.memory_space<vmem_shared>>) target(%dma_start3A_11 : memref<944x64xf32, #tpu.memory_space<hbm>>) target_semaphore(%run_scoped3A : memref<!tpu.dma_semaphore, #tpu.memory_space<semaphore_mem>>)
      %dma_wait3A = arith.constant 0 : i32
      %dma_wait3A_14 = tpu.memref_slice %arg6[%arg0, %mul3A_9, %dma_wait3A] : memref<2x15104x64xf32, #tpu.memory_space<hbm>> -> memref<1x944x64xf32, #tpu.memory_space<hbm>>
      %dma_wait3A_15 = tpu.memref_squeeze %dma_wait3A_14 : memref<1x944x64xf32, #tpu.memory_space<hbm>> -> memref<944x64xf32, #tpu.memory_space<hbm>>
      %dma_wait3A_16 = arith.constant 0 : i32
      %dma_wait3A_17 = tpu.memref_slice %arg7[%mul3A_7, %dma_wait3A_16] : memref<15104x64xf32, #tpu.memory_space<vmem_shared>> -> memref<944x64xf32, #tpu.memory_space<vmem_shared>>
      tpu.wait_dma2 semaphore(%run_scoped3A : memref<!tpu.dma_semaphore, #tpu.memory_space<semaphore_mem>>) src(%dma_wait3A_17 : memref<944x64xf32, #tpu.memory_space<vmem_shared>>) dst(%dma_wait3A_15 : memref<944x64xf32, #tpu.memory_space<hbm>>)
      tpu.yield
    }) : () -> ()
    return
  }
}

#map = affine_map<(d0, d1) -> (0, 0)>
#map1 = affine_map<(d0, d1) -> (0, 0, 0, 0)>
#map2 = affine_map<(d0, d1) -> (0, 0, 0)>
module attributes {stable_mosaic.version = 14 : i64} {
  func.func @body(%arg0: i32, %arg1: i32, %arg2: memref<15000x64xf32, #tpu.memory_space<hbm>>, %arg3: memref<32x74x1x128xi32, #tpu.memory_space<hbm>>, %arg4: memref<32x74x1x128xi32, #tpu.memory_space<hbm>>, %arg5: memref<944x64xf32, #tpu.memory_space<hbm>>, %arg6: memref<2x15104x64xf32, #tpu.memory_space<hbm>>, %arg7: memref<15104x64xf32, #tpu.memory_space<vmem_shared>>, %arg8: memref<74x1x128xi32, #tpu.memory_space<vmem>>, %arg9: memref<74x1x128xi32, #tpu.memory_space<vmem>>, %arg10: memref<256x64xf32, #tpu.memory_space<vmem>>, %arg11: memref<!tpu.dma_semaphore, #tpu.memory_space<semaphore_mem>>, %arg12: memref<!tpu.dma_semaphore, #tpu.memory_space<semaphore_mem>>) attributes {dimension_semantics = [#tpu.dimension_semantics<core_parallel>, #tpu.dimension_semantics<subcore_parallel>], iteration_bounds = array<i64: 2, 16>, scalar_prefetch = 0 : i64, scratch_operands = 6 : i64, tpu.core_type = #tpu.core_type<sc_vector_subcore>, window_params = [{transform_indices = #map}, {transform_indices = #map1}, {transform_indices = #map1}, {transform_indices = #map}, {transform_indices = #map2}]} {
    %mul3A = arith.constant 2 : i32
    %mul3A_0 = arith.muli %arg1, %mul3A : i32
    %add3A = arith.addi %mul3A_0, %arg0 : i32
    %mul3A_1 = arith.constant 944 : i32
    %mul3A_2 = arith.muli %arg1, %mul3A_1 : i32
    "tpu.region"() ({
      %run_scoped3A = tpu.sem_alloc : memref<!tpu.dma_semaphore, #tpu.memory_space<semaphore_mem>>
      %dma_start3A = arith.constant 0 : i32
      %dma_start3A_10 = tpu.memref_slice %arg7[%mul3A_2, %dma_start3A] : memref<15104x64xf32, #tpu.memory_space<vmem_shared>> -> memref<944x64xf32, #tpu.memory_space<vmem_shared>>
      tpu.enqueue_dma source(%arg5 : memref<944x64xf32, #tpu.memory_space<hbm>>) target(%dma_start3A_10 : memref<944x64xf32, #tpu.memory_space<vmem_shared>>) target_semaphore(%run_scoped3A : memref<!tpu.dma_semaphore, #tpu.memory_space<semaphore_mem>>)
      %dma_wait3A = arith.constant 0 : i32
      %dma_wait3A_11 = tpu.memref_slice %arg7[%mul3A_2, %dma_wait3A] : memref<15104x64xf32, #tpu.memory_space<vmem_shared>> -> memref<944x64xf32, #tpu.memory_space<vmem_shared>>
      tpu.wait_dma2 semaphore(%run_scoped3A : memref<!tpu.dma_semaphore, #tpu.memory_space<semaphore_mem>>) src(%arg5 : memref<944x64xf32, #tpu.memory_space<hbm>>) dst(%dma_wait3A_11 : memref<944x64xf32, #tpu.memory_space<vmem_shared>>)
      tpu.yield
    }) : () -> ()
    "tpu.region"() ({
      %run_scoped3A = tpu.sem_alloc : memref<!tpu.dma_semaphore, #tpu.memory_space<semaphore_mem>>
      %dma_start3A = arith.constant 0 : i32
      %dma_start3A_10 = arith.constant 0 : i32
      %dma_start3A_11 = arith.constant 0 : i32
      %dma_start3A_12 = tpu.memref_slice %arg3[%add3A, %dma_start3A, %dma_start3A_10, %dma_start3A_11] : memref<32x74x1x128xi32, #tpu.memory_space<hbm>> -> memref<1x74x1x128xi32, #tpu.memory_space<hbm>>
      %dma_start3A_13 = tpu.memref_squeeze %dma_start3A_12 : memref<1x74x1x128xi32, #tpu.memory_space<hbm>> -> memref<74x1x128xi32, #tpu.memory_space<hbm>>
      %dma_start3A_14 = arith.constant 0 : i32
      %dma_start3A_15 = arith.constant 0 : i32
      %dma_start3A_16 = arith.constant 0 : i32
      %dma_start3A_17 = tpu.memref_slice %arg3[%add3A, %dma_start3A_14, %dma_start3A_15, %dma_start3A_16] : memref<32x74x1x128xi32, #tpu.memory_space<hbm>> -> memref<1x74x1x128xi32, #tpu.memory_space<hbm>>
      %dma_start3A_18 = tpu.memref_squeeze %dma_start3A_17 : memref<1x74x1x128xi32, #tpu.memory_space<hbm>> -> memref<74x1x128xi32, #tpu.memory_space<hbm>>
      tpu.enqueue_dma source(%dma_start3A_18 : memref<74x1x128xi32, #tpu.memory_space<hbm>>) target(%arg8 : memref<74x1x128xi32, #tpu.memory_space<vmem>>) target_semaphore(%run_scoped3A : memref<!tpu.dma_semaphore, #tpu.memory_space<semaphore_mem>>)
      %dma_wait3A = arith.constant 0 : i32
      %dma_wait3A_19 = arith.constant 0 : i32
      %dma_wait3A_20 = arith.constant 0 : i32
      %dma_wait3A_21 = tpu.memref_slice %arg3[%add3A, %dma_wait3A, %dma_wait3A_19, %dma_wait3A_20] : memref<32x74x1x128xi32, #tpu.memory_space<hbm>> -> memref<1x74x1x128xi32, #tpu.memory_space<hbm>>
      %dma_wait3A_22 = tpu.memref_squeeze %dma_wait3A_21 : memref<1x74x1x128xi32, #tpu.memory_space<hbm>> -> memref<74x1x128xi32, #tpu.memory_space<hbm>>
      %dma_wait3A_23 = arith.constant 0 : i32
      %dma_wait3A_24 = arith.constant 0 : i32
      %dma_wait3A_25 = arith.constant 0 : i32
      %dma_wait3A_26 = tpu.memref_slice %arg3[%add3A, %dma_wait3A_23, %dma_wait3A_24, %dma_wait3A_25] : memref<32x74x1x128xi32, #tpu.memory_space<hbm>> -> memref<1x74x1x128xi32, #tpu.memory_space<hbm>>
      %dma_wait3A_27 = tpu.memref_squeeze %dma_wait3A_26 : memref<1x74x1x128xi32, #tpu.memory_space<hbm>> -> memref<74x1x128xi32, #tpu.memory_space<hbm>>
      tpu.wait_dma2 semaphore(%run_scoped3A : memref<!tpu.dma_semaphore, #tpu.memory_space<semaphore_mem>>) src(%dma_wait3A_27 : memref<74x1x128xi32, #tpu.memory_space<hbm>>) dst(%arg8 : memref<74x1x128xi32, #tpu.memory_space<vmem>>)
      tpu.yield
    }) : () -> ()
    "tpu.region"() ({
      %run_scoped3A = tpu.sem_alloc : memref<!tpu.dma_semaphore, #tpu.memory_space<semaphore_mem>>
      %dma_start3A = arith.constant 0 : i32
      %dma_start3A_10 = arith.constant 0 : i32
      %dma_start3A_11 = arith.constant 0 : i32
      %dma_start3A_12 = tpu.memref_slice %arg4[%add3A, %dma_start3A, %dma_start3A_10, %dma_start3A_11] : memref<32x74x1x128xi32, #tpu.memory_space<hbm>> -> memref<1x74x1x128xi32, #tpu.memory_space<hbm>>
      %dma_start3A_13 = tpu.memref_squeeze %dma_start3A_12 : memref<1x74x1x128xi32, #tpu.memory_space<hbm>> -> memref<74x1x128xi32, #tpu.memory_space<hbm>>
      %dma_start3A_14 = arith.constant 0 : i32
      %dma_start3A_15 = arith.constant 0 : i32
      %dma_start3A_16 = arith.constant 0 : i32
      %dma_start3A_17 = tpu.memref_slice %arg4[%add3A, %dma_start3A_14, %dma_start3A_15, %dma_start3A_16] : memref<32x74x1x128xi32, #tpu.memory_space<hbm>> -> memref<1x74x1x128xi32, #tpu.memory_space<hbm>>
      %dma_start3A_18 = tpu.memref_squeeze %dma_start3A_17 : memref<1x74x1x128xi32, #tpu.memory_space<hbm>> -> memref<74x1x128xi32, #tpu.memory_space<hbm>>
      tpu.enqueue_dma source(%dma_start3A_18 : memref<74x1x128xi32, #tpu.memory_space<hbm>>) target(%arg9 : memref<74x1x128xi32, #tpu.memory_space<vmem>>) target_semaphore(%run_scoped3A : memref<!tpu.dma_semaphore, #tpu.memory_space<semaphore_mem>>)
      %dma_wait3A = arith.constant 0 : i32
      %dma_wait3A_19 = arith.constant 0 : i32
      %dma_wait3A_20 = arith.constant 0 : i32
      %dma_wait3A_21 = tpu.memref_slice %arg4[%add3A, %dma_wait3A, %dma_wait3A_19, %dma_wait3A_20] : memref<32x74x1x128xi32, #tpu.memory_space<hbm>> -> memref<1x74x1x128xi32, #tpu.memory_space<hbm>>
      %dma_wait3A_22 = tpu.memref_squeeze %dma_wait3A_21 : memref<1x74x1x128xi32, #tpu.memory_space<hbm>> -> memref<74x1x128xi32, #tpu.memory_space<hbm>>
      %dma_wait3A_23 = arith.constant 0 : i32
      %dma_wait3A_24 = arith.constant 0 : i32
      %dma_wait3A_25 = arith.constant 0 : i32
      %dma_wait3A_26 = tpu.memref_slice %arg4[%add3A, %dma_wait3A_23, %dma_wait3A_24, %dma_wait3A_25] : memref<32x74x1x128xi32, #tpu.memory_space<hbm>> -> memref<1x74x1x128xi32, #tpu.memory_space<hbm>>
      %dma_wait3A_27 = tpu.memref_squeeze %dma_wait3A_26 : memref<1x74x1x128xi32, #tpu.memory_space<hbm>> -> memref<74x1x128xi32, #tpu.memory_space<hbm>>
      tpu.wait_dma2 semaphore(%run_scoped3A : memref<!tpu.dma_semaphore, #tpu.memory_space<semaphore_mem>>) src(%dma_wait3A_27 : memref<74x1x128xi32, #tpu.memory_space<hbm>>) dst(%arg9 : memref<74x1x128xi32, #tpu.memory_space<vmem>>)
      tpu.yield
    }) : () -> ()
    %barrier3A = arith.constant 0 : index
    tpu.barrier barrier_id(%barrier3A)
    %parallel_loop3A = arith.constant 0 : i32
    %parallel_loop3A_3 = arith.constant 74 : i32
    %parallel_loop3A_4 = arith.constant 1 : i32
    scf.for %parallel_loop3A_10 = %parallel_loop3A to %parallel_loop3A_3 step %parallel_loop3A_4  : i32 {
      %parallel_loop3A_11 = arith.constant 2 : i32
      %parallel_loop3A_12 = arith.constant 0 : i32
      %parallel_loop3A_13 = arith.cmpi eq, %parallel_loop3A_11, %parallel_loop3A_12 : i32
      %parallel_loop3A_14 = arith.constant 1 : i32
      %parallel_loop3A_15 = arith.select %parallel_loop3A_13, %parallel_loop3A_14, %parallel_loop3A_11 : i32
      %parallel_loop3A_16 = arith.remsi %parallel_loop3A_10, %parallel_loop3A_15 : i32
      %parallel_loop3A_17 = arith.constant 0 : i32
      %parallel_loop3A_18 = arith.cmpi ne, %parallel_loop3A_16, %parallel_loop3A_17 : i32
      %parallel_loop3A_19 = arith.constant 0 : i32
      %parallel_loop3A_20 = arith.cmpi slt, %parallel_loop3A_16, %parallel_loop3A_19 : i32
      %parallel_loop3A_21 = arith.constant 0 : i32
      %parallel_loop3A_22 = arith.cmpi slt, %parallel_loop3A_15, %parallel_loop3A_21 : i32
      %parallel_loop3A_23 = arith.xori %parallel_loop3A_20, %parallel_loop3A_22 : i1
      %parallel_loop3A_24 = arith.andi %parallel_loop3A_23, %parallel_loop3A_18 : i1
      %parallel_loop3A_25 = arith.addi %parallel_loop3A_16, %parallel_loop3A_15 : i32
      %parallel_loop3A_26 = arith.select %parallel_loop3A_24, %parallel_loop3A_25, %parallel_loop3A_16 : i32
      %parallel_loop3A_27 = arith.constant 1 : i32
      %parallel_loop3A_28 = arith.muli %parallel_loop3A_26, %parallel_loop3A_27 : i32
      %parallel_loop3A_29 = arith.constant 128 : i32
      %parallel_loop3A_30 = arith.muli %parallel_loop3A_28, %parallel_loop3A_29 : i32
      %parallel_loop3A_31 = arith.constant 0 : i32
      %parallel_loop3A_32 = arith.constant 0 : i32
      %parallel_loop3A_33 = tpu.memref_slice %arg10[%parallel_loop3A_30, %parallel_loop3A_32] : memref<256x64xf32, #tpu.memory_space<vmem>> -> memref<128x64xf32, #tpu.memory_space<vmem>>
      %parallel_loop3A_34 = arith.constant 0 : i32
      %parallel_loop3A_35 = tpu.memref_slice %arg8[%parallel_loop3A_10, %parallel_loop3A_31, %parallel_loop3A_34] : memref<74x1x128xi32, #tpu.memory_space<vmem>> -> memref<1x1x128xi32, #tpu.memory_space<vmem>>
      %parallel_loop3A_36 = tpu.memref_squeeze %parallel_loop3A_35 : memref<1x1x128xi32, #tpu.memory_space<vmem>> -> memref<128xi32, #tpu.memory_space<vmem>>
      %parallel_loop3A_37 = arith.constant 0 : i32
      %parallel_loop3A_38 = arith.constant 0 : i32
      %parallel_loop3A_39 = tpu.memref_slice %arg2[%parallel_loop3A_37, %parallel_loop3A_38] : memref<15000x64xf32, #tpu.memory_space<hbm>> -> memref<15000x64xf32, #tpu.memory_space<hbm>>
      tpu.enqueue_indirect_dma source(%parallel_loop3A_39 : memref<15000x64xf32, #tpu.memory_space<hbm>>) target(%parallel_loop3A_33 : memref<128x64xf32, #tpu.memory_space<vmem>>) offsets(%parallel_loop3A_36 : memref<128xi32, #tpu.memory_space<vmem>>) semaphore(%arg11 : memref<!tpu.dma_semaphore, #tpu.memory_space<semaphore_mem>>)
      %parallel_loop3A_40 = arith.constant 0 : i32
      %parallel_loop3A_41 = arith.constant 0 : i32
      %parallel_loop3A_42 = tpu.memref_slice %arg10[%parallel_loop3A_30, %parallel_loop3A_41] : memref<256x64xf32, #tpu.memory_space<vmem>> -> memref<128x64xf32, #tpu.memory_space<vmem>>
      %parallel_loop3A_43 = arith.constant 0 : i32
      %parallel_loop3A_44 = tpu.memref_slice %arg8[%parallel_loop3A_10, %parallel_loop3A_40, %parallel_loop3A_43] : memref<74x1x128xi32, #tpu.memory_space<vmem>> -> memref<1x1x128xi32, #tpu.memory_space<vmem>>
      %parallel_loop3A_45 = tpu.memref_squeeze %parallel_loop3A_44 : memref<1x1x128xi32, #tpu.memory_space<vmem>> -> memref<128xi32, #tpu.memory_space<vmem>>
      %parallel_loop3A_46 = arith.constant 0 : i32
      %parallel_loop3A_47 = arith.constant 0 : i32
      %parallel_loop3A_48 = tpu.memref_slice %arg2[%parallel_loop3A_46, %parallel_loop3A_47] : memref<15000x64xf32, #tpu.memory_space<hbm>> -> memref<15000x64xf32, #tpu.memory_space<hbm>>
      tpu.wait_indirect_dma semaphore(%arg11 : memref<!tpu.dma_semaphore, #tpu.memory_space<semaphore_mem>>) src(%parallel_loop3A_48 : memref<15000x64xf32, #tpu.memory_space<hbm>>) dst(%parallel_loop3A_42 : memref<128x64xf32, #tpu.memory_space<vmem>>)
      %parallel_loop3A_49 = arith.constant 0 : i32
      "tpu.region"() ({
        %parallel_loop3A_50 = tpu.sem_alloc : memref<!tpu.dma_semaphore, #tpu.memory_space<semaphore_mem>>
        %parallel_loop3A_51 = arith.constant 0 : i32
        %parallel_loop3A_52 = tpu.memref_slice %arg10[%parallel_loop3A_30, %parallel_loop3A_51] : memref<256x64xf32, #tpu.memory_space<vmem>> -> memref<128x64xf32, #tpu.memory_space<vmem>>
        %parallel_loop3A_53 = arith.constant 0 : i32
        %parallel_loop3A_54 = tpu.memref_slice %arg9[%parallel_loop3A_10, %parallel_loop3A_49, %parallel_loop3A_53] : memref<74x1x128xi32, #tpu.memory_space<vmem>> -> memref<1x1x128xi32, #tpu.memory_space<vmem>>
        %parallel_loop3A_55 = tpu.memref_squeeze %parallel_loop3A_54 : memref<1x1x128xi32, #tpu.memory_space<vmem>> -> memref<128xi32, #tpu.memory_space<vmem>>
        %parallel_loop3A_56 = arith.constant 0 : i32
        %parallel_loop3A_57 = arith.constant 0 : i32
        %parallel_loop3A_58 = tpu.memref_slice %arg7[%parallel_loop3A_56, %parallel_loop3A_57] : memref<15104x64xf32, #tpu.memory_space<vmem_shared>> -> memref<15104x64xf32, #tpu.memory_space<vmem_shared>>
        tpu.enqueue_indirect_dma source(%parallel_loop3A_52 : memref<128x64xf32, #tpu.memory_space<vmem>>) target(%parallel_loop3A_58 : memref<15104x64xf32, #tpu.memory_space<vmem_shared>>) offsets(%parallel_loop3A_55 : memref<128xi32, #tpu.memory_space<vmem>>) semaphore(%parallel_loop3A_50 : memref<!tpu.dma_semaphore, #tpu.memory_space<semaphore_mem>>) {add = true}
        %parallel_loop3A_59 = arith.constant 0 : i32
        %parallel_loop3A_60 = tpu.memref_slice %arg10[%parallel_loop3A_30, %parallel_loop3A_59] : memref<256x64xf32, #tpu.memory_space<vmem>> -> memref<128x64xf32, #tpu.memory_space<vmem>>
        %parallel_loop3A_61 = arith.constant 0 : i32
        %parallel_loop3A_62 = tpu.memref_slice %arg9[%parallel_loop3A_10, %parallel_loop3A_49, %parallel_loop3A_61] : memref<74x1x128xi32, #tpu.memory_space<vmem>> -> memref<1x1x128xi32, #tpu.memory_space<vmem>>
        %parallel_loop3A_63 = tpu.memref_squeeze %parallel_loop3A_62 : memref<1x1x128xi32, #tpu.memory_space<vmem>> -> memref<128xi32, #tpu.memory_space<vmem>>
        %parallel_loop3A_64 = arith.constant 0 : i32
        %parallel_loop3A_65 = arith.constant 0 : i32
        %parallel_loop3A_66 = tpu.memref_slice %arg7[%parallel_loop3A_64, %parallel_loop3A_65] : memref<15104x64xf32, #tpu.memory_space<vmem_shared>> -> memref<15104x64xf32, #tpu.memory_space<vmem_shared>>
        tpu.wait_indirect_dma semaphore(%parallel_loop3A_50 : memref<!tpu.dma_semaphore, #tpu.memory_space<semaphore_mem>>) src(%parallel_loop3A_60 : memref<128x64xf32, #tpu.memory_space<vmem>>) dst(%parallel_loop3A_66 : memref<15104x64xf32, #tpu.memory_space<vmem_shared>>)
        tpu.yield
      }) : () -> ()
    } {sc.loop_unroll_factor = 2 : i64, sc.parallel_access}
    %barrier3A_5 = arith.constant 0 : index
    tpu.barrier barrier_id(%barrier3A_5)
    %mul3A_6 = arith.constant 944 : i32
    %mul3A_7 = arith.muli %arg1, %mul3A_6 : i32
    %mul3A_8 = arith.constant 944 : i32
    %mul3A_9 = arith.muli %arg1, %mul3A_8 : i32
    "tpu.region"() ({
      %run_scoped3A = tpu.sem_alloc : memref<!tpu.dma_semaphore, #tpu.memory_space<semaphore_mem>>
      %dma_start3A = arith.constant 0 : i32
      %dma_start3A_10 = tpu.memref_slice %arg6[%arg0, %mul3A_9, %dma_start3A] : memref<2x15104x64xf32, #tpu.memory_space<hbm>> -> memref<1x944x64xf32, #tpu.memory_space<hbm>>
      %dma_start3A_11 = tpu.memref_squeeze %dma_start3A_10 : memref<1x944x64xf32, #tpu.memory_space<hbm>> -> memref<944x64xf32, #tpu.memory_space<hbm>>
      %dma_start3A_12 = arith.constant 0 : i32
      %dma_start3A_13 = tpu.memref_slice %arg7[%mul3A_7, %dma_start3A_12] : memref<15104x64xf32, #tpu.memory_space<vmem_shared>> -> memref<944x64xf32, #tpu.memory_space<vmem_shared>>
      tpu.enqueue_dma source(%dma_start3A_13 : memref<944x64xf32, #tpu.memory_space<vmem_shared>>) target(%dma_start3A_11 : memref<944x64xf32, #tpu.memory_space<hbm>>) target_semaphore(%run_scoped3A : memref<!tpu.dma_semaphore, #tpu.memory_space<semaphore_mem>>)
      %dma_wait3A = arith.constant 0 : i32
      %dma_wait3A_14 = tpu.memref_slice %arg6[%arg0, %mul3A_9, %dma_wait3A] : memref<2x15104x64xf32, #tpu.memory_space<hbm>> -> memref<1x944x64xf32, #tpu.memory_space<hbm>>
      %dma_wait3A_15 = tpu.memref_squeeze %dma_wait3A_14 : memref<1x944x64xf32, #tpu.memory_space<hbm>> -> memref<944x64xf32, #tpu.memory_space<hbm>>
      %dma_wait3A_16 = arith.constant 0 : i32
      %dma_wait3A_17 = tpu.memref_slice %arg7[%mul3A_7, %dma_wait3A_16] : memref<15104x64xf32, #tpu.memory_space<vmem_shared>> -> memref<944x64xf32, #tpu.memory_space<vmem_shared>>
      tpu.wait_dma2 semaphore(%run_scoped3A : memref<!tpu.dma_semaphore, #tpu.memory_space<semaphore_mem>>) src(%dma_wait3A_17 : memref<944x64xf32, #tpu.memory_space<vmem_shared>>) dst(%dma_wait3A_15 : memref<944x64xf32, #tpu.memory_space<hbm>>)
      tpu.yield
    }) : () -> ()
    return
  }
}

module attributes {stable_mosaic.version = 14 : i64} {
  func.func @body(%arg0: i32, %arg1: memref<1000x128xf32, #tpu.memory_space<vmem>>, %arg2: memref<128x32xf32, #tpu.memory_space<vmem>>, %arg3: memref<128x32xf32, #tpu.memory_space<vmem>>, %arg4: memref<1x32xf32, #tpu.memory_space<vmem>>, %arg5: memref<1000x32xf32, #tpu.memory_space<vmem>>, %arg6: memref<1000x32xf32, #tpu.memory_space<vmem>>) attributes {dimension_semantics = [#tpu.dimension_semantics<arbitrary>], iteration_bounds = array<i64: 10>, scalar_prefetch = 0 : i64, scratch_operands = 0 : i64, tpu.core_type = #tpu.core_type<tc>, window_params = [{transform_indices = @transform_0, window_bounds = array<i64: 1000, 128>}, {pipeline_mode = #tpu.pipeline_mode<synchronous>, transform_indices = @transform_1, window_bounds = array<i64: 128, 32>}, {pipeline_mode = #tpu.pipeline_mode<synchronous>, transform_indices = @transform_2, window_bounds = array<i64: 128, 32>}, {pipeline_mode = #tpu.pipeline_mode<synchronous>, transform_indices = @transform_3, window_bounds = array<i64: 1, 32>}, {transform_indices = @transform_4, window_bounds = array<i64: 1000, 32>}, {transform_indices = @transform_5, window_bounds = array<i64: 1000, 32>}]} {
    %get3A = arith.constant 0 : index
    %get3A_0 = arith.constant 0 : index
    %get3A_1 = vector.load %arg1[%get3A, %get3A_0] : memref<1000x128xf32, #tpu.memory_space<vmem>>, vector<1000x128xf32>
    %get3A_2 = arith.constant 0 : index
    %get3A_3 = arith.constant 0 : index
    %get3A_4 = vector.load %arg2[%get3A_2, %get3A_3] : memref<128x32xf32, #tpu.memory_space<vmem>>, vector<128x32xf32>
    %dot_general3A = arith.constant dense<0.000000e+00> : vector<1000x32xf32>
    %dot_general3A_5 = tpu.matmul %get3A_1, %get3A_4, %dot_general3A {dimension_numbers = #tpu.dot_dimension_numbers<[1], [0], [0], [1], [0, 0, 1, 1], [], []>, transpose_lhs_hint = false} : vector<1000x128xf32>, vector<128x32xf32>, vector<1000x32xf32> -> vector<1000x32xf32>
    %get3A_6 = arith.constant 0 : index
    %get3A_7 = arith.constant 0 : index
    %get3A_8 = vector.load %arg4[%get3A_6, %get3A_7] : memref<1x32xf32, #tpu.memory_space<vmem>>, vector<1x32xf32>
    %add3A = vector.broadcast %get3A_8 : vector<1x32xf32> to vector<1000x32xf32>
    %add3A_9 = arith.addf %dot_general3A_5, %add3A : vector<1000x32xf32>
    %swap3A = arith.constant 0 : index
    %swap3A_10 = arith.constant 0 : index
    %swap3A_11 = vector.load %arg5[%swap3A, %swap3A_10] : memref<1000x32xf32, #tpu.memory_space<vmem>>, vector<1000x32xf32>
    tpu.vector_store %arg5[%swap3A, %swap3A_10], %add3A_9 {strides = array<i32>} : memref<1000x32xf32, #tpu.memory_space<vmem>>, vector<1000x32xf32>,
    %get3A_12 = arith.constant 0 : index
    %get3A_13 = arith.constant 0 : index
    %get3A_14 = vector.load %arg3[%get3A_12, %get3A_13] : memref<128x32xf32, #tpu.memory_space<vmem>>, vector<128x32xf32>
    %dot_general3A_15 = arith.constant dense<0.000000e+00> : vector<1000x32xf32>
    %dot_general3A_16 = tpu.matmul %get3A_1, %get3A_14, %dot_general3A_15 {dimension_numbers = #tpu.dot_dimension_numbers<[1], [0], [0], [1], [0, 0, 1, 1], [], []>, transpose_lhs_hint = false} : vector<1000x128xf32>, vector<128x32xf32>, vector<1000x32xf32> -> vector<1000x32xf32>
    %swap3A_17 = arith.constant 0 : index
    %swap3A_18 = arith.constant 0 : index
    %swap3A_19 = vector.load %arg6[%swap3A_17, %swap3A_18] : memref<1000x32xf32, #tpu.memory_space<vmem>>, vector<1000x32xf32>
    tpu.vector_store %arg6[%swap3A_17, %swap3A_18], %dot_general3A_16 {strides = array<i32>} : memref<1000x32xf32, #tpu.memory_space<vmem>>, vector<1000x32xf32>,
    return
  }
  func.func @transform_0(%arg0: i32) -> (i32, i32) {
    %c0_i32 = arith.constant 0 : i32
    %c0_i32_0 = arith.constant 0 : i32
    return %arg0, %c0_i32 : i32, i32
  }
  func.func @transform_1(%arg0: i32) -> (i32, i32) {
    %c0_i32 = arith.constant 0 : i32
    %c0_i32_0 = arith.constant 0 : i32
    %c0_i32_1 = arith.constant 0 : i32
    return %c0_i32, %c0_i32_0 : i32, i32
  }
  func.func @transform_2(%arg0: i32) -> (i32, i32) {
    %c0_i32 = arith.constant 0 : i32
    %c0_i32_0 = arith.constant 0 : i32
    %c0_i32_1 = arith.constant 0 : i32
    return %c0_i32, %c0_i32_0 : i32, i32
  }
  func.func @transform_3(%arg0: i32) -> (i32, i32) {
    %c0_i32 = arith.constant 0 : i32
    %c0_i32_0 = arith.constant 0 : i32
    %c0_i32_1 = arith.constant 0 : i32
    return %c0_i32, %c0_i32_0 : i32, i32
  }
  func.func @transform_4(%arg0: i32) -> (i32, i32) {
    %c0_i32 = arith.constant 0 : i32
    %c0_i32_0 = arith.constant 0 : i32
    return %arg0, %c0_i32 : i32, i32
  }
  func.func @transform_5(%arg0: i32) -> (i32, i32) {
    %c0_i32 = arith.constant 0 : i32
    %c0_i32_0 = arith.constant 0 : i32
    return %arg0, %c0_i32 : i32, i32
  }
}

module attributes {stable_mosaic.version = 14 : i64} {
  func.func @body(%arg0: i32, %arg1: memref<1000x32xf32, #tpu.memory_space<vmem>>, %arg2: memref<2x1000x32xf32, #tpu.memory_space<vmem>>, %arg3: memref<32x64xf32, #tpu.memory_space<vmem>>, %arg4: memref<32x64xf32, #tpu.memory_space<vmem>>, %arg5: memref<1x64xf32, #tpu.memory_space<vmem>>, %arg6: memref<1000x64xf32, #tpu.memory_space<vmem>>, %arg7: memref<1000x64xf32, #tpu.memory_space<vmem>>) attributes {dimension_semantics = [#tpu.dimension_semantics<arbitrary>], iteration_bounds = array<i64: 10>, scalar_prefetch = 0 : i64, scratch_operands = 0 : i64, tpu.core_type = #tpu.core_type<tc>, window_params = [{transform_indices = @transform_0, window_bounds = array<i64: 1000, 32>}, {transform_indices = @transform_1, window_bounds = array<i64: 2, 1000, 32>}, {pipeline_mode = #tpu.pipeline_mode<synchronous>, transform_indices = @transform_2, window_bounds = array<i64: 32, 64>}, {pipeline_mode = #tpu.pipeline_mode<synchronous>, transform_indices = @transform_3, window_bounds = array<i64: 32, 64>}, {pipeline_mode = #tpu.pipeline_mode<synchronous>, transform_indices = @transform_4, window_bounds = array<i64: 1, 64>}, {transform_indices = @transform_5, window_bounds = array<i64: 1000, 64>}, {transform_indices = @transform_6, window_bounds = array<i64: 1000, 64>}]} {
    %get3A = arith.constant 0 : index
    %get3A_0 = arith.constant 0 : index
    %get3A_1 = vector.load %arg1[%get3A, %get3A_0] : memref<1000x32xf32, #tpu.memory_space<vmem>>, vector<1000x32xf32>
    %get3A_2 = arith.constant 0 : index
    %get3A_3 = arith.constant 0 : index
    %get3A_4 = arith.constant 0 : index
    %get3A_5 = vector.load %arg2[%get3A_2, %get3A_3, %get3A_4] : memref<2x1000x32xf32, #tpu.memory_space<vmem>>, vector<1x1000x32xf32>
    %get3A_6 = vector.shape_cast %get3A_5 : vector<1x1000x32xf32> to vector<1000x32xf32>
    %add3A = arith.addf %get3A_1, %get3A_6 : vector<1000x32xf32>
    %get3A_7 = arith.constant 1 : index
    %get3A_8 = arith.constant 0 : index
    %get3A_9 = arith.constant 0 : index
    %get3A_10 = vector.load %arg2[%get3A_7, %get3A_8, %get3A_9] : memref<2x1000x32xf32, #tpu.memory_space<vmem>>, vector<1x1000x32xf32>
    %get3A_11 = vector.shape_cast %get3A_10 : vector<1x1000x32xf32> to vector<1000x32xf32>
    %add3A_12 = arith.addf %add3A, %get3A_11 : vector<1000x32xf32>
    %gt3A = arith.constant 0.000000e+00 : f32
    %gt3A_13 = vector.broadcast %gt3A : f32 to vector<1000x32xf32>
    %gt3A_14 = arith.cmpf ogt, %add3A_12, %gt3A_13 : vector<1000x32xf32>
    %exp3A = math.exp %add3A_12 : vector<1000x32xf32>
    %sub3A = arith.constant 1.000000e+00 : f32
    %sub3A_15 = vector.broadcast %sub3A : f32 to vector<1000x32xf32>
    %sub3A_16 = arith.subf %exp3A, %sub3A_15 : vector<1000x32xf32>
    %select_n3A = arith.select %gt3A_14, %add3A_12, %sub3A_16 : vector<1000x32xi1>, vector<1000x32xf32>
    %get3A_17 = arith.constant 0 : index
    %get3A_18 = arith.constant 0 : index
    %get3A_19 = vector.load %arg3[%get3A_17, %get3A_18] : memref<32x64xf32, #tpu.memory_space<vmem>>, vector<32x64xf32>
    %dot_general3A = arith.constant dense<0.000000e+00> : vector<1000x64xf32>
    %dot_general3A_20 = tpu.matmul %select_n3A, %get3A_19, %dot_general3A {dimension_numbers = #tpu.dot_dimension_numbers<[1], [0], [0], [1], [0, 0, 1, 1], [], []>, transpose_lhs_hint = false} : vector<1000x32xf32>, vector<32x64xf32>, vector<1000x64xf32> -> vector<1000x64xf32>
    %get3A_21 = arith.constant 0 : index
    %get3A_22 = arith.constant 0 : index
    %get3A_23 = vector.load %arg5[%get3A_21, %get3A_22] : memref<1x64xf32, #tpu.memory_space<vmem>>, vector<1x64xf32>
    %add3A_24 = vector.broadcast %get3A_23 : vector<1x64xf32> to vector<1000x64xf32>
    %add3A_25 = arith.addf %dot_general3A_20, %add3A_24 : vector<1000x64xf32>
    %swap3A = arith.constant 0 : index
    %swap3A_26 = arith.constant 0 : index
    %swap3A_27 = vector.load %arg6[%swap3A, %swap3A_26] : memref<1000x64xf32, #tpu.memory_space<vmem>>, vector<1000x64xf32>
    tpu.vector_store %arg6[%swap3A, %swap3A_26], %add3A_25 {strides = array<i32>} : memref<1000x64xf32, #tpu.memory_space<vmem>>, vector<1000x64xf32>,
    %get3A_28 = arith.constant 0 : index
    %get3A_29 = arith.constant 0 : index
    %get3A_30 = vector.load %arg4[%get3A_28, %get3A_29] : memref<32x64xf32, #tpu.memory_space<vmem>>, vector<32x64xf32>
    %dot_general3A_31 = arith.constant dense<0.000000e+00> : vector<1000x64xf32>
    %dot_general3A_32 = tpu.matmul %select_n3A, %get3A_30, %dot_general3A_31 {dimension_numbers = #tpu.dot_dimension_numbers<[1], [0], [0], [1], [0, 0, 1, 1], [], []>, transpose_lhs_hint = false} : vector<1000x32xf32>, vector<32x64xf32>, vector<1000x64xf32> -> vector<1000x64xf32>
    %swap3A_33 = arith.constant 0 : index
    %swap3A_34 = arith.constant 0 : index
    %swap3A_35 = vector.load %arg7[%swap3A_33, %swap3A_34] : memref<1000x64xf32, #tpu.memory_space<vmem>>, vector<1000x64xf32>
    tpu.vector_store %arg7[%swap3A_33, %swap3A_34], %dot_general3A_32 {strides = array<i32>} : memref<1000x64xf32, #tpu.memory_space<vmem>>, vector<1000x64xf32>,
    return
  }
  func.func @transform_0(%arg0: i32) -> (i32, i32) {
    %c0_i32 = arith.constant 0 : i32
    %c0_i32_0 = arith.constant 0 : i32
    return %arg0, %c0_i32 : i32, i32
  }
  func.func @transform_1(%arg0: i32) -> (i32, i32, i32) {
    %c0_i32 = arith.constant 0 : i32
    %c0_i32_0 = arith.constant 0 : i32
    %c0_i32_1 = arith.constant 0 : i32
    return %c0_i32, %arg0, %c0_i32_0 : i32, i32, i32
  }
  func.func @transform_2(%arg0: i32) -> (i32, i32) {
    %c0_i32 = arith.constant 0 : i32
    %c0_i32_0 = arith.constant 0 : i32
    %c0_i32_1 = arith.constant 0 : i32
    return %c0_i32, %c0_i32_0 : i32, i32
  }
  func.func @transform_3(%arg0: i32) -> (i32, i32) {
    %c0_i32 = arith.constant 0 : i32
    %c0_i32_0 = arith.constant 0 : i32
    %c0_i32_1 = arith.constant 0 : i32
    return %c0_i32, %c0_i32_0 : i32, i32
  }
  func.func @transform_4(%arg0: i32) -> (i32, i32) {
    %c0_i32 = arith.constant 0 : i32
    %c0_i32_0 = arith.constant 0 : i32
    %c0_i32_1 = arith.constant 0 : i32
    return %c0_i32, %c0_i32_0 : i32, i32
  }
  func.func @transform_5(%arg0: i32) -> (i32, i32) {
    %c0_i32 = arith.constant 0 : i32
    %c0_i32_0 = arith.constant 0 : i32
    return %arg0, %c0_i32 : i32, i32
  }
  func.func @transform_6(%arg0: i32) -> (i32, i32) {
    %c0_i32 = arith.constant 0 : i32
    %c0_i32_0 = arith.constant 0 : i32
    return %arg0, %c0_i32 : i32, i32
  }
}

module attributes {stable_mosaic.version = 14 : i64} {
  func.func @body(%arg0: i32, %arg1: memref<1000x64xf32, #tpu.memory_space<vmem>>, %arg2: memref<2x1000x64xf32, #tpu.memory_space<vmem>>, %arg3: memref<64x64xf32, #tpu.memory_space<vmem>>, %arg4: memref<64x64xf32, #tpu.memory_space<vmem>>, %arg5: memref<1x64xf32, #tpu.memory_space<vmem>>, %arg6: memref<1000x64xf32, #tpu.memory_space<vmem>>, %arg7: memref<1000x64xf32, #tpu.memory_space<vmem>>) attributes {dimension_semantics = [#tpu.dimension_semantics<arbitrary>], iteration_bounds = array<i64: 10>, scalar_prefetch = 0 : i64, scratch_operands = 0 : i64, tpu.core_type = #tpu.core_type<tc>, window_params = [{transform_indices = @transform_0, window_bounds = array<i64: 1000, 64>}, {transform_indices = @transform_1, window_bounds = array<i64: 2, 1000, 64>}, {pipeline_mode = #tpu.pipeline_mode<synchronous>, transform_indices = @transform_2, window_bounds = array<i64: 64, 64>}, {pipeline_mode = #tpu.pipeline_mode<synchronous>, transform_indices = @transform_3, window_bounds = array<i64: 64, 64>}, {pipeline_mode = #tpu.pipeline_mode<synchronous>, transform_indices = @transform_4, window_bounds = array<i64: 1, 64>}, {transform_indices = @transform_5, window_bounds = array<i64: 1000, 64>}, {transform_indices = @transform_6, window_bounds = array<i64: 1000, 64>}]} {
    %get3A = arith.constant 0 : index
    %get3A_0 = arith.constant 0 : index
    %get3A_1 = vector.load %arg1[%get3A, %get3A_0] : memref<1000x64xf32, #tpu.memory_space<vmem>>, vector<1000x64xf32>
    %get3A_2 = arith.constant 0 : index
    %get3A_3 = arith.constant 0 : index
    %get3A_4 = arith.constant 0 : index
    %get3A_5 = vector.load %arg2[%get3A_2, %get3A_3, %get3A_4] : memref<2x1000x64xf32, #tpu.memory_space<vmem>>, vector<1x1000x64xf32>
    %get3A_6 = vector.shape_cast %get3A_5 : vector<1x1000x64xf32> to vector<1000x64xf32>
    %add3A = arith.addf %get3A_1, %get3A_6 : vector<1000x64xf32>
    %get3A_7 = arith.constant 1 : index
    %get3A_8 = arith.constant 0 : index
    %get3A_9 = arith.constant 0 : index
    %get3A_10 = vector.load %arg2[%get3A_7, %get3A_8, %get3A_9] : memref<2x1000x64xf32, #tpu.memory_space<vmem>>, vector<1x1000x64xf32>
    %get3A_11 = vector.shape_cast %get3A_10 : vector<1x1000x64xf32> to vector<1000x64xf32>
    %add3A_12 = arith.addf %add3A, %get3A_11 : vector<1000x64xf32>
    %gt3A = arith.constant 0.000000e+00 : f32
    %gt3A_13 = vector.broadcast %gt3A : f32 to vector<1000x64xf32>
    %gt3A_14 = arith.cmpf ogt, %add3A_12, %gt3A_13 : vector<1000x64xf32>
    %exp3A = math.exp %add3A_12 : vector<1000x64xf32>
    %sub3A = arith.constant 1.000000e+00 : f32
    %sub3A_15 = vector.broadcast %sub3A : f32 to vector<1000x64xf32>
    %sub3A_16 = arith.subf %exp3A, %sub3A_15 : vector<1000x64xf32>
    %select_n3A = arith.select %gt3A_14, %add3A_12, %sub3A_16 : vector<1000x64xi1>, vector<1000x64xf32>
    %get3A_17 = arith.constant 0 : index
    %get3A_18 = arith.constant 0 : index
    %get3A_19 = vector.load %arg3[%get3A_17, %get3A_18] : memref<64x64xf32, #tpu.memory_space<vmem>>, vector<64x64xf32>
    %dot_general3A = arith.constant dense<0.000000e+00> : vector<1000x64xf32>
    %dot_general3A_20 = tpu.matmul %select_n3A, %get3A_19, %dot_general3A {dimension_numbers = #tpu.dot_dimension_numbers<[1], [0], [0], [1], [0, 0, 1, 1], [], []>, transpose_lhs_hint = false} : vector<1000x64xf32>, vector<64x64xf32>, vector<1000x64xf32> -> vector<1000x64xf32>
    %get3A_21 = arith.constant 0 : index
    %get3A_22 = arith.constant 0 : index
    %get3A_23 = vector.load %arg5[%get3A_21, %get3A_22] : memref<1x64xf32, #tpu.memory_space<vmem>>, vector<1x64xf32>
    %add3A_24 = vector.broadcast %get3A_23 : vector<1x64xf32> to vector<1000x64xf32>
    %add3A_25 = arith.addf %dot_general3A_20, %add3A_24 : vector<1000x64xf32>
    %swap3A = arith.constant 0 : index
    %swap3A_26 = arith.constant 0 : index
    %swap3A_27 = vector.load %arg6[%swap3A, %swap3A_26] : memref<1000x64xf32, #tpu.memory_space<vmem>>, vector<1000x64xf32>
    tpu.vector_store %arg6[%swap3A, %swap3A_26], %add3A_25 {strides = array<i32>} : memref<1000x64xf32, #tpu.memory_space<vmem>>, vector<1000x64xf32>,
    %get3A_28 = arith.constant 0 : index
    %get3A_29 = arith.constant 0 : index
    %get3A_30 = vector.load %arg4[%get3A_28, %get3A_29] : memref<64x64xf32, #tpu.memory_space<vmem>>, vector<64x64xf32>
    %dot_general3A_31 = arith.constant dense<0.000000e+00> : vector<1000x64xf32>
    %dot_general3A_32 = tpu.matmul %select_n3A, %get3A_30, %dot_general3A_31 {dimension_numbers = #tpu.dot_dimension_numbers<[1], [0], [0], [1], [0, 0, 1, 1], [], []>, transpose_lhs_hint = false} : vector<1000x64xf32>, vector<64x64xf32>, vector<1000x64xf32> -> vector<1000x64xf32>
    %swap3A_33 = arith.constant 0 : index
    %swap3A_34 = arith.constant 0 : index
    %swap3A_35 = vector.load %arg7[%swap3A_33, %swap3A_34] : memref<1000x64xf32, #tpu.memory_space<vmem>>, vector<1000x64xf32>
    tpu.vector_store %arg7[%swap3A_33, %swap3A_34], %dot_general3A_32 {strides = array<i32>} : memref<1000x64xf32, #tpu.memory_space<vmem>>, vector<1000x64xf32>,
    return
  }
  func.func @transform_0(%arg0: i32) -> (i32, i32) {
    %c0_i32 = arith.constant 0 : i32
    %c0_i32_0 = arith.constant 0 : i32
    return %arg0, %c0_i32 : i32, i32
  }
  func.func @transform_1(%arg0: i32) -> (i32, i32, i32) {
    %c0_i32 = arith.constant 0 : i32
    %c0_i32_0 = arith.constant 0 : i32
    %c0_i32_1 = arith.constant 0 : i32
    return %c0_i32, %arg0, %c0_i32_0 : i32, i32, i32
  }
  func.func @transform_2(%arg0: i32) -> (i32, i32) {
    %c0_i32 = arith.constant 0 : i32
    %c0_i32_0 = arith.constant 0 : i32
    %c0_i32_1 = arith.constant 0 : i32
    return %c0_i32, %c0_i32_0 : i32, i32
  }
  func.func @transform_3(%arg0: i32) -> (i32, i32) {
    %c0_i32 = arith.constant 0 : i32
    %c0_i32_0 = arith.constant 0 : i32
    %c0_i32_1 = arith.constant 0 : i32
    return %c0_i32, %c0_i32_0 : i32, i32
  }
  func.func @transform_4(%arg0: i32) -> (i32, i32) {
    %c0_i32 = arith.constant 0 : i32
    %c0_i32_0 = arith.constant 0 : i32
    %c0_i32_1 = arith.constant 0 : i32
    return %c0_i32, %c0_i32_0 : i32, i32
  }
  func.func @transform_5(%arg0: i32) -> (i32, i32) {
    %c0_i32 = arith.constant 0 : i32
    %c0_i32_0 = arith.constant 0 : i32
    return %arg0, %c0_i32 : i32, i32
  }
  func.func @transform_6(%arg0: i32) -> (i32, i32) {
    %c0_i32 = arith.constant 0 : i32
    %c0_i32_0 = arith.constant 0 : i32
    return %arg0, %c0_i32 : i32, i32
  }
}

module attributes {stable_mosaic.version = 14 : i64} {
  func.func @body(%arg0: i32, %arg1: memref<1000x64xf32, #tpu.memory_space<vmem>>, %arg2: memref<2x1000x64xf32, #tpu.memory_space<vmem>>, %arg3: memref<1x1x1000xi32, #tpu.memory_space<vmem>>, %arg4: memref<1000x64xf32, #tpu.memory_space<vmem>>, %arg5: memref<64x64xf32, #tpu.memory_space<vmem>>, %arg6: memref<64x128xf32, #tpu.memory_space<vmem>>) attributes {dimension_semantics = [#tpu.dimension_semantics<arbitrary>], iteration_bounds = array<i64: 10>, scalar_prefetch = 0 : i64, scratch_operands = 0 : i64, tpu.core_type = #tpu.core_type<tc>, window_params = [{transform_indices = @transform_0, window_bounds = array<i64: 1000, 64>}, {transform_indices = @transform_1, window_bounds = array<i64: 2, 1000, 64>}, {transform_indices = @transform_2, window_bounds = array<i64: 1, 1, 1000>}, {transform_indices = @transform_3, window_bounds = array<i64: 1000, 64>}, {pipeline_mode = #tpu.pipeline_mode<synchronous>, transform_indices = @transform_4, window_bounds = array<i64: 64, 64>}, {pipeline_mode = #tpu.pipeline_mode<synchronous>, transform_indices = @transform_5, window_bounds = array<i64: 64, 128>}]} {
    %get3A = arith.constant 0 : index
    %get3A_0 = arith.constant 0 : index
    %get3A_1 = vector.load %arg1[%get3A, %get3A_0] : memref<1000x64xf32, #tpu.memory_space<vmem>>, vector<1000x64xf32>
    %get3A_2 = arith.constant 0 : index
    %get3A_3 = arith.constant 0 : index
    %get3A_4 = arith.constant 0 : index
    %get3A_5 = vector.load %arg2[%get3A_2, %get3A_3, %get3A_4] : memref<2x1000x64xf32, #tpu.memory_space<vmem>>, vector<1x1000x64xf32>
    %get3A_6 = vector.shape_cast %get3A_5 : vector<1x1000x64xf32> to vector<1000x64xf32>
    %add3A = arith.addf %get3A_1, %get3A_6 : vector<1000x64xf32>
    %get3A_7 = arith.constant 1 : index
    %get3A_8 = arith.constant 0 : index
    %get3A_9 = arith.constant 0 : index
    %get3A_10 = vector.load %arg2[%get3A_7, %get3A_8, %get3A_9] : memref<2x1000x64xf32, #tpu.memory_space<vmem>>, vector<1x1000x64xf32>
    %get3A_11 = vector.shape_cast %get3A_10 : vector<1x1000x64xf32> to vector<1000x64xf32>
    %add3A_12 = arith.addf %add3A, %get3A_11 : vector<1000x64xf32>
    %gt3A = arith.constant 0.000000e+00 : f32
    %gt3A_13 = vector.broadcast %gt3A : f32 to vector<1000x64xf32>
    %gt3A_14 = arith.cmpf ogt, %add3A_12, %gt3A_13 : vector<1000x64xf32>
    %exp3A = math.exp %add3A_12 : vector<1000x64xf32>
    %sub3A = arith.constant 1.000000e+00 : f32
    %sub3A_15 = vector.broadcast %sub3A : f32 to vector<1000x64xf32>
    %sub3A_16 = arith.subf %exp3A, %sub3A_15 : vector<1000x64xf32>
    %select_n3A = arith.select %gt3A_14, %add3A_12, %sub3A_16 : vector<1000x64xi1>, vector<1000x64xf32>
    %swap3A = arith.constant 0 : index
    %swap3A_17 = arith.constant 0 : index
    %swap3A_18 = vector.load %arg4[%swap3A, %swap3A_17] : memref<1000x64xf32, #tpu.memory_space<vmem>>, vector<1000x64xf32>
    tpu.vector_store %arg4[%swap3A, %swap3A_17], %select_n3A {strides = array<i32>} : memref<1000x64xf32, #tpu.memory_space<vmem>>, vector<1000x64xf32>,
    %get3A_19 = arith.constant 0 : index
    %get3A_20 = arith.constant 0 : index
    %get3A_21 = arith.constant 0 : index
    %get3A_22 = vector.load %arg3[%get3A_19, %get3A_20, %get3A_21] : memref<1x1x1000xi32, #tpu.memory_space<vmem>>, vector<1x1x1000xi32>
    %get3A_23 = vector.shape_cast %get3A_22 : vector<1x1x1000xi32> to vector<1000xi32>
    %broadcast_in_dim3A = vector.shape_cast %get3A_23 : vector<1000xi32> to vector<1x1000xi32>
    %iota3A = tpu.iota {dimensions = array<i32: 0>} : vector<64x1000xi32>
    %eq3A = vector.broadcast %broadcast_in_dim3A : vector<1x1000xi32> to vector<64x1000xi32>
    %eq3A_24 = arith.cmpi eq, %eq3A, %iota3A : vector<64x1000xi32>
    %convert_element_type3A = arith.extui %eq3A_24 : vector<64x1000xi1> to vector<64x1000xi32>
    %convert_element_type3A_25 = arith.sitofp %convert_element_type3A : vector<64x1000xi32> to vector<64x1000xf32>
    %eq3A_26 = arith.constant 0 : i32
    %eq3A_27 = arith.cmpi eq, %arg0, %eq3A_26 : i32
    %convert_element_type3A_28 = arith.extui %eq3A_27 : i1 to i32
    %cond3A = arith.constant 0 : i32
    %cond3A_29 = arith.cmpi ne, %convert_element_type3A_28, %cond3A : i32
    scf.if %cond3A_29 {
      %broadcast_in_dim3A_49 = arith.constant 0.000000e+00 : f32
      %broadcast_in_dim3A_50 = vector.broadcast %broadcast_in_dim3A_49 : f32 to vector<64x64xf32>
      %swap3A_51 = arith.constant 0 : index
      %swap3A_52 = arith.constant 0 : index
      %swap3A_53 = vector.load %arg5[%swap3A_51, %swap3A_52] : memref<64x64xf32, #tpu.memory_space<vmem>>, vector<64x64xf32>
      tpu.vector_store %arg5[%swap3A_51, %swap3A_52], %broadcast_in_dim3A_50 {strides = array<i32>} : memref<64x64xf32, #tpu.memory_space<vmem>>, vector<64x64xf32>,
      %broadcast_in_dim3A_54 = arith.constant 0.000000e+00 : f32
      %broadcast_in_dim3A_55 = vector.broadcast %broadcast_in_dim3A_54 : f32 to vector<64x128xf32>
      %swap3A_56 = arith.constant 0 : index
      %swap3A_57 = arith.constant 0 : index
      %swap3A_58 = vector.load %arg6[%swap3A_56, %swap3A_57] : memref<64x128xf32, #tpu.memory_space<vmem>>, vector<64x128xf32>
      tpu.vector_store %arg6[%swap3A_56, %swap3A_57], %broadcast_in_dim3A_55 {strides = array<i32>} : memref<64x128xf32, #tpu.memory_space<vmem>>, vector<64x128xf32>,
    } else {
    }
    %get3A_30 = arith.constant 0 : index
    %get3A_31 = arith.constant 0 : index
    %get3A_32 = vector.load %arg5[%get3A_30, %get3A_31] : memref<64x64xf32, #tpu.memory_space<vmem>>, vector<64x64xf32>
    %dot_general3A = arith.constant dense<0.000000e+00> : vector<64x64xf32>
    %dot_general3A_33 = tpu.matmul %convert_element_type3A_25, %select_n3A, %dot_general3A {dimension_numbers = #tpu.dot_dimension_numbers<[1], [0], [0], [1], [0, 0, 1, 1], [], []>, transpose_lhs_hint = false} : vector<64x1000xf32>, vector<1000x64xf32>, vector<64x64xf32> -> vector<64x64xf32>
    %add3A_34 = arith.addf %get3A_32, %dot_general3A_33 : vector<64x64xf32>
    %swap3A_35 = arith.constant 0 : index
    %swap3A_36 = arith.constant 0 : index
    %swap3A_37 = vector.load %arg5[%swap3A_35, %swap3A_36] : memref<64x64xf32, #tpu.memory_space<vmem>>, vector<64x64xf32>
    tpu.vector_store %arg5[%swap3A_35, %swap3A_36], %add3A_34 {strides = array<i32>} : memref<64x64xf32, #tpu.memory_space<vmem>>, vector<64x64xf32>,
    %get3A_38 = arith.constant 0 : index
    %get3A_39 = arith.constant 0 : index
    %get3A_40 = vector.load %arg6[%get3A_38, %get3A_39] : memref<64x128xf32, #tpu.memory_space<vmem>>, vector<64x128xf32>
    %reduce_sum3A = arith.constant dense<0.000000e+00> : vector<64xf32>
    %reduce_sum3A_41 = vector.multi_reduction <add>, %convert_element_type3A_25, %reduce_sum3A [1] : vector<64x1000xf32> to vector<64xf32>
    %broadcast_in_dim3A_42 = vector.shape_cast %reduce_sum3A_41 : vector<64xf32> to vector<64x1xf32>
    %broadcast_in_dim3A_43 = vector.shape_cast %broadcast_in_dim3A_42 : vector<64x1xf32> to vector<64x1xf32>
    %broadcast_in_dim3A_44 = vector.broadcast %broadcast_in_dim3A_43 : vector<64x1xf32> to vector<64x128xf32>
    %add3A_45 = arith.addf %get3A_40, %broadcast_in_dim3A_44 : vector<64x128xf32>
    %swap3A_46 = arith.constant 0 : index
    %swap3A_47 = arith.constant 0 : index
    %swap3A_48 = vector.load %arg6[%swap3A_46, %swap3A_47] : memref<64x128xf32, #tpu.memory_space<vmem>>, vector<64x128xf32>
    tpu.vector_store %arg6[%swap3A_46, %swap3A_47], %add3A_45 {strides = array<i32>} : memref<64x128xf32, #tpu.memory_space<vmem>>, vector<64x128xf32>,
    return
  }
  func.func @transform_0(%arg0: i32) -> (i32, i32) {
    %c0_i32 = arith.constant 0 : i32
    %c0_i32_0 = arith.constant 0 : i32
    return %arg0, %c0_i32 : i32, i32
  }
  func.func @transform_1(%arg0: i32) -> (i32, i32, i32) {
    %c0_i32 = arith.constant 0 : i32
    %c0_i32_0 = arith.constant 0 : i32
    %c0_i32_1 = arith.constant 0 : i32
    return %c0_i32, %arg0, %c0_i32_0 : i32, i32, i32
  }
  func.func @transform_2(%arg0: i32) -> (i32, i32, i32) {
    %c0_i32 = arith.constant 0 : i32
    %c0_i32_0 = arith.constant 0 : i32
    %c0_i32_1 = arith.constant 0 : i32
    return %arg0, %c0_i32, %c0_i32_0 : i32, i32, i32
  }
  func.func @transform_3(%arg0: i32) -> (i32, i32) {
    %c0_i32 = arith.constant 0 : i32
    %c0_i32_0 = arith.constant 0 : i32
    return %arg0, %c0_i32 : i32, i32
  }
  func.func @transform_4(%arg0: i32) -> (i32, i32) {
    %c0_i32 = arith.constant 0 : i32
    %c0_i32_0 = arith.constant 0 : i32
    %c0_i32_1 = arith.constant 0 : i32
    return %c0_i32, %c0_i32_0 : i32, i32
  }
  func.func @transform_5(%arg0: i32) -> (i32, i32) {
    %c0_i32 = arith.constant 0 : i32
    %c0_i32_0 = arith.constant 0 : i32
    %c0_i32_1 = arith.constant 0 : i32
    return %c0_i32, %c0_i32_0 : i32, i32
  }
}

module attributes {stable_mosaic.version = 14 : i64} {
  func.func @body(%arg0: i32, %arg1: memref<2x1000x64xf32, #tpu.memory_space<vmem>>, %arg2: memref<2x1000x16xf32, #tpu.memory_space<vmem>>, %arg3: memref<1000x16xf32, #tpu.memory_space<vmem>>, %arg4: memref<80x64xf32, #tpu.memory_space<vmem>>, %arg5: memref<80x64xf32, #tpu.memory_space<vmem>>, %arg6: memref<1x64xf32, #tpu.memory_space<vmem>>, %arg7: memref<1000x64xf32, #tpu.memory_space<vmem>>, %arg8: memref<1000x64xf32, #tpu.memory_space<vmem>>) attributes {dimension_semantics = [#tpu.dimension_semantics<arbitrary>], iteration_bounds = array<i64: 20>, scalar_prefetch = 0 : i64, scratch_operands = 0 : i64, tpu.core_type = #tpu.core_type<tc>, window_params = [{transform_indices = @transform_0, window_bounds = array<i64: 2, 1000, 64>}, {transform_indices = @transform_1, window_bounds = array<i64: 2, 1000, 16>}, {transform_indices = @transform_2, window_bounds = array<i64: 1000, 16>}, {pipeline_mode = #tpu.pipeline_mode<synchronous>, transform_indices = @transform_3, window_bounds = array<i64: 80, 64>}, {pipeline_mode = #tpu.pipeline_mode<synchronous>, transform_indices = @transform_4, window_bounds = array<i64: 80, 64>}, {pipeline_mode = #tpu.pipeline_mode<synchronous>, transform_indices = @transform_5, window_bounds = array<i64: 1, 64>}, {transform_indices = @transform_6, window_bounds = array<i64: 1000, 64>}, {transform_indices = @transform_7, window_bounds = array<i64: 1000, 64>}]} {
    %get3A = arith.constant 0 : index
    %get3A_0 = arith.constant 0 : index
    %get3A_1 = arith.constant 0 : index
    %get3A_2 = vector.load %arg2[%get3A, %get3A_0, %get3A_1] : memref<2x1000x16xf32, #tpu.memory_space<vmem>>, vector<1x1000x16xf32>
    %get3A_3 = vector.shape_cast %get3A_2 : vector<1x1000x16xf32> to vector<1000x16xf32>
    %get3A_4 = arith.constant 1 : index
    %get3A_5 = arith.constant 0 : index
    %get3A_6 = arith.constant 0 : index
    %get3A_7 = vector.load %arg2[%get3A_4, %get3A_5, %get3A_6] : memref<2x1000x16xf32, #tpu.memory_space<vmem>>, vector<1x1000x16xf32>
    %get3A_8 = vector.shape_cast %get3A_7 : vector<1x1000x16xf32> to vector<1000x16xf32>
    %add3A = arith.addf %get3A_3, %get3A_8 : vector<1000x16xf32>
    %get3A_9 = arith.constant 0 : index
    %get3A_10 = arith.constant 0 : index
    %get3A_11 = arith.constant 0 : index
    %get3A_12 = vector.load %arg1[%get3A_9, %get3A_10, %get3A_11] : memref<2x1000x64xf32, #tpu.memory_space<vmem>>, vector<1x1000x64xf32>
    %get3A_13 = vector.shape_cast %get3A_12 : vector<1x1000x64xf32> to vector<1000x64xf32>
    %get3A_14 = arith.constant 1 : index
    %get3A_15 = arith.constant 0 : index
    %get3A_16 = arith.constant 0 : index
    %get3A_17 = vector.load %arg1[%get3A_14, %get3A_15, %get3A_16] : memref<2x1000x64xf32, #tpu.memory_space<vmem>>, vector<1x1000x64xf32>
    %get3A_18 = vector.shape_cast %get3A_17 : vector<1x1000x64xf32> to vector<1000x64xf32>
    %add3A_19 = arith.addf %get3A_13, %get3A_18 : vector<1000x64xf32>
    %slice3A = vector.extract_strided_slice %add3A {offsets = [0, 0], sizes = [1000, 1], strides = [1, 1]} : vector<1000x16xf32> to vector<1000x1xf32>
    %jit3A = arith.constant 1.000000e+00 : f32
    %max3A = vector.broadcast %jit3A : f32 to vector<1000x1xf32>
    %max3A_20 = arith.maximumf %max3A, %slice3A : vector<1000x1xf32>
    %div3A = vector.broadcast %max3A_20 : vector<1000x1xf32> to vector<1000x64xf32>
    %div3A_21 = arith.divf %add3A_19, %div3A : vector<1000x64xf32>
    %get3A_22 = arith.constant 0 : index
    %get3A_23 = arith.constant 0 : index
    %get3A_24 = vector.load %arg3[%get3A_22, %get3A_23] : memref<1000x16xf32, #tpu.memory_space<vmem>>, vector<1000x16xf32>
    %get3A_25 = arith.constant 0 : index
    %get3A_26 = arith.constant 0 : index
    %get3A_27 = vector.load %arg4[%get3A_25, %get3A_26] : memref<80x64xf32, #tpu.memory_space<vmem>>, vector<64x64xf32>
    %dot_general3A = arith.constant dense<0.000000e+00> : vector<1000x64xf32>
    %dot_general3A_28 = tpu.matmul %div3A_21, %get3A_27, %dot_general3A {dimension_numbers = #tpu.dot_dimension_numbers<[1], [0], [0], [1], [0, 0, 1, 1], [], []>, transpose_lhs_hint = false} : vector<1000x64xf32>, vector<64x64xf32>, vector<1000x64xf32> -> vector<1000x64xf32>
    %get3A_29 = arith.constant 64 : index
    %get3A_30 = arith.constant 0 : index
    %get3A_31 = vector.load %arg4[%get3A_29, %get3A_30] : memref<80x64xf32, #tpu.memory_space<vmem>>, vector<16x64xf32>
    %dot_general3A_32 = arith.constant dense<0.000000e+00> : vector<1000x64xf32>
    %dot_general3A_33 = tpu.matmul %get3A_24, %get3A_31, %dot_general3A_32 {dimension_numbers = #tpu.dot_dimension_numbers<[1], [0], [0], [1], [0, 0, 1, 1], [], []>, transpose_lhs_hint = false} : vector<1000x16xf32>, vector<16x64xf32>, vector<1000x64xf32> -> vector<1000x64xf32>
    %add3A_34 = arith.addf %dot_general3A_28, %dot_general3A_33 : vector<1000x64xf32>
    %get3A_35 = arith.constant 0 : index
    %get3A_36 = arith.constant 0 : index
    %get3A_37 = vector.load %arg6[%get3A_35, %get3A_36] : memref<1x64xf32, #tpu.memory_space<vmem>>, vector<1x64xf32>
    %add3A_38 = vector.broadcast %get3A_37 : vector<1x64xf32> to vector<1000x64xf32>
    %add3A_39 = arith.addf %add3A_34, %add3A_38 : vector<1000x64xf32>
    %swap3A = arith.constant 0 : index
    %swap3A_40 = arith.constant 0 : index
    %swap3A_41 = vector.load %arg7[%swap3A, %swap3A_40] : memref<1000x64xf32, #tpu.memory_space<vmem>>, vector<1000x64xf32>
    tpu.vector_store %arg7[%swap3A, %swap3A_40], %add3A_39 {strides = array<i32>} : memref<1000x64xf32, #tpu.memory_space<vmem>>, vector<1000x64xf32>,
    %get3A_42 = arith.constant 0 : index
    %get3A_43 = arith.constant 0 : index
    %get3A_44 = vector.load %arg5[%get3A_42, %get3A_43] : memref<80x64xf32, #tpu.memory_space<vmem>>, vector<64x64xf32>
    %dot_general3A_45 = arith.constant dense<0.000000e+00> : vector<1000x64xf32>
    %dot_general3A_46 = tpu.matmul %div3A_21, %get3A_44, %dot_general3A_45 {dimension_numbers = #tpu.dot_dimension_numbers<[1], [0], [0], [1], [0, 0, 1, 1], [], []>, transpose_lhs_hint = false} : vector<1000x64xf32>, vector<64x64xf32>, vector<1000x64xf32> -> vector<1000x64xf32>
    %get3A_47 = arith.constant 64 : index
    %get3A_48 = arith.constant 0 : index
    %get3A_49 = vector.load %arg5[%get3A_47, %get3A_48] : memref<80x64xf32, #tpu.memory_space<vmem>>, vector<16x64xf32>
    %dot_general3A_50 = arith.constant dense<0.000000e+00> : vector<1000x64xf32>
    %dot_general3A_51 = tpu.matmul %get3A_24, %get3A_49, %dot_general3A_50 {dimension_numbers = #tpu.dot_dimension_numbers<[1], [0], [0], [1], [0, 0, 1, 1], [], []>, transpose_lhs_hint = false} : vector<1000x16xf32>, vector<16x64xf32>, vector<1000x64xf32> -> vector<1000x64xf32>
    %add3A_52 = arith.addf %dot_general3A_46, %dot_general3A_51 : vector<1000x64xf32>
    %swap3A_53 = arith.constant 0 : index
    %swap3A_54 = arith.constant 0 : index
    %swap3A_55 = vector.load %arg8[%swap3A_53, %swap3A_54] : memref<1000x64xf32, #tpu.memory_space<vmem>>, vector<1000x64xf32>
    tpu.vector_store %arg8[%swap3A_53, %swap3A_54], %add3A_52 {strides = array<i32>} : memref<1000x64xf32, #tpu.memory_space<vmem>>, vector<1000x64xf32>,
    return
  }
  func.func @transform_0(%arg0: i32) -> (i32, i32, i32) {
    %c0_i32 = arith.constant 0 : i32
    %c0_i32_0 = arith.constant 0 : i32
    %c0_i32_1 = arith.constant 0 : i32
    return %c0_i32, %arg0, %c0_i32_0 : i32, i32, i32
  }
  func.func @transform_1(%arg0: i32) -> (i32, i32, i32) {
    %c0_i32 = arith.constant 0 : i32
    %c0_i32_0 = arith.constant 0 : i32
    %c0_i32_1 = arith.constant 0 : i32
    return %c0_i32, %arg0, %c0_i32_0 : i32, i32, i32
  }
  func.func @transform_2(%arg0: i32) -> (i32, i32) {
    %c0_i32 = arith.constant 0 : i32
    %c0_i32_0 = arith.constant 0 : i32
    return %arg0, %c0_i32 : i32, i32
  }
  func.func @transform_3(%arg0: i32) -> (i32, i32) {
    %c0_i32 = arith.constant 0 : i32
    %c0_i32_0 = arith.constant 0 : i32
    %c0_i32_1 = arith.constant 0 : i32
    return %c0_i32, %c0_i32_0 : i32, i32
  }
  func.func @transform_4(%arg0: i32) -> (i32, i32) {
    %c0_i32 = arith.constant 0 : i32
    %c0_i32_0 = arith.constant 0 : i32
    %c0_i32_1 = arith.constant 0 : i32
    return %c0_i32, %c0_i32_0 : i32, i32
  }
  func.func @transform_5(%arg0: i32) -> (i32, i32) {
    %c0_i32 = arith.constant 0 : i32
    %c0_i32_0 = arith.constant 0 : i32
    %c0_i32_1 = arith.constant 0 : i32
    return %c0_i32, %c0_i32_0 : i32, i32
  }
  func.func @transform_6(%arg0: i32) -> (i32, i32) {
    %c0_i32 = arith.constant 0 : i32
    %c0_i32_0 = arith.constant 0 : i32
    return %arg0, %c0_i32 : i32, i32
  }
  func.func @transform_7(%arg0: i32) -> (i32, i32) {
    %c0_i32 = arith.constant 0 : i32
    %c0_i32_0 = arith.constant 0 : i32
    return %arg0, %c0_i32 : i32, i32
  }
}

module attributes {stable_mosaic.version = 14 : i64} {
  func.func @body(%arg0: i32, %arg1: memref<1000x64xf32, #tpu.memory_space<vmem>>, %arg2: memref<2x1000x64xf32, #tpu.memory_space<vmem>>, %arg3: memref<64x64xf32, #tpu.memory_space<vmem>>, %arg4: memref<64x64xf32, #tpu.memory_space<vmem>>, %arg5: memref<1x64xf32, #tpu.memory_space<vmem>>, %arg6: memref<1000x64xf32, #tpu.memory_space<vmem>>, %arg7: memref<1000x64xf32, #tpu.memory_space<vmem>>) attributes {dimension_semantics = [#tpu.dimension_semantics<arbitrary>], iteration_bounds = array<i64: 20>, scalar_prefetch = 0 : i64, scratch_operands = 0 : i64, tpu.core_type = #tpu.core_type<tc>, window_params = [{transform_indices = @transform_0, window_bounds = array<i64: 1000, 64>}, {transform_indices = @transform_1, window_bounds = array<i64: 2, 1000, 64>}, {pipeline_mode = #tpu.pipeline_mode<synchronous>, transform_indices = @transform_2, window_bounds = array<i64: 64, 64>}, {pipeline_mode = #tpu.pipeline_mode<synchronous>, transform_indices = @transform_3, window_bounds = array<i64: 64, 64>}, {pipeline_mode = #tpu.pipeline_mode<synchronous>, transform_indices = @transform_4, window_bounds = array<i64: 1, 64>}, {transform_indices = @transform_5, window_bounds = array<i64: 1000, 64>}, {transform_indices = @transform_6, window_bounds = array<i64: 1000, 64>}]} {
    %get3A = arith.constant 0 : index
    %get3A_0 = arith.constant 0 : index
    %get3A_1 = vector.load %arg1[%get3A, %get3A_0] : memref<1000x64xf32, #tpu.memory_space<vmem>>, vector<1000x64xf32>
    %get3A_2 = arith.constant 0 : index
    %get3A_3 = arith.constant 0 : index
    %get3A_4 = arith.constant 0 : index
    %get3A_5 = vector.load %arg2[%get3A_2, %get3A_3, %get3A_4] : memref<2x1000x64xf32, #tpu.memory_space<vmem>>, vector<1x1000x64xf32>
    %get3A_6 = vector.shape_cast %get3A_5 : vector<1x1000x64xf32> to vector<1000x64xf32>
    %add3A = arith.addf %get3A_1, %get3A_6 : vector<1000x64xf32>
    %get3A_7 = arith.constant 1 : index
    %get3A_8 = arith.constant 0 : index
    %get3A_9 = arith.constant 0 : index
    %get3A_10 = vector.load %arg2[%get3A_7, %get3A_8, %get3A_9] : memref<2x1000x64xf32, #tpu.memory_space<vmem>>, vector<1x1000x64xf32>
    %get3A_11 = vector.shape_cast %get3A_10 : vector<1x1000x64xf32> to vector<1000x64xf32>
    %add3A_12 = arith.addf %add3A, %get3A_11 : vector<1000x64xf32>
    %gt3A = arith.constant 0.000000e+00 : f32
    %gt3A_13 = vector.broadcast %gt3A : f32 to vector<1000x64xf32>
    %gt3A_14 = arith.cmpf ogt, %add3A_12, %gt3A_13 : vector<1000x64xf32>
    %exp3A = math.exp %add3A_12 : vector<1000x64xf32>
    %sub3A = arith.constant 1.000000e+00 : f32
    %sub3A_15 = vector.broadcast %sub3A : f32 to vector<1000x64xf32>
    %sub3A_16 = arith.subf %exp3A, %sub3A_15 : vector<1000x64xf32>
    %select_n3A = arith.select %gt3A_14, %add3A_12, %sub3A_16 : vector<1000x64xi1>, vector<1000x64xf32>
    %get3A_17 = arith.constant 0 : index
    %get3A_18 = arith.constant 0 : index
    %get3A_19 = vector.load %arg3[%get3A_17, %get3A_18] : memref<64x64xf32, #tpu.memory_space<vmem>>, vector<64x64xf32>
    %dot_general3A = arith.constant dense<0.000000e+00> : vector<1000x64xf32>
    %dot_general3A_20 = tpu.matmul %select_n3A, %get3A_19, %dot_general3A {dimension_numbers = #tpu.dot_dimension_numbers<[1], [0], [0], [1], [0, 0, 1, 1], [], []>, transpose_lhs_hint = false} : vector<1000x64xf32>, vector<64x64xf32>, vector<1000x64xf32> -> vector<1000x64xf32>
    %get3A_21 = arith.constant 0 : index
    %get3A_22 = arith.constant 0 : index
    %get3A_23 = vector.load %arg5[%get3A_21, %get3A_22] : memref<1x64xf32, #tpu.memory_space<vmem>>, vector<1x64xf32>
    %add3A_24 = vector.broadcast %get3A_23 : vector<1x64xf32> to vector<1000x64xf32>
    %add3A_25 = arith.addf %dot_general3A_20, %add3A_24 : vector<1000x64xf32>
    %swap3A = arith.constant 0 : index
    %swap3A_26 = arith.constant 0 : index
    %swap3A_27 = vector.load %arg6[%swap3A, %swap3A_26] : memref<1000x64xf32, #tpu.memory_space<vmem>>, vector<1000x64xf32>
    tpu.vector_store %arg6[%swap3A, %swap3A_26], %add3A_25 {strides = array<i32>} : memref<1000x64xf32, #tpu.memory_space<vmem>>, vector<1000x64xf32>,
    %get3A_28 = arith.constant 0 : index
    %get3A_29 = arith.constant 0 : index
    %get3A_30 = vector.load %arg4[%get3A_28, %get3A_29] : memref<64x64xf32, #tpu.memory_space<vmem>>, vector<64x64xf32>
    %dot_general3A_31 = arith.constant dense<0.000000e+00> : vector<1000x64xf32>
    %dot_general3A_32 = tpu.matmul %select_n3A, %get3A_30, %dot_general3A_31 {dimension_numbers = #tpu.dot_dimension_numbers<[1], [0], [0], [1], [0, 0, 1, 1], [], []>, transpose_lhs_hint = false} : vector<1000x64xf32>, vector<64x64xf32>, vector<1000x64xf32> -> vector<1000x64xf32>
    %swap3A_33 = arith.constant 0 : index
    %swap3A_34 = arith.constant 0 : index
    %swap3A_35 = vector.load %arg7[%swap3A_33, %swap3A_34] : memref<1000x64xf32, #tpu.memory_space<vmem>>, vector<1000x64xf32>
    tpu.vector_store %arg7[%swap3A_33, %swap3A_34], %dot_general3A_32 {strides = array<i32>} : memref<1000x64xf32, #tpu.memory_space<vmem>>, vector<1000x64xf32>,
    return
  }
  func.func @transform_0(%arg0: i32) -> (i32, i32) {
    %c0_i32 = arith.constant 0 : i32
    %c0_i32_0 = arith.constant 0 : i32
    return %arg0, %c0_i32 : i32, i32
  }
  func.func @transform_1(%arg0: i32) -> (i32, i32, i32) {
    %c0_i32 = arith.constant 0 : i32
    %c0_i32_0 = arith.constant 0 : i32
    %c0_i32_1 = arith.constant 0 : i32
    return %c0_i32, %arg0, %c0_i32_0 : i32, i32, i32
  }
  func.func @transform_2(%arg0: i32) -> (i32, i32) {
    %c0_i32 = arith.constant 0 : i32
    %c0_i32_0 = arith.constant 0 : i32
    %c0_i32_1 = arith.constant 0 : i32
    return %c0_i32, %c0_i32_0 : i32, i32
  }
  func.func @transform_3(%arg0: i32) -> (i32, i32) {
    %c0_i32 = arith.constant 0 : i32
    %c0_i32_0 = arith.constant 0 : i32
    %c0_i32_1 = arith.constant 0 : i32
    return %c0_i32, %c0_i32_0 : i32, i32
  }
  func.func @transform_4(%arg0: i32) -> (i32, i32) {
    %c0_i32 = arith.constant 0 : i32
    %c0_i32_0 = arith.constant 0 : i32
    %c0_i32_1 = arith.constant 0 : i32
    return %c0_i32, %c0_i32_0 : i32, i32
  }
  func.func @transform_5(%arg0: i32) -> (i32, i32) {
    %c0_i32 = arith.constant 0 : i32
    %c0_i32_0 = arith.constant 0 : i32
    return %arg0, %c0_i32 : i32, i32
  }
  func.func @transform_6(%arg0: i32) -> (i32, i32) {
    %c0_i32 = arith.constant 0 : i32
    %c0_i32_0 = arith.constant 0 : i32
    return %arg0, %c0_i32 : i32, i32
  }
}

module attributes {stable_mosaic.version = 14 : i64} {
  func.func @body(%arg0: i32, %arg1: memref<1000x64xf32, #tpu.memory_space<vmem>>, %arg2: memref<2x1000x64xf32, #tpu.memory_space<vmem>>, %arg3: memref<1x1x1000xi32, #tpu.memory_space<vmem>>, %arg4: memref<1000x64xf32, #tpu.memory_space<vmem>>, %arg5: memref<64x64xf32, #tpu.memory_space<vmem>>, %arg6: memref<64x128xf32, #tpu.memory_space<vmem>>) attributes {dimension_semantics = [#tpu.dimension_semantics<arbitrary>], iteration_bounds = array<i64: 20>, scalar_prefetch = 0 : i64, scratch_operands = 0 : i64, tpu.core_type = #tpu.core_type<tc>, window_params = [{transform_indices = @transform_0, window_bounds = array<i64: 1000, 64>}, {transform_indices = @transform_1, window_bounds = array<i64: 2, 1000, 64>}, {transform_indices = @transform_2, window_bounds = array<i64: 1, 1, 1000>}, {transform_indices = @transform_3, window_bounds = array<i64: 1000, 64>}, {pipeline_mode = #tpu.pipeline_mode<synchronous>, transform_indices = @transform_4, window_bounds = array<i64: 64, 64>}, {pipeline_mode = #tpu.pipeline_mode<synchronous>, transform_indices = @transform_5, window_bounds = array<i64: 64, 128>}]} {
    %get3A = arith.constant 0 : index
    %get3A_0 = arith.constant 0 : index
    %get3A_1 = vector.load %arg1[%get3A, %get3A_0] : memref<1000x64xf32, #tpu.memory_space<vmem>>, vector<1000x64xf32>
    %get3A_2 = arith.constant 0 : index
    %get3A_3 = arith.constant 0 : index
    %get3A_4 = arith.constant 0 : index
    %get3A_5 = vector.load %arg2[%get3A_2, %get3A_3, %get3A_4] : memref<2x1000x64xf32, #tpu.memory_space<vmem>>, vector<1x1000x64xf32>
    %get3A_6 = vector.shape_cast %get3A_5 : vector<1x1000x64xf32> to vector<1000x64xf32>
    %add3A = arith.addf %get3A_1, %get3A_6 : vector<1000x64xf32>
    %get3A_7 = arith.constant 1 : index
    %get3A_8 = arith.constant 0 : index
    %get3A_9 = arith.constant 0 : index
    %get3A_10 = vector.load %arg2[%get3A_7, %get3A_8, %get3A_9] : memref<2x1000x64xf32, #tpu.memory_space<vmem>>, vector<1x1000x64xf32>
    %get3A_11 = vector.shape_cast %get3A_10 : vector<1x1000x64xf32> to vector<1000x64xf32>
    %add3A_12 = arith.addf %add3A, %get3A_11 : vector<1000x64xf32>
    %gt3A = arith.constant 0.000000e+00 : f32
    %gt3A_13 = vector.broadcast %gt3A : f32 to vector<1000x64xf32>
    %gt3A_14 = arith.cmpf ogt, %add3A_12, %gt3A_13 : vector<1000x64xf32>
    %exp3A = math.exp %add3A_12 : vector<1000x64xf32>
    %sub3A = arith.constant 1.000000e+00 : f32
    %sub3A_15 = vector.broadcast %sub3A : f32 to vector<1000x64xf32>
    %sub3A_16 = arith.subf %exp3A, %sub3A_15 : vector<1000x64xf32>
    %select_n3A = arith.select %gt3A_14, %add3A_12, %sub3A_16 : vector<1000x64xi1>, vector<1000x64xf32>
    %swap3A = arith.constant 0 : index
    %swap3A_17 = arith.constant 0 : index
    %swap3A_18 = vector.load %arg4[%swap3A, %swap3A_17] : memref<1000x64xf32, #tpu.memory_space<vmem>>, vector<1000x64xf32>
    tpu.vector_store %arg4[%swap3A, %swap3A_17], %select_n3A {strides = array<i32>} : memref<1000x64xf32, #tpu.memory_space<vmem>>, vector<1000x64xf32>,
    %get3A_19 = arith.constant 0 : index
    %get3A_20 = arith.constant 0 : index
    %get3A_21 = arith.constant 0 : index
    %get3A_22 = vector.load %arg3[%get3A_19, %get3A_20, %get3A_21] : memref<1x1x1000xi32, #tpu.memory_space<vmem>>, vector<1x1x1000xi32>
    %get3A_23 = vector.shape_cast %get3A_22 : vector<1x1x1000xi32> to vector<1000xi32>
    %broadcast_in_dim3A = vector.shape_cast %get3A_23 : vector<1000xi32> to vector<1x1000xi32>
    %iota3A = tpu.iota {dimensions = array<i32: 0>} : vector<64x1000xi32>
    %eq3A = vector.broadcast %broadcast_in_dim3A : vector<1x1000xi32> to vector<64x1000xi32>
    %eq3A_24 = arith.cmpi eq, %eq3A, %iota3A : vector<64x1000xi32>
    %convert_element_type3A = arith.extui %eq3A_24 : vector<64x1000xi1> to vector<64x1000xi32>
    %convert_element_type3A_25 = arith.sitofp %convert_element_type3A : vector<64x1000xi32> to vector<64x1000xf32>
    %eq3A_26 = arith.constant 0 : i32
    %eq3A_27 = arith.cmpi eq, %arg0, %eq3A_26 : i32
    %convert_element_type3A_28 = arith.extui %eq3A_27 : i1 to i32
    %cond3A = arith.constant 0 : i32
    %cond3A_29 = arith.cmpi ne, %convert_element_type3A_28, %cond3A : i32
    scf.if %cond3A_29 {
      %broadcast_in_dim3A_49 = arith.constant 0.000000e+00 : f32
      %broadcast_in_dim3A_50 = vector.broadcast %broadcast_in_dim3A_49 : f32 to vector<64x64xf32>
      %swap3A_51 = arith.constant 0 : index
      %swap3A_52 = arith.constant 0 : index
      %swap3A_53 = vector.load %arg5[%swap3A_51, %swap3A_52] : memref<64x64xf32, #tpu.memory_space<vmem>>, vector<64x64xf32>
      tpu.vector_store %arg5[%swap3A_51, %swap3A_52], %broadcast_in_dim3A_50 {strides = array<i32>} : memref<64x64xf32, #tpu.memory_space<vmem>>, vector<64x64xf32>,
      %broadcast_in_dim3A_54 = arith.constant 0.000000e+00 : f32
      %broadcast_in_dim3A_55 = vector.broadcast %broadcast_in_dim3A_54 : f32 to vector<64x128xf32>
      %swap3A_56 = arith.constant 0 : index
      %swap3A_57 = arith.constant 0 : index
      %swap3A_58 = vector.load %arg6[%swap3A_56, %swap3A_57] : memref<64x128xf32, #tpu.memory_space<vmem>>, vector<64x128xf32>
      tpu.vector_store %arg6[%swap3A_56, %swap3A_57], %broadcast_in_dim3A_55 {strides = array<i32>} : memref<64x128xf32, #tpu.memory_space<vmem>>, vector<64x128xf32>,
    } else {
    }
    %get3A_30 = arith.constant 0 : index
    %get3A_31 = arith.constant 0 : index
    %get3A_32 = vector.load %arg5[%get3A_30, %get3A_31] : memref<64x64xf32, #tpu.memory_space<vmem>>, vector<64x64xf32>
    %dot_general3A = arith.constant dense<0.000000e+00> : vector<64x64xf32>
    %dot_general3A_33 = tpu.matmul %convert_element_type3A_25, %select_n3A, %dot_general3A {dimension_numbers = #tpu.dot_dimension_numbers<[1], [0], [0], [1], [0, 0, 1, 1], [], []>, transpose_lhs_hint = false} : vector<64x1000xf32>, vector<1000x64xf32>, vector<64x64xf32> -> vector<64x64xf32>
    %add3A_34 = arith.addf %get3A_32, %dot_general3A_33 : vector<64x64xf32>
    %swap3A_35 = arith.constant 0 : index
    %swap3A_36 = arith.constant 0 : index
    %swap3A_37 = vector.load %arg5[%swap3A_35, %swap3A_36] : memref<64x64xf32, #tpu.memory_space<vmem>>, vector<64x64xf32>
    tpu.vector_store %arg5[%swap3A_35, %swap3A_36], %add3A_34 {strides = array<i32>} : memref<64x64xf32, #tpu.memory_space<vmem>>, vector<64x64xf32>,
    %get3A_38 = arith.constant 0 : index
    %get3A_39 = arith.constant 0 : index
    %get3A_40 = vector.load %arg6[%get3A_38, %get3A_39] : memref<64x128xf32, #tpu.memory_space<vmem>>, vector<64x128xf32>
    %reduce_sum3A = arith.constant dense<0.000000e+00> : vector<64xf32>
    %reduce_sum3A_41 = vector.multi_reduction <add>, %convert_element_type3A_25, %reduce_sum3A [1] : vector<64x1000xf32> to vector<64xf32>
    %broadcast_in_dim3A_42 = vector.shape_cast %reduce_sum3A_41 : vector<64xf32> to vector<64x1xf32>
    %broadcast_in_dim3A_43 = vector.shape_cast %broadcast_in_dim3A_42 : vector<64x1xf32> to vector<64x1xf32>
    %broadcast_in_dim3A_44 = vector.broadcast %broadcast_in_dim3A_43 : vector<64x1xf32> to vector<64x128xf32>
    %add3A_45 = arith.addf %get3A_40, %broadcast_in_dim3A_44 : vector<64x128xf32>
    %swap3A_46 = arith.constant 0 : index
    %swap3A_47 = arith.constant 0 : index
    %swap3A_48 = vector.load %arg6[%swap3A_46, %swap3A_47] : memref<64x128xf32, #tpu.memory_space<vmem>>, vector<64x128xf32>
    tpu.vector_store %arg6[%swap3A_46, %swap3A_47], %add3A_45 {strides = array<i32>} : memref<64x128xf32, #tpu.memory_space<vmem>>, vector<64x128xf32>,
    return
  }
  func.func @transform_0(%arg0: i32) -> (i32, i32) {
    %c0_i32 = arith.constant 0 : i32
    %c0_i32_0 = arith.constant 0 : i32
    return %arg0, %c0_i32 : i32, i32
  }
  func.func @transform_1(%arg0: i32) -> (i32, i32, i32) {
    %c0_i32 = arith.constant 0 : i32
    %c0_i32_0 = arith.constant 0 : i32
    %c0_i32_1 = arith.constant 0 : i32
    return %c0_i32, %arg0, %c0_i32_0 : i32, i32, i32
  }
  func.func @transform_2(%arg0: i32) -> (i32, i32, i32) {
    %c0_i32 = arith.constant 0 : i32
    %c0_i32_0 = arith.constant 0 : i32
    %c0_i32_1 = arith.constant 0 : i32
    return %arg0, %c0_i32, %c0_i32_0 : i32, i32, i32
  }
  func.func @transform_3(%arg0: i32) -> (i32, i32) {
    %c0_i32 = arith.constant 0 : i32
    %c0_i32_0 = arith.constant 0 : i32
    return %arg0, %c0_i32 : i32, i32
  }
  func.func @transform_4(%arg0: i32) -> (i32, i32) {
    %c0_i32 = arith.constant 0 : i32
    %c0_i32_0 = arith.constant 0 : i32
    %c0_i32_1 = arith.constant 0 : i32
    return %c0_i32, %c0_i32_0 : i32, i32
  }
  func.func @transform_5(%arg0: i32) -> (i32, i32) {
    %c0_i32 = arith.constant 0 : i32
    %c0_i32_0 = arith.constant 0 : i32
    %c0_i32_1 = arith.constant 0 : i32
    return %c0_i32, %c0_i32_0 : i32, i32
  }
}

module attributes {stable_mosaic.version = 14 : i64} {
  func.func @body(%arg0: i32, %arg1: memref<2x1000x64xf32, #tpu.memory_space<vmem>>, %arg2: memref<2x1000x16xf32, #tpu.memory_space<vmem>>, %arg3: memref<1000x16xf32, #tpu.memory_space<vmem>>, %arg4: memref<80x64xf32, #tpu.memory_space<vmem>>, %arg5: memref<80x64xf32, #tpu.memory_space<vmem>>, %arg6: memref<1x64xf32, #tpu.memory_space<vmem>>, %arg7: memref<1000x64xf32, #tpu.memory_space<vmem>>, %arg8: memref<1000x64xf32, #tpu.memory_space<vmem>>) attributes {dimension_semantics = [#tpu.dimension_semantics<arbitrary>], iteration_bounds = array<i64: 15>, scalar_prefetch = 0 : i64, scratch_operands = 0 : i64, tpu.core_type = #tpu.core_type<tc>, window_params = [{transform_indices = @transform_0, window_bounds = array<i64: 2, 1000, 64>}, {transform_indices = @transform_1, window_bounds = array<i64: 2, 1000, 16>}, {transform_indices = @transform_2, window_bounds = array<i64: 1000, 16>}, {pipeline_mode = #tpu.pipeline_mode<synchronous>, transform_indices = @transform_3, window_bounds = array<i64: 80, 64>}, {pipeline_mode = #tpu.pipeline_mode<synchronous>, transform_indices = @transform_4, window_bounds = array<i64: 80, 64>}, {pipeline_mode = #tpu.pipeline_mode<synchronous>, transform_indices = @transform_5, window_bounds = array<i64: 1, 64>}, {transform_indices = @transform_6, window_bounds = array<i64: 1000, 64>}, {transform_indices = @transform_7, window_bounds = array<i64: 1000, 64>}]} {
    %get3A = arith.constant 0 : index
    %get3A_0 = arith.constant 0 : index
    %get3A_1 = arith.constant 0 : index
    %get3A_2 = vector.load %arg2[%get3A, %get3A_0, %get3A_1] : memref<2x1000x16xf32, #tpu.memory_space<vmem>>, vector<1x1000x16xf32>
    %get3A_3 = vector.shape_cast %get3A_2 : vector<1x1000x16xf32> to vector<1000x16xf32>
    %get3A_4 = arith.constant 1 : index
    %get3A_5 = arith.constant 0 : index
    %get3A_6 = arith.constant 0 : index
    %get3A_7 = vector.load %arg2[%get3A_4, %get3A_5, %get3A_6] : memref<2x1000x16xf32, #tpu.memory_space<vmem>>, vector<1x1000x16xf32>
    %get3A_8 = vector.shape_cast %get3A_7 : vector<1x1000x16xf32> to vector<1000x16xf32>
    %add3A = arith.addf %get3A_3, %get3A_8 : vector<1000x16xf32>
    %get3A_9 = arith.constant 0 : index
    %get3A_10 = arith.constant 0 : index
    %get3A_11 = arith.constant 0 : index
    %get3A_12 = vector.load %arg1[%get3A_9, %get3A_10, %get3A_11] : memref<2x1000x64xf32, #tpu.memory_space<vmem>>, vector<1x1000x64xf32>
    %get3A_13 = vector.shape_cast %get3A_12 : vector<1x1000x64xf32> to vector<1000x64xf32>
    %get3A_14 = arith.constant 1 : index
    %get3A_15 = arith.constant 0 : index
    %get3A_16 = arith.constant 0 : index
    %get3A_17 = vector.load %arg1[%get3A_14, %get3A_15, %get3A_16] : memref<2x1000x64xf32, #tpu.memory_space<vmem>>, vector<1x1000x64xf32>
    %get3A_18 = vector.shape_cast %get3A_17 : vector<1x1000x64xf32> to vector<1000x64xf32>
    %add3A_19 = arith.addf %get3A_13, %get3A_18 : vector<1000x64xf32>
    %slice3A = vector.extract_strided_slice %add3A {offsets = [0, 0], sizes = [1000, 1], strides = [1, 1]} : vector<1000x16xf32> to vector<1000x1xf32>
    %jit3A = arith.constant 1.000000e+00 : f32
    %max3A = vector.broadcast %jit3A : f32 to vector<1000x1xf32>
    %max3A_20 = arith.maximumf %max3A, %slice3A : vector<1000x1xf32>
    %div3A = vector.broadcast %max3A_20 : vector<1000x1xf32> to vector<1000x64xf32>
    %div3A_21 = arith.divf %add3A_19, %div3A : vector<1000x64xf32>
    %get3A_22 = arith.constant 0 : index
    %get3A_23 = arith.constant 0 : index
    %get3A_24 = vector.load %arg3[%get3A_22, %get3A_23] : memref<1000x16xf32, #tpu.memory_space<vmem>>, vector<1000x16xf32>
    %get3A_25 = arith.constant 0 : index
    %get3A_26 = arith.constant 0 : index
    %get3A_27 = vector.load %arg4[%get3A_25, %get3A_26] : memref<80x64xf32, #tpu.memory_space<vmem>>, vector<64x64xf32>
    %dot_general3A = arith.constant dense<0.000000e+00> : vector<1000x64xf32>
    %dot_general3A_28 = tpu.matmul %div3A_21, %get3A_27, %dot_general3A {dimension_numbers = #tpu.dot_dimension_numbers<[1], [0], [0], [1], [0, 0, 1, 1], [], []>, transpose_lhs_hint = false} : vector<1000x64xf32>, vector<64x64xf32>, vector<1000x64xf32> -> vector<1000x64xf32>
    %get3A_29 = arith.constant 64 : index
    %get3A_30 = arith.constant 0 : index
    %get3A_31 = vector.load %arg4[%get3A_29, %get3A_30] : memref<80x64xf32, #tpu.memory_space<vmem>>, vector<16x64xf32>
    %dot_general3A_32 = arith.constant dense<0.000000e+00> : vector<1000x64xf32>
    %dot_general3A_33 = tpu.matmul %get3A_24, %get3A_31, %dot_general3A_32 {dimension_numbers = #tpu.dot_dimension_numbers<[1], [0], [0], [1], [0, 0, 1, 1], [], []>, transpose_lhs_hint = false} : vector<1000x16xf32>, vector<16x64xf32>, vector<1000x64xf32> -> vector<1000x64xf32>
    %add3A_34 = arith.addf %dot_general3A_28, %dot_general3A_33 : vector<1000x64xf32>
    %get3A_35 = arith.constant 0 : index
    %get3A_36 = arith.constant 0 : index
    %get3A_37 = vector.load %arg6[%get3A_35, %get3A_36] : memref<1x64xf32, #tpu.memory_space<vmem>>, vector<1x64xf32>
    %add3A_38 = vector.broadcast %get3A_37 : vector<1x64xf32> to vector<1000x64xf32>
    %add3A_39 = arith.addf %add3A_34, %add3A_38 : vector<1000x64xf32>
    %swap3A = arith.constant 0 : index
    %swap3A_40 = arith.constant 0 : index
    %swap3A_41 = vector.load %arg7[%swap3A, %swap3A_40] : memref<1000x64xf32, #tpu.memory_space<vmem>>, vector<1000x64xf32>
    tpu.vector_store %arg7[%swap3A, %swap3A_40], %add3A_39 {strides = array<i32>} : memref<1000x64xf32, #tpu.memory_space<vmem>>, vector<1000x64xf32>,
    %get3A_42 = arith.constant 0 : index
    %get3A_43 = arith.constant 0 : index
    %get3A_44 = vector.load %arg5[%get3A_42, %get3A_43] : memref<80x64xf32, #tpu.memory_space<vmem>>, vector<64x64xf32>
    %dot_general3A_45 = arith.constant dense<0.000000e+00> : vector<1000x64xf32>
    %dot_general3A_46 = tpu.matmul %div3A_21, %get3A_44, %dot_general3A_45 {dimension_numbers = #tpu.dot_dimension_numbers<[1], [0], [0], [1], [0, 0, 1, 1], [], []>, transpose_lhs_hint = false} : vector<1000x64xf32>, vector<64x64xf32>, vector<1000x64xf32> -> vector<1000x64xf32>
    %get3A_47 = arith.constant 64 : index
    %get3A_48 = arith.constant 0 : index
    %get3A_49 = vector.load %arg5[%get3A_47, %get3A_48] : memref<80x64xf32, #tpu.memory_space<vmem>>, vector<16x64xf32>
    %dot_general3A_50 = arith.constant dense<0.000000e+00> : vector<1000x64xf32>
    %dot_general3A_51 = tpu.matmul %get3A_24, %get3A_49, %dot_general3A_50 {dimension_numbers = #tpu.dot_dimension_numbers<[1], [0], [0], [1], [0, 0, 1, 1], [], []>, transpose_lhs_hint = false} : vector<1000x16xf32>, vector<16x64xf32>, vector<1000x64xf32> -> vector<1000x64xf32>
    %add3A_52 = arith.addf %dot_general3A_46, %dot_general3A_51 : vector<1000x64xf32>
    %swap3A_53 = arith.constant 0 : index
    %swap3A_54 = arith.constant 0 : index
    %swap3A_55 = vector.load %arg8[%swap3A_53, %swap3A_54] : memref<1000x64xf32, #tpu.memory_space<vmem>>, vector<1000x64xf32>
    tpu.vector_store %arg8[%swap3A_53, %swap3A_54], %add3A_52 {strides = array<i32>} : memref<1000x64xf32, #tpu.memory_space<vmem>>, vector<1000x64xf32>,
    return
  }
  func.func @transform_0(%arg0: i32) -> (i32, i32, i32) {
    %c0_i32 = arith.constant 0 : i32
    %c0_i32_0 = arith.constant 0 : i32
    %c0_i32_1 = arith.constant 0 : i32
    return %c0_i32, %arg0, %c0_i32_0 : i32, i32, i32
  }
  func.func @transform_1(%arg0: i32) -> (i32, i32, i32) {
    %c0_i32 = arith.constant 0 : i32
    %c0_i32_0 = arith.constant 0 : i32
    %c0_i32_1 = arith.constant 0 : i32
    return %c0_i32, %arg0, %c0_i32_0 : i32, i32, i32
  }
  func.func @transform_2(%arg0: i32) -> (i32, i32) {
    %c0_i32 = arith.constant 0 : i32
    %c0_i32_0 = arith.constant 0 : i32
    return %arg0, %c0_i32 : i32, i32
  }
  func.func @transform_3(%arg0: i32) -> (i32, i32) {
    %c0_i32 = arith.constant 0 : i32
    %c0_i32_0 = arith.constant 0 : i32
    %c0_i32_1 = arith.constant 0 : i32
    return %c0_i32, %c0_i32_0 : i32, i32
  }
  func.func @transform_4(%arg0: i32) -> (i32, i32) {
    %c0_i32 = arith.constant 0 : i32
    %c0_i32_0 = arith.constant 0 : i32
    %c0_i32_1 = arith.constant 0 : i32
    return %c0_i32, %c0_i32_0 : i32, i32
  }
  func.func @transform_5(%arg0: i32) -> (i32, i32) {
    %c0_i32 = arith.constant 0 : i32
    %c0_i32_0 = arith.constant 0 : i32
    %c0_i32_1 = arith.constant 0 : i32
    return %c0_i32, %c0_i32_0 : i32, i32
  }
  func.func @transform_6(%arg0: i32) -> (i32, i32) {
    %c0_i32 = arith.constant 0 : i32
    %c0_i32_0 = arith.constant 0 : i32
    return %arg0, %c0_i32 : i32, i32
  }
  func.func @transform_7(%arg0: i32) -> (i32, i32) {
    %c0_i32 = arith.constant 0 : i32
    %c0_i32_0 = arith.constant 0 : i32
    return %arg0, %c0_i32 : i32, i32
  }
}

module attributes {stable_mosaic.version = 14 : i64} {
  func.func @body(%arg0: i32, %arg1: memref<1000x64xf32, #tpu.memory_space<vmem>>, %arg2: memref<2x1000x64xf32, #tpu.memory_space<vmem>>, %arg3: memref<64x64xf32, #tpu.memory_space<vmem>>, %arg4: memref<64x64xf32, #tpu.memory_space<vmem>>, %arg5: memref<1x64xf32, #tpu.memory_space<vmem>>, %arg6: memref<1000x64xf32, #tpu.memory_space<vmem>>, %arg7: memref<1000x64xf32, #tpu.memory_space<vmem>>) attributes {dimension_semantics = [#tpu.dimension_semantics<arbitrary>], iteration_bounds = array<i64: 15>, scalar_prefetch = 0 : i64, scratch_operands = 0 : i64, tpu.core_type = #tpu.core_type<tc>, window_params = [{transform_indices = @transform_0, window_bounds = array<i64: 1000, 64>}, {transform_indices = @transform_1, window_bounds = array<i64: 2, 1000, 64>}, {pipeline_mode = #tpu.pipeline_mode<synchronous>, transform_indices = @transform_2, window_bounds = array<i64: 64, 64>}, {pipeline_mode = #tpu.pipeline_mode<synchronous>, transform_indices = @transform_3, window_bounds = array<i64: 64, 64>}, {pipeline_mode = #tpu.pipeline_mode<synchronous>, transform_indices = @transform_4, window_bounds = array<i64: 1, 64>}, {transform_indices = @transform_5, window_bounds = array<i64: 1000, 64>}, {transform_indices = @transform_6, window_bounds = array<i64: 1000, 64>}]} {
    %get3A = arith.constant 0 : index
    %get3A_0 = arith.constant 0 : index
    %get3A_1 = vector.load %arg1[%get3A, %get3A_0] : memref<1000x64xf32, #tpu.memory_space<vmem>>, vector<1000x64xf32>
    %get3A_2 = arith.constant 0 : index
    %get3A_3 = arith.constant 0 : index
    %get3A_4 = arith.constant 0 : index
    %get3A_5 = vector.load %arg2[%get3A_2, %get3A_3, %get3A_4] : memref<2x1000x64xf32, #tpu.memory_space<vmem>>, vector<1x1000x64xf32>
    %get3A_6 = vector.shape_cast %get3A_5 : vector<1x1000x64xf32> to vector<1000x64xf32>
    %add3A = arith.addf %get3A_1, %get3A_6 : vector<1000x64xf32>
    %get3A_7 = arith.constant 1 : index
    %get3A_8 = arith.constant 0 : index
    %get3A_9 = arith.constant 0 : index
    %get3A_10 = vector.load %arg2[%get3A_7, %get3A_8, %get3A_9] : memref<2x1000x64xf32, #tpu.memory_space<vmem>>, vector<1x1000x64xf32>
    %get3A_11 = vector.shape_cast %get3A_10 : vector<1x1000x64xf32> to vector<1000x64xf32>
    %add3A_12 = arith.addf %add3A, %get3A_11 : vector<1000x64xf32>
    %gt3A = arith.constant 0.000000e+00 : f32
    %gt3A_13 = vector.broadcast %gt3A : f32 to vector<1000x64xf32>
    %gt3A_14 = arith.cmpf ogt, %add3A_12, %gt3A_13 : vector<1000x64xf32>
    %exp3A = math.exp %add3A_12 : vector<1000x64xf32>
    %sub3A = arith.constant 1.000000e+00 : f32
    %sub3A_15 = vector.broadcast %sub3A : f32 to vector<1000x64xf32>
    %sub3A_16 = arith.subf %exp3A, %sub3A_15 : vector<1000x64xf32>
    %select_n3A = arith.select %gt3A_14, %add3A_12, %sub3A_16 : vector<1000x64xi1>, vector<1000x64xf32>
    %get3A_17 = arith.constant 0 : index
    %get3A_18 = arith.constant 0 : index
    %get3A_19 = vector.load %arg3[%get3A_17, %get3A_18] : memref<64x64xf32, #tpu.memory_space<vmem>>, vector<64x64xf32>
    %dot_general3A = arith.constant dense<0.000000e+00> : vector<1000x64xf32>
    %dot_general3A_20 = tpu.matmul %select_n3A, %get3A_19, %dot_general3A {dimension_numbers = #tpu.dot_dimension_numbers<[1], [0], [0], [1], [0, 0, 1, 1], [], []>, transpose_lhs_hint = false} : vector<1000x64xf32>, vector<64x64xf32>, vector<1000x64xf32> -> vector<1000x64xf32>
    %get3A_21 = arith.constant 0 : index
    %get3A_22 = arith.constant 0 : index
    %get3A_23 = vector.load %arg5[%get3A_21, %get3A_22] : memref<1x64xf32, #tpu.memory_space<vmem>>, vector<1x64xf32>
    %add3A_24 = vector.broadcast %get3A_23 : vector<1x64xf32> to vector<1000x64xf32>
    %add3A_25 = arith.addf %dot_general3A_20, %add3A_24 : vector<1000x64xf32>
    %swap3A = arith.constant 0 : index
    %swap3A_26 = arith.constant 0 : index
    %swap3A_27 = vector.load %arg6[%swap3A, %swap3A_26] : memref<1000x64xf32, #tpu.memory_space<vmem>>, vector<1000x64xf32>
    tpu.vector_store %arg6[%swap3A, %swap3A_26], %add3A_25 {strides = array<i32>} : memref<1000x64xf32, #tpu.memory_space<vmem>>, vector<1000x64xf32>,
    %get3A_28 = arith.constant 0 : index
    %get3A_29 = arith.constant 0 : index
    %get3A_30 = vector.load %arg4[%get3A_28, %get3A_29] : memref<64x64xf32, #tpu.memory_space<vmem>>, vector<64x64xf32>
    %dot_general3A_31 = arith.constant dense<0.000000e+00> : vector<1000x64xf32>
    %dot_general3A_32 = tpu.matmul %select_n3A, %get3A_30, %dot_general3A_31 {dimension_numbers = #tpu.dot_dimension_numbers<[1], [0], [0], [1], [0, 0, 1, 1], [], []>, transpose_lhs_hint = false} : vector<1000x64xf32>, vector<64x64xf32>, vector<1000x64xf32> -> vector<1000x64xf32>
    %swap3A_33 = arith.constant 0 : index
    %swap3A_34 = arith.constant 0 : index
    %swap3A_35 = vector.load %arg7[%swap3A_33, %swap3A_34] : memref<1000x64xf32, #tpu.memory_space<vmem>>, vector<1000x64xf32>
    tpu.vector_store %arg7[%swap3A_33, %swap3A_34], %dot_general3A_32 {strides = array<i32>} : memref<1000x64xf32, #tpu.memory_space<vmem>>, vector<1000x64xf32>,
    return
  }
  func.func @transform_0(%arg0: i32) -> (i32, i32) {
    %c0_i32 = arith.constant 0 : i32
    %c0_i32_0 = arith.constant 0 : i32
    return %arg0, %c0_i32 : i32, i32
  }
  func.func @transform_1(%arg0: i32) -> (i32, i32, i32) {
    %c0_i32 = arith.constant 0 : i32
    %c0_i32_0 = arith.constant 0 : i32
    %c0_i32_1 = arith.constant 0 : i32
    return %c0_i32, %arg0, %c0_i32_0 : i32, i32, i32
  }
  func.func @transform_2(%arg0: i32) -> (i32, i32) {
    %c0_i32 = arith.constant 0 : i32
    %c0_i32_0 = arith.constant 0 : i32
    %c0_i32_1 = arith.constant 0 : i32
    return %c0_i32, %c0_i32_0 : i32, i32
  }
  func.func @transform_3(%arg0: i32) -> (i32, i32) {
    %c0_i32 = arith.constant 0 : i32
    %c0_i32_0 = arith.constant 0 : i32
    %c0_i32_1 = arith.constant 0 : i32
    return %c0_i32, %c0_i32_0 : i32, i32
  }
  func.func @transform_4(%arg0: i32) -> (i32, i32) {
    %c0_i32 = arith.constant 0 : i32
    %c0_i32_0 = arith.constant 0 : i32
    %c0_i32_1 = arith.constant 0 : i32
    return %c0_i32, %c0_i32_0 : i32, i32
  }
  func.func @transform_5(%arg0: i32) -> (i32, i32) {
    %c0_i32 = arith.constant 0 : i32
    %c0_i32_0 = arith.constant 0 : i32
    return %arg0, %c0_i32 : i32, i32
  }
  func.func @transform_6(%arg0: i32) -> (i32, i32) {
    %c0_i32 = arith.constant 0 : i32
    %c0_i32_0 = arith.constant 0 : i32
    return %arg0, %c0_i32 : i32, i32
  }
}

module attributes {stable_mosaic.version = 14 : i64} {
  func.func @body(%arg0: i32, %arg1: memref<1000x64xf32, #tpu.memory_space<vmem>>, %arg2: memref<2x1000x64xf32, #tpu.memory_space<vmem>>, %arg3: memref<1x1x1000xi32, #tpu.memory_space<vmem>>, %arg4: memref<1000x64xf32, #tpu.memory_space<vmem>>, %arg5: memref<64x64xf32, #tpu.memory_space<vmem>>, %arg6: memref<64x128xf32, #tpu.memory_space<vmem>>) attributes {dimension_semantics = [#tpu.dimension_semantics<arbitrary>], iteration_bounds = array<i64: 15>, scalar_prefetch = 0 : i64, scratch_operands = 0 : i64, tpu.core_type = #tpu.core_type<tc>, window_params = [{transform_indices = @transform_0, window_bounds = array<i64: 1000, 64>}, {transform_indices = @transform_1, window_bounds = array<i64: 2, 1000, 64>}, {transform_indices = @transform_2, window_bounds = array<i64: 1, 1, 1000>}, {transform_indices = @transform_3, window_bounds = array<i64: 1000, 64>}, {pipeline_mode = #tpu.pipeline_mode<synchronous>, transform_indices = @transform_4, window_bounds = array<i64: 64, 64>}, {pipeline_mode = #tpu.pipeline_mode<synchronous>, transform_indices = @transform_5, window_bounds = array<i64: 64, 128>}]} {
    %get3A = arith.constant 0 : index
    %get3A_0 = arith.constant 0 : index
    %get3A_1 = vector.load %arg1[%get3A, %get3A_0] : memref<1000x64xf32, #tpu.memory_space<vmem>>, vector<1000x64xf32>
    %get3A_2 = arith.constant 0 : index
    %get3A_3 = arith.constant 0 : index
    %get3A_4 = arith.constant 0 : index
    %get3A_5 = vector.load %arg2[%get3A_2, %get3A_3, %get3A_4] : memref<2x1000x64xf32, #tpu.memory_space<vmem>>, vector<1x1000x64xf32>
    %get3A_6 = vector.shape_cast %get3A_5 : vector<1x1000x64xf32> to vector<1000x64xf32>
    %add3A = arith.addf %get3A_1, %get3A_6 : vector<1000x64xf32>
    %get3A_7 = arith.constant 1 : index
    %get3A_8 = arith.constant 0 : index
    %get3A_9 = arith.constant 0 : index
    %get3A_10 = vector.load %arg2[%get3A_7, %get3A_8, %get3A_9] : memref<2x1000x64xf32, #tpu.memory_space<vmem>>, vector<1x1000x64xf32>
    %get3A_11 = vector.shape_cast %get3A_10 : vector<1x1000x64xf32> to vector<1000x64xf32>
    %add3A_12 = arith.addf %add3A, %get3A_11 : vector<1000x64xf32>
    %gt3A = arith.constant 0.000000e+00 : f32
    %gt3A_13 = vector.broadcast %gt3A : f32 to vector<1000x64xf32>
    %gt3A_14 = arith.cmpf ogt, %add3A_12, %gt3A_13 : vector<1000x64xf32>
    %exp3A = math.exp %add3A_12 : vector<1000x64xf32>
    %sub3A = arith.constant 1.000000e+00 : f32
    %sub3A_15 = vector.broadcast %sub3A : f32 to vector<1000x64xf32>
    %sub3A_16 = arith.subf %exp3A, %sub3A_15 : vector<1000x64xf32>
    %select_n3A = arith.select %gt3A_14, %add3A_12, %sub3A_16 : vector<1000x64xi1>, vector<1000x64xf32>
    %swap3A = arith.constant 0 : index
    %swap3A_17 = arith.constant 0 : index
    %swap3A_18 = vector.load %arg4[%swap3A, %swap3A_17] : memref<1000x64xf32, #tpu.memory_space<vmem>>, vector<1000x64xf32>
    tpu.vector_store %arg4[%swap3A, %swap3A_17], %select_n3A {strides = array<i32>} : memref<1000x64xf32, #tpu.memory_space<vmem>>, vector<1000x64xf32>,
    %get3A_19 = arith.constant 0 : index
    %get3A_20 = arith.constant 0 : index
    %get3A_21 = arith.constant 0 : index
    %get3A_22 = vector.load %arg3[%get3A_19, %get3A_20, %get3A_21] : memref<1x1x1000xi32, #tpu.memory_space<vmem>>, vector<1x1x1000xi32>
    %get3A_23 = vector.shape_cast %get3A_22 : vector<1x1x1000xi32> to vector<1000xi32>
    %broadcast_in_dim3A = vector.shape_cast %get3A_23 : vector<1000xi32> to vector<1x1000xi32>
    %iota3A = tpu.iota {dimensions = array<i32: 0>} : vector<64x1000xi32>
    %eq3A = vector.broadcast %broadcast_in_dim3A : vector<1x1000xi32> to vector<64x1000xi32>
    %eq3A_24 = arith.cmpi eq, %eq3A, %iota3A : vector<64x1000xi32>
    %convert_element_type3A = arith.extui %eq3A_24 : vector<64x1000xi1> to vector<64x1000xi32>
    %convert_element_type3A_25 = arith.sitofp %convert_element_type3A : vector<64x1000xi32> to vector<64x1000xf32>
    %eq3A_26 = arith.constant 0 : i32
    %eq3A_27 = arith.cmpi eq, %arg0, %eq3A_26 : i32
    %convert_element_type3A_28 = arith.extui %eq3A_27 : i1 to i32
    %cond3A = arith.constant 0 : i32
    %cond3A_29 = arith.cmpi ne, %convert_element_type3A_28, %cond3A : i32
    scf.if %cond3A_29 {
      %broadcast_in_dim3A_49 = arith.constant 0.000000e+00 : f32
      %broadcast_in_dim3A_50 = vector.broadcast %broadcast_in_dim3A_49 : f32 to vector<64x64xf32>
      %swap3A_51 = arith.constant 0 : index
      %swap3A_52 = arith.constant 0 : index
      %swap3A_53 = vector.load %arg5[%swap3A_51, %swap3A_52] : memref<64x64xf32, #tpu.memory_space<vmem>>, vector<64x64xf32>
      tpu.vector_store %arg5[%swap3A_51, %swap3A_52], %broadcast_in_dim3A_50 {strides = array<i32>} : memref<64x64xf32, #tpu.memory_space<vmem>>, vector<64x64xf32>,
      %broadcast_in_dim3A_54 = arith.constant 0.000000e+00 : f32
      %broadcast_in_dim3A_55 = vector.broadcast %broadcast_in_dim3A_54 : f32 to vector<64x128xf32>
      %swap3A_56 = arith.constant 0 : index
      %swap3A_57 = arith.constant 0 : index
      %swap3A_58 = vector.load %arg6[%swap3A_56, %swap3A_57] : memref<64x128xf32, #tpu.memory_space<vmem>>, vector<64x128xf32>
      tpu.vector_store %arg6[%swap3A_56, %swap3A_57], %broadcast_in_dim3A_55 {strides = array<i32>} : memref<64x128xf32, #tpu.memory_space<vmem>>, vector<64x128xf32>,
    } else {
    }
    %get3A_30 = arith.constant 0 : index
    %get3A_31 = arith.constant 0 : index
    %get3A_32 = vector.load %arg5[%get3A_30, %get3A_31] : memref<64x64xf32, #tpu.memory_space<vmem>>, vector<64x64xf32>
    %dot_general3A = arith.constant dense<0.000000e+00> : vector<64x64xf32>
    %dot_general3A_33 = tpu.matmul %convert_element_type3A_25, %select_n3A, %dot_general3A {dimension_numbers = #tpu.dot_dimension_numbers<[1], [0], [0], [1], [0, 0, 1, 1], [], []>, transpose_lhs_hint = false} : vector<64x1000xf32>, vector<1000x64xf32>, vector<64x64xf32> -> vector<64x64xf32>
    %add3A_34 = arith.addf %get3A_32, %dot_general3A_33 : vector<64x64xf32>
    %swap3A_35 = arith.constant 0 : index
    %swap3A_36 = arith.constant 0 : index
    %swap3A_37 = vector.load %arg5[%swap3A_35, %swap3A_36] : memref<64x64xf32, #tpu.memory_space<vmem>>, vector<64x64xf32>
    tpu.vector_store %arg5[%swap3A_35, %swap3A_36], %add3A_34 {strides = array<i32>} : memref<64x64xf32, #tpu.memory_space<vmem>>, vector<64x64xf32>,
    %get3A_38 = arith.constant 0 : index
    %get3A_39 = arith.constant 0 : index
    %get3A_40 = vector.load %arg6[%get3A_38, %get3A_39] : memref<64x128xf32, #tpu.memory_space<vmem>>, vector<64x128xf32>
    %reduce_sum3A = arith.constant dense<0.000000e+00> : vector<64xf32>
    %reduce_sum3A_41 = vector.multi_reduction <add>, %convert_element_type3A_25, %reduce_sum3A [1] : vector<64x1000xf32> to vector<64xf32>
    %broadcast_in_dim3A_42 = vector.shape_cast %reduce_sum3A_41 : vector<64xf32> to vector<64x1xf32>
    %broadcast_in_dim3A_43 = vector.shape_cast %broadcast_in_dim3A_42 : vector<64x1xf32> to vector<64x1xf32>
    %broadcast_in_dim3A_44 = vector.broadcast %broadcast_in_dim3A_43 : vector<64x1xf32> to vector<64x128xf32>
    %add3A_45 = arith.addf %get3A_40, %broadcast_in_dim3A_44 : vector<64x128xf32>
    %swap3A_46 = arith.constant 0 : index
    %swap3A_47 = arith.constant 0 : index
    %swap3A_48 = vector.load %arg6[%swap3A_46, %swap3A_47] : memref<64x128xf32, #tpu.memory_space<vmem>>, vector<64x128xf32>
    tpu.vector_store %arg6[%swap3A_46, %swap3A_47], %add3A_45 {strides = array<i32>} : memref<64x128xf32, #tpu.memory_space<vmem>>, vector<64x128xf32>,
    return
  }
  func.func @transform_0(%arg0: i32) -> (i32, i32) {
    %c0_i32 = arith.constant 0 : i32
    %c0_i32_0 = arith.constant 0 : i32
    return %arg0, %c0_i32 : i32, i32
  }
  func.func @transform_1(%arg0: i32) -> (i32, i32, i32) {
    %c0_i32 = arith.constant 0 : i32
    %c0_i32_0 = arith.constant 0 : i32
    %c0_i32_1 = arith.constant 0 : i32
    return %c0_i32, %arg0, %c0_i32_0 : i32, i32, i32
  }
  func.func @transform_2(%arg0: i32) -> (i32, i32, i32) {
    %c0_i32 = arith.constant 0 : i32
    %c0_i32_0 = arith.constant 0 : i32
    %c0_i32_1 = arith.constant 0 : i32
    return %arg0, %c0_i32, %c0_i32_0 : i32, i32, i32
  }
  func.func @transform_3(%arg0: i32) -> (i32, i32) {
    %c0_i32 = arith.constant 0 : i32
    %c0_i32_0 = arith.constant 0 : i32
    return %arg0, %c0_i32 : i32, i32
  }
  func.func @transform_4(%arg0: i32) -> (i32, i32) {
    %c0_i32 = arith.constant 0 : i32
    %c0_i32_0 = arith.constant 0 : i32
    %c0_i32_1 = arith.constant 0 : i32
    return %c0_i32, %c0_i32_0 : i32, i32
  }
  func.func @transform_5(%arg0: i32) -> (i32, i32) {
    %c0_i32 = arith.constant 0 : i32
    %c0_i32_0 = arith.constant 0 : i32
    %c0_i32_1 = arith.constant 0 : i32
    return %c0_i32, %c0_i32_0 : i32, i32
  }
}

module attributes {stable_mosaic.version = 14 : i64} {
  func.func @body(%arg0: memref<64x64xf32, #tpu.memory_space<vmem>>, %arg1: memref<64x128xf32, #tpu.memory_space<vmem>>, %arg2: memref<64x64xf32, #tpu.memory_space<vmem>>, %arg3: memref<64x128xf32, #tpu.memory_space<vmem>>, %arg4: memref<64x64xf32, #tpu.memory_space<vmem>>, %arg5: memref<64x128xf32, #tpu.memory_space<vmem>>, %arg6: memref<192x64xf32, #tpu.memory_space<vmem>>, %arg7: memref<1x64xf32, #tpu.memory_space<vmem>>, %arg8: memref<64x32xf32, #tpu.memory_space<vmem>>, %arg9: memref<1x32xf32, #tpu.memory_space<vmem>>, %arg10: memref<32x10xf32, #tpu.memory_space<vmem>>, %arg11: memref<1x10xf32, #tpu.memory_space<vmem>>, %arg12: memref<64x10xf32, #tpu.memory_space<vmem>>) attributes {dimension_semantics = [], scalar_prefetch = 0 : i64, scratch_operands = 0 : i64, tpu.core_type = #tpu.core_type<tc>} {
    %get3A = arith.constant 0 : index
    %get3A_0 = arith.constant 0 : index
    %get3A_1 = vector.load %arg0[%get3A, %get3A_0] : memref<64x64xf32, #tpu.memory_space<vmem>>, vector<64x64xf32>
    %get3A_2 = arith.constant 0 : index
    %get3A_3 = arith.constant 0 : index
    %get3A_4 = vector.load %arg1[%get3A_2, %get3A_3] : memref<64x128xf32, #tpu.memory_space<vmem>>, vector<64x128xf32>
    %slice3A = vector.extract_strided_slice %get3A_4 {offsets = [0, 0], sizes = [64, 64], strides = [1, 1]} : vector<64x128xf32> to vector<64x64xf32>
    %jit3A = arith.constant 1.000000e+00 : f32
    %max3A = vector.broadcast %jit3A : f32 to vector<64x64xf32>
    %max3A_5 = arith.maximumf %max3A, %slice3A : vector<64x64xf32>
    %div3A = arith.divf %get3A_1, %max3A_5 : vector<64x64xf32>
    %get3A_6 = arith.constant 0 : index
    %get3A_7 = arith.constant 0 : index
    %get3A_8 = vector.load %arg2[%get3A_6, %get3A_7] : memref<64x64xf32, #tpu.memory_space<vmem>>, vector<64x64xf32>
    %get3A_9 = arith.constant 0 : index
    %get3A_10 = arith.constant 0 : index
    %get3A_11 = vector.load %arg3[%get3A_9, %get3A_10] : memref<64x128xf32, #tpu.memory_space<vmem>>, vector<64x128xf32>
    %slice3A_12 = vector.extract_strided_slice %get3A_11 {offsets = [0, 0], sizes = [64, 64], strides = [1, 1]} : vector<64x128xf32> to vector<64x64xf32>
    %jit3A_13 = arith.constant 1.000000e+00 : f32
    %max3A_14 = vector.broadcast %jit3A_13 : f32 to vector<64x64xf32>
    %max3A_15 = arith.maximumf %max3A_14, %slice3A_12 : vector<64x64xf32>
    %div3A_16 = arith.divf %get3A_8, %max3A_15 : vector<64x64xf32>
    %get3A_17 = arith.constant 0 : index
    %get3A_18 = arith.constant 0 : index
    %get3A_19 = vector.load %arg4[%get3A_17, %get3A_18] : memref<64x64xf32, #tpu.memory_space<vmem>>, vector<64x64xf32>
    %get3A_20 = arith.constant 0 : index
    %get3A_21 = arith.constant 0 : index
    %get3A_22 = vector.load %arg5[%get3A_20, %get3A_21] : memref<64x128xf32, #tpu.memory_space<vmem>>, vector<64x128xf32>
    %slice3A_23 = vector.extract_strided_slice %get3A_22 {offsets = [0, 0], sizes = [64, 64], strides = [1, 1]} : vector<64x128xf32> to vector<64x64xf32>
    %jit3A_24 = arith.constant 1.000000e+00 : f32
    %max3A_25 = vector.broadcast %jit3A_24 : f32 to vector<64x64xf32>
    %max3A_26 = arith.maximumf %max3A_25, %slice3A_23 : vector<64x64xf32>
    %div3A_27 = arith.divf %get3A_19, %max3A_26 : vector<64x64xf32>
    %get3A_28 = arith.constant 0 : index
    %get3A_29 = arith.constant 0 : index
    %get3A_30 = vector.load %arg6[%get3A_28, %get3A_29] : memref<192x64xf32, #tpu.memory_space<vmem>>, vector<64x64xf32>
    %dot_general3A = arith.constant dense<0.000000e+00> : vector<64x64xf32>
    %dot_general3A_31 = tpu.matmul %div3A, %get3A_30, %dot_general3A {dimension_numbers = #tpu.dot_dimension_numbers<[1], [0], [0], [1], [0, 0, 1, 1], [], []>, transpose_lhs_hint = false} : vector<64x64xf32>, vector<64x64xf32>, vector<64x64xf32> -> vector<64x64xf32>
    %get3A_32 = arith.constant 64 : index
    %get3A_33 = arith.constant 0 : index
    %get3A_34 = vector.load %arg6[%get3A_32, %get3A_33] : memref<192x64xf32, #tpu.memory_space<vmem>>, vector<64x64xf32>
    %dot_general3A_35 = arith.constant dense<0.000000e+00> : vector<64x64xf32>
    %dot_general3A_36 = tpu.matmul %div3A_16, %get3A_34, %dot_general3A_35 {dimension_numbers = #tpu.dot_dimension_numbers<[1], [0], [0], [1], [0, 0, 1, 1], [], []>, transpose_lhs_hint = false} : vector<64x64xf32>, vector<64x64xf32>, vector<64x64xf32> -> vector<64x64xf32>
    %add3A = arith.addf %dot_general3A_31, %dot_general3A_36 : vector<64x64xf32>
    %get3A_37 = arith.constant 128 : index
    %get3A_38 = arith.constant 0 : index
    %get3A_39 = vector.load %arg6[%get3A_37, %get3A_38] : memref<192x64xf32, #tpu.memory_space<vmem>>, vector<64x64xf32>
    %dot_general3A_40 = arith.constant dense<0.000000e+00> : vector<64x64xf32>
    %dot_general3A_41 = tpu.matmul %div3A_27, %get3A_39, %dot_general3A_40 {dimension_numbers = #tpu.dot_dimension_numbers<[1], [0], [0], [1], [0, 0, 1, 1], [], []>, transpose_lhs_hint = false} : vector<64x64xf32>, vector<64x64xf32>, vector<64x64xf32> -> vector<64x64xf32>
    %add3A_42 = arith.addf %add3A, %dot_general3A_41 : vector<64x64xf32>
    %get3A_43 = arith.constant 0 : index
    %get3A_44 = arith.constant 0 : index
    %get3A_45 = vector.load %arg7[%get3A_43, %get3A_44] : memref<1x64xf32, #tpu.memory_space<vmem>>, vector<1x64xf32>
    %add3A_46 = vector.broadcast %get3A_45 : vector<1x64xf32> to vector<64x64xf32>
    %add3A_47 = arith.addf %add3A_42, %add3A_46 : vector<64x64xf32>
    %gt3A = arith.constant 0.000000e+00 : f32
    %gt3A_48 = vector.broadcast %gt3A : f32 to vector<64x64xf32>
    %gt3A_49 = arith.cmpf ogt, %add3A_47, %gt3A_48 : vector<64x64xf32>
    %exp3A = math.exp %add3A_47 : vector<64x64xf32>
    %sub3A = arith.constant 1.000000e+00 : f32
    %sub3A_50 = vector.broadcast %sub3A : f32 to vector<64x64xf32>
    %sub3A_51 = arith.subf %exp3A, %sub3A_50 : vector<64x64xf32>
    %select_n3A = arith.select %gt3A_49, %add3A_47, %sub3A_51 : vector<64x64xi1>, vector<64x64xf32>
    %get3A_52 = arith.constant 0 : index
    %get3A_53 = arith.constant 0 : index
    %get3A_54 = vector.load %arg8[%get3A_52, %get3A_53] : memref<64x32xf32, #tpu.memory_space<vmem>>, vector<64x32xf32>
    %dot_general3A_55 = arith.constant dense<0.000000e+00> : vector<64x32xf32>
    %dot_general3A_56 = tpu.matmul %select_n3A, %get3A_54, %dot_general3A_55 {dimension_numbers = #tpu.dot_dimension_numbers<[1], [0], [0], [1], [0, 0, 1, 1], [], []>, transpose_lhs_hint = false} : vector<64x64xf32>, vector<64x32xf32>, vector<64x32xf32> -> vector<64x32xf32>
    %get3A_57 = arith.constant 0 : index
    %get3A_58 = arith.constant 0 : index
    %get3A_59 = vector.load %arg9[%get3A_57, %get3A_58] : memref<1x32xf32, #tpu.memory_space<vmem>>, vector<1x32xf32>
    %add3A_60 = vector.broadcast %get3A_59 : vector<1x32xf32> to vector<64x32xf32>
    %add3A_61 = arith.addf %dot_general3A_56, %add3A_60 : vector<64x32xf32>
    %gt3A_62 = arith.constant 0.000000e+00 : f32
    %gt3A_63 = vector.broadcast %gt3A_62 : f32 to vector<64x32xf32>
    %gt3A_64 = arith.cmpf ogt, %add3A_61, %gt3A_63 : vector<64x32xf32>
    %exp3A_65 = math.exp %add3A_61 : vector<64x32xf32>
    %sub3A_66 = arith.constant 1.000000e+00 : f32
    %sub3A_67 = vector.broadcast %sub3A_66 : f32 to vector<64x32xf32>
    %sub3A_68 = arith.subf %exp3A_65, %sub3A_67 : vector<64x32xf32>
    %select_n3A_69 = arith.select %gt3A_64, %add3A_61, %sub3A_68 : vector<64x32xi1>, vector<64x32xf32>
    %get3A_70 = arith.constant 0 : index
    %get3A_71 = arith.constant 0 : index
    %get3A_72 = vector.load %arg10[%get3A_70, %get3A_71] : memref<32x10xf32, #tpu.memory_space<vmem>>, vector<32x10xf32>
    %dot_general3A_73 = arith.constant dense<0.000000e+00> : vector<64x10xf32>
    %dot_general3A_74 = tpu.matmul %select_n3A_69, %get3A_72, %dot_general3A_73 {dimension_numbers = #tpu.dot_dimension_numbers<[1], [0], [0], [1], [0, 0, 1, 1], [], []>, transpose_lhs_hint = false} : vector<64x32xf32>, vector<32x10xf32>, vector<64x10xf32> -> vector<64x10xf32>
    %get3A_75 = arith.constant 0 : index
    %get3A_76 = arith.constant 0 : index
    %get3A_77 = vector.load %arg11[%get3A_75, %get3A_76] : memref<1x10xf32, #tpu.memory_space<vmem>>, vector<1x10xf32>
    %add3A_78 = vector.broadcast %get3A_77 : vector<1x10xf32> to vector<64x10xf32>
    %add3A_79 = arith.addf %dot_general3A_74, %add3A_78 : vector<64x10xf32>
    %reduce_max3A = arith.constant dense<0xFF800000> : vector<64xf32>
    %reduce_max3A_80 = vector.multi_reduction <maximumf>, %add3A_79, %reduce_max3A [1] : vector<64x10xf32> to vector<64xf32>
    %broadcast_in_dim3A = vector.shape_cast %reduce_max3A_80 : vector<64xf32> to vector<64x1xf32>
    %sub3A_81 = vector.broadcast %broadcast_in_dim3A : vector<64x1xf32> to vector<64x10xf32>
    %sub3A_82 = arith.subf %add3A_79, %sub3A_81 : vector<64x10xf32>
    %exp3A_83 = math.exp %sub3A_82 : vector<64x10xf32>
    %reduce_sum3A = arith.constant dense<0.000000e+00> : vector<64xf32>
    %reduce_sum3A_84 = vector.multi_reduction <add>, %exp3A_83, %reduce_sum3A [1] : vector<64x10xf32> to vector<64xf32>
    %broadcast_in_dim3A_85 = vector.shape_cast %reduce_sum3A_84 : vector<64xf32> to vector<64x1xf32>
    %log3A = math.log %broadcast_in_dim3A_85 : vector<64x1xf32>
    %add3A_86 = arith.addf %log3A, %broadcast_in_dim3A : vector<64x1xf32>
    %sub3A_87 = vector.broadcast %add3A_86 : vector<64x1xf32> to vector<64x10xf32>
    %sub3A_88 = arith.subf %add3A_79, %sub3A_87 : vector<64x10xf32>
    %swap3A = arith.constant 0 : index
    %swap3A_89 = arith.constant 0 : index
    %swap3A_90 = vector.load %arg12[%swap3A, %swap3A_89] : memref<64x10xf32, #tpu.memory_space<vmem>>, vector<64x10xf32>
    tpu.vector_store %arg12[%swap3A, %swap3A_89], %sub3A_88 {strides = array<i32>} : memref<64x10xf32, #tpu.memory_space<vmem>>, vector<64x10xf32>,
    return
  }
}

</mosaic_0001>

<sc_bundles>
// kernel: kernel.22.cloned.1.call-start
scs
__scs_entry_jumppad:
0x0: {  	(pc) =	sbr.rel $0x88, $3  }
0x1: {  	(tag) =	ssettag $0x0;
	lr =	simm.s32 $0x1  }
0x2: {  	[smem:$0x3F79] =	sst lr;
	_ =	strace $0xD0000000  }
0x3: {  	_ = 	snop  }
0x4: {  	_ = 	snop  }
0x5: {  	_ = 	snop  }
0x6: {  	_ = 	snop  }
0x7: {  	_ = 	snop  }
__scs_overlays_trampoline_lowered:
0x8: {  	[smem:$0x3F88] =	sst s0  }
0x9: {  	[smem:$0x3F89] =	sst s1  }
0xa: {  	[smem:$0x3F8A] =	sst s2  }
0xb: {  	[smem:$0x3F8B] =	sst s3  }
0xc: {  	[smem:$0x3F8C] =	sst s4  }
0xd: {  	[smem:$0x3F8D] =	sst s5  }
0xe: {  	[smem:$0x3F8E] =	sst s6  }
0xf: {  	[smem:$0x3F8F] =	sst s7  }
0x10: {  	[smem:$0x3F90] =	sst s8  }
0x11: {  	[smem:$0x3F91] =	sst s9;
	s0 =	simm.s32 @!p0 $0x0  }
0x12: {  	s1 =	sld [smem:$0x3F77];
	s0 =	simm.s32 @p0 $0x1  }
0x13: {  	[smem:$0x3F92] =	sst s0;
	s0 =	simm.s32 @!p1 $0x0  }
0x14: {  	s2 =	sld [smem:$0x3F76];
	s0 =	simm.s32 @p1 $0x1  }
0x15: {  	[smem:$0x3F93] =	sst s0;
	s0 =	simm.s32 @!p2 $0x0  }
0x16: {  	s3 =	sld [smem:$0x3FDB];
	s0 =	simm.s32 @p2 $0x1  }
0x17: {  	s4 =	simm.s32 $0x1BF5;
	[smem:$0x3F95] =	sst s0  }
0x18: {  	s0 =	sld [smem:$0x3F78];
	_ =	swait.ge [sflag:s4], $0x0  }
0x19: {  	s7 =	sld [smem:$0x3F79]  }
0x1a: {  	s8 =	sadd.s32 $0xFFFFE003, lr  }
0x1b: {  	s9 =	sadd.s32 $0xFFFFFEF7, lr;
	s5 =	simm.s32 $0xFFFFFFFF;
	p2 =	slt.u32 s8, $0xFFFFF086  }
0x1c: {  	p1 =	slt.u32 s9, $0xF7A;
	s5 =	simm.s32 @!p2 $0x0  }
0x1d: {  	s5 =	simm.s32 @p1 $0x1;
	p0 =	seq.s32 s7, s2  }
0x1e: {  	s7 =	smul.u32 @!p0 $0xF7A, s2;
	p2 =	seq.s32 @!p0 s5, $0x0  }
0x1f: {  	s9 =	smul.u32 $0xF7A, s1;
	s8 =	simm.s32 @!p0 $0x1BF5;
	p2 =	por !p2, p0  }
0x20: {  	[sflag:s8] =	ssyncset.s32 @!p0 $0xFFFFF086;
	s6 =	sadd.s32 @!p0 s3, s7;
	s7 =	simm.s32 @!p0 $0x108  }
0x21: {  	s3 =	sadd.s32 s3, s9;
	s6 =	sadd.s32 @!p0 $0x88, s6;
	s7 =	simm.s32 @p2 $0x1082  }
0x22: {  	[simem:s7], [sflag:s8] =	dma.local @!p0 [hbm:s6], $0xF7A  }
0x23: {  	s9 =	sor.u32 $0xD0000000, s2;
	s6 =	simm.s32 $0x108;
	_ =	swait.ge @!p0 [sflag:s8], $0x0  }
0x24: {  	s3 =	sadd.s32 $0x88, s3;
	s6 =	simm.s32 @!p1 $0x1082;
	[sflag:s4] =	ssyncset.s32 $0xFFFFF086  }
0x25: {  	[simem:s6], [sflag:s4] =	dma.local [hbm:s3], $0xF7A  }
0x26: {  	[smem:$0x3F79] =	sst s1;
	(tag) =	ssettag s2;
	_ =	strace s9  }
0x27: {  	s1 =	sld [smem:$0x3F89]  }
0x28: {  	s2 =	sld [smem:$0x3F8A]  }
0x29: {  	s4 =	sld [smem:$0x3F8C]  }
0x2a: {  	p0 =	seq.s32 s5, $0x0;
	s5 =	sld [smem:$0x3F8D]  }
0x2b: {  	s6 =	sld [smem:$0x3F8E]  }
0x2c: {  	s7 =	sld [smem:$0x3F8F]  }
0x2d: {  	s3 =	simm.s32 $0x108;
	s8 =	sld [smem:$0x3F90]  }
0x2e: {  	s3 =	simm.s32 @!p0 $0x1082;
	s9 =	sld [smem:$0x3F91]  }
0x2f: {  	lr =	sadd.s32 s0, s3;
	s0 =	sld [smem:$0x3F88]  }
0x30: {  	s3 =	sld [smem:$0x3F8B]  }
0x31: {  	[smem:$0x3F94] =	sst s10  }
0x32: {  	s10 =	sld [smem:$0x3F92];
	_ =	sdelay $0x3  }
0x33: {  	p0 =	seq.s32 s10, $0x1;
	s10 =	sld [smem:$0x3F94];
	_ =	sdelay $0x3  }
0x34: {  	[smem:$0x3F94] =	sst s10  }
0x35: {  	s10 =	sld [smem:$0x3F93];
	_ =	sdelay $0x3  }
0x36: {  	p1 =	seq.s32 s10, $0x1;
	s10 =	sld [smem:$0x3F94];
	_ =	sdelay $0x3  }
0x37: {  	[smem:$0x3F94] =	sst s10  }
0x38: {  	s10 =	sld [smem:$0x3F95]  }
0x39: {  	_ = 	snop;
	(pc) =	sbr.ind lr, $3  }
0x3a: {  	_ = 	snop  }
0x3b: {  	_ = 	snop  }
0x3c: {  	p2 =	seq.s32 s10, $0x1;
	s10 =	sld [smem:$0x3F94]  }
0x3d: {  	_ =	shalt  }
0x3e: {  	_ =	shalt  }
0x3f: {  	_ =	shalt  }
0x40: {  	_ =	shalt  }
0x41: {  	_ =	shalt  }
0x42: {  	_ =	shalt  }
0x43: {  	_ =	shalt  }
0x44: {  	_ =	shalt  }
0x45: {  	_ =	shalt  }
0x46: {  	_ =	shalt  }
0x47: {  	_ =	shalt  }
0x48: {  	_ =	shalt  }
0x49: {  	_ =	shalt  }
0x4a: {  	_ =	shalt  }
0x4b: {  	_ =	shalt  }
0x4c: {  	_ =	shalt  }
0x4d: {  	_ =	shalt  }
0x4e: {  	_ =	shalt  }
0x4f: {  	_ =	shalt  }
0x50: {  	_ =	shalt  }
0x51: {  	_ =	shalt  }
0x52: {  	_ =	shalt  }
0x53: {  	_ =	shalt  }
0x54: {  	_ =	shalt  }
0x55: {  	_ =	shalt  }
0x56: {  	_ =	shalt  }
0x57: {  	_ =	shalt  }
0x58: {  	_ =	shalt  }
0x59: {  	_ =	shalt  }
0x5a: {  	_ =	shalt  }
0x5b: {  	_ =	shalt  }
0x5c: {  	_ =	shalt  }
0x5d: {  	_ =	shalt  }
0x5e: {  	_ =	shalt  }
0x5f: {  	_ =	shalt  }
0x60: {  	_ =	shalt  }
0x61: {  	_ =	shalt  }
0x62: {  	_ =	shalt  }
0x63: {  	_ =	shalt  }
0x64: {  	_ =	shalt  }
0x65: {  	_ =	shalt  }
0x66: {  	_ =	shalt  }
0x67: {  	_ =	shalt  }
0x68: {  	_ =	shalt  }
0x69: {  	_ =	shalt  }
0x6a: {  	_ =	shalt  }
0x6b: {  	_ =	shalt  }
0x6c: {  	_ =	shalt  }
0x6d: {  	_ =	shalt  }
0x6e: {  	_ =	shalt  }
0x6f: {  	_ =	shalt  }
0x70: {  	_ =	shalt  }
0x71: {  	_ =	shalt  }
0x72: {  	_ =	shalt  }
0x73: {  	_ =	shalt  }
0x74: {  	_ =	shalt  }
0x75: {  	_ =	shalt  }
0x76: {  	_ =	shalt  }
0x77: {  	_ =	shalt  }
0x78: {  	_ =	shalt  }
0x79: {  	_ =	shalt  }
0x7a: {  	_ =	shalt  }
0x7b: {  	_ =	shalt  }
0x7c: {  	_ =	shalt  }
0x7d: {  	_ =	shalt  }
0x7e: {  	_ =	shalt  }
0x7f: {  	_ =	shalt  }
0x80: {  	_ =	shalt  }
0x81: {  	_ =	shalt  }
0x82: {  	_ =	shalt  }
0x83: {  	_ =	shalt  }
0x84: {  	_ =	shalt  }
0x85: {  	_ =	shalt  }
0x86: {  	_ =	shalt  }
0x87: {  	_ =	shalt  }
.Lfunc_end0:
.L_simem_size_0:
called_computation_lowered:
.L_overlay_start_0:
0x88: {  	s2 =	sld [smem:$0x3FD9]  }
0x89: {  	s3 =	sld [smem:$0x3FFE];
	_ =	sdelay $0x1  }
0x8a: {  	s1 =	srdreg.scid  }
0x8b: {  	s0 =	sand.u32 $0x1, s1  }
0x8c: {  	s16 =	sshll.u32 s0, $0xA;
	s2 =	sadd.s32 s3, s2  }
0x8d: {  	s2 =	sadd.s32 s2, s16  }
0x8e: {  	[smem:$0x3FA0] =	sst s2  }
0x8f: {  	_ = 	snop  }
0x90: {  	(tm) =	ssettm $0x1  }
0x91: {  	s17 =	sld [smem:$0x3FFB];
	_ =	sdelay $0x3  }
0x92: {  	_ =	strace s17  }
0x93: {  	s2 =	sld [smem:$0x3FFC];
	_ =	sdelay $0x3  }
0x94: {  	_ =	strace s2  }
0x95: {  	s2 =	sld [smem:$0x3FFD];
	_ =	sdelay $0x3  }
0x96: {  	_ =	strace s2  }
0x97: {  	_ =	strace $0x8FFFFFFF  }
0x98: {  	s18 =	sld [smem:$0x3FDB];
	_ =	sdelay $0x1  }
0x99: {  	s19 =	simm.s32 $_scs_section_size  }
0x9a: {  	s4 =	simm.s32 $_size__tile_overlayer_lowered;
	s5 =	simm.s32 $_tile_overlayer_lowered  }
0x9b: {  	s22 =	simm.s32 $0x1BFF;
	s21 =	sshll.u32 s5, $0x1;
	s2 =	sadd.s32 s19, s18  }
0x9c: {  	s6 =	simm.s32 $0x0;
	s20 =	sshll.u32 s4, $0x1;
	s4 =	sadd.s32 s21, s2  }
0x9d: {  	[timem:s6], [sflag:s22] =	dma.local [hbm:s4], s20  }
0x9e: {  	_ =	swait.ge [sflag:s22], s20  }
0x9f: {  	s3 =	ssub.s32 $0x0, s20;
	[sflag:s22] =	ssyncset.done $0x0  }
0xa0: {  	[sflag:s22] =	ssyncadd.s32 s3;
	_ =	sdelay $0x1  }
0xa1: {  	s23 =	simm.s32 $0x1B8B  }
0xa2: {  	_ =	swait.ge [sflag:s23], $0x1  }
0xa3: {  	[sflag:s23] =	ssyncset.done $0x0  }
0xa4: {  	s25 =	simm.s32 $0x1B8E;
	s24 =	sld [smem:$0x3FFE];
	[sflag:s23] =	ssyncadd.s32 $0xFFFFFFFF  }
0xa5: {  	s26 =	simm.s32 $execute0_lowered;
	[smem:$0x3FD2] =	sst s25  }
0xa6: {  	s4 =	sshll.u32 s26, $0x1;
	_ =	strace $0x80000046;
	[dreg:$0x1] =	wrdreg $0xFFFFFFFF  }
0xa7: {  	s28 =	simm.s32 $_size_execute0_lowered;
	s2 =	sadd.s32 s2, s4;
	[dreg:$0x0] =	wrdreg $0x0  }
0xa8: {  	s4 =	sshll.u32 s28, $0x1;
	[dreg:$0x2] =	wrdreg s2  }
0xa9: {  	[dreg:$0x3] =	wrdreg s4  }
0xaa: {  	[dreg:$0x4] =	wrdreg $0xC0  }
0xab: {  	_ =	task [dreg:s6], $0x5FFFF  }
0xac: {  	[dreg:$0x1] =	wrdreg $0xFFFFFFFF  }
0xad: {  	[dreg:$0x0] =	wrdreg $0x60  }
0xae: {  	[dreg:$0x2] =	wrdreg s24  }
0xaf: {  	[dreg:$0x3] =	wrdreg $0x0  }
0xb0: {  	[dreg:$0x4] =	wrdreg $0x9  }
0xb1: {  	_ =	task.clear_ibuf [dreg:s6], $0x5FFFF;
	_ =	strace $0x90000046  }
0xb2: {  	s29 =	simm.s32 $0x9;
	_ =	strace $0x80000048  }
0xb3: {  	_ =	swait.ge [sflag:s29], $0x1  }
0xb4: {  	[sflag:s29] =	ssyncadd.s32 $0xFFFFFFFF  }
0xb5: {  	_ =	strace $0x90000048  }
0xb6: {  	_ =	sfence  }
0xb7: {  	s30 =	sld [smem:$0x0];
	_ =	sdelay $0x2  }
0xb8: {  	s31 =	sshll.u32 s1, $0xD;
	s1 =	sshrl.u32 s1, $0x2  }
0xb9: {  	s3 =	sand.u32 $0x4000, s31;
	s1 =	sadd.s32 s1, s30  }
0xba: {  	s0 =	sor.u32 s3, s0;
	s1 =	sshll.u32 s1, $0x11  }
0xbb: {  	s0 =	sor.u32 s1, s0  }
0xbc: {  	s0 =	sadd.s32 $0x8F2B, s0  }
0xbd: {  	[sflag:s0] =	ssyncadd.remote.s32 $0x1  }
0xbe: {  	_ =	sfence.sel $0xFFFF  }
0xbf: {  	[dreg:$0x0] =	wrdreg $0xFFFFFFFF;
	(pc) =	sbr.abs _section_cstart, $3  }
0xc0: {  	[dreg:$0x1] =	wrdreg $0xFFFFFFFF  }
0xc1: {  	_ =	task.clear_ibuf [dreg:s6], $0x2FFFF;
	_ =	strace $0x9FFFFFFF  }
0xc2: {  	(tm) =	ssettm $0x7FFFFFFF  }
0xc3: {  	_ =	shalt  }
tec
execute0_lowered:
.L_overlay_start_1:
0x0: {  	(tag) =	ssettag $0x1  }
0x1: {  	s1 =	srdreg.scid;
	s7 =	rddreg [dreg:$0x0]  }
0x2: {  	s0 =	stileid.u32;
	s2 =	rddreg [dreg:$0x1];
	s3 =	simm.s32 $0x0  }
0x3: {  	s14 =	simm.s32 $0x7680;
	s15 =	simm.s32 $0x80;
	s16 =	simm.s32 $0x9E00  }
0x4: {  	s17 =	simm.s32 $0x1;
	s18 =	simm.s32 $0xAE00;
	s19 =	simm.s32 $0x7600  }
0x5: {  	s20 =	simm.s32 $0x9D80;
	s21 =	simm.s32 $0x0;
	s6 =	sand.u32 $0x1, s1  }
0x6: {  	s30 =	sshll.u32 s0, $0x1;
	s8 =	smul.u32 $0x4F00, s0;
	[smem:$0x7FF] =	sst s3  }
0x7: {  	s4 =	sadd.s32 $0x8C00, s7;
	s1 =	sor.u32 s6, s30;
	s9 =	smul.u32 $0x4F000, s6  }
0x8: {  	s11 =	sshll.u32 s0, $0x6;
	s6 =	ssub.s32 $0x2, s6;
	s5 =	smul.u32 $0x4F0, s1  }
0x9: {  	s1 =	rddreg [dreg:$0x2];
	_ =	strace $0x80000047;
	s31 =	sshrl.u32 s6, $0x1  }
0xa: {  	s13 =	sadd.s32 s8, s2;
	s9 =	sadd.s32 s8, s9;
	s12 =	ssub.s32 s6, s31  }
0xb: {  	s6 =	sor.u32 $0x1C02, s11;
	s11 =	sshrl.u32 s13, $0x3;
	s13 =	simm.s32 $0x4F00  }
0xc: {  	s10 =	sadd.s32 s5, s7;
	s5 =	sadd.s32 $0x26600, s7;
	s9 =	sshrl.u32 s9, $0x3  }
0xd: {  	s9 =	sadd.s32 s9, s7;
	s7 =	sadd.s32 $0x12A00, s10;
	s8 =	sadd.s32 $0x1C800, s10  }
0xe: {  	s10 =	smax.u32 s12, $0x1;
	s12 =	simm.s32 $0x2;
	s9 =	sadd.s32 $0x27000, s9  }
.LBB2_1:
0xf: {  	[spmem:s11], [sflag:s6] =	dma.local [hbm:s5], $0x9E0  }
0x10: {  	_ =	swait.ge [sflag:s12], $0x9E0  }
0x11: {  	[sflag:s12] =	ssyncset.done $0x0  }
0x12: {  	[sflag:s12] =	ssyncadd.s32 $0xFFFFF620  }
0x13: {  	[tilespmem:s13], [sflag:$0x2] =	stream.linear.gather [hbm4b:s7+s3], $0x2780, $0x38;
	[tilespmem:$0xBE00] =	vst v63  }
0x14: {  	_ =	swait.ge [sflag:s12], $0x2780  }
0x15: {  	[sflag:s12] =	ssyncset.done $0x0  }
0x16: {  	[sflag:s12] =	ssyncadd.s32 $0xFFFFD880  }
0x17: {  	[tilespmem:s14], [sflag:$0x2] =	stream.linear.gather [hbm4b:s8+s3], $0x2780, $0x38;
	[tilespmem:$0xBE00] =	vst v63  }
0x18: {  	_ =	swait.ge [sflag:s12], $0x2780  }
0x19: {  	[sflag:s12] =	ssyncset.done $0x0  }
0x1a: {  	[sflag:s12] =	ssyncadd.s32 $0xFFFFD880  }
0x1b: {  	s22 =	simm.s32 $0x4F00;
	[bflag:$0x0] =	sbarrier.arrive $0xFFFF  }
0x1c: {  	[tilespmem:s16], [sflag:$0x1] =	stream.indirect.gather [hbm4b:s4+s15], $0x20, s22, s15, $0xb8;
	[tilespmem:$0xBE00] =	vst v63  }
0x1d: {  	_ =	swait.ge [sflag:s17], $0x1000  }
0x1e: {  	[sflag:s17] =	ssyncset.done $0x0  }
0x1f: {  	s30 =	simm.s32 $0x7680;
	[sflag:s17] =	ssyncadd.s32 $0xFFFFF000  }
0x20: {  	[spmem:s2] =	stream.indirect.scatter.add.f32 [tilespmem:s16], [sflag:$0x2], $0x20, s30, s15, $0xb8;
	[tilespmem:$0xBE00] =	vst v63  }
0x21: {  	_ =	swait.ge [sflag:s12], $0x1000  }
0x22: {  	[sflag:s12] =	ssyncset.done $0x0  }
0x23: {  	s31 =	simm.s32 $0x4F80;
	[sflag:s12] =	ssyncadd.s32 $0xFFFFF000  }
0x24: {  	[tilespmem:s18], [sflag:$0x1] =	stream.indirect.gather [hbm4b:s4+s15], $0x20, s31, s15, $0xb8;
	[tilespmem:$0xBE00] =	vst v63  }
0x25: {  	_ =	swait.ge [sflag:s17], $0x1000  }
0x26: {  	[sflag:s17] =	ssyncset.done $0x0  }
0x27: {  	s22 =	simm.s32 $0x7700;
	[sflag:s17] =	ssyncadd.s32 $0xFFFFF000  }
0x28: {  	[spmem:s2] =	stream.indirect.scatter.add.f32 [tilespmem:s18], [sflag:$0x2], $0x20, s22, s15, $0xb8;
	[tilespmem:$0xBE00] =	vst v63  }
0x29: {  	_ =	swait.ge [sflag:s12], $0x1000  }
0x2a: {  	s23 =	simm.s32 $0x0;
	s24 =	simm.s32 $0x5080;
	[sflag:s12] =	ssyncset.done $0x0  }
.LBB2_2:
0x2b: {  	s25 =	sadd.s32 $0xFFFFFF80, s24;
	[sflag:s12] =	ssyncadd.s32 $0xFFFFF000  }
0x2c: {  	[tilespmem:s16], [sflag:$0x1] =	stream.indirect.gather [hbm4b:s4+s15], $0x20, s25, s15, $0xb8;
	[tilespmem:$0xBE00] =	vst v63  }
0x2d: {  	_ =	swait.ge [sflag:s17], $0x1000  }
0x2e: {  	s22 =	sadd.s32 $0x100, s22;
	[sflag:s17] =	ssyncset.done $0x0  }
0x2f: {  	s25 =	sadd.s32 $0xFFFFFF80, s22;
	[sflag:s17] =	ssyncadd.s32 $0xFFFFF000  }
0x30: {  	[spmem:s2] =	stream.indirect.scatter.add.f32 [tilespmem:s16], [sflag:$0x2], $0x20, s25, s15, $0xb8;
	[tilespmem:$0xBE00] =	vst v63  }
0x31: {  	_ =	swait.ge [sflag:s12], $0x1000  }
0x32: {  	s23 =	sadd.s32 $0x2, s23;
	[sflag:s12] =	ssyncset.done $0x0  }
0x33: {  	p0 =	slt.u32 s23, $0x4C;
	[sflag:s12] =	ssyncadd.s32 $0xFFFFF000  }
0x34: {  	[tilespmem:s18], [sflag:$0x1] =	stream.indirect.gather [hbm4b:s4+s15], $0x20, s24, s15, $0xb8;
	[tilespmem:$0xBE00] =	vst v63  }
0x35: {  	_ =	swait.ge [sflag:s17], $0x1000  }
.Ltmp0:
0x36: {  	[sflag:s17] =	ssyncset.done $0x0;
	(pc) =	sbr.rel @p0 .LBB2_2-.Ltmp0, $4  }
0x37: {  	[sflag:s17] =	ssyncadd.s32 $0xFFFFF000  }
0x38: {  	[spmem:s2] =	stream.indirect.scatter.add.f32 [tilespmem:s18], [sflag:$0x2], $0x20, s22, s15, $0xb8;
	[tilespmem:$0xBE00] =	vst v63  }
0x39: {  	_ =	swait.ge [sflag:s12], $0x1000  }
0x3a: {  	s24 =	sadd.s32 $0x100, s24;
	[sflag:s12] =	ssyncset.done $0x0  }
0x3b: {  	[sflag:s12] =	ssyncadd.s32 $0xFFFFF000  }
0x3c: {  	[tilespmem:s16], [sflag:$0x1] =	stream.indirect.gather [hbm4b:s4+s15], $0x20, s19, s15, $0xb8;
	[tilespmem:$0xBE00] =	vst v63  }
0x3d: {  	_ =	swait.ge [sflag:s17], $0x1000  }
0x3e: {  	[sflag:s17] =	ssyncset.done $0x0  }
0x3f: {  	[sflag:s17] =	ssyncadd.s32 $0xFFFFF000  }
0x40: {  	[spmem:s2] =	stream.indirect.scatter.add.f32 [tilespmem:s16], [sflag:$0x2], $0x20, s20, s15, $0xb8;
	[tilespmem:$0xBE00] =	vst v63  }
0x41: {  	_ =	swait.ge [sflag:s12], $0x1000  }
0x42: {  	s21 =	sadd.s32 $0x1, s21;
	[sflag:s12] =	ssyncset.done $0x0  }
0x43: {  	p0 =	sne.s32 s21, s10;
	[sflag:s12] =	ssyncadd.s32 $0xFFFFF000  }
.Ltmp1:
0x44: {  	[bflag:$0x0] =	sbarrier.arrive $0xFFFF;
	(pc) =	sbr.rel @p0 .LBB2_1-.Ltmp1, $4  }
0x45: {  	[hbm:s9], [sflag:s6] =	dma.local [spmem:s11], $0x9E0  }
0x46: {  	_ =	swait.ge [sflag:s12], $0x9E0  }
0x47: {  	[sflag:s12] =	ssyncset.done $0x0  }
0x48: {  	[sflag:s12] =	ssyncadd.s32 $0xFFFFF620  }
0x49: {  	_ =	sfence.sel $0x180000  }
0x4a: {  	[bflag:$0x0] =	sbarrier.arrive $0xFFFF  }
0x4b: {  	p0 =	sne.s32 s0, $0x0;
	_ =	strace $0x90000047  }
0x4c: {  	s0 =	sadd.s32 @!p0 $0x100000, s1;
	[bflag:$0x2] =	sbarrier.arrive $0xFFFF  }
0x4d: {  	[sflag:s0] =	ssyncadd.tile.s32 @!p0 $0x1;
	_ =	shalt  }
.Lfunc_end2:
_tile_overlayer_lowered:
.L_overlay_start_2:
0x4e: {  	(tag) =	ssettag $0x2  }
0x4f: {  	s0 =	rddreg [dreg:$0x0];
	s2 =	stileid.u32  }
0x50: {  	s1 =	rddreg [dreg:$0x1];
	p0 =	sne.s32 s2, $0x0  }
0x51: {  	s3 =	rddreg [dreg:$0x2];
	[bflag:$0x3] =	sbarrier.arrive $0xFFFF;
	s2 =	simm.s32 @!p0 $0x1C02  }
0x52: {  	[timem:s3], [sflag:s2] =	dma.local @!p0 [hbm:s0], s1  }
0x53: {  	s0 =	simm.s32 @!p0 $0x2  }
0x54: {  	_ =	swait.ge @!p0 [sflag:s0], s1  }
0x55: {  	s1 =	ssub.s32 @!p0 $0x0, s1;
	[sflag:s0] =	ssyncset.done @!p0 $0x0  }
0x56: {  	[sflag:s0] =	ssyncadd.s32 @!p0 s1  }
0x57: {  	[bflag:$0x3] =	sbarrier.arrive $0xFFFF  }
0x58: {  	_ =	shalt  }

// kernel: kernel.25.cloned.1.call-start
scs
__scs_entry_jumppad:
0x0: {  	(pc) =	sbr.rel $0x88, $3  }
0x1: {  	(tag) =	ssettag $0x0;
	lr =	simm.s32 $0x1  }
0x2: {  	[smem:$0x3F79] =	sst lr;
	_ =	strace $0xD0000000  }
0x3: {  	_ = 	snop  }
0x4: {  	_ = 	snop  }
0x5: {  	_ = 	snop  }
0x6: {  	_ = 	snop  }
0x7: {  	_ = 	snop  }
__scs_overlays_trampoline_lowered:
0x8: {  	[smem:$0x3F88] =	sst s0  }
0x9: {  	[smem:$0x3F89] =	sst s1  }
0xa: {  	[smem:$0x3F8A] =	sst s2  }
0xb: {  	[smem:$0x3F8B] =	sst s3  }
0xc: {  	[smem:$0x3F8C] =	sst s4  }
0xd: {  	[smem:$0x3F8D] =	sst s5  }
0xe: {  	[smem:$0x3F8E] =	sst s6  }
0xf: {  	[smem:$0x3F8F] =	sst s7  }
0x10: {  	[smem:$0x3F90] =	sst s8  }
0x11: {  	[smem:$0x3F91] =	sst s9;
	s0 =	simm.s32 @!p0 $0x0  }
0x12: {  	s1 =	sld [smem:$0x3F77];
	s0 =	simm.s32 @p0 $0x1  }
0x13: {  	[smem:$0x3F92] =	sst s0;
	s0 =	simm.s32 @!p1 $0x0  }
0x14: {  	s2 =	sld [smem:$0x3F76];
	s0 =	simm.s32 @p1 $0x1  }
0x15: {  	[smem:$0x3F93] =	sst s0;
	s0 =	simm.s32 @!p2 $0x0  }
0x16: {  	s3 =	sld [smem:$0x3FDB];
	s0 =	simm.s32 @p2 $0x1  }
0x17: {  	s4 =	simm.s32 $0x1BF5;
	[smem:$0x3F95] =	sst s0  }
0x18: {  	s0 =	sld [smem:$0x3F78];
	_ =	swait.ge [sflag:s4], $0x0  }
0x19: {  	s7 =	sld [smem:$0x3F79]  }
0x1a: {  	s8 =	sadd.s32 $0xFFFFE003, lr  }
0x1b: {  	s9 =	sadd.s32 $0xFFFFFEF7, lr;
	s5 =	simm.s32 $0xFFFFFFFF;
	p2 =	slt.u32 s8, $0xFFFFF086  }
0x1c: {  	p1 =	slt.u32 s9, $0xF7A;
	s5 =	simm.s32 @!p2 $0x0  }
0x1d: {  	s5 =	simm.s32 @p1 $0x1;
	p0 =	seq.s32 s7, s2  }
0x1e: {  	s7 =	smul.u32 @!p0 $0xF7A, s2;
	p2 =	seq.s32 @!p0 s5, $0x0  }
0x1f: {  	s9 =	smul.u32 $0xF7A, s1;
	s8 =	simm.s32 @!p0 $0x1BF5;
	p2 =	por !p2, p0  }
0x20: {  	[sflag:s8] =	ssyncset.s32 @!p0 $0xFFFFF086;
	s6 =	sadd.s32 @!p0 s3, s7;
	s7 =	simm.s32 @!p0 $0x108  }
0x21: {  	s3 =	sadd.s32 s3, s9;
	s6 =	sadd.s32 @!p0 $0x88, s6;
	s7 =	simm.s32 @p2 $0x1082  }
0x22: {  	[simem:s7], [sflag:s8] =	dma.local @!p0 [hbm:s6], $0xF7A  }
0x23: {  	s9 =	sor.u32 $0xD0000000, s2;
	s6 =	simm.s32 $0x108;
	_ =	swait.ge @!p0 [sflag:s8], $0x0  }
0x24: {  	s3 =	sadd.s32 $0x88, s3;
	s6 =	simm.s32 @!p1 $0x1082;
	[sflag:s4] =	ssyncset.s32 $0xFFFFF086  }
0x25: {  	[simem:s6], [sflag:s4] =	dma.local [hbm:s3], $0xF7A  }
0x26: {  	[smem:$0x3F79] =	sst s1;
	(tag) =	ssettag s2;
	_ =	strace s9  }
0x27: {  	s1 =	sld [smem:$0x3F89]  }
0x28: {  	s2 =	sld [smem:$0x3F8A]  }
0x29: {  	s4 =	sld [smem:$0x3F8C]  }
0x2a: {  	p0 =	seq.s32 s5, $0x0;
	s5 =	sld [smem:$0x3F8D]  }
0x2b: {  	s6 =	sld [smem:$0x3F8E]  }
0x2c: {  	s7 =	sld [smem:$0x3F8F]  }
0x2d: {  	s3 =	simm.s32 $0x108;
	s8 =	sld [smem:$0x3F90]  }
0x2e: {  	s3 =	simm.s32 @!p0 $0x1082;
	s9 =	sld [smem:$0x3F91]  }
0x2f: {  	lr =	sadd.s32 s0, s3;
	s0 =	sld [smem:$0x3F88]  }
0x30: {  	s3 =	sld [smem:$0x3F8B]  }
0x31: {  	[smem:$0x3F94] =	sst s10  }
0x32: {  	s10 =	sld [smem:$0x3F92];
	_ =	sdelay $0x3  }
0x33: {  	p0 =	seq.s32 s10, $0x1;
	s10 =	sld [smem:$0x3F94];
	_ =	sdelay $0x3  }
0x34: {  	[smem:$0x3F94] =	sst s10  }
0x35: {  	s10 =	sld [smem:$0x3F93];
	_ =	sdelay $0x3  }
0x36: {  	p1 =	seq.s32 s10, $0x1;
	s10 =	sld [smem:$0x3F94];
	_ =	sdelay $0x3  }
0x37: {  	[smem:$0x3F94] =	sst s10  }
0x38: {  	s10 =	sld [smem:$0x3F95]  }
0x39: {  	_ = 	snop;
	(pc) =	sbr.ind lr, $3  }
0x3a: {  	_ = 	snop  }
0x3b: {  	_ = 	snop  }
0x3c: {  	p2 =	seq.s32 s10, $0x1;
	s10 =	sld [smem:$0x3F94]  }
0x3d: {  	_ =	shalt  }
0x3e: {  	_ =	shalt  }
0x3f: {  	_ =	shalt  }
0x40: {  	_ =	shalt  }
0x41: {  	_ =	shalt  }
0x42: {  	_ =	shalt  }
0x43: {  	_ =	shalt  }
0x44: {  	_ =	shalt  }
0x45: {  	_ =	shalt  }
0x46: {  	_ =	shalt  }
0x47: {  	_ =	shalt  }
0x48: {  	_ =	shalt  }
0x49: {  	_ =	shalt  }
0x4a: {  	_ =	shalt  }
0x4b: {  	_ =	shalt  }
0x4c: {  	_ =	shalt  }
0x4d: {  	_ =	shalt  }
0x4e: {  	_ =	shalt  }
0x4f: {  	_ =	shalt  }
0x50: {  	_ =	shalt  }
0x51: {  	_ =	shalt  }
0x52: {  	_ =	shalt  }
0x53: {  	_ =	shalt  }
0x54: {  	_ =	shalt  }
0x55: {  	_ =	shalt  }
0x56: {  	_ =	shalt  }
0x57: {  	_ =	shalt  }
0x58: {  	_ =	shalt  }
0x59: {  	_ =	shalt  }
0x5a: {  	_ =	shalt  }
0x5b: {  	_ =	shalt  }
0x5c: {  	_ =	shalt  }
0x5d: {  	_ =	shalt  }
0x5e: {  	_ =	shalt  }
0x5f: {  	_ =	shalt  }
0x60: {  	_ =	shalt  }
0x61: {  	_ =	shalt  }
0x62: {  	_ =	shalt  }
0x63: {  	_ =	shalt  }
0x64: {  	_ =	shalt  }
0x65: {  	_ =	shalt  }
0x66: {  	_ =	shalt  }
0x67: {  	_ =	shalt  }
0x68: {  	_ =	shalt  }
0x69: {  	_ =	shalt  }
0x6a: {  	_ =	shalt  }
0x6b: {  	_ =	shalt  }
0x6c: {  	_ =	shalt  }
0x6d: {  	_ =	shalt  }
0x6e: {  	_ =	shalt  }
0x6f: {  	_ =	shalt  }
0x70: {  	_ =	shalt  }
0x71: {  	_ =	shalt  }
0x72: {  	_ =	shalt  }
0x73: {  	_ =	shalt  }
0x74: {  	_ =	shalt  }
0x75: {  	_ =	shalt  }
0x76: {  	_ =	shalt  }
0x77: {  	_ =	shalt  }
0x78: {  	_ =	shalt  }
0x79: {  	_ =	shalt  }
0x7a: {  	_ =	shalt  }
0x7b: {  	_ =	shalt  }
0x7c: {  	_ =	shalt  }
0x7d: {  	_ =	shalt  }
0x7e: {  	_ =	shalt  }
0x7f: {  	_ =	shalt  }
0x80: {  	_ =	shalt  }
0x81: {  	_ =	shalt  }
0x82: {  	_ =	shalt  }
0x83: {  	_ =	shalt  }
0x84: {  	_ =	shalt  }
0x85: {  	_ =	shalt  }
0x86: {  	_ =	shalt  }
0x87: {  	_ =	shalt  }
.Lfunc_end0:
.L_simem_size_0:
called_computation.1_lowered:
.L_overlay_start_0:
0x88: {  	s2 =	sld [smem:$0x3FD9]  }
0x89: {  	s3 =	sld [smem:$0x3FFE];
	_ =	sdelay $0x1  }
0x8a: {  	s1 =	srdreg.scid  }
0x8b: {  	s0 =	sand.u32 $0x1, s1  }
0x8c: {  	s16 =	sshll.u32 s0, $0xA;
	s2 =	sadd.s32 s3, s2  }
0x8d: {  	s2 =	sadd.s32 s2, s16  }
0x8e: {  	[smem:$0x3FA0] =	sst s2  }
0x8f: {  	_ = 	snop  }
0x90: {  	(tm) =	ssettm $0x1  }
0x91: {  	s17 =	sld [smem:$0x3FFB];
	_ =	sdelay $0x3  }
0x92: {  	_ =	strace s17  }
0x93: {  	s2 =	sld [smem:$0x3FFC];
	_ =	sdelay $0x3  }
0x94: {  	_ =	strace s2  }
0x95: {  	s2 =	sld [smem:$0x3FFD];
	_ =	sdelay $0x3  }
0x96: {  	_ =	strace s2  }
0x97: {  	_ =	strace $0x8FFFFFFF  }
0x98: {  	s18 =	sld [smem:$0x3FDB];
	_ =	sdelay $0x1  }
0x99: {  	s19 =	simm.s32 $_scs_section_size  }
0x9a: {  	s4 =	simm.s32 $_size__tile_overlayer_lowered;
	s5 =	simm.s32 $_tile_overlayer_lowered  }
0x9b: {  	s22 =	simm.s32 $0x1BFF;
	s21 =	sshll.u32 s5, $0x1;
	s2 =	sadd.s32 s19, s18  }
0x9c: {  	s6 =	simm.s32 $0x0;
	s20 =	sshll.u32 s4, $0x1;
	s4 =	sadd.s32 s21, s2  }
0x9d: {  	[timem:s6], [sflag:s22] =	dma.local [hbm:s4], s20  }
0x9e: {  	_ =	swait.ge [sflag:s22], s20  }
0x9f: {  	s3 =	ssub.s32 $0x0, s20;
	[sflag:s22] =	ssyncset.done $0x0  }
0xa0: {  	[sflag:s22] =	ssyncadd.s32 s3;
	_ =	sdelay $0x1  }
0xa1: {  	s23 =	simm.s32 $0x1B8B  }
0xa2: {  	_ =	swait.ge [sflag:s23], $0x1  }
0xa3: {  	[sflag:s23] =	ssyncset.done $0x0  }
0xa4: {  	s25 =	simm.s32 $0x1B8E;
	s24 =	sld [smem:$0x3FFE];
	[sflag:s23] =	ssyncadd.s32 $0xFFFFFFFF  }
0xa5: {  	s26 =	simm.s32 $execute0_lowered;
	[smem:$0x3FD2] =	sst s25  }
0xa6: {  	s4 =	sshll.u32 s26, $0x1;
	_ =	strace $0x80000049;
	[dreg:$0x1] =	wrdreg $0xFFFFFFFF  }
0xa7: {  	s28 =	simm.s32 $_size_execute0_lowered;
	s2 =	sadd.s32 s2, s4;
	[dreg:$0x0] =	wrdreg $0x0  }
0xa8: {  	s4 =	sshll.u32 s28, $0x1;
	[dreg:$0x2] =	wrdreg s2  }
0xa9: {  	[dreg:$0x3] =	wrdreg s4  }
0xaa: {  	[dreg:$0x4] =	wrdreg $0xC0  }
0xab: {  	_ =	task [dreg:s6], $0x5FFFF  }
0xac: {  	[dreg:$0x1] =	wrdreg $0xFFFFFFFF  }
0xad: {  	[dreg:$0x0] =	wrdreg $0x60  }
0xae: {  	[dreg:$0x2] =	wrdreg s24  }
0xaf: {  	[dreg:$0x3] =	wrdreg $0x0  }
0xb0: {  	[dreg:$0x4] =	wrdreg $0x9  }
0xb1: {  	_ =	task.clear_ibuf [dreg:s6], $0x5FFFF;
	_ =	strace $0x90000049  }
0xb2: {  	s29 =	simm.s32 $0x9;
	_ =	strace $0x8000004B  }
0xb3: {  	_ =	swait.ge [sflag:s29], $0x1  }
0xb4: {  	[sflag:s29] =	ssyncadd.s32 $0xFFFFFFFF  }
0xb5: {  	_ =	strace $0x9000004B  }
0xb6: {  	_ =	sfence  }
0xb7: {  	s30 =	sld [smem:$0x0];
	_ =	sdelay $0x2  }
0xb8: {  	s31 =	sshll.u32 s1, $0xD;
	s1 =	sshrl.u32 s1, $0x2  }
0xb9: {  	s3 =	sand.u32 $0x4000, s31;
	s1 =	sadd.s32 s1, s30  }
0xba: {  	s0 =	sor.u32 s3, s0;
	s1 =	sshll.u32 s1, $0x11  }
0xbb: {  	s0 =	sor.u32 s1, s0  }
0xbc: {  	s0 =	sadd.s32 $0x8F2B, s0  }
0xbd: {  	[sflag:s0] =	ssyncadd.remote.s32 $0x1  }
0xbe: {  	_ =	sfence.sel $0xFFFF  }
0xbf: {  	[dreg:$0x0] =	wrdreg $0xFFFFFFFF;
	(pc) =	sbr.abs _section_cstart, $3  }
0xc0: {  	[dreg:$0x1] =	wrdreg $0xFFFFFFFF  }
0xc1: {  	_ =	task.clear_ibuf [dreg:s6], $0x2FFFF;
	_ =	strace $0x9FFFFFFF  }
0xc2: {  	(tm) =	ssettm $0x7FFFFFFF  }
0xc3: {  	_ =	shalt  }
tec
execute0_lowered:
.L_overlay_start_1:
0x0: {  	(tag) =	ssettag $0x1  }
0x1: {  	s1 =	srdreg.scid;
	s7 =	rddreg [dreg:$0x0]  }
0x2: {  	s0 =	stileid.u32;
	s2 =	rddreg [dreg:$0x1];
	s3 =	simm.s32 $0x0  }
0x3: {  	s14 =	simm.s32 $0xC580;
	s15 =	simm.s32 $0x80;
	s16 =	simm.s32 $0xED00  }
0x4: {  	s17 =	simm.s32 $0x1;
	s18 =	simm.s32 $0x10D00;
	s19 =	simm.s32 $0xC500  }
0x5: {  	s20 =	simm.s32 $0xEC80;
	s21 =	simm.s32 $0x0;
	s6 =	sand.u32 $0x1, s1  }
0x6: {  	s30 =	sshll.u32 s0, $0x1;
	s8 =	smul.u32 $0x9E00, s0;
	[smem:$0x7FF] =	sst s3  }
0x7: {  	s4 =	sadd.s32 $0x26600, s7;
	s1 =	sor.u32 s6, s30;
	s9 =	smul.u32 $0x9E000, s6  }
0x8: {  	s11 =	sshll.u32 s0, $0x6;
	s6 =	ssub.s32 $0x2, s6;
	s5 =	smul.u32 $0x4F0, s1  }
0x9: {  	s1 =	rddreg [dreg:$0x2];
	_ =	strace $0x8000004A;
	s31 =	sshrl.u32 s6, $0x1  }
0xa: {  	s13 =	sadd.s32 s8, s2;
	s9 =	sadd.s32 s8, s9;
	s12 =	ssub.s32 s6, s31  }
0xb: {  	s6 =	sor.u32 $0x1C02, s11;
	s11 =	sshrl.u32 s13, $0x3;
	s13 =	simm.s32 $0x9E00  }
0xc: {  	s10 =	sadd.s32 s5, s7;
	s5 =	sadd.s32 $0x8C00, s7;
	s9 =	sshrl.u32 s9, $0x3  }
0xd: {  	s9 =	sadd.s32 s9, s7;
	s7 =	sadd.s32 $0x12A00, s10;
	s8 =	sadd.s32 $0x1C800, s10  }
0xe: {  	s10 =	smax.u32 s12, $0x1;
	s12 =	simm.s32 $0x2;
	s9 =	sadd.s32 $0x3A000, s9  }
.LBB2_1:
0xf: {  	[spmem:s11], [sflag:s6] =	dma.local [hbm:s5], $0x13C0  }
0x10: {  	_ =	swait.ge [sflag:s12], $0x13C0  }
0x11: {  	[sflag:s12] =	ssyncset.done $0x0  }
0x12: {  	[sflag:s12] =	ssyncadd.s32 $0xFFFFEC40  }
0x13: {  	[tilespmem:s13], [sflag:$0x2] =	stream.linear.gather [hbm4b:s7+s3], $0x2780, $0x38;
	[tilespmem:$0x12D00] =	vst v63  }
0x14: {  	_ =	swait.ge [sflag:s12], $0x2780  }
0x15: {  	[sflag:s12] =	ssyncset.done $0x0  }
0x16: {  	[sflag:s12] =	ssyncadd.s32 $0xFFFFD880  }
0x17: {  	[tilespmem:s14], [sflag:$0x2] =	stream.linear.gather [hbm4b:s8+s3], $0x2780, $0x38;
	[tilespmem:$0x12D00] =	vst v63  }
0x18: {  	_ =	swait.ge [sflag:s12], $0x2780  }
0x19: {  	[sflag:s12] =	ssyncset.done $0x0  }
0x1a: {  	[sflag:s12] =	ssyncadd.s32 $0xFFFFD880  }
0x1b: {  	s22 =	simm.s32 $0x9E00;
	[bflag:$0x0] =	sbarrier.arrive $0xFFFF  }
0x1c: {  	[tilespmem:s16], [sflag:$0x1] =	stream.indirect.gather [hbm4b:s4+s15], $0x40, s22, s15, $0xb8;
	[tilespmem:$0x12D00] =	vst v63  }
0x1d: {  	_ =	swait.ge [sflag:s17], $0x2000  }
0x1e: {  	[sflag:s17] =	ssyncset.done $0x0  }
0x1f: {  	s30 =	simm.s32 $0xC580;
	[sflag:s17] =	ssyncadd.s32 $0xFFFFE000  }
0x20: {  	[spmem:s2] =	stream.indirect.scatter.add.f32 [tilespmem:s16], [sflag:$0x2], $0x40, s30, s15, $0xb8;
	[tilespmem:$0x12D00] =	vst v63  }
0x21: {  	_ =	swait.ge [sflag:s12], $0x2000  }
0x22: {  	[sflag:s12] =	ssyncset.done $0x0  }
0x23: {  	s31 =	simm.s32 $0x9E80;
	[sflag:s12] =	ssyncadd.s32 $0xFFFFE000  }
0x24: {  	[tilespmem:s18], [sflag:$0x1] =	stream.indirect.gather [hbm4b:s4+s15], $0x40, s31, s15, $0xb8;
	[tilespmem:$0x12D00] =	vst v63  }
0x25: {  	_ =	swait.ge [sflag:s17], $0x2000  }
0x26: {  	[sflag:s17] =	ssyncset.done $0x0  }
0x27: {  	s22 =	simm.s32 $0xC600;
	[sflag:s17] =	ssyncadd.s32 $0xFFFFE000  }
0x28: {  	[spmem:s2] =	stream.indirect.scatter.add.f32 [tilespmem:s18], [sflag:$0x2], $0x40, s22, s15, $0xb8;
	[tilespmem:$0x12D00] =	vst v63  }
0x29: {  	_ =	swait.ge [sflag:s12], $0x2000  }
0x2a: {  	s23 =	simm.s32 $0x0;
	s24 =	simm.s32 $0x9F80;
	[sflag:s12] =	ssyncset.done $0x0  }
.LBB2_2:
0x2b: {  	s25 =	sadd.s32 $0xFFFFFF80, s24;
	[sflag:s12] =	ssyncadd.s32 $0xFFFFE000  }
0x2c: {  	[tilespmem:s16], [sflag:$0x1] =	stream.indirect.gather [hbm4b:s4+s15], $0x40, s25, s15, $0xb8;
	[tilespmem:$0x12D00] =	vst v63  }
0x2d: {  	_ =	swait.ge [sflag:s17], $0x2000  }
0x2e: {  	s22 =	sadd.s32 $0x100, s22;
	[sflag:s17] =	ssyncset.done $0x0  }
0x2f: {  	s25 =	sadd.s32 $0xFFFFFF80, s22;
	[sflag:s17] =	ssyncadd.s32 $0xFFFFE000  }
0x30: {  	[spmem:s2] =	stream.indirect.scatter.add.f32 [tilespmem:s16], [sflag:$0x2], $0x40, s25, s15, $0xb8;
	[tilespmem:$0x12D00] =	vst v63  }
0x31: {  	_ =	swait.ge [sflag:s12], $0x2000  }
0x32: {  	s23 =	sadd.s32 $0x2, s23;
	[sflag:s12] =	ssyncset.done $0x0  }
0x33: {  	p0 =	slt.u32 s23, $0x4C;
	[sflag:s12] =	ssyncadd.s32 $0xFFFFE000  }
0x34: {  	[tilespmem:s18], [sflag:$0x1] =	stream.indirect.gather [hbm4b:s4+s15], $0x40, s24, s15, $0xb8;
	[tilespmem:$0x12D00] =	vst v63  }
0x35: {  	_ =	swait.ge [sflag:s17], $0x2000  }
.Ltmp0:
0x36: {  	[sflag:s17] =	ssyncset.done $0x0;
	(pc) =	sbr.rel @p0 .LBB2_2-.Ltmp0, $4  }
0x37: {  	[sflag:s17] =	ssyncadd.s32 $0xFFFFE000  }
0x38: {  	[spmem:s2] =	stream.indirect.scatter.add.f32 [tilespmem:s18], [sflag:$0x2], $0x40, s22, s15, $0xb8;
	[tilespmem:$0x12D00] =	vst v63  }
0x39: {  	_ =	swait.ge [sflag:s12], $0x2000  }
0x3a: {  	s24 =	sadd.s32 $0x100, s24;
	[sflag:s12] =	ssyncset.done $0x0  }
0x3b: {  	[sflag:s12] =	ssyncadd.s32 $0xFFFFE000  }
0x3c: {  	[tilespmem:s16], [sflag:$0x1] =	stream.indirect.gather [hbm4b:s4+s15], $0x40, s19, s15, $0xb8;
	[tilespmem:$0x12D00] =	vst v63  }
0x3d: {  	_ =	swait.ge [sflag:s17], $0x2000  }
0x3e: {  	[sflag:s17] =	ssyncset.done $0x0  }
0x3f: {  	[sflag:s17] =	ssyncadd.s32 $0xFFFFE000  }
0x40: {  	[spmem:s2] =	stream.indirect.scatter.add.f32 [tilespmem:s16], [sflag:$0x2], $0x40, s20, s15, $0xb8;
	[tilespmem:$0x12D00] =	vst v63  }
0x41: {  	_ =	swait.ge [sflag:s12], $0x2000  }
0x42: {  	s21 =	sadd.s32 $0x1, s21;
	[sflag:s12] =	ssyncset.done $0x0  }
0x43: {  	p0 =	sne.s32 s21, s10;
	[sflag:s12] =	ssyncadd.s32 $0xFFFFE000  }
.Ltmp1:
0x44: {  	[bflag:$0x0] =	sbarrier.arrive $0xFFFF;
	(pc) =	sbr.rel @p0 .LBB2_1-.Ltmp1, $4  }
0x45: {  	[hbm:s9], [sflag:s6] =	dma.local [spmem:s11], $0x13C0  }
0x46: {  	_ =	swait.ge [sflag:s12], $0x13C0  }
0x47: {  	[sflag:s12] =	ssyncset.done $0x0  }
0x48: {  	[sflag:s12] =	ssyncadd.s32 $0xFFFFEC40  }
0x49: {  	_ =	sfence.sel $0x180000  }
0x4a: {  	[bflag:$0x0] =	sbarrier.arrive $0xFFFF  }
0x4b: {  	p0 =	sne.s32 s0, $0x0;
	_ =	strace $0x9000004A  }
0x4c: {  	s0 =	sadd.s32 @!p0 $0x100000, s1;
	[bflag:$0x2] =	sbarrier.arrive $0xFFFF  }
0x4d: {  	[sflag:s0] =	ssyncadd.tile.s32 @!p0 $0x1;
	_ =	shalt  }
.Lfunc_end2:
_tile_overlayer_lowered:
.L_overlay_start_2:
0x4e: {  	(tag) =	ssettag $0x2  }
0x4f: {  	s0 =	rddreg [dreg:$0x0];
	s2 =	stileid.u32  }
0x50: {  	s1 =	rddreg [dreg:$0x1];
	p0 =	sne.s32 s2, $0x0  }
0x51: {  	s3 =	rddreg [dreg:$0x2];
	[bflag:$0x3] =	sbarrier.arrive $0xFFFF;
	s2 =	simm.s32 @!p0 $0x1C02  }
0x52: {  	[timem:s3], [sflag:s2] =	dma.local @!p0 [hbm:s0], s1  }
0x53: {  	s0 =	simm.s32 @!p0 $0x2  }
0x54: {  	_ =	swait.ge @!p0 [sflag:s0], s1  }
0x55: {  	s1 =	ssub.s32 @!p0 $0x0, s1;
	[sflag:s0] =	ssyncset.done @!p0 $0x0  }
0x56: {  	[sflag:s0] =	ssyncadd.s32 @!p0 s1  }
0x57: {  	[bflag:$0x3] =	sbarrier.arrive $0xFFFF  }
0x58: {  	_ =	shalt  }

// kernel: kernel.28.cloned.1.call-start
scs
__scs_entry_jumppad:
0x0: {  	(pc) =	sbr.rel $0x88, $3  }
0x1: {  	(tag) =	ssettag $0x0;
	lr =	simm.s32 $0x1  }
0x2: {  	[smem:$0x3F79] =	sst lr;
	_ =	strace $0xD0000000  }
0x3: {  	_ = 	snop  }
0x4: {  	_ = 	snop  }
0x5: {  	_ = 	snop  }
0x6: {  	_ = 	snop  }
0x7: {  	_ = 	snop  }
__scs_overlays_trampoline_lowered:
0x8: {  	[smem:$0x3F88] =	sst s0  }
0x9: {  	[smem:$0x3F89] =	sst s1  }
0xa: {  	[smem:$0x3F8A] =	sst s2  }
0xb: {  	[smem:$0x3F8B] =	sst s3  }
0xc: {  	[smem:$0x3F8C] =	sst s4  }
0xd: {  	[smem:$0x3F8D] =	sst s5  }
0xe: {  	[smem:$0x3F8E] =	sst s6  }
0xf: {  	[smem:$0x3F8F] =	sst s7  }
0x10: {  	[smem:$0x3F90] =	sst s8  }
0x11: {  	[smem:$0x3F91] =	sst s9;
	s0 =	simm.s32 @!p0 $0x0  }
0x12: {  	s1 =	sld [smem:$0x3F77];
	s0 =	simm.s32 @p0 $0x1  }
0x13: {  	[smem:$0x3F92] =	sst s0;
	s0 =	simm.s32 @!p1 $0x0  }
0x14: {  	s2 =	sld [smem:$0x3F76];
	s0 =	simm.s32 @p1 $0x1  }
0x15: {  	[smem:$0x3F93] =	sst s0;
	s0 =	simm.s32 @!p2 $0x0  }
0x16: {  	s3 =	sld [smem:$0x3FDB];
	s0 =	simm.s32 @p2 $0x1  }
0x17: {  	s4 =	simm.s32 $0x1BF5;
	[smem:$0x3F95] =	sst s0  }
0x18: {  	s0 =	sld [smem:$0x3F78];
	_ =	swait.ge [sflag:s4], $0x0  }
0x19: {  	s7 =	sld [smem:$0x3F79]  }
0x1a: {  	s8 =	sadd.s32 $0xFFFFE003, lr  }
0x1b: {  	s9 =	sadd.s32 $0xFFFFFEF7, lr;
	s5 =	simm.s32 $0xFFFFFFFF;
	p2 =	slt.u32 s8, $0xFFFFF086  }
0x1c: {  	p1 =	slt.u32 s9, $0xF7A;
	s5 =	simm.s32 @!p2 $0x0  }
0x1d: {  	s5 =	simm.s32 @p1 $0x1;
	p0 =	seq.s32 s7, s2  }
0x1e: {  	s7 =	smul.u32 @!p0 $0xF7A, s2;
	p2 =	seq.s32 @!p0 s5, $0x0  }
0x1f: {  	s9 =	smul.u32 $0xF7A, s1;
	s8 =	simm.s32 @!p0 $0x1BF5;
	p2 =	por !p2, p0  }
0x20: {  	[sflag:s8] =	ssyncset.s32 @!p0 $0xFFFFF086;
	s6 =	sadd.s32 @!p0 s3, s7;
	s7 =	simm.s32 @!p0 $0x108  }
0x21: {  	s3 =	sadd.s32 s3, s9;
	s6 =	sadd.s32 @!p0 $0x88, s6;
	s7 =	simm.s32 @p2 $0x1082  }
0x22: {  	[simem:s7], [sflag:s8] =	dma.local @!p0 [hbm:s6], $0xF7A  }
0x23: {  	s9 =	sor.u32 $0xD0000000, s2;
	s6 =	simm.s32 $0x108;
	_ =	swait.ge @!p0 [sflag:s8], $0x0  }
0x24: {  	s3 =	sadd.s32 $0x88, s3;
	s6 =	simm.s32 @!p1 $0x1082;
	[sflag:s4] =	ssyncset.s32 $0xFFFFF086  }
0x25: {  	[simem:s6], [sflag:s4] =	dma.local [hbm:s3], $0xF7A  }
0x26: {  	[smem:$0x3F79] =	sst s1;
	(tag) =	ssettag s2;
	_ =	strace s9  }
0x27: {  	s1 =	sld [smem:$0x3F89]  }
0x28: {  	s2 =	sld [smem:$0x3F8A]  }
0x29: {  	s4 =	sld [smem:$0x3F8C]  }
0x2a: {  	p0 =	seq.s32 s5, $0x0;
	s5 =	sld [smem:$0x3F8D]  }
0x2b: {  	s6 =	sld [smem:$0x3F8E]  }
0x2c: {  	s7 =	sld [smem:$0x3F8F]  }
0x2d: {  	s3 =	simm.s32 $0x108;
	s8 =	sld [smem:$0x3F90]  }
0x2e: {  	s3 =	simm.s32 @!p0 $0x1082;
	s9 =	sld [smem:$0x3F91]  }
0x2f: {  	lr =	sadd.s32 s0, s3;
	s0 =	sld [smem:$0x3F88]  }
0x30: {  	s3 =	sld [smem:$0x3F8B]  }
0x31: {  	[smem:$0x3F94] =	sst s10  }
0x32: {  	s10 =	sld [smem:$0x3F92];
	_ =	sdelay $0x3  }
0x33: {  	p0 =	seq.s32 s10, $0x1;
	s10 =	sld [smem:$0x3F94];
	_ =	sdelay $0x3  }
0x34: {  	[smem:$0x3F94] =	sst s10  }
0x35: {  	s10 =	sld [smem:$0x3F93];
	_ =	sdelay $0x3  }
0x36: {  	p1 =	seq.s32 s10, $0x1;
	s10 =	sld [smem:$0x3F94];
	_ =	sdelay $0x3  }
0x37: {  	[smem:$0x3F94] =	sst s10  }
0x38: {  	s10 =	sld [smem:$0x3F95]  }
0x39: {  	_ = 	snop;
	(pc) =	sbr.ind lr, $3  }
0x3a: {  	_ = 	snop  }
0x3b: {  	_ = 	snop  }
0x3c: {  	p2 =	seq.s32 s10, $0x1;
	s10 =	sld [smem:$0x3F94]  }
0x3d: {  	_ =	shalt  }
0x3e: {  	_ =	shalt  }
0x3f: {  	_ =	shalt  }
0x40: {  	_ =	shalt  }
0x41: {  	_ =	shalt  }
0x42: {  	_ =	shalt  }
0x43: {  	_ =	shalt  }
0x44: {  	_ =	shalt  }
0x45: {  	_ =	shalt  }
0x46: {  	_ =	shalt  }
0x47: {  	_ =	shalt  }
0x48: {  	_ =	shalt  }
0x49: {  	_ =	shalt  }
0x4a: {  	_ =	shalt  }
0x4b: {  	_ =	shalt  }
0x4c: {  	_ =	shalt  }
0x4d: {  	_ =	shalt  }
0x4e: {  	_ =	shalt  }
0x4f: {  	_ =	shalt  }
0x50: {  	_ =	shalt  }
0x51: {  	_ =	shalt  }
0x52: {  	_ =	shalt  }
0x53: {  	_ =	shalt  }
0x54: {  	_ =	shalt  }
0x55: {  	_ =	shalt  }
0x56: {  	_ =	shalt  }
0x57: {  	_ =	shalt  }
0x58: {  	_ =	shalt  }
0x59: {  	_ =	shalt  }
0x5a: {  	_ =	shalt  }
0x5b: {  	_ =	shalt  }
0x5c: {  	_ =	shalt  }
0x5d: {  	_ =	shalt  }
0x5e: {  	_ =	shalt  }
0x5f: {  	_ =	shalt  }
0x60: {  	_ =	shalt  }
0x61: {  	_ =	shalt  }
0x62: {  	_ =	shalt  }
0x63: {  	_ =	shalt  }
0x64: {  	_ =	shalt  }
0x65: {  	_ =	shalt  }
0x66: {  	_ =	shalt  }
0x67: {  	_ =	shalt  }
0x68: {  	_ =	shalt  }
0x69: {  	_ =	shalt  }
0x6a: {  	_ =	shalt  }
0x6b: {  	_ =	shalt  }
0x6c: {  	_ =	shalt  }
0x6d: {  	_ =	shalt  }
0x6e: {  	_ =	shalt  }
0x6f: {  	_ =	shalt  }
0x70: {  	_ =	shalt  }
0x71: {  	_ =	shalt  }
0x72: {  	_ =	shalt  }
0x73: {  	_ =	shalt  }
0x74: {  	_ =	shalt  }
0x75: {  	_ =	shalt  }
0x76: {  	_ =	shalt  }
0x77: {  	_ =	shalt  }
0x78: {  	_ =	shalt  }
0x79: {  	_ =	shalt  }
0x7a: {  	_ =	shalt  }
0x7b: {  	_ =	shalt  }
0x7c: {  	_ =	shalt  }
0x7d: {  	_ =	shalt  }
0x7e: {  	_ =	shalt  }
0x7f: {  	_ =	shalt  }
0x80: {  	_ =	shalt  }
0x81: {  	_ =	shalt  }
0x82: {  	_ =	shalt  }
0x83: {  	_ =	shalt  }
0x84: {  	_ =	shalt  }
0x85: {  	_ =	shalt  }
0x86: {  	_ =	shalt  }
0x87: {  	_ =	shalt  }
.Lfunc_end0:
.L_simem_size_0:
called_computation.2_lowered:
.L_overlay_start_0:
0x88: {  	s2 =	sld [smem:$0x3FD9]  }
0x89: {  	s3 =	sld [smem:$0x3FFE];
	_ =	sdelay $0x1  }
0x8a: {  	s1 =	srdreg.scid  }
0x8b: {  	s0 =	sand.u32 $0x1, s1  }
0x8c: {  	s16 =	sshll.u32 s0, $0xA;
	s2 =	sadd.s32 s3, s2  }
0x8d: {  	s2 =	sadd.s32 s2, s16  }
0x8e: {  	[smem:$0x3FA0] =	sst s2  }
0x8f: {  	_ = 	snop  }
0x90: {  	(tm) =	ssettm $0x1  }
0x91: {  	s17 =	sld [smem:$0x3FFB];
	_ =	sdelay $0x3  }
0x92: {  	_ =	strace s17  }
0x93: {  	s2 =	sld [smem:$0x3FFC];
	_ =	sdelay $0x3  }
0x94: {  	_ =	strace s2  }
0x95: {  	s2 =	sld [smem:$0x3FFD];
	_ =	sdelay $0x3  }
0x96: {  	_ =	strace s2  }
0x97: {  	_ =	strace $0x8FFFFFFF  }
0x98: {  	s18 =	sld [smem:$0x3FDB];
	_ =	sdelay $0x1  }
0x99: {  	s19 =	simm.s32 $_scs_section_size  }
0x9a: {  	s4 =	simm.s32 $_size__tile_overlayer_lowered;
	s5 =	simm.s32 $_tile_overlayer_lowered  }
0x9b: {  	s22 =	simm.s32 $0x1BFF;
	s21 =	sshll.u32 s5, $0x1;
	s2 =	sadd.s32 s19, s18  }
0x9c: {  	s6 =	simm.s32 $0x0;
	s20 =	sshll.u32 s4, $0x1;
	s4 =	sadd.s32 s21, s2  }
0x9d: {  	[timem:s6], [sflag:s22] =	dma.local [hbm:s4], s20  }
0x9e: {  	_ =	swait.ge [sflag:s22], s20  }
0x9f: {  	s3 =	ssub.s32 $0x0, s20;
	[sflag:s22] =	ssyncset.done $0x0  }
0xa0: {  	[sflag:s22] =	ssyncadd.s32 s3;
	_ =	sdelay $0x1  }
0xa1: {  	s23 =	simm.s32 $0x1B8B  }
0xa2: {  	_ =	swait.ge [sflag:s23], $0x1  }
0xa3: {  	[sflag:s23] =	ssyncset.done $0x0  }
0xa4: {  	s25 =	simm.s32 $0x1B8E;
	s24 =	sld [smem:$0x3FFE];
	[sflag:s23] =	ssyncadd.s32 $0xFFFFFFFF  }
0xa5: {  	s26 =	simm.s32 $execute0_lowered;
	[smem:$0x3FD2] =	sst s25  }
0xa6: {  	s4 =	sshll.u32 s26, $0x1;
	_ =	strace $0x8000004C;
	[dreg:$0x1] =	wrdreg $0xFFFFFFFF  }
0xa7: {  	s28 =	simm.s32 $_size_execute0_lowered;
	s2 =	sadd.s32 s2, s4;
	[dreg:$0x0] =	wrdreg $0x0  }
0xa8: {  	s4 =	sshll.u32 s28, $0x1;
	[dreg:$0x2] =	wrdreg s2  }
0xa9: {  	[dreg:$0x3] =	wrdreg s4  }
0xaa: {  	[dreg:$0x4] =	wrdreg $0xC0  }
0xab: {  	_ =	task [dreg:s6], $0x5FFFF  }
0xac: {  	[dreg:$0x1] =	wrdreg $0xFFFFFFFF  }
0xad: {  	[dreg:$0x0] =	wrdreg $0x60  }
0xae: {  	[dreg:$0x2] =	wrdreg s24  }
0xaf: {  	[dreg:$0x3] =	wrdreg $0x0  }
0xb0: {  	[dreg:$0x4] =	wrdreg $0x9  }
0xb1: {  	_ =	task.clear_ibuf [dreg:s6], $0x5FFFF;
	_ =	strace $0x9000004C  }
0xb2: {  	s29 =	simm.s32 $0x9;
	_ =	strace $0x8000004E  }
0xb3: {  	_ =	swait.ge [sflag:s29], $0x1  }
0xb4: {  	[sflag:s29] =	ssyncadd.s32 $0xFFFFFFFF  }
0xb5: {  	_ =	strace $0x9000004E  }
0xb6: {  	_ =	sfence  }
0xb7: {  	s30 =	sld [smem:$0x0];
	_ =	sdelay $0x2  }
0xb8: {  	s31 =	sshll.u32 s1, $0xD;
	s1 =	sshrl.u32 s1, $0x2  }
0xb9: {  	s3 =	sand.u32 $0x4000, s31;
	s1 =	sadd.s32 s1, s30  }
0xba: {  	s0 =	sor.u32 s3, s0;
	s1 =	sshll.u32 s1, $0x11  }
0xbb: {  	s0 =	sor.u32 s1, s0  }
0xbc: {  	s0 =	sadd.s32 $0x8F2B, s0  }
0xbd: {  	[sflag:s0] =	ssyncadd.remote.s32 $0x1  }
0xbe: {  	_ =	sfence.sel $0xFFFF  }
0xbf: {  	[dreg:$0x0] =	wrdreg $0xFFFFFFFF;
	(pc) =	sbr.abs _section_cstart, $3  }
0xc0: {  	[dreg:$0x1] =	wrdreg $0xFFFFFFFF  }
0xc1: {  	_ =	task.clear_ibuf [dreg:s6], $0x2FFFF;
	_ =	strace $0x9FFFFFFF  }
0xc2: {  	(tm) =	ssettm $0x7FFFFFFF  }
0xc3: {  	_ =	shalt  }
tec
execute0_lowered:
.L_overlay_start_1:
0x0: {  	(tag) =	ssettag $0x1  }
0x1: {  	s1 =	srdreg.scid;
	s7 =	rddreg [dreg:$0x0]  }
0x2: {  	s0 =	stileid.u32;
	s2 =	rddreg [dreg:$0x1];
	s3 =	simm.s32 $0x0  }
0x3: {  	s14 =	simm.s32 $0xC580;
	s15 =	simm.s32 $0x80;
	s16 =	simm.s32 $0xED00  }
0x4: {  	s17 =	simm.s32 $0x1;
	s18 =	simm.s32 $0x10D00;
	s19 =	simm.s32 $0xC500  }
0x5: {  	s20 =	simm.s32 $0xEC80;
	s21 =	simm.s32 $0x0;
	s6 =	sand.u32 $0x1, s1  }
0x6: {  	s30 =	sshll.u32 s0, $0x1;
	s8 =	smul.u32 $0x9E00, s0;
	[smem:$0x7FF] =	sst s3  }
0x7: {  	s4 =	sadd.s32 $0x26600, s7;
	s1 =	sor.u32 s6, s30;
	s9 =	smul.u32 $0x9E000, s6  }
0x8: {  	s11 =	sshll.u32 s0, $0x6;
	s6 =	ssub.s32 $0x2, s6;
	s5 =	smul.u32 $0x4F0, s1  }
0x9: {  	s1 =	rddreg [dreg:$0x2];
	_ =	strace $0x8000004D;
	s31 =	sshrl.u32 s6, $0x1  }
0xa: {  	s13 =	sadd.s32 s8, s2;
	s9 =	sadd.s32 s8, s9;
	s12 =	ssub.s32 s6, s31  }
0xb: {  	s6 =	sor.u32 $0x1C02, s11;
	s11 =	sshrl.u32 s13, $0x3;
	s13 =	simm.s32 $0x9E00  }
0xc: {  	s10 =	sadd.s32 s5, s7;
	s5 =	sadd.s32 $0x8C00, s7;
	s9 =	sshrl.u32 s9, $0x3  }
0xd: {  	s9 =	sadd.s32 s9, s7;
	s7 =	sadd.s32 $0x12A00, s10;
	s8 =	sadd.s32 $0x1C800, s10  }
0xe: {  	s10 =	smax.u32 s12, $0x1;
	s12 =	simm.s32 $0x2;
	s9 =	sadd.s32 $0x3A000, s9  }
.LBB2_1:
0xf: {  	[spmem:s11], [sflag:s6] =	dma.local [hbm:s5], $0x13C0  }
0x10: {  	_ =	swait.ge [sflag:s12], $0x13C0  }
0x11: {  	[sflag:s12] =	ssyncset.done $0x0  }
0x12: {  	[sflag:s12] =	ssyncadd.s32 $0xFFFFEC40  }
0x13: {  	[tilespmem:s13], [sflag:$0x2] =	stream.linear.gather [hbm4b:s7+s3], $0x2780, $0x38;
	[tilespmem:$0x12D00] =	vst v63  }
0x14: {  	_ =	swait.ge [sflag:s12], $0x2780  }
0x15: {  	[sflag:s12] =	ssyncset.done $0x0  }
0x16: {  	[sflag:s12] =	ssyncadd.s32 $0xFFFFD880  }
0x17: {  	[tilespmem:s14], [sflag:$0x2] =	stream.linear.gather [hbm4b:s8+s3], $0x2780, $0x38;
	[tilespmem:$0x12D00] =	vst v63  }
0x18: {  	_ =	swait.ge [sflag:s12], $0x2780  }
0x19: {  	[sflag:s12] =	ssyncset.done $0x0  }
0x1a: {  	[sflag:s12] =	ssyncadd.s32 $0xFFFFD880  }
0x1b: {  	s22 =	simm.s32 $0x9E00;
	[bflag:$0x0] =	sbarrier.arrive $0xFFFF  }
0x1c: {  	[tilespmem:s16], [sflag:$0x1] =	stream.indirect.gather [hbm4b:s4+s15], $0x40, s22, s15, $0xb8;
	[tilespmem:$0x12D00] =	vst v63  }
0x1d: {  	_ =	swait.ge [sflag:s17], $0x2000  }
0x1e: {  	[sflag:s17] =	ssyncset.done $0x0  }
0x1f: {  	s30 =	simm.s32 $0xC580;
	[sflag:s17] =	ssyncadd.s32 $0xFFFFE000  }
0x20: {  	[spmem:s2] =	stream.indirect.scatter.add.f32 [tilespmem:s16], [sflag:$0x2], $0x40, s30, s15, $0xb8;
	[tilespmem:$0x12D00] =	vst v63  }
0x21: {  	_ =	swait.ge [sflag:s12], $0x2000  }
0x22: {  	[sflag:s12] =	ssyncset.done $0x0  }
0x23: {  	s31 =	simm.s32 $0x9E80;
	[sflag:s12] =	ssyncadd.s32 $0xFFFFE000  }
0x24: {  	[tilespmem:s18], [sflag:$0x1] =	stream.indirect.gather [hbm4b:s4+s15], $0x40, s31, s15, $0xb8;
	[tilespmem:$0x12D00] =	vst v63  }
0x25: {  	_ =	swait.ge [sflag:s17], $0x2000  }
0x26: {  	[sflag:s17] =	ssyncset.done $0x0  }
0x27: {  	s22 =	simm.s32 $0xC600;
	[sflag:s17] =	ssyncadd.s32 $0xFFFFE000  }
0x28: {  	[spmem:s2] =	stream.indirect.scatter.add.f32 [tilespmem:s18], [sflag:$0x2], $0x40, s22, s15, $0xb8;
	[tilespmem:$0x12D00] =	vst v63  }
0x29: {  	_ =	swait.ge [sflag:s12], $0x2000  }
0x2a: {  	s23 =	simm.s32 $0x0;
	s24 =	simm.s32 $0x9F80;
	[sflag:s12] =	ssyncset.done $0x0  }
.LBB2_2:
0x2b: {  	s25 =	sadd.s32 $0xFFFFFF80, s24;
	[sflag:s12] =	ssyncadd.s32 $0xFFFFE000  }
0x2c: {  	[tilespmem:s16], [sflag:$0x1] =	stream.indirect.gather [hbm4b:s4+s15], $0x40, s25, s15, $0xb8;
	[tilespmem:$0x12D00] =	vst v63  }
0x2d: {  	_ =	swait.ge [sflag:s17], $0x2000  }
0x2e: {  	s22 =	sadd.s32 $0x100, s22;
	[sflag:s17] =	ssyncset.done $0x0  }
0x2f: {  	s25 =	sadd.s32 $0xFFFFFF80, s22;
	[sflag:s17] =	ssyncadd.s32 $0xFFFFE000  }
0x30: {  	[spmem:s2] =	stream.indirect.scatter.add.f32 [tilespmem:s16], [sflag:$0x2], $0x40, s25, s15, $0xb8;
	[tilespmem:$0x12D00] =	vst v63  }
0x31: {  	_ =	swait.ge [sflag:s12], $0x2000  }
0x32: {  	s23 =	sadd.s32 $0x2, s23;
	[sflag:s12] =	ssyncset.done $0x0  }
0x33: {  	p0 =	slt.u32 s23, $0x4C;
	[sflag:s12] =	ssyncadd.s32 $0xFFFFE000  }
0x34: {  	[tilespmem:s18], [sflag:$0x1] =	stream.indirect.gather [hbm4b:s4+s15], $0x40, s24, s15, $0xb8;
	[tilespmem:$0x12D00] =	vst v63  }
0x35: {  	_ =	swait.ge [sflag:s17], $0x2000  }
.Ltmp0:
0x36: {  	[sflag:s17] =	ssyncset.done $0x0;
	(pc) =	sbr.rel @p0 .LBB2_2-.Ltmp0, $4  }
0x37: {  	[sflag:s17] =	ssyncadd.s32 $0xFFFFE000  }
0x38: {  	[spmem:s2] =	stream.indirect.scatter.add.f32 [tilespmem:s18], [sflag:$0x2], $0x40, s22, s15, $0xb8;
	[tilespmem:$0x12D00] =	vst v63  }
0x39: {  	_ =	swait.ge [sflag:s12], $0x2000  }
0x3a: {  	s24 =	sadd.s32 $0x100, s24;
	[sflag:s12] =	ssyncset.done $0x0  }
0x3b: {  	[sflag:s12] =	ssyncadd.s32 $0xFFFFE000  }
0x3c: {  	[tilespmem:s16], [sflag:$0x1] =	stream.indirect.gather [hbm4b:s4+s15], $0x40, s19, s15, $0xb8;
	[tilespmem:$0x12D00] =	vst v63  }
0x3d: {  	_ =	swait.ge [sflag:s17], $0x2000  }
0x3e: {  	[sflag:s17] =	ssyncset.done $0x0  }
0x3f: {  	[sflag:s17] =	ssyncadd.s32 $0xFFFFE000  }
0x40: {  	[spmem:s2] =	stream.indirect.scatter.add.f32 [tilespmem:s16], [sflag:$0x2], $0x40, s20, s15, $0xb8;
	[tilespmem:$0x12D00] =	vst v63  }
0x41: {  	_ =	swait.ge [sflag:s12], $0x2000  }
0x42: {  	s21 =	sadd.s32 $0x1, s21;
	[sflag:s12] =	ssyncset.done $0x0  }
0x43: {  	p0 =	sne.s32 s21, s10;
	[sflag:s12] =	ssyncadd.s32 $0xFFFFE000  }
.Ltmp1:
0x44: {  	[bflag:$0x0] =	sbarrier.arrive $0xFFFF;
	(pc) =	sbr.rel @p0 .LBB2_1-.Ltmp1, $4  }
0x45: {  	[hbm:s9], [sflag:s6] =	dma.local [spmem:s11], $0x13C0  }
0x46: {  	_ =	swait.ge [sflag:s12], $0x13C0  }
0x47: {  	[sflag:s12] =	ssyncset.done $0x0  }
0x48: {  	[sflag:s12] =	ssyncadd.s32 $0xFFFFEC40  }
0x49: {  	_ =	sfence.sel $0x180000  }
0x4a: {  	[bflag:$0x0] =	sbarrier.arrive $0xFFFF  }
0x4b: {  	p0 =	sne.s32 s0, $0x0;
	_ =	strace $0x9000004D  }
0x4c: {  	s0 =	sadd.s32 @!p0 $0x100000, s1;
	[bflag:$0x2] =	sbarrier.arrive $0xFFFF  }
0x4d: {  	[sflag:s0] =	ssyncadd.tile.s32 @!p0 $0x1;
	_ =	shalt  }
.Lfunc_end2:
_tile_overlayer_lowered:
.L_overlay_start_2:
0x4e: {  	(tag) =	ssettag $0x2  }
0x4f: {  	s0 =	rddreg [dreg:$0x0];
	s2 =	stileid.u32  }
0x50: {  	s1 =	rddreg [dreg:$0x1];
	p0 =	sne.s32 s2, $0x0  }
0x51: {  	s3 =	rddreg [dreg:$0x2];
	[bflag:$0x3] =	sbarrier.arrive $0xFFFF;
	s2 =	simm.s32 @!p0 $0x1C02  }
0x52: {  	[timem:s3], [sflag:s2] =	dma.local @!p0 [hbm:s0], s1  }
0x53: {  	s0 =	simm.s32 @!p0 $0x2  }
0x54: {  	_ =	swait.ge @!p0 [sflag:s0], s1  }
0x55: {  	s1 =	ssub.s32 @!p0 $0x0, s1;
	[sflag:s0] =	ssyncset.done @!p0 $0x0  }
0x56: {  	[sflag:s0] =	ssyncadd.s32 @!p0 s1  }
0x57: {  	[bflag:$0x3] =	sbarrier.arrive $0xFFFF  }
0x58: {  	_ =	shalt  }

// kernel: kernel.31.cloned.1.call-start
scs
__scs_entry_jumppad:
0x0: {  	(pc) =	sbr.rel $0x88, $3  }
0x1: {  	(tag) =	ssettag $0x0;
	lr =	simm.s32 $0x1  }
0x2: {  	[smem:$0x3F79] =	sst lr;
	_ =	strace $0xD0000000  }
0x3: {  	_ = 	snop  }
0x4: {  	_ = 	snop  }
0x5: {  	_ = 	snop  }
0x6: {  	_ = 	snop  }
0x7: {  	_ = 	snop  }
__scs_overlays_trampoline_lowered:
0x8: {  	[smem:$0x3F88] =	sst s0  }
0x9: {  	[smem:$0x3F89] =	sst s1  }
0xa: {  	[smem:$0x3F8A] =	sst s2  }
0xb: {  	[smem:$0x3F8B] =	sst s3  }
0xc: {  	[smem:$0x3F8C] =	sst s4  }
0xd: {  	[smem:$0x3F8D] =	sst s5  }
0xe: {  	[smem:$0x3F8E] =	sst s6  }
0xf: {  	[smem:$0x3F8F] =	sst s7  }
0x10: {  	[smem:$0x3F90] =	sst s8  }
0x11: {  	[smem:$0x3F91] =	sst s9;
	s0 =	simm.s32 @!p0 $0x0  }
0x12: {  	s1 =	sld [smem:$0x3F77];
	s0 =	simm.s32 @p0 $0x1  }
0x13: {  	[smem:$0x3F92] =	sst s0;
	s0 =	simm.s32 @!p1 $0x0  }
0x14: {  	s2 =	sld [smem:$0x3F76];
	s0 =	simm.s32 @p1 $0x1  }
0x15: {  	[smem:$0x3F93] =	sst s0;
	s0 =	simm.s32 @!p2 $0x0  }
0x16: {  	s3 =	sld [smem:$0x3FDB];
	s0 =	simm.s32 @p2 $0x1  }
0x17: {  	s4 =	simm.s32 $0x1BF5;
	[smem:$0x3F95] =	sst s0  }
0x18: {  	s0 =	sld [smem:$0x3F78];
	_ =	swait.ge [sflag:s4], $0x0  }
0x19: {  	s7 =	sld [smem:$0x3F79]  }
0x1a: {  	s8 =	sadd.s32 $0xFFFFE003, lr  }
0x1b: {  	s9 =	sadd.s32 $0xFFFFFEF7, lr;
	s5 =	simm.s32 $0xFFFFFFFF;
	p2 =	slt.u32 s8, $0xFFFFF086  }
0x1c: {  	p1 =	slt.u32 s9, $0xF7A;
	s5 =	simm.s32 @!p2 $0x0  }
0x1d: {  	s5 =	simm.s32 @p1 $0x1;
	p0 =	seq.s32 s7, s2  }
0x1e: {  	s7 =	smul.u32 @!p0 $0xF7A, s2;
	p2 =	seq.s32 @!p0 s5, $0x0  }
0x1f: {  	s9 =	smul.u32 $0xF7A, s1;
	s8 =	simm.s32 @!p0 $0x1BF5;
	p2 =	por !p2, p0  }
0x20: {  	[sflag:s8] =	ssyncset.s32 @!p0 $0xFFFFF086;
	s6 =	sadd.s32 @!p0 s3, s7;
	s7 =	simm.s32 @!p0 $0x108  }
0x21: {  	s3 =	sadd.s32 s3, s9;
	s6 =	sadd.s32 @!p0 $0x88, s6;
	s7 =	simm.s32 @p2 $0x1082  }
0x22: {  	[simem:s7], [sflag:s8] =	dma.local @!p0 [hbm:s6], $0xF7A  }
0x23: {  	s9 =	sor.u32 $0xD0000000, s2;
	s6 =	simm.s32 $0x108;
	_ =	swait.ge @!p0 [sflag:s8], $0x0  }
0x24: {  	s3 =	sadd.s32 $0x88, s3;
	s6 =	simm.s32 @!p1 $0x1082;
	[sflag:s4] =	ssyncset.s32 $0xFFFFF086  }
0x25: {  	[simem:s6], [sflag:s4] =	dma.local [hbm:s3], $0xF7A  }
0x26: {  	[smem:$0x3F79] =	sst s1;
	(tag) =	ssettag s2;
	_ =	strace s9  }
0x27: {  	s1 =	sld [smem:$0x3F89]  }
0x28: {  	s2 =	sld [smem:$0x3F8A]  }
0x29: {  	s4 =	sld [smem:$0x3F8C]  }
0x2a: {  	p0 =	seq.s32 s5, $0x0;
	s5 =	sld [smem:$0x3F8D]  }
0x2b: {  	s6 =	sld [smem:$0x3F8E]  }
0x2c: {  	s7 =	sld [smem:$0x3F8F]  }
0x2d: {  	s3 =	simm.s32 $0x108;
	s8 =	sld [smem:$0x3F90]  }
0x2e: {  	s3 =	simm.s32 @!p0 $0x1082;
	s9 =	sld [smem:$0x3F91]  }
0x2f: {  	lr =	sadd.s32 s0, s3;
	s0 =	sld [smem:$0x3F88]  }
0x30: {  	s3 =	sld [smem:$0x3F8B]  }
0x31: {  	[smem:$0x3F94] =	sst s10  }
0x32: {  	s10 =	sld [smem:$0x3F92];
	_ =	sdelay $0x3  }
0x33: {  	p0 =	seq.s32 s10, $0x1;
	s10 =	sld [smem:$0x3F94];
	_ =	sdelay $0x3  }
0x34: {  	[smem:$0x3F94] =	sst s10  }
0x35: {  	s10 =	sld [smem:$0x3F93];
	_ =	sdelay $0x3  }
0x36: {  	p1 =	seq.s32 s10, $0x1;
	s10 =	sld [smem:$0x3F94];
	_ =	sdelay $0x3  }
0x37: {  	[smem:$0x3F94] =	sst s10  }
0x38: {  	s10 =	sld [smem:$0x3F95]  }
0x39: {  	_ = 	snop;
	(pc) =	sbr.ind lr, $3  }
0x3a: {  	_ = 	snop  }
0x3b: {  	_ = 	snop  }
0x3c: {  	p2 =	seq.s32 s10, $0x1;
	s10 =	sld [smem:$0x3F94]  }
0x3d: {  	_ =	shalt  }
0x3e: {  	_ =	shalt  }
0x3f: {  	_ =	shalt  }
0x40: {  	_ =	shalt  }
0x41: {  	_ =	shalt  }
0x42: {  	_ =	shalt  }
0x43: {  	_ =	shalt  }
0x44: {  	_ =	shalt  }
0x45: {  	_ =	shalt  }
0x46: {  	_ =	shalt  }
0x47: {  	_ =	shalt  }
0x48: {  	_ =	shalt  }
0x49: {  	_ =	shalt  }
0x4a: {  	_ =	shalt  }
0x4b: {  	_ =	shalt  }
0x4c: {  	_ =	shalt  }
0x4d: {  	_ =	shalt  }
0x4e: {  	_ =	shalt  }
0x4f: {  	_ =	shalt  }
0x50: {  	_ =	shalt  }
0x51: {  	_ =	shalt  }
0x52: {  	_ =	shalt  }
0x53: {  	_ =	shalt  }
0x54: {  	_ =	shalt  }
0x55: {  	_ =	shalt  }
0x56: {  	_ =	shalt  }
0x57: {  	_ =	shalt  }
0x58: {  	_ =	shalt  }
0x59: {  	_ =	shalt  }
0x5a: {  	_ =	shalt  }
0x5b: {  	_ =	shalt  }
0x5c: {  	_ =	shalt  }
0x5d: {  	_ =	shalt  }
0x5e: {  	_ =	shalt  }
0x5f: {  	_ =	shalt  }
0x60: {  	_ =	shalt  }
0x61: {  	_ =	shalt  }
0x62: {  	_ =	shalt  }
0x63: {  	_ =	shalt  }
0x64: {  	_ =	shalt  }
0x65: {  	_ =	shalt  }
0x66: {  	_ =	shalt  }
0x67: {  	_ =	shalt  }
0x68: {  	_ =	shalt  }
0x69: {  	_ =	shalt  }
0x6a: {  	_ =	shalt  }
0x6b: {  	_ =	shalt  }
0x6c: {  	_ =	shalt  }
0x6d: {  	_ =	shalt  }
0x6e: {  	_ =	shalt  }
0x6f: {  	_ =	shalt  }
0x70: {  	_ =	shalt  }
0x71: {  	_ =	shalt  }
0x72: {  	_ =	shalt  }
0x73: {  	_ =	shalt  }
0x74: {  	_ =	shalt  }
0x75: {  	_ =	shalt  }
0x76: {  	_ =	shalt  }
0x77: {  	_ =	shalt  }
0x78: {  	_ =	shalt  }
0x79: {  	_ =	shalt  }
0x7a: {  	_ =	shalt  }
0x7b: {  	_ =	shalt  }
0x7c: {  	_ =	shalt  }
0x7d: {  	_ =	shalt  }
0x7e: {  	_ =	shalt  }
0x7f: {  	_ =	shalt  }
0x80: {  	_ =	shalt  }
0x81: {  	_ =	shalt  }
0x82: {  	_ =	shalt  }
0x83: {  	_ =	shalt  }
0x84: {  	_ =	shalt  }
0x85: {  	_ =	shalt  }
0x86: {  	_ =	shalt  }
0x87: {  	_ =	shalt  }
.Lfunc_end0:
.L_simem_size_0:
called_computation.3_lowered:
.L_overlay_start_0:
0x88: {  	s2 =	sld [smem:$0x3FD9]  }
0x89: {  	s3 =	sld [smem:$0x3FFE];
	_ =	sdelay $0x1  }
0x8a: {  	s1 =	srdreg.scid  }
0x8b: {  	s0 =	sand.u32 $0x1, s1  }
0x8c: {  	s17 =	sshll.u32 s0, $0xA;
	s2 =	sadd.s32 s3, s2  }
0x8d: {  	s2 =	sadd.s32 s2, s17  }
0x8e: {  	[smem:$0x3FA0] =	sst s2  }
0x8f: {  	_ = 	snop  }
0x90: {  	s2 =	sld [smem:$0x3FD0];
	(tm) =	ssettm $0x1  }
0x91: {  	s18 =	sld [smem:$0x3FFB];
	_ =	sdelay $0x3  }
0x92: {  	_ =	strace s18  }
0x93: {  	s3 =	sld [smem:$0x3FFC];
	_ =	sdelay $0x3  }
0x94: {  	_ =	strace s3  }
0x95: {  	s3 =	sld [smem:$0x3FFD];
	_ =	sdelay $0x3  }
0x96: {  	_ =	strace s3  }
0x97: {  	_ =	strace $0x8FFFFFFF  }
0x98: {  	s19 =	sld [smem:$0x3FDB];
	_ =	sdelay $0x1  }
0x99: {  	s4 =	simm.s32 $_scs_section_size  }
0x9a: {  	s5 =	simm.s32 $_size__tile_overlayer_lowered;
	s6 =	simm.s32 $_tile_overlayer_lowered  }
0x9b: {  	s22 =	simm.s32 $0x1BFF;
	s21 =	sshll.u32 s6, $0x1;
	s3 =	sadd.s32 s4, s19  }
0x9c: {  	s7 =	simm.s32 $0x0;
	s20 =	sshll.u32 s5, $0x1;
	s5 =	sadd.s32 s21, s3  }
0x9d: {  	[timem:s7], [sflag:s22] =	dma.local [hbm:s5], s20  }
0x9e: {  	_ =	swait.ge [sflag:s22], s20  }
0x9f: {  	s4 =	ssub.s32 $0x0, s20;
	[sflag:s22] =	ssyncset.done $0x0  }
0xa0: {  	[sflag:s22] =	ssyncadd.s32 s4;
	_ =	sdelay $0x1  }
0xa1: {  	s23 =	simm.s32 $0x1B8B  }
0xa2: {  	_ =	swait.ge [sflag:s23], $0x1  }
0xa3: {  	[sflag:s23] =	ssyncset.done $0x0  }
0xa4: {  	s25 =	simm.s32 $0x1B8E;
	s24 =	sld [smem:$0x3FFE];
	[sflag:s23] =	ssyncadd.s32 $0xFFFFFFFF  }
0xa5: {  	s26 =	simm.s32 $execute0_lowered;
	[smem:$0x3FD2] =	sst s25  }
0xa6: {  	s5 =	sshll.u32 s26, $0x1;
	_ =	strace $0x8000004F;
	[dreg:$0x1] =	wrdreg $0xFFFFFFFF  }
0xa7: {  	s28 =	simm.s32 $_size_execute0_lowered;
	s3 =	sadd.s32 s3, s5;
	[dreg:$0x0] =	wrdreg $0x0  }
0xa8: {  	s5 =	sshll.u32 s28, $0x1;
	[dreg:$0x2] =	wrdreg s3  }
0xa9: {  	[dreg:$0x3] =	wrdreg s5  }
0xaa: {  	[dreg:$0x4] =	wrdreg $0xC0  }
0xab: {  	_ =	task [dreg:s7], $0x5FFFF  }
0xac: {  	[dreg:$0x1] =	wrdreg $0xFFFFFFFF  }
0xad: {  	[dreg:$0x0] =	wrdreg $0x60  }
0xae: {  	[dreg:$0x2] =	wrdreg s24  }
0xaf: {  	[dreg:$0x3] =	wrdreg s2  }
0xb0: {  	[dreg:$0x4] =	wrdreg $0x0  }
0xb1: {  	[dreg:$0x5] =	wrdreg $0x184000  }
0xb2: {  	[dreg:$0x6] =	wrdreg $0x9  }
0xb3: {  	_ =	task.clear_ibuf [dreg:s7], $0x7FFFF;
	_ =	strace $0x9000004F  }
0xb4: {  	s29 =	simm.s32 $0x9;
	_ =	strace $0x80000051  }
0xb5: {  	_ =	swait.ge [sflag:s29], $0x1  }
0xb6: {  	[sflag:s29] =	ssyncadd.s32 $0xFFFFFFFF  }
0xb7: {  	_ =	strace $0x90000051  }
0xb8: {  	_ =	sfence  }
0xb9: {  	s30 =	sld [smem:$0x0];
	_ =	sdelay $0x2  }
0xba: {  	s31 =	sshll.u32 s1, $0xD;
	s1 =	sshrl.u32 s1, $0x2  }
0xbb: {  	s3 =	sand.u32 $0x4000, s31;
	s1 =	sadd.s32 s1, s30  }
0xbc: {  	s0 =	sor.u32 s3, s0;
	s1 =	sshll.u32 s1, $0x11  }
0xbd: {  	s0 =	sor.u32 s1, s0  }
0xbe: {  	s0 =	sadd.s32 $0x8F2B, s0  }
0xbf: {  	[sflag:s0] =	ssyncadd.remote.s32 $0x1  }
0xc0: {  	_ =	sfence.sel $0xFFFF  }
0xc1: {  	[dreg:$0x0] =	wrdreg $0xFFFFFFFF;
	(pc) =	sbr.abs _section_cstart, $3  }
0xc2: {  	[dreg:$0x1] =	wrdreg $0xFFFFFFFF  }
0xc3: {  	_ =	task.clear_ibuf [dreg:s7], $0x2FFFF;
	_ =	strace $0x9FFFFFFF  }
0xc4: {  	(tm) =	ssettm $0x7FFFFFFF  }
0xc5: {  	_ =	shalt  }
tec
execute0_lowered:
.L_overlay_start_1:
0x0: {  	(tag) =	ssettag $0x1  }
0x1: {  	s9 =	rddreg [dreg:$0x0]  }
0x2: {  	s2 =	rddreg [dreg:$0x1]  }
0x3: {  	s1 =	srdreg.scid;
	s3 =	rddreg [dreg:$0x2]  }
0x4: {  	s0 =	stileid.u32;
	s4 =	rddreg [dreg:$0x3]  }
0x5: {  	s5 =	simm.s32 $0x0;
	s19 =	simm.s32 $0x13A00;
	s20 =	simm.s32 $0x13F00  }
0x6: {  	s21 =	simm.s32 $0x80;
	s22 =	simm.s32 $0x14400;
	s23 =	simm.s32 $0x1  }
0x7: {  	s24 =	simm.s32 $0x16400;
	s25 =	simm.s32 $0x0;
	s11 =	smul.u32 $0x13A00, s0  }
0x8: {  	s10 =	sand.u32 $0x1, s1;
	s29 =	sshll.u32 s0, $0x1;
	s13 =	smul.u32 $0x4E80, s0  }
0x9: {  	[smem:$0x7FF] =	sst s5;
	s6 =	sadd.s32 $0xC800, s9;
	s12 =	smul.u32 $0x13A000, s10  }
0xa: {  	s8 =	sadd.s32 $0x9400, s9;
	s1 =	sor.u32 s10, s29;
	s14 =	smul.u32 $0x4E800, s10  }
0xb: {  	s31 =	sshll.u32 s0, $0x6;
	s10 =	ssub.s32 $0x2, s10;
	s7 =	smul.u32 $0xA0, s1  }
0xc: {  	s1 =	rddreg [dreg:$0x4];
	_ =	strace $0x80000050;
	s30 =	sshrl.u32 s10, $0x1  }
0xd: {  	s17 =	sadd.s32 s11, s3;
	s18 =	sadd.s32 s13, s4;
	s12 =	sadd.s32 s11, s12  }
0xe: {  	s14 =	sadd.s32 s13, s14;
	s16 =	ssub.s32 s10, s30;
	s15 =	sadd.s32 s7, s9  }
0xf: {  	s7 =	sadd.s32 $0x20200, s9;
	s12 =	sshrl.u32 s12, $0x3;
	s14 =	sshrl.u32 s14, $0x3  }
0x10: {  	s12 =	sadd.s32 s12, s9;
	s14 =	sadd.s32 s14, s9;
	s9 =	sor.u32 $0x1C02, s31  }
0x11: {  	s10 =	sadd.s32 $0xA000, s15;
	s11 =	sadd.s32 $0xB400, s15;
	s15 =	sshrl.u32 s17, $0x3  }
0x12: {  	s17 =	sshrl.u32 s18, $0x3;
	s18 =	simm.s32 $0x1D280;
	s12 =	sadd.s32 $0x22A00, s12  }
0x13: {  	s13 =	sadd.s32 $0x71200, s14;
	s14 =	smax.u32 s16, $0x1;
	s16 =	simm.s32 $0x2  }
.LBB2_1:
0x14: {  	[spmem:s15], [sflag:s9] =	dma.local [hbm:s7], $0x2740  }
0x15: {  	_ =	swait.ge [sflag:s16], $0x2740  }
0x16: {  	[sflag:s16] =	ssyncset.done $0x0  }
0x17: {  	[sflag:s16] =	ssyncadd.s32 $0xFFFFD8C0  }
0x18: {  	[spmem:s17], [sflag:s9] =	dma.local [hbm:s8], $0x9D0  }
0x19: {  	_ =	swait.ge [sflag:s16], $0x9D0  }
0x1a: {  	[sflag:s16] =	ssyncset.done $0x0  }
0x1b: {  	[sflag:s16] =	ssyncadd.s32 $0xFFFFF630  }
0x1c: {  	[tilespmem:s18], [sflag:$0x2] =	stream.linear.gather [hbm4b:s2+s5], $0x800, $0x38;
	[tilespmem:$0x1DA80] =	vst v63  }
0x1d: {  	_ =	swait.ge [sflag:s16], $0x800  }
0x1e: {  	[sflag:s16] =	ssyncset.done $0x0  }
0x1f: {  	[sflag:s16] =	ssyncadd.s32 $0xFFFFF800  }
0x20: {  	[tilespmem:s19], [sflag:$0x2] =	stream.linear.gather [hbm4b:s10+s5], $0x500, $0x38;
	[tilespmem:$0x1DA80] =	vst v63  }
0x21: {  	_ =	swait.ge [sflag:s16], $0x500  }
0x22: {  	[sflag:s16] =	ssyncset.done $0x0  }
0x23: {  	[sflag:s16] =	ssyncadd.s32 $0xFFFFFB00  }
0x24: {  	[tilespmem:s20], [sflag:$0x2] =	stream.linear.gather [hbm4b:s11+s5], $0x500, $0x38;
	[tilespmem:$0x1DA80] =	vst v63  }
0x25: {  	_ =	swait.ge [sflag:s16], $0x500  }
0x26: {  	[sflag:s16] =	ssyncset.done $0x0  }
0x27: {  	[sflag:s16] =	ssyncadd.s32 $0xFFFFFB00  }
0x28: {  	s26 =	simm.s32 $0x13A00;
	[bflag:$0x0] =	sbarrier.arrive $0xFFFF  }
0x29: {  	[tilespmem:s22], [sflag:$0x1] =	stream.indirect.gather [hbm4b:s6+s21], $0x40, s26, s21, $0xb8;
	[tilespmem:$0x1DA80] =	vst v63  }
0x2a: {  	_ =	swait.ge [sflag:s23], $0x2000  }
0x2b: {  	[sflag:s23] =	ssyncset.done $0x0  }
0x2c: {  	s30 =	simm.s32 $0x13F00;
	[sflag:s23] =	ssyncadd.s32 $0xFFFFE000  }
0x2d: {  	[spmem:s3] =	stream.indirect.scatter.add.f32 [tilespmem:s22], [sflag:$0x2], $0x40, s30, s21, $0xb8;
	[tilespmem:$0x1DA80] =	vst v63  }
0x2e: {  	_ =	swait.ge [sflag:s16], $0x2000  }
0x2f: {  	[sflag:s16] =	ssyncset.done $0x0  }
0x30: {  	[sflag:s16] =	ssyncadd.s32 $0xFFFFE000  }
0x31: {  	[spmem:s4] =	stream.indirect.scatter.add.f32 [tilespmem:s18], [sflag:$0x2], $0x10, s30, s21, $0xb8;
	[tilespmem:$0x1DA80] =	vst v63  }
0x32: {  	_ =	swait.ge [sflag:s16], $0x800  }
0x33: {  	[sflag:s16] =	ssyncset.done $0x0  }
0x34: {  	s31 =	simm.s32 $0x13A80;
	[sflag:s16] =	ssyncadd.s32 $0xFFFFF800  }
0x35: {  	[tilespmem:s24], [sflag:$0x1] =	stream.indirect.gather [hbm4b:s6+s21], $0x40, s31, s21, $0xb8;
	[tilespmem:$0x1DA80] =	vst v63  }
0x36: {  	_ =	swait.ge [sflag:s23], $0x2000  }
0x37: {  	[sflag:s23] =	ssyncset.done $0x0  }
0x38: {  	s26 =	simm.s32 $0x13F80;
	[sflag:s23] =	ssyncadd.s32 $0xFFFFE000  }
0x39: {  	[spmem:s3] =	stream.indirect.scatter.add.f32 [tilespmem:s24], [sflag:$0x2], $0x40, s26, s21, $0xb8;
	[tilespmem:$0x1DA80] =	vst v63  }
0x3a: {  	_ =	swait.ge [sflag:s16], $0x2000  }
0x3b: {  	[sflag:s16] =	ssyncset.done $0x0  }
0x3c: {  	[sflag:s16] =	ssyncadd.s32 $0xFFFFE000  }
0x3d: {  	[spmem:s4] =	stream.indirect.scatter.add.f32 [tilespmem:s18], [sflag:$0x2], $0x10, s26, s21, $0xb8;
	[tilespmem:$0x1DA80] =	vst v63  }
0x3e: {  	_ =	swait.ge [sflag:s16], $0x800  }
0x3f: {  	s28 =	simm.s32 $0x0;
	s29 =	simm.s32 $0x13B80;
	[sflag:s16] =	ssyncset.done $0x0  }
.LBB2_2:
0x40: {  	s30 =	sadd.s32 $0xFFFFFF80, s29;
	[sflag:s16] =	ssyncadd.s32 $0xFFFFF800  }
0x41: {  	[tilespmem:s22], [sflag:$0x1] =	stream.indirect.gather [hbm4b:s6+s21], $0x40, s30, s21, $0xb8;
	[tilespmem:$0x1DA80] =	vst v63  }
0x42: {  	_ =	swait.ge [sflag:s23], $0x2000  }
0x43: {  	s26 =	sadd.s32 $0x100, s26;
	[sflag:s23] =	ssyncset.done $0x0  }
0x44: {  	s30 =	sadd.s32 $0xFFFFFF80, s26;
	[sflag:s23] =	ssyncadd.s32 $0xFFFFE000  }
0x45: {  	[spmem:s3] =	stream.indirect.scatter.add.f32 [tilespmem:s22], [sflag:$0x2], $0x40, s30, s21, $0xb8;
	[tilespmem:$0x1DA80] =	vst v63  }
0x46: {  	_ =	swait.ge [sflag:s16], $0x2000  }
0x47: {  	[sflag:s16] =	ssyncset.done $0x0  }
0x48: {  	[sflag:s16] =	ssyncadd.s32 $0xFFFFE000  }
0x49: {  	[spmem:s4] =	stream.indirect.scatter.add.f32 [tilespmem:s18], [sflag:$0x2], $0x10, s30, s21, $0xb8;
	[tilespmem:$0x1DA80] =	vst v63  }
0x4a: {  	_ =	swait.ge [sflag:s16], $0x800  }
0x4b: {  	s28 =	sadd.s32 $0x2, s28;
	[sflag:s16] =	ssyncset.done $0x0  }
0x4c: {  	p0 =	slt.u32 s28, $0x8;
	[sflag:s16] =	ssyncadd.s32 $0xFFFFF800  }
0x4d: {  	[tilespmem:s24], [sflag:$0x1] =	stream.indirect.gather [hbm4b:s6+s21], $0x40, s29, s21, $0xb8;
	[tilespmem:$0x1DA80] =	vst v63  }
0x4e: {  	_ =	swait.ge [sflag:s23], $0x2000  }
0x4f: {  	[sflag:s23] =	ssyncset.done $0x0  }
0x50: {  	[sflag:s23] =	ssyncadd.s32 $0xFFFFE000  }
0x51: {  	[spmem:s3] =	stream.indirect.scatter.add.f32 [tilespmem:s24], [sflag:$0x2], $0x40, s26, s21, $0xb8;
	[tilespmem:$0x1DA80] =	vst v63  }
0x52: {  	_ =	swait.ge [sflag:s16], $0x2000  }
.Ltmp0:
0x53: {  	[sflag:s16] =	ssyncset.done $0x0;
	(pc) =	sbr.rel @p0 .LBB2_2-.Ltmp0, $4  }
0x54: {  	[sflag:s16] =	ssyncadd.s32 $0xFFFFE000  }
0x55: {  	[spmem:s4] =	stream.indirect.scatter.add.f32 [tilespmem:s18], [sflag:$0x2], $0x10, s26, s21, $0xb8;
	[tilespmem:$0x1DA80] =	vst v63  }
0x56: {  	_ =	swait.ge [sflag:s16], $0x800  }
0x57: {  	s29 =	sadd.s32 $0x100, s29;
	[sflag:s16] =	ssyncset.done $0x0  }
0x58: {  	[sflag:s16] =	ssyncadd.s32 $0xFFFFF800  }
0x59: {  	[bflag:$0x0] =	sbarrier.arrive $0xFFFF  }
0x5a: {  	[hbm:s12], [sflag:s9] =	dma.local [spmem:s15], $0x2740  }
0x5b: {  	s25 =	sadd.s32 $0x1, s25;
	_ =	swait.ge [sflag:s16], $0x2740  }
0x5c: {  	p0 =	sne.s32 s25, s14;
	[sflag:s16] =	ssyncset.done $0x0  }
.Ltmp1:
0x5d: {  	[sflag:s16] =	ssyncadd.s32 $0xFFFFD8C0;
	(pc) =	sbr.rel @p0 .LBB2_1-.Ltmp1, $4  }
0x5e: {  	[hbm:s13], [sflag:s9] =	dma.local [spmem:s17], $0x9D0  }
0x5f: {  	_ =	swait.ge [sflag:s16], $0x9D0  }
0x60: {  	[sflag:s16] =	ssyncset.done $0x0  }
0x61: {  	[sflag:s16] =	ssyncadd.s32 $0xFFFFF630  }
0x62: {  	_ =	sfence.sel $0x180000  }
0x63: {  	[bflag:$0x0] =	sbarrier.arrive $0xFFFF  }
0x64: {  	p0 =	sne.s32 s0, $0x0;
	_ =	strace $0x90000050  }
0x65: {  	s0 =	sadd.s32 @!p0 $0x100000, s1;
	[bflag:$0x2] =	sbarrier.arrive $0xFFFF  }
0x66: {  	[sflag:s0] =	ssyncadd.tile.s32 @!p0 $0x1;
	_ =	shalt  }
.Lfunc_end2:
_tile_overlayer_lowered:
.L_overlay_start_2:
0x67: {  	(tag) =	ssettag $0x2  }
0x68: {  	s0 =	rddreg [dreg:$0x0];
	s2 =	stileid.u32  }
0x69: {  	s1 =	rddreg [dreg:$0x1];
	p0 =	sne.s32 s2, $0x0  }
0x6a: {  	s3 =	rddreg [dreg:$0x2];
	[bflag:$0x3] =	sbarrier.arrive $0xFFFF;
	s2 =	simm.s32 @!p0 $0x1C02  }
0x6b: {  	[timem:s3], [sflag:s2] =	dma.local @!p0 [hbm:s0], s1  }
0x6c: {  	s0 =	simm.s32 @!p0 $0x2  }
0x6d: {  	_ =	swait.ge @!p0 [sflag:s0], s1  }
0x6e: {  	s1 =	ssub.s32 @!p0 $0x0, s1;
	[sflag:s0] =	ssyncset.done @!p0 $0x0  }
0x6f: {  	[sflag:s0] =	ssyncadd.s32 @!p0 s1  }
0x70: {  	[bflag:$0x3] =	sbarrier.arrive $0xFFFF  }
0x71: {  	_ =	shalt  }

// kernel: kernel.34.cloned.1.call-start
scs
__scs_entry_jumppad:
0x0: {  	(pc) =	sbr.rel $0x88, $3  }
0x1: {  	(tag) =	ssettag $0x0;
	lr =	simm.s32 $0x1  }
0x2: {  	[smem:$0x3F79] =	sst lr;
	_ =	strace $0xD0000000  }
0x3: {  	_ = 	snop  }
0x4: {  	_ = 	snop  }
0x5: {  	_ = 	snop  }
0x6: {  	_ = 	snop  }
0x7: {  	_ = 	snop  }
__scs_overlays_trampoline_lowered:
0x8: {  	[smem:$0x3F88] =	sst s0  }
0x9: {  	[smem:$0x3F89] =	sst s1  }
0xa: {  	[smem:$0x3F8A] =	sst s2  }
0xb: {  	[smem:$0x3F8B] =	sst s3  }
0xc: {  	[smem:$0x3F8C] =	sst s4  }
0xd: {  	[smem:$0x3F8D] =	sst s5  }
0xe: {  	[smem:$0x3F8E] =	sst s6  }
0xf: {  	[smem:$0x3F8F] =	sst s7  }
0x10: {  	[smem:$0x3F90] =	sst s8  }
0x11: {  	[smem:$0x3F91] =	sst s9;
	s0 =	simm.s32 @!p0 $0x0  }
0x12: {  	s1 =	sld [smem:$0x3F77];
	s0 =	simm.s32 @p0 $0x1  }
0x13: {  	[smem:$0x3F92] =	sst s0;
	s0 =	simm.s32 @!p1 $0x0  }
0x14: {  	s2 =	sld [smem:$0x3F76];
	s0 =	simm.s32 @p1 $0x1  }
0x15: {  	[smem:$0x3F93] =	sst s0;
	s0 =	simm.s32 @!p2 $0x0  }
0x16: {  	s3 =	sld [smem:$0x3FDB];
	s0 =	simm.s32 @p2 $0x1  }
0x17: {  	s4 =	simm.s32 $0x1BF5;
	[smem:$0x3F95] =	sst s0  }
0x18: {  	s0 =	sld [smem:$0x3F78];
	_ =	swait.ge [sflag:s4], $0x0  }
0x19: {  	s7 =	sld [smem:$0x3F79]  }
0x1a: {  	s8 =	sadd.s32 $0xFFFFE003, lr  }
0x1b: {  	s9 =	sadd.s32 $0xFFFFFEF7, lr;
	s5 =	simm.s32 $0xFFFFFFFF;
	p2 =	slt.u32 s8, $0xFFFFF086  }
0x1c: {  	p1 =	slt.u32 s9, $0xF7A;
	s5 =	simm.s32 @!p2 $0x0  }
0x1d: {  	s5 =	simm.s32 @p1 $0x1;
	p0 =	seq.s32 s7, s2  }
0x1e: {  	s7 =	smul.u32 @!p0 $0xF7A, s2;
	p2 =	seq.s32 @!p0 s5, $0x0  }
0x1f: {  	s9 =	smul.u32 $0xF7A, s1;
	s8 =	simm.s32 @!p0 $0x1BF5;
	p2 =	por !p2, p0  }
0x20: {  	[sflag:s8] =	ssyncset.s32 @!p0 $0xFFFFF086;
	s6 =	sadd.s32 @!p0 s3, s7;
	s7 =	simm.s32 @!p0 $0x108  }
0x21: {  	s3 =	sadd.s32 s3, s9;
	s6 =	sadd.s32 @!p0 $0x88, s6;
	s7 =	simm.s32 @p2 $0x1082  }
0x22: {  	[simem:s7], [sflag:s8] =	dma.local @!p0 [hbm:s6], $0xF7A  }
0x23: {  	s9 =	sor.u32 $0xD0000000, s2;
	s6 =	simm.s32 $0x108;
	_ =	swait.ge @!p0 [sflag:s8], $0x0  }
0x24: {  	s3 =	sadd.s32 $0x88, s3;
	s6 =	simm.s32 @!p1 $0x1082;
	[sflag:s4] =	ssyncset.s32 $0xFFFFF086  }
0x25: {  	[simem:s6], [sflag:s4] =	dma.local [hbm:s3], $0xF7A  }
0x26: {  	[smem:$0x3F79] =	sst s1;
	(tag) =	ssettag s2;
	_ =	strace s9  }
0x27: {  	s1 =	sld [smem:$0x3F89]  }
0x28: {  	s2 =	sld [smem:$0x3F8A]  }
0x29: {  	s4 =	sld [smem:$0x3F8C]  }
0x2a: {  	p0 =	seq.s32 s5, $0x0;
	s5 =	sld [smem:$0x3F8D]  }
0x2b: {  	s6 =	sld [smem:$0x3F8E]  }
0x2c: {  	s7 =	sld [smem:$0x3F8F]  }
0x2d: {  	s3 =	simm.s32 $0x108;
	s8 =	sld [smem:$0x3F90]  }
0x2e: {  	s3 =	simm.s32 @!p0 $0x1082;
	s9 =	sld [smem:$0x3F91]  }
0x2f: {  	lr =	sadd.s32 s0, s3;
	s0 =	sld [smem:$0x3F88]  }
0x30: {  	s3 =	sld [smem:$0x3F8B]  }
0x31: {  	[smem:$0x3F94] =	sst s10  }
0x32: {  	s10 =	sld [smem:$0x3F92];
	_ =	sdelay $0x3  }
0x33: {  	p0 =	seq.s32 s10, $0x1;
	s10 =	sld [smem:$0x3F94];
	_ =	sdelay $0x3  }
0x34: {  	[smem:$0x3F94] =	sst s10  }
0x35: {  	s10 =	sld [smem:$0x3F93];
	_ =	sdelay $0x3  }
0x36: {  	p1 =	seq.s32 s10, $0x1;
	s10 =	sld [smem:$0x3F94];
	_ =	sdelay $0x3  }
0x37: {  	[smem:$0x3F94] =	sst s10  }
0x38: {  	s10 =	sld [smem:$0x3F95]  }
0x39: {  	_ = 	snop;
	(pc) =	sbr.ind lr, $3  }
0x3a: {  	_ = 	snop  }
0x3b: {  	_ = 	snop  }
0x3c: {  	p2 =	seq.s32 s10, $0x1;
	s10 =	sld [smem:$0x3F94]  }
0x3d: {  	_ =	shalt  }
0x3e: {  	_ =	shalt  }
0x3f: {  	_ =	shalt  }
0x40: {  	_ =	shalt  }
0x41: {  	_ =	shalt  }
0x42: {  	_ =	shalt  }
0x43: {  	_ =	shalt  }
0x44: {  	_ =	shalt  }
0x45: {  	_ =	shalt  }
0x46: {  	_ =	shalt  }
0x47: {  	_ =	shalt  }
0x48: {  	_ =	shalt  }
0x49: {  	_ =	shalt  }
0x4a: {  	_ =	shalt  }
0x4b: {  	_ =	shalt  }
0x4c: {  	_ =	shalt  }
0x4d: {  	_ =	shalt  }
0x4e: {  	_ =	shalt  }
0x4f: {  	_ =	shalt  }
0x50: {  	_ =	shalt  }
0x51: {  	_ =	shalt  }
0x52: {  	_ =	shalt  }
0x53: {  	_ =	shalt  }
0x54: {  	_ =	shalt  }
0x55: {  	_ =	shalt  }
0x56: {  	_ =	shalt  }
0x57: {  	_ =	shalt  }
0x58: {  	_ =	shalt  }
0x59: {  	_ =	shalt  }
0x5a: {  	_ =	shalt  }
0x5b: {  	_ =	shalt  }
0x5c: {  	_ =	shalt  }
0x5d: {  	_ =	shalt  }
0x5e: {  	_ =	shalt  }
0x5f: {  	_ =	shalt  }
0x60: {  	_ =	shalt  }
0x61: {  	_ =	shalt  }
0x62: {  	_ =	shalt  }
0x63: {  	_ =	shalt  }
0x64: {  	_ =	shalt  }
0x65: {  	_ =	shalt  }
0x66: {  	_ =	shalt  }
0x67: {  	_ =	shalt  }
0x68: {  	_ =	shalt  }
0x69: {  	_ =	shalt  }
0x6a: {  	_ =	shalt  }
0x6b: {  	_ =	shalt  }
0x6c: {  	_ =	shalt  }
0x6d: {  	_ =	shalt  }
0x6e: {  	_ =	shalt  }
0x6f: {  	_ =	shalt  }
0x70: {  	_ =	shalt  }
0x71: {  	_ =	shalt  }
0x72: {  	_ =	shalt  }
0x73: {  	_ =	shalt  }
0x74: {  	_ =	shalt  }
0x75: {  	_ =	shalt  }
0x76: {  	_ =	shalt  }
0x77: {  	_ =	shalt  }
0x78: {  	_ =	shalt  }
0x79: {  	_ =	shalt  }
0x7a: {  	_ =	shalt  }
0x7b: {  	_ =	shalt  }
0x7c: {  	_ =	shalt  }
0x7d: {  	_ =	shalt  }
0x7e: {  	_ =	shalt  }
0x7f: {  	_ =	shalt  }
0x80: {  	_ =	shalt  }
0x81: {  	_ =	shalt  }
0x82: {  	_ =	shalt  }
0x83: {  	_ =	shalt  }
0x84: {  	_ =	shalt  }
0x85: {  	_ =	shalt  }
0x86: {  	_ =	shalt  }
0x87: {  	_ =	shalt  }
.Lfunc_end0:
.L_simem_size_0:
called_computation.4_lowered:
.L_overlay_start_0:
0x88: {  	s2 =	sld [smem:$0x3FD9]  }
0x89: {  	s3 =	sld [smem:$0x3FFE];
	_ =	sdelay $0x1  }
0x8a: {  	s1 =	srdreg.scid  }
0x8b: {  	s0 =	sand.u32 $0x1, s1  }
0x8c: {  	s16 =	sshll.u32 s0, $0xA;
	s2 =	sadd.s32 s3, s2  }
0x8d: {  	s2 =	sadd.s32 s2, s16  }
0x8e: {  	[smem:$0x3FA0] =	sst s2  }
0x8f: {  	_ = 	snop  }
0x90: {  	(tm) =	ssettm $0x1  }
0x91: {  	s17 =	sld [smem:$0x3FFB];
	_ =	sdelay $0x3  }
0x92: {  	_ =	strace s17  }
0x93: {  	s2 =	sld [smem:$0x3FFC];
	_ =	sdelay $0x3  }
0x94: {  	_ =	strace s2  }
0x95: {  	s2 =	sld [smem:$0x3FFD];
	_ =	sdelay $0x3  }
0x96: {  	_ =	strace s2  }
0x97: {  	_ =	strace $0x8FFFFFFF  }
0x98: {  	s18 =	sld [smem:$0x3FDB];
	_ =	sdelay $0x1  }
0x99: {  	s19 =	simm.s32 $_scs_section_size  }
0x9a: {  	s4 =	simm.s32 $_size__tile_overlayer_lowered;
	s5 =	simm.s32 $_tile_overlayer_lowered  }
0x9b: {  	s22 =	simm.s32 $0x1BFF;
	s21 =	sshll.u32 s5, $0x1;
	s2 =	sadd.s32 s19, s18  }
0x9c: {  	s6 =	simm.s32 $0x0;
	s20 =	sshll.u32 s4, $0x1;
	s4 =	sadd.s32 s21, s2  }
0x9d: {  	[timem:s6], [sflag:s22] =	dma.local [hbm:s4], s20  }
0x9e: {  	_ =	swait.ge [sflag:s22], s20  }
0x9f: {  	s3 =	ssub.s32 $0x0, s20;
	[sflag:s22] =	ssyncset.done $0x0  }
0xa0: {  	[sflag:s22] =	ssyncadd.s32 s3;
	_ =	sdelay $0x1  }
0xa1: {  	s23 =	simm.s32 $0x1B8B  }
0xa2: {  	_ =	swait.ge [sflag:s23], $0x1  }
0xa3: {  	[sflag:s23] =	ssyncset.done $0x0  }
0xa4: {  	s25 =	simm.s32 $0x1B8E;
	s24 =	sld [smem:$0x3FFE];
	[sflag:s23] =	ssyncadd.s32 $0xFFFFFFFF  }
0xa5: {  	s26 =	simm.s32 $execute0_lowered;
	[smem:$0x3FD2] =	sst s25  }
0xa6: {  	s4 =	sshll.u32 s26, $0x1;
	_ =	strace $0x80000052;
	[dreg:$0x1] =	wrdreg $0xFFFFFFFF  }
0xa7: {  	s28 =	simm.s32 $_size_execute0_lowered;
	s2 =	sadd.s32 s2, s4;
	[dreg:$0x0] =	wrdreg $0x0  }
0xa8: {  	s4 =	sshll.u32 s28, $0x1;
	[dreg:$0x2] =	wrdreg s2  }
0xa9: {  	[dreg:$0x3] =	wrdreg s4  }
0xaa: {  	[dreg:$0x4] =	wrdreg $0xC0  }
0xab: {  	_ =	task [dreg:s6], $0x5FFFF  }
0xac: {  	[dreg:$0x1] =	wrdreg $0xFFFFFFFF  }
0xad: {  	[dreg:$0x0] =	wrdreg $0x60  }
0xae: {  	[dreg:$0x2] =	wrdreg s24  }
0xaf: {  	[dreg:$0x3] =	wrdreg $0x0  }
0xb0: {  	[dreg:$0x4] =	wrdreg $0x9  }
0xb1: {  	_ =	task.clear_ibuf [dreg:s6], $0x5FFFF;
	_ =	strace $0x90000052  }
0xb2: {  	s29 =	simm.s32 $0x9;
	_ =	strace $0x80000054  }
0xb3: {  	_ =	swait.ge [sflag:s29], $0x1  }
0xb4: {  	[sflag:s29] =	ssyncadd.s32 $0xFFFFFFFF  }
0xb5: {  	_ =	strace $0x90000054  }
0xb6: {  	_ =	sfence  }
0xb7: {  	s30 =	sld [smem:$0x0];
	_ =	sdelay $0x2  }
0xb8: {  	s31 =	sshll.u32 s1, $0xD;
	s1 =	sshrl.u32 s1, $0x2  }
0xb9: {  	s3 =	sand.u32 $0x4000, s31;
	s1 =	sadd.s32 s1, s30  }
0xba: {  	s0 =	sor.u32 s3, s0;
	s1 =	sshll.u32 s1, $0x11  }
0xbb: {  	s0 =	sor.u32 s1, s0  }
0xbc: {  	s0 =	sadd.s32 $0x8F2B, s0  }
0xbd: {  	[sflag:s0] =	ssyncadd.remote.s32 $0x1  }
0xbe: {  	_ =	sfence.sel $0xFFFF  }
0xbf: {  	[dreg:$0x0] =	wrdreg $0xFFFFFFFF;
	(pc) =	sbr.abs _section_cstart, $3  }
0xc0: {  	[dreg:$0x1] =	wrdreg $0xFFFFFFFF  }
0xc1: {  	_ =	task.clear_ibuf [dreg:s6], $0x2FFFF;
	_ =	strace $0x9FFFFFFF  }
0xc2: {  	(tm) =	ssettm $0x7FFFFFFF  }
0xc3: {  	_ =	shalt  }
tec
execute0_lowered:
.L_overlay_start_1:
0x0: {  	(tag) =	ssettag $0x1  }
0x1: {  	s1 =	srdreg.scid  }
0x2: {  	s0 =	stileid.u32;
	s6 =	rddreg [dreg:$0x0]  }
0x3: {  	s2 =	rddreg [dreg:$0x1];
	s3 =	simm.s32 $0x0;
	s14 =	simm.s32 $0x16B00  }
0x4: {  	s15 =	simm.s32 $0x80;
	s16 =	simm.s32 $0x19C00;
	s17 =	simm.s32 $0x1  }
0x5: {  	s18 =	simm.s32 $0x1BC00;
	s19 =	simm.s32 $0x0;
	s5 =	sand.u32 $0x1, s1  }
0x6: {  	s28 =	sshll.u32 s0, $0x1;
	s8 =	smul.u32 $0x13A00, s0;
	[smem:$0x7FF] =	sst s3  }
0x7: {  	s4 =	sadd.s32 $0x70C00, s6;
	s31 =	sshll.u32 s0, $0x6;
	s1 =	sor.u32 s5, s28  }
0x8: {  	s9 =	smul.u32 $0x13A000, s5;
	s30 =	ssub.s32 $0x2, s5;
	s5 =	sadd.s32 $0x20200, s6  }
0x9: {  	s7 =	smul.u32 $0x620, s1;
	s1 =	rddreg [dreg:$0x2];
	_ =	strace $0x80000053  }
0xa: {  	s11 =	sshrl.u32 s30, $0x1;
	s13 =	sadd.s32 s8, s2;
	s29 =	sadd.s32 s8, s9  }
0xb: {  	s11 =	ssub.s32 s30, s11;
	s10 =	sadd.s32 s7, s6;
	s7 =	sshrl.u32 s29, $0x3  }
0xc: {  	s12 =	sadd.s32 s7, s6;
	s6 =	sor.u32 $0x1C02, s31;
	s7 =	sadd.s32 $0xD2E00, s10  }
0xd: {  	s8 =	sadd.s32 $0xDF200, s10;
	s10 =	smax.u32 s11, $0x1;
	s11 =	sshrl.u32 s13, $0x3  }
0xe: {  	s13 =	simm.s32 $0x13A00;
	s9 =	sadd.s32 $0xEB600, s12;
	s12 =	simm.s32 $0x2  }
.LBB2_1:
0xf: {  	[spmem:s11], [sflag:s6] =	dma.local [hbm:s5], $0x2740  }
0x10: {  	_ =	swait.ge [sflag:s12], $0x2740  }
0x11: {  	[sflag:s12] =	ssyncset.done $0x0  }
0x12: {  	[sflag:s12] =	ssyncadd.s32 $0xFFFFD8C0  }
0x13: {  	[tilespmem:s13], [sflag:$0x2] =	stream.linear.gather [hbm4b:s7+s3], $0x3100, $0x38;
	[tilespmem:$0x1DC00] =	vst v63  }
0x14: {  	_ =	swait.ge [sflag:s12], $0x3100  }
0x15: {  	[sflag:s12] =	ssyncset.done $0x0  }
0x16: {  	[sflag:s12] =	ssyncadd.s32 $0xFFFFCF00  }
0x17: {  	[tilespmem:s14], [sflag:$0x2] =	stream.linear.gather [hbm4b:s8+s3], $0x3100, $0x38;
	[tilespmem:$0x1DC00] =	vst v63  }
0x18: {  	_ =	swait.ge [sflag:s12], $0x3100  }
0x19: {  	[sflag:s12] =	ssyncset.done $0x0  }
0x1a: {  	[sflag:s12] =	ssyncadd.s32 $0xFFFFCF00  }
0x1b: {  	s20 =	simm.s32 $0x13A00;
	[bflag:$0x0] =	sbarrier.arrive $0xFFFF  }
0x1c: {  	[tilespmem:s16], [sflag:$0x1] =	stream.indirect.gather [hbm4b:s4+s15], $0x40, s20, s15, $0xb8;
	[tilespmem:$0x1DC00] =	vst v63  }
0x1d: {  	_ =	swait.ge [sflag:s17], $0x2000  }
0x1e: {  	[sflag:s17] =	ssyncset.done $0x0  }
0x1f: {  	s30 =	simm.s32 $0x16B00;
	[sflag:s17] =	ssyncadd.s32 $0xFFFFE000  }
0x20: {  	[spmem:s2] =	stream.indirect.scatter.add.f32 [tilespmem:s16], [sflag:$0x2], $0x40, s30, s15, $0xb8;
	[tilespmem:$0x1DC00] =	vst v63  }
0x21: {  	_ =	swait.ge [sflag:s12], $0x2000  }
0x22: {  	[sflag:s12] =	ssyncset.done $0x0  }
0x23: {  	s31 =	simm.s32 $0x13A80;
	[sflag:s12] =	ssyncadd.s32 $0xFFFFE000  }
0x24: {  	[tilespmem:s18], [sflag:$0x1] =	stream.indirect.gather [hbm4b:s4+s15], $0x40, s31, s15, $0xb8;
	[tilespmem:$0x1DC00] =	vst v63  }
0x25: {  	_ =	swait.ge [sflag:s17], $0x2000  }
0x26: {  	[sflag:s17] =	ssyncset.done $0x0  }
0x27: {  	s20 =	simm.s32 $0x16B80;
	[sflag:s17] =	ssyncadd.s32 $0xFFFFE000  }
0x28: {  	[spmem:s2] =	stream.indirect.scatter.add.f32 [tilespmem:s18], [sflag:$0x2], $0x40, s20, s15, $0xb8;
	[tilespmem:$0x1DC00] =	vst v63  }
0x29: {  	_ =	swait.ge [sflag:s12], $0x2000  }
0x2a: {  	s21 =	simm.s32 $0x0;
	s22 =	simm.s32 $0x13B80;
	[sflag:s12] =	ssyncset.done $0x0  }
.LBB2_2:
0x2b: {  	s23 =	sadd.s32 $0xFFFFFF80, s22;
	[sflag:s12] =	ssyncadd.s32 $0xFFFFE000  }
0x2c: {  	[tilespmem:s16], [sflag:$0x1] =	stream.indirect.gather [hbm4b:s4+s15], $0x40, s23, s15, $0xb8;
	[tilespmem:$0x1DC00] =	vst v63  }
0x2d: {  	_ =	swait.ge [sflag:s17], $0x2000  }
0x2e: {  	s20 =	sadd.s32 $0x100, s20;
	[sflag:s17] =	ssyncset.done $0x0  }
0x2f: {  	s23 =	sadd.s32 $0xFFFFFF80, s20;
	[sflag:s17] =	ssyncadd.s32 $0xFFFFE000  }
0x30: {  	[spmem:s2] =	stream.indirect.scatter.add.f32 [tilespmem:s16], [sflag:$0x2], $0x40, s23, s15, $0xb8;
	[tilespmem:$0x1DC00] =	vst v63  }
0x31: {  	_ =	swait.ge [sflag:s12], $0x2000  }
0x32: {  	s21 =	sadd.s32 $0x2, s21;
	[sflag:s12] =	ssyncset.done $0x0  }
0x33: {  	p0 =	slt.u32 s21, $0x60;
	[sflag:s12] =	ssyncadd.s32 $0xFFFFE000  }
0x34: {  	[tilespmem:s18], [sflag:$0x1] =	stream.indirect.gather [hbm4b:s4+s15], $0x40, s22, s15, $0xb8;
	[tilespmem:$0x1DC00] =	vst v63  }
0x35: {  	_ =	swait.ge [sflag:s17], $0x2000  }
.Ltmp0:
0x36: {  	[sflag:s17] =	ssyncset.done $0x0;
	(pc) =	sbr.rel @p0 .LBB2_2-.Ltmp0, $4  }
0x37: {  	[sflag:s17] =	ssyncadd.s32 $0xFFFFE000  }
0x38: {  	[spmem:s2] =	stream.indirect.scatter.add.f32 [tilespmem:s18], [sflag:$0x2], $0x40, s20, s15, $0xb8;
	[tilespmem:$0x1DC00] =	vst v63  }
0x39: {  	_ =	swait.ge [sflag:s12], $0x2000  }
0x3a: {  	s22 =	sadd.s32 $0x100, s22;
	[sflag:s12] =	ssyncset.done $0x0  }
0x3b: {  	s19 =	sadd.s32 $0x1, s19  }
0x3c: {  	[sflag:s12] =	ssyncadd.s32 $0xFFFFE000;
	p0 =	sne.s32 s19, s10  }
.Ltmp1:
0x3d: {  	[bflag:$0x0] =	sbarrier.arrive $0xFFFF;
	(pc) =	sbr.rel @p0 .LBB2_1-.Ltmp1, $4  }
0x3e: {  	[hbm:s9], [sflag:s6] =	dma.local [spmem:s11], $0x2740  }
0x3f: {  	_ =	swait.ge [sflag:s12], $0x2740  }
0x40: {  	[sflag:s12] =	ssyncset.done $0x0  }
0x41: {  	[sflag:s12] =	ssyncadd.s32 $0xFFFFD8C0  }
0x42: {  	_ =	sfence.sel $0x180000  }
0x43: {  	[bflag:$0x0] =	sbarrier.arrive $0xFFFF  }
0x44: {  	p0 =	sne.s32 s0, $0x0;
	_ =	strace $0x90000053  }
0x45: {  	s0 =	sadd.s32 @!p0 $0x100000, s1;
	[bflag:$0x2] =	sbarrier.arrive $0xFFFF  }
0x46: {  	[sflag:s0] =	ssyncadd.tile.s32 @!p0 $0x1;
	_ =	shalt  }
.Lfunc_end2:
_tile_overlayer_lowered:
.L_overlay_start_2:
0x47: {  	(tag) =	ssettag $0x2  }
0x48: {  	s0 =	rddreg [dreg:$0x0];
	s2 =	stileid.u32  }
0x49: {  	s1 =	rddreg [dreg:$0x1];
	p0 =	sne.s32 s2, $0x0  }
0x4a: {  	s3 =	rddreg [dreg:$0x2];
	[bflag:$0x3] =	sbarrier.arrive $0xFFFF;
	s2 =	simm.s32 @!p0 $0x1C02  }
0x4b: {  	[timem:s3], [sflag:s2] =	dma.local @!p0 [hbm:s0], s1  }
0x4c: {  	s0 =	simm.s32 @!p0 $0x2  }
0x4d: {  	_ =	swait.ge @!p0 [sflag:s0], s1  }
0x4e: {  	s1 =	ssub.s32 @!p0 $0x0, s1;
	[sflag:s0] =	ssyncset.done @!p0 $0x0  }
0x4f: {  	[sflag:s0] =	ssyncadd.s32 @!p0 s1  }
0x50: {  	[bflag:$0x3] =	sbarrier.arrive $0xFFFF  }
0x51: {  	_ =	shalt  }

// kernel: kernel.37.cloned.1.call-start
scs
__scs_entry_jumppad:
0x0: {  	(pc) =	sbr.rel $0x88, $3  }
0x1: {  	(tag) =	ssettag $0x0;
	lr =	simm.s32 $0x1  }
0x2: {  	[smem:$0x3F79] =	sst lr;
	_ =	strace $0xD0000000  }
0x3: {  	_ = 	snop  }
0x4: {  	_ = 	snop  }
0x5: {  	_ = 	snop  }
0x6: {  	_ = 	snop  }
0x7: {  	_ = 	snop  }
__scs_overlays_trampoline_lowered:
0x8: {  	[smem:$0x3F88] =	sst s0  }
0x9: {  	[smem:$0x3F89] =	sst s1  }
0xa: {  	[smem:$0x3F8A] =	sst s2  }
0xb: {  	[smem:$0x3F8B] =	sst s3  }
0xc: {  	[smem:$0x3F8C] =	sst s4  }
0xd: {  	[smem:$0x3F8D] =	sst s5  }
0xe: {  	[smem:$0x3F8E] =	sst s6  }
0xf: {  	[smem:$0x3F8F] =	sst s7  }
0x10: {  	[smem:$0x3F90] =	sst s8  }
0x11: {  	[smem:$0x3F91] =	sst s9;
	s0 =	simm.s32 @!p0 $0x0  }
0x12: {  	s1 =	sld [smem:$0x3F77];
	s0 =	simm.s32 @p0 $0x1  }
0x13: {  	[smem:$0x3F92] =	sst s0;
	s0 =	simm.s32 @!p1 $0x0  }
0x14: {  	s2 =	sld [smem:$0x3F76];
	s0 =	simm.s32 @p1 $0x1  }
0x15: {  	[smem:$0x3F93] =	sst s0;
	s0 =	simm.s32 @!p2 $0x0  }
0x16: {  	s3 =	sld [smem:$0x3FDB];
	s0 =	simm.s32 @p2 $0x1  }
0x17: {  	s4 =	simm.s32 $0x1BF5;
	[smem:$0x3F95] =	sst s0  }
0x18: {  	s0 =	sld [smem:$0x3F78];
	_ =	swait.ge [sflag:s4], $0x0  }
0x19: {  	s7 =	sld [smem:$0x3F79]  }
0x1a: {  	s8 =	sadd.s32 $0xFFFFE003, lr  }
0x1b: {  	s9 =	sadd.s32 $0xFFFFFEF7, lr;
	s5 =	simm.s32 $0xFFFFFFFF;
	p2 =	slt.u32 s8, $0xFFFFF086  }
0x1c: {  	p1 =	slt.u32 s9, $0xF7A;
	s5 =	simm.s32 @!p2 $0x0  }
0x1d: {  	s5 =	simm.s32 @p1 $0x1;
	p0 =	seq.s32 s7, s2  }
0x1e: {  	s7 =	smul.u32 @!p0 $0xF7A, s2;
	p2 =	seq.s32 @!p0 s5, $0x0  }
0x1f: {  	s9 =	smul.u32 $0xF7A, s1;
	s8 =	simm.s32 @!p0 $0x1BF5;
	p2 =	por !p2, p0  }
0x20: {  	[sflag:s8] =	ssyncset.s32 @!p0 $0xFFFFF086;
	s6 =	sadd.s32 @!p0 s3, s7;
	s7 =	simm.s32 @!p0 $0x108  }
0x21: {  	s3 =	sadd.s32 s3, s9;
	s6 =	sadd.s32 @!p0 $0x88, s6;
	s7 =	simm.s32 @p2 $0x1082  }
0x22: {  	[simem:s7], [sflag:s8] =	dma.local @!p0 [hbm:s6], $0xF7A  }
0x23: {  	s9 =	sor.u32 $0xD0000000, s2;
	s6 =	simm.s32 $0x108;
	_ =	swait.ge @!p0 [sflag:s8], $0x0  }
0x24: {  	s3 =	sadd.s32 $0x88, s3;
	s6 =	simm.s32 @!p1 $0x1082;
	[sflag:s4] =	ssyncset.s32 $0xFFFFF086  }
0x25: {  	[simem:s6], [sflag:s4] =	dma.local [hbm:s3], $0xF7A  }
0x26: {  	[smem:$0x3F79] =	sst s1;
	(tag) =	ssettag s2;
	_ =	strace s9  }
0x27: {  	s1 =	sld [smem:$0x3F89]  }
0x28: {  	s2 =	sld [smem:$0x3F8A]  }
0x29: {  	s4 =	sld [smem:$0x3F8C]  }
0x2a: {  	p0 =	seq.s32 s5, $0x0;
	s5 =	sld [smem:$0x3F8D]  }
0x2b: {  	s6 =	sld [smem:$0x3F8E]  }
0x2c: {  	s7 =	sld [smem:$0x3F8F]  }
0x2d: {  	s3 =	simm.s32 $0x108;
	s8 =	sld [smem:$0x3F90]  }
0x2e: {  	s3 =	simm.s32 @!p0 $0x1082;
	s9 =	sld [smem:$0x3F91]  }
0x2f: {  	lr =	sadd.s32 s0, s3;
	s0 =	sld [smem:$0x3F88]  }
0x30: {  	s3 =	sld [smem:$0x3F8B]  }
0x31: {  	[smem:$0x3F94] =	sst s10  }
0x32: {  	s10 =	sld [smem:$0x3F92];
	_ =	sdelay $0x3  }
0x33: {  	p0 =	seq.s32 s10, $0x1;
	s10 =	sld [smem:$0x3F94];
	_ =	sdelay $0x3  }
0x34: {  	[smem:$0x3F94] =	sst s10  }
0x35: {  	s10 =	sld [smem:$0x3F93];
	_ =	sdelay $0x3  }
0x36: {  	p1 =	seq.s32 s10, $0x1;
	s10 =	sld [smem:$0x3F94];
	_ =	sdelay $0x3  }
0x37: {  	[smem:$0x3F94] =	sst s10  }
0x38: {  	s10 =	sld [smem:$0x3F95]  }
0x39: {  	_ = 	snop;
	(pc) =	sbr.ind lr, $3  }
0x3a: {  	_ = 	snop  }
0x3b: {  	_ = 	snop  }
0x3c: {  	p2 =	seq.s32 s10, $0x1;
	s10 =	sld [smem:$0x3F94]  }
0x3d: {  	_ =	shalt  }
0x3e: {  	_ =	shalt  }
0x3f: {  	_ =	shalt  }
0x40: {  	_ =	shalt  }
0x41: {  	_ =	shalt  }
0x42: {  	_ =	shalt  }
0x43: {  	_ =	shalt  }
0x44: {  	_ =	shalt  }
0x45: {  	_ =	shalt  }
0x46: {  	_ =	shalt  }
0x47: {  	_ =	shalt  }
0x48: {  	_ =	shalt  }
0x49: {  	_ =	shalt  }
0x4a: {  	_ =	shalt  }
0x4b: {  	_ =	shalt  }
0x4c: {  	_ =	shalt  }
0x4d: {  	_ =	shalt  }
0x4e: {  	_ =	shalt  }
0x4f: {  	_ =	shalt  }
0x50: {  	_ =	shalt  }
0x51: {  	_ =	shalt  }
0x52: {  	_ =	shalt  }
0x53: {  	_ =	shalt  }
0x54: {  	_ =	shalt  }
0x55: {  	_ =	shalt  }
0x56: {  	_ =	shalt  }
0x57: {  	_ =	shalt  }
0x58: {  	_ =	shalt  }
0x59: {  	_ =	shalt  }
0x5a: {  	_ =	shalt  }
0x5b: {  	_ =	shalt  }
0x5c: {  	_ =	shalt  }
0x5d: {  	_ =	shalt  }
0x5e: {  	_ =	shalt  }
0x5f: {  	_ =	shalt  }
0x60: {  	_ =	shalt  }
0x61: {  	_ =	shalt  }
0x62: {  	_ =	shalt  }
0x63: {  	_ =	shalt  }
0x64: {  	_ =	shalt  }
0x65: {  	_ =	shalt  }
0x66: {  	_ =	shalt  }
0x67: {  	_ =	shalt  }
0x68: {  	_ =	shalt  }
0x69: {  	_ =	shalt  }
0x6a: {  	_ =	shalt  }
0x6b: {  	_ =	shalt  }
0x6c: {  	_ =	shalt  }
0x6d: {  	_ =	shalt  }
0x6e: {  	_ =	shalt  }
0x6f: {  	_ =	shalt  }
0x70: {  	_ =	shalt  }
0x71: {  	_ =	shalt  }
0x72: {  	_ =	shalt  }
0x73: {  	_ =	shalt  }
0x74: {  	_ =	shalt  }
0x75: {  	_ =	shalt  }
0x76: {  	_ =	shalt  }
0x77: {  	_ =	shalt  }
0x78: {  	_ =	shalt  }
0x79: {  	_ =	shalt  }
0x7a: {  	_ =	shalt  }
0x7b: {  	_ =	shalt  }
0x7c: {  	_ =	shalt  }
0x7d: {  	_ =	shalt  }
0x7e: {  	_ =	shalt  }
0x7f: {  	_ =	shalt  }
0x80: {  	_ =	shalt  }
0x81: {  	_ =	shalt  }
0x82: {  	_ =	shalt  }
0x83: {  	_ =	shalt  }
0x84: {  	_ =	shalt  }
0x85: {  	_ =	shalt  }
0x86: {  	_ =	shalt  }
0x87: {  	_ =	shalt  }
.Lfunc_end0:
.L_simem_size_0:
called_computation.5_lowered:
.L_overlay_start_0:
0x88: {  	s2 =	sld [smem:$0x3FD9]  }
0x89: {  	s3 =	sld [smem:$0x3FFE];
	_ =	sdelay $0x1  }
0x8a: {  	s1 =	srdreg.scid  }
0x8b: {  	s0 =	sand.u32 $0x1, s1  }
0x8c: {  	s16 =	sshll.u32 s0, $0xA;
	s2 =	sadd.s32 s3, s2  }
0x8d: {  	s2 =	sadd.s32 s2, s16  }
0x8e: {  	[smem:$0x3FA0] =	sst s2  }
0x8f: {  	_ = 	snop  }
0x90: {  	(tm) =	ssettm $0x1  }
0x91: {  	s17 =	sld [smem:$0x3FFB];
	_ =	sdelay $0x3  }
0x92: {  	_ =	strace s17  }
0x93: {  	s2 =	sld [smem:$0x3FFC];
	_ =	sdelay $0x3  }
0x94: {  	_ =	strace s2  }
0x95: {  	s2 =	sld [smem:$0x3FFD];
	_ =	sdelay $0x3  }
0x96: {  	_ =	strace s2  }
0x97: {  	_ =	strace $0x8FFFFFFF  }
0x98: {  	s18 =	sld [smem:$0x3FDB];
	_ =	sdelay $0x1  }
0x99: {  	s19 =	simm.s32 $_scs_section_size  }
0x9a: {  	s4 =	simm.s32 $_size__tile_overlayer_lowered;
	s5 =	simm.s32 $_tile_overlayer_lowered  }
0x9b: {  	s22 =	simm.s32 $0x1BFF;
	s21 =	sshll.u32 s5, $0x1;
	s2 =	sadd.s32 s19, s18  }
0x9c: {  	s6 =	simm.s32 $0x0;
	s20 =	sshll.u32 s4, $0x1;
	s4 =	sadd.s32 s21, s2  }
0x9d: {  	[timem:s6], [sflag:s22] =	dma.local [hbm:s4], s20  }
0x9e: {  	_ =	swait.ge [sflag:s22], s20  }
0x9f: {  	s3 =	ssub.s32 $0x0, s20;
	[sflag:s22] =	ssyncset.done $0x0  }
0xa0: {  	[sflag:s22] =	ssyncadd.s32 s3;
	_ =	sdelay $0x1  }
0xa1: {  	s23 =	simm.s32 $0x1B8B  }
0xa2: {  	_ =	swait.ge [sflag:s23], $0x1  }
0xa3: {  	[sflag:s23] =	ssyncset.done $0x0  }
0xa4: {  	s25 =	simm.s32 $0x1B8E;
	s24 =	sld [smem:$0x3FFE];
	[sflag:s23] =	ssyncadd.s32 $0xFFFFFFFF  }
0xa5: {  	s26 =	simm.s32 $execute0_lowered;
	[smem:$0x3FD2] =	sst s25  }
0xa6: {  	s4 =	sshll.u32 s26, $0x1;
	_ =	strace $0x80000055;
	[dreg:$0x1] =	wrdreg $0xFFFFFFFF  }
0xa7: {  	s28 =	simm.s32 $_size_execute0_lowered;
	s2 =	sadd.s32 s2, s4;
	[dreg:$0x0] =	wrdreg $0x0  }
0xa8: {  	s4 =	sshll.u32 s28, $0x1;
	[dreg:$0x2] =	wrdreg s2  }
0xa9: {  	[dreg:$0x3] =	wrdreg s4  }
0xaa: {  	[dreg:$0x4] =	wrdreg $0xC0  }
0xab: {  	_ =	task [dreg:s6], $0x5FFFF  }
0xac: {  	[dreg:$0x1] =	wrdreg $0xFFFFFFFF  }
0xad: {  	[dreg:$0x0] =	wrdreg $0x60  }
0xae: {  	[dreg:$0x2] =	wrdreg s24  }
0xaf: {  	[dreg:$0x3] =	wrdreg $0x0  }
0xb0: {  	[dreg:$0x4] =	wrdreg $0x9  }
0xb1: {  	_ =	task.clear_ibuf [dreg:s6], $0x5FFFF;
	_ =	strace $0x90000055  }
0xb2: {  	s29 =	simm.s32 $0x9;
	_ =	strace $0x80000057  }
0xb3: {  	_ =	swait.ge [sflag:s29], $0x1  }
0xb4: {  	[sflag:s29] =	ssyncadd.s32 $0xFFFFFFFF  }
0xb5: {  	_ =	strace $0x90000057  }
0xb6: {  	_ =	sfence  }
0xb7: {  	s30 =	sld [smem:$0x0];
	_ =	sdelay $0x2  }
0xb8: {  	s31 =	sshll.u32 s1, $0xD;
	s1 =	sshrl.u32 s1, $0x2  }
0xb9: {  	s3 =	sand.u32 $0x4000, s31;
	s1 =	sadd.s32 s1, s30  }
0xba: {  	s0 =	sor.u32 s3, s0;
	s1 =	sshll.u32 s1, $0x11  }
0xbb: {  	s0 =	sor.u32 s1, s0  }
0xbc: {  	s0 =	sadd.s32 $0x8F2B, s0  }
0xbd: {  	[sflag:s0] =	ssyncadd.remote.s32 $0x1  }
0xbe: {  	_ =	sfence.sel $0xFFFF  }
0xbf: {  	[dreg:$0x0] =	wrdreg $0xFFFFFFFF;
	(pc) =	sbr.abs _section_cstart, $3  }
0xc0: {  	[dreg:$0x1] =	wrdreg $0xFFFFFFFF  }
0xc1: {  	_ =	task.clear_ibuf [dreg:s6], $0x2FFFF;
	_ =	strace $0x9FFFFFFF  }
0xc2: {  	(tm) =	ssettm $0x7FFFFFFF  }
0xc3: {  	_ =	shalt  }
tec
execute0_lowered:
.L_overlay_start_1:
0x0: {  	(tag) =	ssettag $0x1  }
0x1: {  	s1 =	srdreg.scid  }
0x2: {  	s0 =	stileid.u32;
	s6 =	rddreg [dreg:$0x0]  }
0x3: {  	s2 =	rddreg [dreg:$0x1];
	s3 =	simm.s32 $0x0;
	s14 =	simm.s32 $0x16B00  }
0x4: {  	s15 =	simm.s32 $0x80;
	s16 =	simm.s32 $0x19C00;
	s17 =	simm.s32 $0x1  }
0x5: {  	s18 =	simm.s32 $0x1BC00;
	s19 =	simm.s32 $0x0;
	s5 =	sand.u32 $0x1, s1  }
0x6: {  	s28 =	sshll.u32 s0, $0x1;
	s8 =	smul.u32 $0x13A00, s0;
	[smem:$0x7FF] =	sst s3  }
0x7: {  	s4 =	sadd.s32 $0x22A00, s6;
	s31 =	sshll.u32 s0, $0x6;
	s1 =	sor.u32 s5, s28  }
0x8: {  	s9 =	smul.u32 $0x13A000, s5;
	s30 =	ssub.s32 $0x2, s5;
	s5 =	sadd.s32 $0x20200, s6  }
0x9: {  	s7 =	smul.u32 $0x620, s1;
	s1 =	rddreg [dreg:$0x2];
	_ =	strace $0x80000056  }
0xa: {  	s11 =	sshrl.u32 s30, $0x1;
	s13 =	sadd.s32 s8, s2;
	s29 =	sadd.s32 s8, s9  }
0xb: {  	s11 =	ssub.s32 s30, s11;
	s10 =	sadd.s32 s7, s6;
	s7 =	sshrl.u32 s29, $0x3  }
0xc: {  	s12 =	sadd.s32 s7, s6;
	s6 =	sor.u32 $0x1C02, s31;
	s7 =	sadd.s32 $0xD2E00, s10  }
0xd: {  	s8 =	sadd.s32 $0xDF200, s10;
	s10 =	smax.u32 s11, $0x1;
	s11 =	sshrl.u32 s13, $0x3  }
0xe: {  	s13 =	simm.s32 $0x13A00;
	s9 =	sadd.s32 $0x49C00, s12;
	s12 =	simm.s32 $0x2  }
.LBB2_1:
0xf: {  	[spmem:s11], [sflag:s6] =	dma.local [hbm:s5], $0x2740  }
0x10: {  	_ =	swait.ge [sflag:s12], $0x2740  }
0x11: {  	[sflag:s12] =	ssyncset.done $0x0  }
0x12: {  	[sflag:s12] =	ssyncadd.s32 $0xFFFFD8C0  }
0x13: {  	[tilespmem:s13], [sflag:$0x2] =	stream.linear.gather [hbm4b:s7+s3], $0x3100, $0x38;
	[tilespmem:$0x1DC00] =	vst v63  }
0x14: {  	_ =	swait.ge [sflag:s12], $0x3100  }
0x15: {  	[sflag:s12] =	ssyncset.done $0x0  }
0x16: {  	[sflag:s12] =	ssyncadd.s32 $0xFFFFCF00  }
0x17: {  	[tilespmem:s14], [sflag:$0x2] =	stream.linear.gather [hbm4b:s8+s3], $0x3100, $0x38;
	[tilespmem:$0x1DC00] =	vst v63  }
0x18: {  	_ =	swait.ge [sflag:s12], $0x3100  }
0x19: {  	[sflag:s12] =	ssyncset.done $0x0  }
0x1a: {  	[sflag:s12] =	ssyncadd.s32 $0xFFFFCF00  }
0x1b: {  	s20 =	simm.s32 $0x13A00;
	[bflag:$0x0] =	sbarrier.arrive $0xFFFF  }
0x1c: {  	[tilespmem:s16], [sflag:$0x1] =	stream.indirect.gather [hbm4b:s4+s15], $0x40, s20, s15, $0xb8;
	[tilespmem:$0x1DC00] =	vst v63  }
0x1d: {  	_ =	swait.ge [sflag:s17], $0x2000  }
0x1e: {  	[sflag:s17] =	ssyncset.done $0x0  }
0x1f: {  	s30 =	simm.s32 $0x16B00;
	[sflag:s17] =	ssyncadd.s32 $0xFFFFE000  }
0x20: {  	[spmem:s2] =	stream.indirect.scatter.add.f32 [tilespmem:s16], [sflag:$0x2], $0x40, s30, s15, $0xb8;
	[tilespmem:$0x1DC00] =	vst v63  }
0x21: {  	_ =	swait.ge [sflag:s12], $0x2000  }
0x22: {  	[sflag:s12] =	ssyncset.done $0x0  }
0x23: {  	s31 =	simm.s32 $0x13A80;
	[sflag:s12] =	ssyncadd.s32 $0xFFFFE000  }
0x24: {  	[tilespmem:s18], [sflag:$0x1] =	stream.indirect.gather [hbm4b:s4+s15], $0x40, s31, s15, $0xb8;
	[tilespmem:$0x1DC00] =	vst v63  }
0x25: {  	_ =	swait.ge [sflag:s17], $0x2000  }
0x26: {  	[sflag:s17] =	ssyncset.done $0x0  }
0x27: {  	s20 =	simm.s32 $0x16B80;
	[sflag:s17] =	ssyncadd.s32 $0xFFFFE000  }
0x28: {  	[spmem:s2] =	stream.indirect.scatter.add.f32 [tilespmem:s18], [sflag:$0x2], $0x40, s20, s15, $0xb8;
	[tilespmem:$0x1DC00] =	vst v63  }
0x29: {  	_ =	swait.ge [sflag:s12], $0x2000  }
0x2a: {  	s21 =	simm.s32 $0x0;
	s22 =	simm.s32 $0x13B80;
	[sflag:s12] =	ssyncset.done $0x0  }
.LBB2_2:
0x2b: {  	s23 =	sadd.s32 $0xFFFFFF80, s22;
	[sflag:s12] =	ssyncadd.s32 $0xFFFFE000  }
0x2c: {  	[tilespmem:s16], [sflag:$0x1] =	stream.indirect.gather [hbm4b:s4+s15], $0x40, s23, s15, $0xb8;
	[tilespmem:$0x1DC00] =	vst v63  }
0x2d: {  	_ =	swait.ge [sflag:s17], $0x2000  }
0x2e: {  	s20 =	sadd.s32 $0x100, s20;
	[sflag:s17] =	ssyncset.done $0x0  }
0x2f: {  	s23 =	sadd.s32 $0xFFFFFF80, s20;
	[sflag:s17] =	ssyncadd.s32 $0xFFFFE000  }
0x30: {  	[spmem:s2] =	stream.indirect.scatter.add.f32 [tilespmem:s16], [sflag:$0x2], $0x40, s23, s15, $0xb8;
	[tilespmem:$0x1DC00] =	vst v63  }
0x31: {  	_ =	swait.ge [sflag:s12], $0x2000  }
0x32: {  	s21 =	sadd.s32 $0x2, s21;
	[sflag:s12] =	ssyncset.done $0x0  }
0x33: {  	p0 =	slt.u32 s21, $0x60;
	[sflag:s12] =	ssyncadd.s32 $0xFFFFE000  }
0x34: {  	[tilespmem:s18], [sflag:$0x1] =	stream.indirect.gather [hbm4b:s4+s15], $0x40, s22, s15, $0xb8;
	[tilespmem:$0x1DC00] =	vst v63  }
0x35: {  	_ =	swait.ge [sflag:s17], $0x2000  }
.Ltmp0:
0x36: {  	[sflag:s17] =	ssyncset.done $0x0;
	(pc) =	sbr.rel @p0 .LBB2_2-.Ltmp0, $4  }
0x37: {  	[sflag:s17] =	ssyncadd.s32 $0xFFFFE000  }
0x38: {  	[spmem:s2] =	stream.indirect.scatter.add.f32 [tilespmem:s18], [sflag:$0x2], $0x40, s20, s15, $0xb8;
	[tilespmem:$0x1DC00] =	vst v63  }
0x39: {  	_ =	swait.ge [sflag:s12], $0x2000  }
0x3a: {  	s22 =	sadd.s32 $0x100, s22;
	[sflag:s12] =	ssyncset.done $0x0  }
0x3b: {  	s19 =	sadd.s32 $0x1, s19  }
0x3c: {  	[sflag:s12] =	ssyncadd.s32 $0xFFFFE000;
	p0 =	sne.s32 s19, s10  }
.Ltmp1:
0x3d: {  	[bflag:$0x0] =	sbarrier.arrive $0xFFFF;
	(pc) =	sbr.rel @p0 .LBB2_1-.Ltmp1, $4  }
0x3e: {  	[hbm:s9], [sflag:s6] =	dma.local [spmem:s11], $0x2740  }
0x3f: {  	_ =	swait.ge [sflag:s12], $0x2740  }
0x40: {  	[sflag:s12] =	ssyncset.done $0x0  }
0x41: {  	[sflag:s12] =	ssyncadd.s32 $0xFFFFD8C0  }
0x42: {  	_ =	sfence.sel $0x180000  }
0x43: {  	[bflag:$0x0] =	sbarrier.arrive $0xFFFF  }
0x44: {  	p0 =	sne.s32 s0, $0x0;
	_ =	strace $0x90000056  }
0x45: {  	s0 =	sadd.s32 @!p0 $0x100000, s1;
	[bflag:$0x2] =	sbarrier.arrive $0xFFFF  }
0x46: {  	[sflag:s0] =	ssyncadd.tile.s32 @!p0 $0x1;
	_ =	shalt  }
.Lfunc_end2:
_tile_overlayer_lowered:
.L_overlay_start_2:
0x47: {  	(tag) =	ssettag $0x2  }
0x48: {  	s0 =	rddreg [dreg:$0x0];
	s2 =	stileid.u32  }
0x49: {  	s1 =	rddreg [dreg:$0x1];
	p0 =	sne.s32 s2, $0x0  }
0x4a: {  	s3 =	rddreg [dreg:$0x2];
	[bflag:$0x3] =	sbarrier.arrive $0xFFFF;
	s2 =	simm.s32 @!p0 $0x1C02  }
0x4b: {  	[timem:s3], [sflag:s2] =	dma.local @!p0 [hbm:s0], s1  }
0x4c: {  	s0 =	simm.s32 @!p0 $0x2  }
0x4d: {  	_ =	swait.ge @!p0 [sflag:s0], s1  }
0x4e: {  	s1 =	ssub.s32 @!p0 $0x0, s1;
	[sflag:s0] =	ssyncset.done @!p0 $0x0  }
0x4f: {  	[sflag:s0] =	ssyncadd.s32 @!p0 s1  }
0x50: {  	[bflag:$0x3] =	sbarrier.arrive $0xFFFF  }
0x51: {  	_ =	shalt  }

// kernel: kernel.40.cloned.1.call-start
scs
__scs_entry_jumppad:
0x0: {  	(pc) =	sbr.rel $0x88, $3  }
0x1: {  	(tag) =	ssettag $0x0;
	lr =	simm.s32 $0x1  }
0x2: {  	[smem:$0x3F79] =	sst lr;
	_ =	strace $0xD0000000  }
0x3: {  	_ = 	snop  }
0x4: {  	_ = 	snop  }
0x5: {  	_ = 	snop  }
0x6: {  	_ = 	snop  }
0x7: {  	_ = 	snop  }
__scs_overlays_trampoline_lowered:
0x8: {  	[smem:$0x3F88] =	sst s0  }
0x9: {  	[smem:$0x3F89] =	sst s1  }
0xa: {  	[smem:$0x3F8A] =	sst s2  }
0xb: {  	[smem:$0x3F8B] =	sst s3  }
0xc: {  	[smem:$0x3F8C] =	sst s4  }
0xd: {  	[smem:$0x3F8D] =	sst s5  }
0xe: {  	[smem:$0x3F8E] =	sst s6  }
0xf: {  	[smem:$0x3F8F] =	sst s7  }
0x10: {  	[smem:$0x3F90] =	sst s8  }
0x11: {  	[smem:$0x3F91] =	sst s9;
	s0 =	simm.s32 @!p0 $0x0  }
0x12: {  	s1 =	sld [smem:$0x3F77];
	s0 =	simm.s32 @p0 $0x1  }
0x13: {  	[smem:$0x3F92] =	sst s0;
	s0 =	simm.s32 @!p1 $0x0  }
0x14: {  	s2 =	sld [smem:$0x3F76];
	s0 =	simm.s32 @p1 $0x1  }
0x15: {  	[smem:$0x3F93] =	sst s0;
	s0 =	simm.s32 @!p2 $0x0  }
0x16: {  	s3 =	sld [smem:$0x3FDB];
	s0 =	simm.s32 @p2 $0x1  }
0x17: {  	s4 =	simm.s32 $0x1BF5;
	[smem:$0x3F95] =	sst s0  }
0x18: {  	s0 =	sld [smem:$0x3F78];
	_ =	swait.ge [sflag:s4], $0x0  }
0x19: {  	s7 =	sld [smem:$0x3F79]  }
0x1a: {  	s8 =	sadd.s32 $0xFFFFE003, lr  }
0x1b: {  	s9 =	sadd.s32 $0xFFFFFEF7, lr;
	s5 =	simm.s32 $0xFFFFFFFF;
	p2 =	slt.u32 s8, $0xFFFFF086  }
0x1c: {  	p1 =	slt.u32 s9, $0xF7A;
	s5 =	simm.s32 @!p2 $0x0  }
0x1d: {  	s5 =	simm.s32 @p1 $0x1;
	p0 =	seq.s32 s7, s2  }
0x1e: {  	s7 =	smul.u32 @!p0 $0xF7A, s2;
	p2 =	seq.s32 @!p0 s5, $0x0  }
0x1f: {  	s9 =	smul.u32 $0xF7A, s1;
	s8 =	simm.s32 @!p0 $0x1BF5;
	p2 =	por !p2, p0  }
0x20: {  	[sflag:s8] =	ssyncset.s32 @!p0 $0xFFFFF086;
	s6 =	sadd.s32 @!p0 s3, s7;
	s7 =	simm.s32 @!p0 $0x108  }
0x21: {  	s3 =	sadd.s32 s3, s9;
	s6 =	sadd.s32 @!p0 $0x88, s6;
	s7 =	simm.s32 @p2 $0x1082  }
0x22: {  	[simem:s7], [sflag:s8] =	dma.local @!p0 [hbm:s6], $0xF7A  }
0x23: {  	s9 =	sor.u32 $0xD0000000, s2;
	s6 =	simm.s32 $0x108;
	_ =	swait.ge @!p0 [sflag:s8], $0x0  }
0x24: {  	s3 =	sadd.s32 $0x88, s3;
	s6 =	simm.s32 @!p1 $0x1082;
	[sflag:s4] =	ssyncset.s32 $0xFFFFF086  }
0x25: {  	[simem:s6], [sflag:s4] =	dma.local [hbm:s3], $0xF7A  }
0x26: {  	[smem:$0x3F79] =	sst s1;
	(tag) =	ssettag s2;
	_ =	strace s9  }
0x27: {  	s1 =	sld [smem:$0x3F89]  }
0x28: {  	s2 =	sld [smem:$0x3F8A]  }
0x29: {  	s4 =	sld [smem:$0x3F8C]  }
0x2a: {  	p0 =	seq.s32 s5, $0x0;
	s5 =	sld [smem:$0x3F8D]  }
0x2b: {  	s6 =	sld [smem:$0x3F8E]  }
0x2c: {  	s7 =	sld [smem:$0x3F8F]  }
0x2d: {  	s3 =	simm.s32 $0x108;
	s8 =	sld [smem:$0x3F90]  }
0x2e: {  	s3 =	simm.s32 @!p0 $0x1082;
	s9 =	sld [smem:$0x3F91]  }
0x2f: {  	lr =	sadd.s32 s0, s3;
	s0 =	sld [smem:$0x3F88]  }
0x30: {  	s3 =	sld [smem:$0x3F8B]  }
0x31: {  	[smem:$0x3F94] =	sst s10  }
0x32: {  	s10 =	sld [smem:$0x3F92];
	_ =	sdelay $0x3  }
0x33: {  	p0 =	seq.s32 s10, $0x1;
	s10 =	sld [smem:$0x3F94];
	_ =	sdelay $0x3  }
0x34: {  	[smem:$0x3F94] =	sst s10  }
0x35: {  	s10 =	sld [smem:$0x3F93];
	_ =	sdelay $0x3  }
0x36: {  	p1 =	seq.s32 s10, $0x1;
	s10 =	sld [smem:$0x3F94];
	_ =	sdelay $0x3  }
0x37: {  	[smem:$0x3F94] =	sst s10  }
0x38: {  	s10 =	sld [smem:$0x3F95]  }
0x39: {  	_ = 	snop;
	(pc) =	sbr.ind lr, $3  }
0x3a: {  	_ = 	snop  }
0x3b: {  	_ = 	snop  }
0x3c: {  	p2 =	seq.s32 s10, $0x1;
	s10 =	sld [smem:$0x3F94]  }
0x3d: {  	_ =	shalt  }
0x3e: {  	_ =	shalt  }
0x3f: {  	_ =	shalt  }
0x40: {  	_ =	shalt  }
0x41: {  	_ =	shalt  }
0x42: {  	_ =	shalt  }
0x43: {  	_ =	shalt  }
0x44: {  	_ =	shalt  }
0x45: {  	_ =	shalt  }
0x46: {  	_ =	shalt  }
0x47: {  	_ =	shalt  }
0x48: {  	_ =	shalt  }
0x49: {  	_ =	shalt  }
0x4a: {  	_ =	shalt  }
0x4b: {  	_ =	shalt  }
0x4c: {  	_ =	shalt  }
0x4d: {  	_ =	shalt  }
0x4e: {  	_ =	shalt  }
0x4f: {  	_ =	shalt  }
0x50: {  	_ =	shalt  }
0x51: {  	_ =	shalt  }
0x52: {  	_ =	shalt  }
0x53: {  	_ =	shalt  }
0x54: {  	_ =	shalt  }
0x55: {  	_ =	shalt  }
0x56: {  	_ =	shalt  }
0x57: {  	_ =	shalt  }
0x58: {  	_ =	shalt  }
0x59: {  	_ =	shalt  }
0x5a: {  	_ =	shalt  }
0x5b: {  	_ =	shalt  }
0x5c: {  	_ =	shalt  }
0x5d: {  	_ =	shalt  }
0x5e: {  	_ =	shalt  }
0x5f: {  	_ =	shalt  }
0x60: {  	_ =	shalt  }
0x61: {  	_ =	shalt  }
0x62: {  	_ =	shalt  }
0x63: {  	_ =	shalt  }
0x64: {  	_ =	shalt  }
0x65: {  	_ =	shalt  }
0x66: {  	_ =	shalt  }
0x67: {  	_ =	shalt  }
0x68: {  	_ =	shalt  }
0x69: {  	_ =	shalt  }
0x6a: {  	_ =	shalt  }
0x6b: {  	_ =	shalt  }
0x6c: {  	_ =	shalt  }
0x6d: {  	_ =	shalt  }
0x6e: {  	_ =	shalt  }
0x6f: {  	_ =	shalt  }
0x70: {  	_ =	shalt  }
0x71: {  	_ =	shalt  }
0x72: {  	_ =	shalt  }
0x73: {  	_ =	shalt  }
0x74: {  	_ =	shalt  }
0x75: {  	_ =	shalt  }
0x76: {  	_ =	shalt  }
0x77: {  	_ =	shalt  }
0x78: {  	_ =	shalt  }
0x79: {  	_ =	shalt  }
0x7a: {  	_ =	shalt  }
0x7b: {  	_ =	shalt  }
0x7c: {  	_ =	shalt  }
0x7d: {  	_ =	shalt  }
0x7e: {  	_ =	shalt  }
0x7f: {  	_ =	shalt  }
0x80: {  	_ =	shalt  }
0x81: {  	_ =	shalt  }
0x82: {  	_ =	shalt  }
0x83: {  	_ =	shalt  }
0x84: {  	_ =	shalt  }
0x85: {  	_ =	shalt  }
0x86: {  	_ =	shalt  }
0x87: {  	_ =	shalt  }
.Lfunc_end0:
.L_simem_size_0:
called_computation.6_lowered:
.L_overlay_start_0:
0x88: {  	s2 =	sld [smem:$0x3FD9]  }
0x89: {  	s3 =	sld [smem:$0x3FFE];
	_ =	sdelay $0x1  }
0x8a: {  	s1 =	srdreg.scid  }
0x8b: {  	s0 =	sand.u32 $0x1, s1  }
0x8c: {  	s17 =	sshll.u32 s0, $0xA;
	s2 =	sadd.s32 s3, s2  }
0x8d: {  	s2 =	sadd.s32 s2, s17  }
0x8e: {  	[smem:$0x3FA0] =	sst s2  }
0x8f: {  	_ = 	snop  }
0x90: {  	s2 =	sld [smem:$0x3FD0];
	(tm) =	ssettm $0x1  }
0x91: {  	s18 =	sld [smem:$0x3FFB];
	_ =	sdelay $0x3  }
0x92: {  	_ =	strace s18  }
0x93: {  	s3 =	sld [smem:$0x3FFC];
	_ =	sdelay $0x3  }
0x94: {  	_ =	strace s3  }
0x95: {  	s3 =	sld [smem:$0x3FFD];
	_ =	sdelay $0x3  }
0x96: {  	_ =	strace s3  }
0x97: {  	_ =	strace $0x8FFFFFFF  }
0x98: {  	s19 =	sld [smem:$0x3FDB];
	_ =	sdelay $0x1  }
0x99: {  	s4 =	simm.s32 $_scs_section_size  }
0x9a: {  	s5 =	simm.s32 $_size__tile_overlayer_lowered;
	s6 =	simm.s32 $_tile_overlayer_lowered  }
0x9b: {  	s22 =	simm.s32 $0x1BFF;
	s21 =	sshll.u32 s6, $0x1;
	s3 =	sadd.s32 s4, s19  }
0x9c: {  	s7 =	simm.s32 $0x0;
	s20 =	sshll.u32 s5, $0x1;
	s5 =	sadd.s32 s21, s3  }
0x9d: {  	[timem:s7], [sflag:s22] =	dma.local [hbm:s5], s20  }
0x9e: {  	_ =	swait.ge [sflag:s22], s20  }
0x9f: {  	s4 =	ssub.s32 $0x0, s20;
	[sflag:s22] =	ssyncset.done $0x0  }
0xa0: {  	[sflag:s22] =	ssyncadd.s32 s4;
	_ =	sdelay $0x1  }
0xa1: {  	s23 =	simm.s32 $0x1B8B  }
0xa2: {  	_ =	swait.ge [sflag:s23], $0x1  }
0xa3: {  	[sflag:s23] =	ssyncset.done $0x0  }
0xa4: {  	s25 =	simm.s32 $0x1B8E;
	s24 =	sld [smem:$0x3FFE];
	[sflag:s23] =	ssyncadd.s32 $0xFFFFFFFF  }
0xa5: {  	s26 =	simm.s32 $execute0_lowered;
	[smem:$0x3FD2] =	sst s25  }
0xa6: {  	s5 =	sshll.u32 s26, $0x1;
	_ =	strace $0x80000058;
	[dreg:$0x1] =	wrdreg $0xFFFFFFFF  }
0xa7: {  	s28 =	simm.s32 $_size_execute0_lowered;
	s3 =	sadd.s32 s3, s5;
	[dreg:$0x0] =	wrdreg $0x0  }
0xa8: {  	s5 =	sshll.u32 s28, $0x1;
	[dreg:$0x2] =	wrdreg s3  }
0xa9: {  	[dreg:$0x3] =	wrdreg s5  }
0xaa: {  	[dreg:$0x4] =	wrdreg $0xC0  }
0xab: {  	_ =	task [dreg:s7], $0x5FFFF  }
0xac: {  	[dreg:$0x1] =	wrdreg $0xFFFFFFFF  }
0xad: {  	[dreg:$0x0] =	wrdreg $0x60  }
0xae: {  	[dreg:$0x2] =	wrdreg s24  }
0xaf: {  	[dreg:$0x3] =	wrdreg s2  }
0xb0: {  	[dreg:$0x4] =	wrdreg $0x0  }
0xb1: {  	[dreg:$0x5] =	wrdreg $0x137000  }
0xb2: {  	[dreg:$0x6] =	wrdreg $0x9  }
0xb3: {  	_ =	task.clear_ibuf [dreg:s7], $0x7FFFF;
	_ =	strace $0x90000058  }
0xb4: {  	s29 =	simm.s32 $0x9;
	_ =	strace $0x8000005A  }
0xb5: {  	_ =	swait.ge [sflag:s29], $0x1  }
0xb6: {  	[sflag:s29] =	ssyncadd.s32 $0xFFFFFFFF  }
0xb7: {  	_ =	strace $0x9000005A  }
0xb8: {  	_ =	sfence  }
0xb9: {  	s30 =	sld [smem:$0x0];
	_ =	sdelay $0x2  }
0xba: {  	s31 =	sshll.u32 s1, $0xD;
	s1 =	sshrl.u32 s1, $0x2  }
0xbb: {  	s3 =	sand.u32 $0x4000, s31;
	s1 =	sadd.s32 s1, s30  }
0xbc: {  	s0 =	sor.u32 s3, s0;
	s1 =	sshll.u32 s1, $0x11  }
0xbd: {  	s0 =	sor.u32 s1, s0  }
0xbe: {  	s0 =	sadd.s32 $0x8F2B, s0  }
0xbf: {  	[sflag:s0] =	ssyncadd.remote.s32 $0x1  }
0xc0: {  	_ =	sfence.sel $0xFFFF  }
0xc1: {  	[dreg:$0x0] =	wrdreg $0xFFFFFFFF;
	(pc) =	sbr.abs _section_cstart, $3  }
0xc2: {  	[dreg:$0x1] =	wrdreg $0xFFFFFFFF  }
0xc3: {  	_ =	task.clear_ibuf [dreg:s7], $0x2FFFF;
	_ =	strace $0x9FFFFFFF  }
0xc4: {  	(tm) =	ssettm $0x7FFFFFFF  }
0xc5: {  	_ =	shalt  }
tec
execute0_lowered:
.L_overlay_start_1:
0x0: {  	(tag) =	ssettag $0x1  }
0x1: {  	s9 =	rddreg [dreg:$0x0]  }
0x2: {  	s1 =	rddreg [dreg:$0x1]  }
0x3: {  	s2 =	srdreg.scid;
	s3 =	rddreg [dreg:$0x2]  }
0x4: {  	s0 =	stileid.u32;
	s4 =	rddreg [dreg:$0x3];
	s5 =	simm.s32 $0x0  }
0x5: {  	s19 =	simm.s32 $0xEC00;
	s20 =	simm.s32 $0xF180;
	s21 =	simm.s32 $0x80  }
0x6: {  	s22 =	simm.s32 $0xF700;
	s23 =	simm.s32 $0x1;
	s24 =	simm.s32 $0x11700  }
0x7: {  	s25 =	simm.s32 $0xF100;
	s26 =	simm.s32 $0xF680;
	s28 =	simm.s32 $0x0  }
0x8: {  	s10 =	sand.u32 $0x1, s2;
	s30 =	sshll.u32 s0, $0x1;
	s11 =	smul.u32 $0xEC00, s0  }
0x9: {  	[smem:$0x7FF] =	sst s5;
	s13 =	smul.u32 $0x3B00, s0;
	s6 =	sadd.s32 $0xC000, s9  }
0xa: {  	s8 =	sadd.s32 $0x35000, s9;
	s31 =	sshll.u32 s0, $0x6;
	s12 =	smul.u32 $0xEC000, s10  }
0xb: {  	s2 =	sor.u32 s10, s30;
	s15 =	smul.u32 $0x3B000, s10;
	s10 =	ssub.s32 $0x2, s10  }
0xc: {  	_ =	strace $0x80000059;
	s7 =	smul.u32 $0xB0, s2;
	s16 =	sshrl.u32 s10, $0x1  }
0xd: {  	s17 =	sadd.s32 s11, s3;
	s18 =	sadd.s32 s13, s4;
	s12 =	sadd.s32 s11, s12  }
0xe: {  	s15 =	sadd.s32 s13, s15;
	s16 =	ssub.s32 s10, s16;
	s14 =	sadd.s32 s7, s9  }
0xf: {  	s7 =	sadd.s32 $0x33200, s9;
	s12 =	sshrl.u32 s12, $0x3;
	s15 =	sshrl.u32 s15, $0x3  }
0x10: {  	s12 =	sadd.s32 s12, s9;
	s15 =	sadd.s32 s15, s9;
	s9 =	sor.u32 $0x1C02, s31  }
0x11: {  	s10 =	sadd.s32 $0x9400, s14;
	s11 =	sadd.s32 $0xAA00, s14;
	s14 =	smax.u32 s16, $0x1  }
0x12: {  	s16 =	simm.s32 $0x2;
	s12 =	sadd.s32 $0x35800, s12;
	s13 =	sadd.s32 $0x70800, s15  }
0x13: {  	s15 =	sshrl.u32 s17, $0x3;
	s17 =	sshrl.u32 s18, $0x3;
	s18 =	simm.s32 $0x17200  }
.LBB2_1:
0x14: {  	[spmem:s15], [sflag:s9] =	dma.local [hbm:s7], $0x1D80  }
0x15: {  	_ =	swait.ge [sflag:s16], $0x1D80  }
0x16: {  	[sflag:s16] =	ssyncset.done $0x0  }
0x17: {  	[sflag:s16] =	ssyncadd.s32 $0xFFFFE280  }
0x18: {  	[spmem:s17], [sflag:s9] =	dma.local [hbm:s8], $0x760  }
0x19: {  	_ =	swait.ge [sflag:s16], $0x760  }
0x1a: {  	[sflag:s16] =	ssyncset.done $0x0  }
0x1b: {  	[sflag:s16] =	ssyncadd.s32 $0xFFFFF8A0  }
0x1c: {  	[tilespmem:s18], [sflag:$0x2] =	stream.linear.gather [hbm4b:s1+s5], $0x800, $0x38;
	[tilespmem:$0x17A00] =	vst v63  }
0x1d: {  	_ =	swait.ge [sflag:s16], $0x800  }
0x1e: {  	[sflag:s16] =	ssyncset.done $0x0  }
0x1f: {  	[sflag:s16] =	ssyncadd.s32 $0xFFFFF800  }
0x20: {  	[tilespmem:s19], [sflag:$0x2] =	stream.linear.gather [hbm4b:s10+s5], $0x580, $0x38;
	[tilespmem:$0x17A00] =	vst v63  }
0x21: {  	_ =	swait.ge [sflag:s16], $0x580  }
0x22: {  	[sflag:s16] =	ssyncset.done $0x0  }
0x23: {  	[sflag:s16] =	ssyncadd.s32 $0xFFFFFA80  }
0x24: {  	[tilespmem:s20], [sflag:$0x2] =	stream.linear.gather [hbm4b:s11+s5], $0x580, $0x38;
	[tilespmem:$0x17A00] =	vst v63  }
0x25: {  	_ =	swait.ge [sflag:s16], $0x580  }
0x26: {  	[sflag:s16] =	ssyncset.done $0x0  }
0x27: {  	[sflag:s16] =	ssyncadd.s32 $0xFFFFFA80  }
0x28: {  	s29 =	simm.s32 $0xEC00;
	[bflag:$0x0] =	sbarrier.arrive $0xFFFF  }
0x29: {  	[tilespmem:s22], [sflag:$0x1] =	stream.indirect.gather [hbm4b:s6+s21], $0x40, s29, s21, $0xb8;
	[tilespmem:$0x17A00] =	vst v63  }
0x2a: {  	_ =	swait.ge [sflag:s23], $0x2000  }
0x2b: {  	[sflag:s23] =	ssyncset.done $0x0  }
0x2c: {  	s29 =	simm.s32 $0xF180;
	[sflag:s23] =	ssyncadd.s32 $0xFFFFE000  }
0x2d: {  	[spmem:s3] =	stream.indirect.scatter.add.f32 [tilespmem:s22], [sflag:$0x2], $0x40, s29, s21, $0xb8;
	[tilespmem:$0x17A00] =	vst v63  }
0x2e: {  	_ =	swait.ge [sflag:s16], $0x2000  }
0x2f: {  	[sflag:s16] =	ssyncset.done $0x0  }
0x30: {  	[sflag:s16] =	ssyncadd.s32 $0xFFFFE000  }
0x31: {  	[spmem:s4] =	stream.indirect.scatter.add.f32 [tilespmem:s18], [sflag:$0x2], $0x10, s29, s21, $0xb8;
	[tilespmem:$0x17A00] =	vst v63  }
0x32: {  	_ =	swait.ge [sflag:s16], $0x800  }
0x33: {  	[sflag:s16] =	ssyncset.done $0x0  }
0x34: {  	s29 =	simm.s32 $0xEC80;
	[sflag:s16] =	ssyncadd.s32 $0xFFFFF800  }
0x35: {  	[tilespmem:s24], [sflag:$0x1] =	stream.indirect.gather [hbm4b:s6+s21], $0x40, s29, s21, $0xb8;
	[tilespmem:$0x17A00] =	vst v63  }
0x36: {  	_ =	swait.ge [sflag:s23], $0x2000  }
0x37: {  	[sflag:s23] =	ssyncset.done $0x0  }
0x38: {  	s29 =	simm.s32 $0xF200;
	[sflag:s23] =	ssyncadd.s32 $0xFFFFE000  }
0x39: {  	[spmem:s3] =	stream.indirect.scatter.add.f32 [tilespmem:s24], [sflag:$0x2], $0x40, s29, s21, $0xb8;
	[tilespmem:$0x17A00] =	vst v63  }
0x3a: {  	_ =	swait.ge [sflag:s16], $0x2000  }
0x3b: {  	[sflag:s16] =	ssyncset.done $0x0  }
0x3c: {  	[sflag:s16] =	ssyncadd.s32 $0xFFFFE000  }
0x3d: {  	[spmem:s4] =	stream.indirect.scatter.add.f32 [tilespmem:s18], [sflag:$0x2], $0x10, s29, s21, $0xb8;
	[tilespmem:$0x17A00] =	vst v63  }
0x3e: {  	_ =	swait.ge [sflag:s16], $0x800  }
0x3f: {  	s30 =	simm.s32 $0x0;
	s31 =	simm.s32 $0xED80;
	[sflag:s16] =	ssyncset.done $0x0  }
.LBB2_2:
0x40: {  	s2 =	sadd.s32 $0xFFFFFF80, s31;
	[sflag:s16] =	ssyncadd.s32 $0xFFFFF800  }
0x41: {  	[tilespmem:s22], [sflag:$0x1] =	stream.indirect.gather [hbm4b:s6+s21], $0x40, s2, s21, $0xb8;
	[tilespmem:$0x17A00] =	vst v63  }
0x42: {  	_ =	swait.ge [sflag:s23], $0x2000  }
0x43: {  	s29 =	sadd.s32 $0x100, s29;
	[sflag:s23] =	ssyncset.done $0x0  }
0x44: {  	s2 =	sadd.s32 $0xFFFFFF80, s29;
	[sflag:s23] =	ssyncadd.s32 $0xFFFFE000  }
0x45: {  	[spmem:s3] =	stream.indirect.scatter.add.f32 [tilespmem:s22], [sflag:$0x2], $0x40, s2, s21, $0xb8;
	[tilespmem:$0x17A00] =	vst v63  }
0x46: {  	_ =	swait.ge [sflag:s16], $0x2000  }
0x47: {  	[sflag:s16] =	ssyncset.done $0x0  }
0x48: {  	[sflag:s16] =	ssyncadd.s32 $0xFFFFE000  }
0x49: {  	[spmem:s4] =	stream.indirect.scatter.add.f32 [tilespmem:s18], [sflag:$0x2], $0x10, s2, s21, $0xb8;
	[tilespmem:$0x17A00] =	vst v63  }
0x4a: {  	_ =	swait.ge [sflag:s16], $0x800  }
0x4b: {  	s30 =	sadd.s32 $0x2, s30;
	[sflag:s16] =	ssyncset.done $0x0  }
0x4c: {  	p0 =	slt.u32 s30, $0x8;
	[sflag:s16] =	ssyncadd.s32 $0xFFFFF800  }
0x4d: {  	[tilespmem:s24], [sflag:$0x1] =	stream.indirect.gather [hbm4b:s6+s21], $0x40, s31, s21, $0xb8;
	[tilespmem:$0x17A00] =	vst v63  }
0x4e: {  	_ =	swait.ge [sflag:s23], $0x2000  }
0x4f: {  	[sflag:s23] =	ssyncset.done $0x0  }
0x50: {  	[sflag:s23] =	ssyncadd.s32 $0xFFFFE000  }
0x51: {  	[spmem:s3] =	stream.indirect.scatter.add.f32 [tilespmem:s24], [sflag:$0x2], $0x40, s29, s21, $0xb8;
	[tilespmem:$0x17A00] =	vst v63  }
0x52: {  	_ =	swait.ge [sflag:s16], $0x2000  }
.Ltmp0:
0x53: {  	[sflag:s16] =	ssyncset.done $0x0;
	(pc) =	sbr.rel @p0 .LBB2_2-.Ltmp0, $4  }
0x54: {  	[sflag:s16] =	ssyncadd.s32 $0xFFFFE000  }
0x55: {  	[spmem:s4] =	stream.indirect.scatter.add.f32 [tilespmem:s18], [sflag:$0x2], $0x10, s29, s21, $0xb8;
	[tilespmem:$0x17A00] =	vst v63  }
0x56: {  	_ =	swait.ge [sflag:s16], $0x800  }
0x57: {  	s31 =	sadd.s32 $0x100, s31;
	[sflag:s16] =	ssyncset.done $0x0  }
0x58: {  	[sflag:s16] =	ssyncadd.s32 $0xFFFFF800  }
0x59: {  	[tilespmem:s22], [sflag:$0x1] =	stream.indirect.gather [hbm4b:s6+s21], $0x40, s25, s21, $0xb8;
	[tilespmem:$0x17A00] =	vst v63  }
0x5a: {  	_ =	swait.ge [sflag:s23], $0x2000  }
0x5b: {  	[sflag:s23] =	ssyncset.done $0x0  }
0x5c: {  	[sflag:s23] =	ssyncadd.s32 $0xFFFFE000  }
0x5d: {  	[spmem:s3] =	stream.indirect.scatter.add.f32 [tilespmem:s22], [sflag:$0x2], $0x40, s26, s21, $0xb8;
	[tilespmem:$0x17A00] =	vst v63  }
0x5e: {  	_ =	swait.ge [sflag:s16], $0x2000  }
0x5f: {  	[sflag:s16] =	ssyncset.done $0x0  }
0x60: {  	[sflag:s16] =	ssyncadd.s32 $0xFFFFE000  }
0x61: {  	[spmem:s4] =	stream.indirect.scatter.add.f32 [tilespmem:s18], [sflag:$0x2], $0x10, s26, s21, $0xb8;
	[tilespmem:$0x17A00] =	vst v63  }
0x62: {  	_ =	swait.ge [sflag:s16], $0x800  }
0x63: {  	[sflag:s16] =	ssyncset.done $0x0  }
0x64: {  	[sflag:s16] =	ssyncadd.s32 $0xFFFFF800  }
0x65: {  	[bflag:$0x0] =	sbarrier.arrive $0xFFFF  }
0x66: {  	[hbm:s12], [sflag:s9] =	dma.local [spmem:s15], $0x1D80  }
0x67: {  	s28 =	sadd.s32 $0x1, s28;
	_ =	swait.ge [sflag:s16], $0x1D80  }
0x68: {  	p0 =	sne.s32 s28, s14;
	[sflag:s16] =	ssyncset.done $0x0  }
.Ltmp1:
0x69: {  	[sflag:s16] =	ssyncadd.s32 $0xFFFFE280;
	(pc) =	sbr.rel @p0 .LBB2_1-.Ltmp1, $4  }
0x6a: {  	[hbm:s13], [sflag:s9] =	dma.local [spmem:s17], $0x760  }
0x6b: {  	_ =	swait.ge [sflag:s16], $0x760  }
0x6c: {  	[sflag:s16] =	ssyncset.done $0x0  }
0x6d: {  	[sflag:s16] =	ssyncadd.s32 $0xFFFFF8A0  }
0x6e: {  	_ =	sfence.sel $0x180000  }
0x6f: {  	[bflag:$0x0] =	sbarrier.arrive $0xFFFF  }
0x70: {  	_ =	strace $0x90000059  }
0x71: {  	[bflag:$0x2] =	sbarrier.arrive $0xFFFF  }
0x72: {  	p0 =	sne.s32 s0, $0x0;
	s0 =	rddreg [dreg:$0x4]  }
0x73: {  	s0 =	sadd.s32 @!p0 $0x100000, s0  }
0x74: {  	[sflag:s0] =	ssyncadd.tile.s32 @!p0 $0x1;
	_ =	shalt  }
.Lfunc_end2:
_tile_overlayer_lowered:
.L_overlay_start_2:
0x75: {  	(tag) =	ssettag $0x2  }
0x76: {  	s0 =	rddreg [dreg:$0x0];
	s2 =	stileid.u32  }
0x77: {  	s1 =	rddreg [dreg:$0x1];
	p0 =	sne.s32 s2, $0x0  }
0x78: {  	s3 =	rddreg [dreg:$0x2];
	[bflag:$0x3] =	sbarrier.arrive $0xFFFF;
	s2 =	simm.s32 @!p0 $0x1C02  }
0x79: {  	[timem:s3], [sflag:s2] =	dma.local @!p0 [hbm:s0], s1  }
0x7a: {  	s0 =	simm.s32 @!p0 $0x2  }
0x7b: {  	_ =	swait.ge @!p0 [sflag:s0], s1  }
0x7c: {  	s1 =	ssub.s32 @!p0 $0x0, s1;
	[sflag:s0] =	ssyncset.done @!p0 $0x0  }
0x7d: {  	[sflag:s0] =	ssyncadd.s32 @!p0 s1  }
0x7e: {  	[bflag:$0x3] =	sbarrier.arrive $0xFFFF  }
0x7f: {  	_ =	shalt  }

// kernel: kernel.43.cloned.1.call-start
scs
__scs_entry_jumppad:
0x0: {  	(pc) =	sbr.rel $0x88, $3  }
0x1: {  	(tag) =	ssettag $0x0;
	lr =	simm.s32 $0x1  }
0x2: {  	[smem:$0x3F79] =	sst lr;
	_ =	strace $0xD0000000  }
0x3: {  	_ = 	snop  }
0x4: {  	_ = 	snop  }
0x5: {  	_ = 	snop  }
0x6: {  	_ = 	snop  }
0x7: {  	_ = 	snop  }
__scs_overlays_trampoline_lowered:
0x8: {  	[smem:$0x3F88] =	sst s0  }
0x9: {  	[smem:$0x3F89] =	sst s1  }
0xa: {  	[smem:$0x3F8A] =	sst s2  }
0xb: {  	[smem:$0x3F8B] =	sst s3  }
0xc: {  	[smem:$0x3F8C] =	sst s4  }
0xd: {  	[smem:$0x3F8D] =	sst s5  }
0xe: {  	[smem:$0x3F8E] =	sst s6  }
0xf: {  	[smem:$0x3F8F] =	sst s7  }
0x10: {  	[smem:$0x3F90] =	sst s8  }
0x11: {  	[smem:$0x3F91] =	sst s9;
	s0 =	simm.s32 @!p0 $0x0  }
0x12: {  	s1 =	sld [smem:$0x3F77];
	s0 =	simm.s32 @p0 $0x1  }
0x13: {  	[smem:$0x3F92] =	sst s0;
	s0 =	simm.s32 @!p1 $0x0  }
0x14: {  	s2 =	sld [smem:$0x3F76];
	s0 =	simm.s32 @p1 $0x1  }
0x15: {  	[smem:$0x3F93] =	sst s0;
	s0 =	simm.s32 @!p2 $0x0  }
0x16: {  	s3 =	sld [smem:$0x3FDB];
	s0 =	simm.s32 @p2 $0x1  }
0x17: {  	s4 =	simm.s32 $0x1BF5;
	[smem:$0x3F95] =	sst s0  }
0x18: {  	s0 =	sld [smem:$0x3F78];
	_ =	swait.ge [sflag:s4], $0x0  }
0x19: {  	s7 =	sld [smem:$0x3F79]  }
0x1a: {  	s8 =	sadd.s32 $0xFFFFE003, lr  }
0x1b: {  	s9 =	sadd.s32 $0xFFFFFEF7, lr;
	s5 =	simm.s32 $0xFFFFFFFF;
	p2 =	slt.u32 s8, $0xFFFFF086  }
0x1c: {  	p1 =	slt.u32 s9, $0xF7A;
	s5 =	simm.s32 @!p2 $0x0  }
0x1d: {  	s5 =	simm.s32 @p1 $0x1;
	p0 =	seq.s32 s7, s2  }
0x1e: {  	s7 =	smul.u32 @!p0 $0xF7A, s2;
	p2 =	seq.s32 @!p0 s5, $0x0  }
0x1f: {  	s9 =	smul.u32 $0xF7A, s1;
	s8 =	simm.s32 @!p0 $0x1BF5;
	p2 =	por !p2, p0  }
0x20: {  	[sflag:s8] =	ssyncset.s32 @!p0 $0xFFFFF086;
	s6 =	sadd.s32 @!p0 s3, s7;
	s7 =	simm.s32 @!p0 $0x108  }
0x21: {  	s3 =	sadd.s32 s3, s9;
	s6 =	sadd.s32 @!p0 $0x88, s6;
	s7 =	simm.s32 @p2 $0x1082  }
0x22: {  	[simem:s7], [sflag:s8] =	dma.local @!p0 [hbm:s6], $0xF7A  }
0x23: {  	s9 =	sor.u32 $0xD0000000, s2;
	s6 =	simm.s32 $0x108;
	_ =	swait.ge @!p0 [sflag:s8], $0x0  }
0x24: {  	s3 =	sadd.s32 $0x88, s3;
	s6 =	simm.s32 @!p1 $0x1082;
	[sflag:s4] =	ssyncset.s32 $0xFFFFF086  }
0x25: {  	[simem:s6], [sflag:s4] =	dma.local [hbm:s3], $0xF7A  }
0x26: {  	[smem:$0x3F79] =	sst s1;
	(tag) =	ssettag s2;
	_ =	strace s9  }
0x27: {  	s1 =	sld [smem:$0x3F89]  }
0x28: {  	s2 =	sld [smem:$0x3F8A]  }
0x29: {  	s4 =	sld [smem:$0x3F8C]  }
0x2a: {  	p0 =	seq.s32 s5, $0x0;
	s5 =	sld [smem:$0x3F8D]  }
0x2b: {  	s6 =	sld [smem:$0x3F8E]  }
0x2c: {  	s7 =	sld [smem:$0x3F8F]  }
0x2d: {  	s3 =	simm.s32 $0x108;
	s8 =	sld [smem:$0x3F90]  }
0x2e: {  	s3 =	simm.s32 @!p0 $0x1082;
	s9 =	sld [smem:$0x3F91]  }
0x2f: {  	lr =	sadd.s32 s0, s3;
	s0 =	sld [smem:$0x3F88]  }
0x30: {  	s3 =	sld [smem:$0x3F8B]  }
0x31: {  	[smem:$0x3F94] =	sst s10  }
0x32: {  	s10 =	sld [smem:$0x3F92];
	_ =	sdelay $0x3  }
0x33: {  	p0 =	seq.s32 s10, $0x1;
	s10 =	sld [smem:$0x3F94];
	_ =	sdelay $0x3  }
0x34: {  	[smem:$0x3F94] =	sst s10  }
0x35: {  	s10 =	sld [smem:$0x3F93];
	_ =	sdelay $0x3  }
0x36: {  	p1 =	seq.s32 s10, $0x1;
	s10 =	sld [smem:$0x3F94];
	_ =	sdelay $0x3  }
0x37: {  	[smem:$0x3F94] =	sst s10  }
0x38: {  	s10 =	sld [smem:$0x3F95]  }
0x39: {  	_ = 	snop;
	(pc) =	sbr.ind lr, $3  }
0x3a: {  	_ = 	snop  }
0x3b: {  	_ = 	snop  }
0x3c: {  	p2 =	seq.s32 s10, $0x1;
	s10 =	sld [smem:$0x3F94]  }
0x3d: {  	_ =	shalt  }
0x3e: {  	_ =	shalt  }
0x3f: {  	_ =	shalt  }
0x40: {  	_ =	shalt  }
0x41: {  	_ =	shalt  }
0x42: {  	_ =	shalt  }
0x43: {  	_ =	shalt  }
0x44: {  	_ =	shalt  }
0x45: {  	_ =	shalt  }
0x46: {  	_ =	shalt  }
0x47: {  	_ =	shalt  }
0x48: {  	_ =	shalt  }
0x49: {  	_ =	shalt  }
0x4a: {  	_ =	shalt  }
0x4b: {  	_ =	shalt  }
0x4c: {  	_ =	shalt  }
0x4d: {  	_ =	shalt  }
0x4e: {  	_ =	shalt  }
0x4f: {  	_ =	shalt  }
0x50: {  	_ =	shalt  }
0x51: {  	_ =	shalt  }
0x52: {  	_ =	shalt  }
0x53: {  	_ =	shalt  }
0x54: {  	_ =	shalt  }
0x55: {  	_ =	shalt  }
0x56: {  	_ =	shalt  }
0x57: {  	_ =	shalt  }
0x58: {  	_ =	shalt  }
0x59: {  	_ =	shalt  }
0x5a: {  	_ =	shalt  }
0x5b: {  	_ =	shalt  }
0x5c: {  	_ =	shalt  }
0x5d: {  	_ =	shalt  }
0x5e: {  	_ =	shalt  }
0x5f: {  	_ =	shalt  }
0x60: {  	_ =	shalt  }
0x61: {  	_ =	shalt  }
0x62: {  	_ =	shalt  }
0x63: {  	_ =	shalt  }
0x64: {  	_ =	shalt  }
0x65: {  	_ =	shalt  }
0x66: {  	_ =	shalt  }
0x67: {  	_ =	shalt  }
0x68: {  	_ =	shalt  }
0x69: {  	_ =	shalt  }
0x6a: {  	_ =	shalt  }
0x6b: {  	_ =	shalt  }
0x6c: {  	_ =	shalt  }
0x6d: {  	_ =	shalt  }
0x6e: {  	_ =	shalt  }
0x6f: {  	_ =	shalt  }
0x70: {  	_ =	shalt  }
0x71: {  	_ =	shalt  }
0x72: {  	_ =	shalt  }
0x73: {  	_ =	shalt  }
0x74: {  	_ =	shalt  }
0x75: {  	_ =	shalt  }
0x76: {  	_ =	shalt  }
0x77: {  	_ =	shalt  }
0x78: {  	_ =	shalt  }
0x79: {  	_ =	shalt  }
0x7a: {  	_ =	shalt  }
0x7b: {  	_ =	shalt  }
0x7c: {  	_ =	shalt  }
0x7d: {  	_ =	shalt  }
0x7e: {  	_ =	shalt  }
0x7f: {  	_ =	shalt  }
0x80: {  	_ =	shalt  }
0x81: {  	_ =	shalt  }
0x82: {  	_ =	shalt  }
0x83: {  	_ =	shalt  }
0x84: {  	_ =	shalt  }
0x85: {  	_ =	shalt  }
0x86: {  	_ =	shalt  }
0x87: {  	_ =	shalt  }
.Lfunc_end0:
.L_simem_size_0:
called_computation.7_lowered:
.L_overlay_start_0:
0x88: {  	s2 =	sld [smem:$0x3FD9]  }
0x89: {  	s3 =	sld [smem:$0x3FFE];
	_ =	sdelay $0x1  }
0x8a: {  	s1 =	srdreg.scid  }
0x8b: {  	s0 =	sand.u32 $0x1, s1  }
0x8c: {  	s16 =	sshll.u32 s0, $0xA;
	s2 =	sadd.s32 s3, s2  }
0x8d: {  	s2 =	sadd.s32 s2, s16  }
0x8e: {  	[smem:$0x3FA0] =	sst s2  }
0x8f: {  	_ = 	snop  }
0x90: {  	(tm) =	ssettm $0x1  }
0x91: {  	s17 =	sld [smem:$0x3FFB];
	_ =	sdelay $0x3  }
0x92: {  	_ =	strace s17  }
0x93: {  	s2 =	sld [smem:$0x3FFC];
	_ =	sdelay $0x3  }
0x94: {  	_ =	strace s2  }
0x95: {  	s2 =	sld [smem:$0x3FFD];
	_ =	sdelay $0x3  }
0x96: {  	_ =	strace s2  }
0x97: {  	_ =	strace $0x8FFFFFFF  }
0x98: {  	s18 =	sld [smem:$0x3FDB];
	_ =	sdelay $0x1  }
0x99: {  	s19 =	simm.s32 $_scs_section_size  }
0x9a: {  	s4 =	simm.s32 $_size__tile_overlayer_lowered;
	s5 =	simm.s32 $_tile_overlayer_lowered  }
0x9b: {  	s22 =	simm.s32 $0x1BFF;
	s21 =	sshll.u32 s5, $0x1;
	s2 =	sadd.s32 s19, s18  }
0x9c: {  	s6 =	simm.s32 $0x0;
	s20 =	sshll.u32 s4, $0x1;
	s4 =	sadd.s32 s21, s2  }
0x9d: {  	[timem:s6], [sflag:s22] =	dma.local [hbm:s4], s20  }
0x9e: {  	_ =	swait.ge [sflag:s22], s20  }
0x9f: {  	s3 =	ssub.s32 $0x0, s20;
	[sflag:s22] =	ssyncset.done $0x0  }
0xa0: {  	[sflag:s22] =	ssyncadd.s32 s3;
	_ =	sdelay $0x1  }
0xa1: {  	s23 =	simm.s32 $0x1B8B  }
0xa2: {  	_ =	swait.ge [sflag:s23], $0x1  }
0xa3: {  	[sflag:s23] =	ssyncset.done $0x0  }
0xa4: {  	s25 =	simm.s32 $0x1B8E;
	s24 =	sld [smem:$0x3FFE];
	[sflag:s23] =	ssyncadd.s32 $0xFFFFFFFF  }
0xa5: {  	s26 =	simm.s32 $execute0_lowered;
	[smem:$0x3FD2] =	sst s25  }
0xa6: {  	s4 =	sshll.u32 s26, $0x1;
	_ =	strace $0x8000005B;
	[dreg:$0x1] =	wrdreg $0xFFFFFFFF  }
0xa7: {  	s28 =	simm.s32 $_size_execute0_lowered;
	s2 =	sadd.s32 s2, s4;
	[dreg:$0x0] =	wrdreg $0x0  }
0xa8: {  	s4 =	sshll.u32 s28, $0x1;
	[dreg:$0x2] =	wrdreg s2  }
0xa9: {  	[dreg:$0x3] =	wrdreg s4  }
0xaa: {  	[dreg:$0x4] =	wrdreg $0xC0  }
0xab: {  	_ =	task [dreg:s6], $0x5FFFF  }
0xac: {  	[dreg:$0x1] =	wrdreg $0xFFFFFFFF  }
0xad: {  	[dreg:$0x0] =	wrdreg $0x60  }
0xae: {  	[dreg:$0x2] =	wrdreg s24  }
0xaf: {  	[dreg:$0x3] =	wrdreg $0x0  }
0xb0: {  	[dreg:$0x4] =	wrdreg $0x9  }
0xb1: {  	_ =	task.clear_ibuf [dreg:s6], $0x5FFFF;
	_ =	strace $0x9000005B  }
0xb2: {  	s29 =	simm.s32 $0x9;
	_ =	strace $0x8000005D  }
0xb3: {  	_ =	swait.ge [sflag:s29], $0x1  }
0xb4: {  	[sflag:s29] =	ssyncadd.s32 $0xFFFFFFFF  }
0xb5: {  	_ =	strace $0x9000005D  }
0xb6: {  	_ =	sfence  }
0xb7: {  	s30 =	sld [smem:$0x0];
	_ =	sdelay $0x2  }
0xb8: {  	s31 =	sshll.u32 s1, $0xD;
	s1 =	sshrl.u32 s1, $0x2  }
0xb9: {  	s3 =	sand.u32 $0x4000, s31;
	s1 =	sadd.s32 s1, s30  }
0xba: {  	s0 =	sor.u32 s3, s0;
	s1 =	sshll.u32 s1, $0x11  }
0xbb: {  	s0 =	sor.u32 s1, s0  }
0xbc: {  	s0 =	sadd.s32 $0x8F2B, s0  }
0xbd: {  	[sflag:s0] =	ssyncadd.remote.s32 $0x1  }
0xbe: {  	_ =	sfence.sel $0xFFFF  }
0xbf: {  	[dreg:$0x0] =	wrdreg $0xFFFFFFFF;
	(pc) =	sbr.abs _section_cstart, $3  }
0xc0: {  	[dreg:$0x1] =	wrdreg $0xFFFFFFFF  }
0xc1: {  	_ =	task.clear_ibuf [dreg:s6], $0x2FFFF;
	_ =	strace $0x9FFFFFFF  }
0xc2: {  	(tm) =	ssettm $0x7FFFFFFF  }
0xc3: {  	_ =	shalt  }
tec
execute0_lowered:
.L_overlay_start_1:
0x0: {  	(tag) =	ssettag $0x1  }
0x1: {  	s1 =	srdreg.scid  }
0x2: {  	s0 =	stileid.u32;
	s6 =	rddreg [dreg:$0x0]  }
0x3: {  	s2 =	rddreg [dreg:$0x1];
	s3 =	simm.s32 $0x0;
	s14 =	simm.s32 $0x11100  }
0x4: {  	s15 =	simm.s32 $0x80;
	s16 =	simm.s32 $0x13600;
	s17 =	simm.s32 $0x1  }
0x5: {  	s18 =	simm.s32 $0x15600;
	s19 =	simm.s32 $0x0;
	s5 =	sand.u32 $0x1, s1  }
0x6: {  	s28 =	sshll.u32 s0, $0x1;
	s8 =	smul.u32 $0xEC00, s0;
	[smem:$0x7FF] =	sst s3  }
0x7: {  	s4 =	sadd.s32 $0x9400, s6;
	s31 =	sshll.u32 s0, $0x6;
	s1 =	sor.u32 s5, s28  }
0x8: {  	s9 =	smul.u32 $0xEC000, s5;
	s30 =	ssub.s32 $0x2, s5;
	s5 =	sadd.s32 $0x33200, s6  }
0x9: {  	s7 =	smul.u32 $0x4A0, s1;
	s1 =	rddreg [dreg:$0x2];
	_ =	strace $0x8000005C  }
0xa: {  	s11 =	sshrl.u32 s30, $0x1;
	s13 =	sadd.s32 s8, s2;
	s29 =	sadd.s32 s8, s9  }
0xb: {  	s11 =	ssub.s32 s30, s11;
	s10 =	sadd.s32 s7, s6;
	s7 =	sshrl.u32 s29, $0x3  }
0xc: {  	s12 =	sadd.s32 s7, s6;
	s6 =	sor.u32 $0x1C02, s31;
	s7 =	sadd.s32 $0xB9E00, s10  }
0xd: {  	s8 =	sadd.s32 $0xC3200, s10;
	s10 =	smax.u32 s11, $0x1;
	s11 =	sshrl.u32 s13, $0x3  }
0xe: {  	s13 =	simm.s32 $0xEC00;
	s9 =	sadd.s32 $0x6FA00, s12;
	s12 =	simm.s32 $0x2  }
.LBB2_1:
0xf: {  	[spmem:s11], [sflag:s6] =	dma.local [hbm:s5], $0x1D80  }
0x10: {  	_ =	swait.ge [sflag:s12], $0x1D80  }
0x11: {  	[sflag:s12] =	ssyncset.done $0x0  }
0x12: {  	[sflag:s12] =	ssyncadd.s32 $0xFFFFE280  }
0x13: {  	[tilespmem:s13], [sflag:$0x2] =	stream.linear.gather [hbm4b:s7+s3], $0x2500, $0x38;
	[tilespmem:$0x17600] =	vst v63  }
0x14: {  	_ =	swait.ge [sflag:s12], $0x2500  }
0x15: {  	[sflag:s12] =	ssyncset.done $0x0  }
0x16: {  	[sflag:s12] =	ssyncadd.s32 $0xFFFFDB00  }
0x17: {  	[tilespmem:s14], [sflag:$0x2] =	stream.linear.gather [hbm4b:s8+s3], $0x2500, $0x38;
	[tilespmem:$0x17600] =	vst v63  }
0x18: {  	_ =	swait.ge [sflag:s12], $0x2500  }
0x19: {  	[sflag:s12] =	ssyncset.done $0x0  }
0x1a: {  	[sflag:s12] =	ssyncadd.s32 $0xFFFFDB00  }
0x1b: {  	s20 =	simm.s32 $0xEC00;
	[bflag:$0x0] =	sbarrier.arrive $0xFFFF  }
0x1c: {  	[tilespmem:s16], [sflag:$0x1] =	stream.indirect.gather [hbm4b:s4+s15], $0x40, s20, s15, $0xb8;
	[tilespmem:$0x17600] =	vst v63  }
0x1d: {  	_ =	swait.ge [sflag:s17], $0x2000  }
0x1e: {  	[sflag:s17] =	ssyncset.done $0x0  }
0x1f: {  	s30 =	simm.s32 $0x11100;
	[sflag:s17] =	ssyncadd.s32 $0xFFFFE000  }
0x20: {  	[spmem:s2] =	stream.indirect.scatter.add.f32 [tilespmem:s16], [sflag:$0x2], $0x40, s30, s15, $0xb8;
	[tilespmem:$0x17600] =	vst v63  }
0x21: {  	_ =	swait.ge [sflag:s12], $0x2000  }
0x22: {  	[sflag:s12] =	ssyncset.done $0x0  }
0x23: {  	s31 =	simm.s32 $0xEC80;
	[sflag:s12] =	ssyncadd.s32 $0xFFFFE000  }
0x24: {  	[tilespmem:s18], [sflag:$0x1] =	stream.indirect.gather [hbm4b:s4+s15], $0x40, s31, s15, $0xb8;
	[tilespmem:$0x17600] =	vst v63  }
0x25: {  	_ =	swait.ge [sflag:s17], $0x2000  }
0x26: {  	[sflag:s17] =	ssyncset.done $0x0  }
0x27: {  	s20 =	simm.s32 $0x11180;
	[sflag:s17] =	ssyncadd.s32 $0xFFFFE000  }
0x28: {  	[spmem:s2] =	stream.indirect.scatter.add.f32 [tilespmem:s18], [sflag:$0x2], $0x40, s20, s15, $0xb8;
	[tilespmem:$0x17600] =	vst v63  }
0x29: {  	_ =	swait.ge [sflag:s12], $0x2000  }
0x2a: {  	s21 =	simm.s32 $0x0;
	s22 =	simm.s32 $0xED80;
	[sflag:s12] =	ssyncset.done $0x0  }
.LBB2_2:
0x2b: {  	s23 =	sadd.s32 $0xFFFFFF80, s22;
	[sflag:s12] =	ssyncadd.s32 $0xFFFFE000  }
0x2c: {  	[tilespmem:s16], [sflag:$0x1] =	stream.indirect.gather [hbm4b:s4+s15], $0x40, s23, s15, $0xb8;
	[tilespmem:$0x17600] =	vst v63  }
0x2d: {  	_ =	swait.ge [sflag:s17], $0x2000  }
0x2e: {  	s20 =	sadd.s32 $0x100, s20;
	[sflag:s17] =	ssyncset.done $0x0  }
0x2f: {  	s23 =	sadd.s32 $0xFFFFFF80, s20;
	[sflag:s17] =	ssyncadd.s32 $0xFFFFE000  }
0x30: {  	[spmem:s2] =	stream.indirect.scatter.add.f32 [tilespmem:s16], [sflag:$0x2], $0x40, s23, s15, $0xb8;
	[tilespmem:$0x17600] =	vst v63  }
0x31: {  	_ =	swait.ge [sflag:s12], $0x2000  }
0x32: {  	s21 =	sadd.s32 $0x2, s21;
	[sflag:s12] =	ssyncset.done $0x0  }
0x33: {  	p0 =	slt.u32 s21, $0x48;
	[sflag:s12] =	ssyncadd.s32 $0xFFFFE000  }
0x34: {  	[tilespmem:s18], [sflag:$0x1] =	stream.indirect.gather [hbm4b:s4+s15], $0x40, s22, s15, $0xb8;
	[tilespmem:$0x17600] =	vst v63  }
0x35: {  	_ =	swait.ge [sflag:s17], $0x2000  }
.Ltmp0:
0x36: {  	[sflag:s17] =	ssyncset.done $0x0;
	(pc) =	sbr.rel @p0 .LBB2_2-.Ltmp0, $4  }
0x37: {  	[sflag:s17] =	ssyncadd.s32 $0xFFFFE000  }
0x38: {  	[spmem:s2] =	stream.indirect.scatter.add.f32 [tilespmem:s18], [sflag:$0x2], $0x40, s20, s15, $0xb8;
	[tilespmem:$0x17600] =	vst v63  }
0x39: {  	_ =	swait.ge [sflag:s12], $0x2000  }
0x3a: {  	s22 =	sadd.s32 $0x100, s22;
	[sflag:s12] =	ssyncset.done $0x0  }
0x3b: {  	s19 =	sadd.s32 $0x1, s19  }
0x3c: {  	[sflag:s12] =	ssyncadd.s32 $0xFFFFE000;
	p0 =	sne.s32 s19, s10  }
.Ltmp1:
0x3d: {  	[bflag:$0x0] =	sbarrier.arrive $0xFFFF;
	(pc) =	sbr.rel @p0 .LBB2_1-.Ltmp1, $4  }
0x3e: {  	[hbm:s9], [sflag:s6] =	dma.local [spmem:s11], $0x1D80  }
0x3f: {  	_ =	swait.ge [sflag:s12], $0x1D80  }
0x40: {  	[sflag:s12] =	ssyncset.done $0x0  }
0x41: {  	[sflag:s12] =	ssyncadd.s32 $0xFFFFE280  }
0x42: {  	_ =	sfence.sel $0x180000  }
0x43: {  	[bflag:$0x0] =	sbarrier.arrive $0xFFFF  }
0x44: {  	p0 =	sne.s32 s0, $0x0;
	_ =	strace $0x9000005C  }
0x45: {  	s0 =	sadd.s32 @!p0 $0x100000, s1;
	[bflag:$0x2] =	sbarrier.arrive $0xFFFF  }
0x46: {  	[sflag:s0] =	ssyncadd.tile.s32 @!p0 $0x1;
	_ =	shalt  }
.Lfunc_end2:
_tile_overlayer_lowered:
.L_overlay_start_2:
0x47: {  	(tag) =	ssettag $0x2  }
0x48: {  	s0 =	rddreg [dreg:$0x0];
	s2 =	stileid.u32  }
0x49: {  	s1 =	rddreg [dreg:$0x1];
	p0 =	sne.s32 s2, $0x0  }
0x4a: {  	s3 =	rddreg [dreg:$0x2];
	[bflag:$0x3] =	sbarrier.arrive $0xFFFF;
	s2 =	simm.s32 @!p0 $0x1C02  }
0x4b: {  	[timem:s3], [sflag:s2] =	dma.local @!p0 [hbm:s0], s1  }
0x4c: {  	s0 =	simm.s32 @!p0 $0x2  }
0x4d: {  	_ =	swait.ge @!p0 [sflag:s0], s1  }
0x4e: {  	s1 =	ssub.s32 @!p0 $0x0, s1;
	[sflag:s0] =	ssyncset.done @!p0 $0x0  }
0x4f: {  	[sflag:s0] =	ssyncadd.s32 @!p0 s1  }
0x50: {  	[bflag:$0x3] =	sbarrier.arrive $0xFFFF  }
0x51: {  	_ =	shalt  }

// kernel: kernel.46.cloned.1.call-start
scs
__scs_entry_jumppad:
0x0: {  	(pc) =	sbr.rel $0x88, $3  }
0x1: {  	(tag) =	ssettag $0x0;
	lr =	simm.s32 $0x1  }
0x2: {  	[smem:$0x3F79] =	sst lr;
	_ =	strace $0xD0000000  }
0x3: {  	_ = 	snop  }
0x4: {  	_ = 	snop  }
0x5: {  	_ = 	snop  }
0x6: {  	_ = 	snop  }
0x7: {  	_ = 	snop  }
__scs_overlays_trampoline_lowered:
0x8: {  	[smem:$0x3F88] =	sst s0  }
0x9: {  	[smem:$0x3F89] =	sst s1  }
0xa: {  	[smem:$0x3F8A] =	sst s2  }
0xb: {  	[smem:$0x3F8B] =	sst s3  }
0xc: {  	[smem:$0x3F8C] =	sst s4  }
0xd: {  	[smem:$0x3F8D] =	sst s5  }
0xe: {  	[smem:$0x3F8E] =	sst s6  }
0xf: {  	[smem:$0x3F8F] =	sst s7  }
0x10: {  	[smem:$0x3F90] =	sst s8  }
0x11: {  	[smem:$0x3F91] =	sst s9;
	s0 =	simm.s32 @!p0 $0x0  }
0x12: {  	s1 =	sld [smem:$0x3F77];
	s0 =	simm.s32 @p0 $0x1  }
0x13: {  	[smem:$0x3F92] =	sst s0;
	s0 =	simm.s32 @!p1 $0x0  }
0x14: {  	s2 =	sld [smem:$0x3F76];
	s0 =	simm.s32 @p1 $0x1  }
0x15: {  	[smem:$0x3F93] =	sst s0;
	s0 =	simm.s32 @!p2 $0x0  }
0x16: {  	s3 =	sld [smem:$0x3FDB];
	s0 =	simm.s32 @p2 $0x1  }
0x17: {  	s4 =	simm.s32 $0x1BF5;
	[smem:$0x3F95] =	sst s0  }
0x18: {  	s0 =	sld [smem:$0x3F78];
	_ =	swait.ge [sflag:s4], $0x0  }
0x19: {  	s7 =	sld [smem:$0x3F79]  }
0x1a: {  	s8 =	sadd.s32 $0xFFFFE003, lr  }
0x1b: {  	s9 =	sadd.s32 $0xFFFFFEF7, lr;
	s5 =	simm.s32 $0xFFFFFFFF;
	p2 =	slt.u32 s8, $0xFFFFF086  }
0x1c: {  	p1 =	slt.u32 s9, $0xF7A;
	s5 =	simm.s32 @!p2 $0x0  }
0x1d: {  	s5 =	simm.s32 @p1 $0x1;
	p0 =	seq.s32 s7, s2  }
0x1e: {  	s7 =	smul.u32 @!p0 $0xF7A, s2;
	p2 =	seq.s32 @!p0 s5, $0x0  }
0x1f: {  	s9 =	smul.u32 $0xF7A, s1;
	s8 =	simm.s32 @!p0 $0x1BF5;
	p2 =	por !p2, p0  }
0x20: {  	[sflag:s8] =	ssyncset.s32 @!p0 $0xFFFFF086;
	s6 =	sadd.s32 @!p0 s3, s7;
	s7 =	simm.s32 @!p0 $0x108  }
0x21: {  	s3 =	sadd.s32 s3, s9;
	s6 =	sadd.s32 @!p0 $0x88, s6;
	s7 =	simm.s32 @p2 $0x1082  }
0x22: {  	[simem:s7], [sflag:s8] =	dma.local @!p0 [hbm:s6], $0xF7A  }
0x23: {  	s9 =	sor.u32 $0xD0000000, s2;
	s6 =	simm.s32 $0x108;
	_ =	swait.ge @!p0 [sflag:s8], $0x0  }
0x24: {  	s3 =	sadd.s32 $0x88, s3;
	s6 =	simm.s32 @!p1 $0x1082;
	[sflag:s4] =	ssyncset.s32 $0xFFFFF086  }
0x25: {  	[simem:s6], [sflag:s4] =	dma.local [hbm:s3], $0xF7A  }
0x26: {  	[smem:$0x3F79] =	sst s1;
	(tag) =	ssettag s2;
	_ =	strace s9  }
0x27: {  	s1 =	sld [smem:$0x3F89]  }
0x28: {  	s2 =	sld [smem:$0x3F8A]  }
0x29: {  	s4 =	sld [smem:$0x3F8C]  }
0x2a: {  	p0 =	seq.s32 s5, $0x0;
	s5 =	sld [smem:$0x3F8D]  }
0x2b: {  	s6 =	sld [smem:$0x3F8E]  }
0x2c: {  	s7 =	sld [smem:$0x3F8F]  }
0x2d: {  	s3 =	simm.s32 $0x108;
	s8 =	sld [smem:$0x3F90]  }
0x2e: {  	s3 =	simm.s32 @!p0 $0x1082;
	s9 =	sld [smem:$0x3F91]  }
0x2f: {  	lr =	sadd.s32 s0, s3;
	s0 =	sld [smem:$0x3F88]  }
0x30: {  	s3 =	sld [smem:$0x3F8B]  }
0x31: {  	[smem:$0x3F94] =	sst s10  }
0x32: {  	s10 =	sld [smem:$0x3F92];
	_ =	sdelay $0x3  }
0x33: {  	p0 =	seq.s32 s10, $0x1;
	s10 =	sld [smem:$0x3F94];
	_ =	sdelay $0x3  }
0x34: {  	[smem:$0x3F94] =	sst s10  }
0x35: {  	s10 =	sld [smem:$0x3F93];
	_ =	sdelay $0x3  }
0x36: {  	p1 =	seq.s32 s10, $0x1;
	s10 =	sld [smem:$0x3F94];
	_ =	sdelay $0x3  }
0x37: {  	[smem:$0x3F94] =	sst s10  }
0x38: {  	s10 =	sld [smem:$0x3F95]  }
0x39: {  	_ = 	snop;
	(pc) =	sbr.ind lr, $3  }
0x3a: {  	_ = 	snop  }
0x3b: {  	_ = 	snop  }
0x3c: {  	p2 =	seq.s32 s10, $0x1;
	s10 =	sld [smem:$0x3F94]  }
0x3d: {  	_ =	shalt  }
0x3e: {  	_ =	shalt  }
0x3f: {  	_ =	shalt  }
0x40: {  	_ =	shalt  }
0x41: {  	_ =	shalt  }
0x42: {  	_ =	shalt  }
0x43: {  	_ =	shalt  }
0x44: {  	_ =	shalt  }
0x45: {  	_ =	shalt  }
0x46: {  	_ =	shalt  }
0x47: {  	_ =	shalt  }
0x48: {  	_ =	shalt  }
0x49: {  	_ =	shalt  }
0x4a: {  	_ =	shalt  }
0x4b: {  	_ =	shalt  }
0x4c: {  	_ =	shalt  }
0x4d: {  	_ =	shalt  }
0x4e: {  	_ =	shalt  }
0x4f: {  	_ =	shalt  }
0x50: {  	_ =	shalt  }
0x51: {  	_ =	shalt  }
0x52: {  	_ =	shalt  }
0x53: {  	_ =	shalt  }
0x54: {  	_ =	shalt  }
0x55: {  	_ =	shalt  }
0x56: {  	_ =	shalt  }
0x57: {  	_ =	shalt  }
0x58: {  	_ =	shalt  }
0x59: {  	_ =	shalt  }
0x5a: {  	_ =	shalt  }
0x5b: {  	_ =	shalt  }
0x5c: {  	_ =	shalt  }
0x5d: {  	_ =	shalt  }
0x5e: {  	_ =	shalt  }
0x5f: {  	_ =	shalt  }
0x60: {  	_ =	shalt  }
0x61: {  	_ =	shalt  }
0x62: {  	_ =	shalt  }
0x63: {  	_ =	shalt  }
0x64: {  	_ =	shalt  }
0x65: {  	_ =	shalt  }
0x66: {  	_ =	shalt  }
0x67: {  	_ =	shalt  }
0x68: {  	_ =	shalt  }
0x69: {  	_ =	shalt  }
0x6a: {  	_ =	shalt  }
0x6b: {  	_ =	shalt  }
0x6c: {  	_ =	shalt  }
0x6d: {  	_ =	shalt  }
0x6e: {  	_ =	shalt  }
0x6f: {  	_ =	shalt  }
0x70: {  	_ =	shalt  }
0x71: {  	_ =	shalt  }
0x72: {  	_ =	shalt  }
0x73: {  	_ =	shalt  }
0x74: {  	_ =	shalt  }
0x75: {  	_ =	shalt  }
0x76: {  	_ =	shalt  }
0x77: {  	_ =	shalt  }
0x78: {  	_ =	shalt  }
0x79: {  	_ =	shalt  }
0x7a: {  	_ =	shalt  }
0x7b: {  	_ =	shalt  }
0x7c: {  	_ =	shalt  }
0x7d: {  	_ =	shalt  }
0x7e: {  	_ =	shalt  }
0x7f: {  	_ =	shalt  }
0x80: {  	_ =	shalt  }
0x81: {  	_ =	shalt  }
0x82: {  	_ =	shalt  }
0x83: {  	_ =	shalt  }
0x84: {  	_ =	shalt  }
0x85: {  	_ =	shalt  }
0x86: {  	_ =	shalt  }
0x87: {  	_ =	shalt  }
.Lfunc_end0:
.L_simem_size_0:
called_computation.8_lowered:
.L_overlay_start_0:
0x88: {  	s2 =	sld [smem:$0x3FD9]  }
0x89: {  	s3 =	sld [smem:$0x3FFE];
	_ =	sdelay $0x1  }
0x8a: {  	s1 =	srdreg.scid  }
0x8b: {  	s0 =	sand.u32 $0x1, s1  }
0x8c: {  	s16 =	sshll.u32 s0, $0xA;
	s2 =	sadd.s32 s3, s2  }
0x8d: {  	s2 =	sadd.s32 s2, s16  }
0x8e: {  	[smem:$0x3FA0] =	sst s2  }
0x8f: {  	_ = 	snop  }
0x90: {  	(tm) =	ssettm $0x1  }
0x91: {  	s17 =	sld [smem:$0x3FFB];
	_ =	sdelay $0x3  }
0x92: {  	_ =	strace s17  }
0x93: {  	s2 =	sld [smem:$0x3FFC];
	_ =	sdelay $0x3  }
0x94: {  	_ =	strace s2  }
0x95: {  	s2 =	sld [smem:$0x3FFD];
	_ =	sdelay $0x3  }
0x96: {  	_ =	strace s2  }
0x97: {  	_ =	strace $0x8FFFFFFF  }
0x98: {  	s18 =	sld [smem:$0x3FDB];
	_ =	sdelay $0x1  }
0x99: {  	s19 =	simm.s32 $_scs_section_size  }
0x9a: {  	s4 =	simm.s32 $_size__tile_overlayer_lowered;
	s5 =	simm.s32 $_tile_overlayer_lowered  }
0x9b: {  	s22 =	simm.s32 $0x1BFF;
	s21 =	sshll.u32 s5, $0x1;
	s2 =	sadd.s32 s19, s18  }
0x9c: {  	s6 =	simm.s32 $0x0;
	s20 =	sshll.u32 s4, $0x1;
	s4 =	sadd.s32 s21, s2  }
0x9d: {  	[timem:s6], [sflag:s22] =	dma.local [hbm:s4], s20  }
0x9e: {  	_ =	swait.ge [sflag:s22], s20  }
0x9f: {  	s3 =	ssub.s32 $0x0, s20;
	[sflag:s22] =	ssyncset.done $0x0  }
0xa0: {  	[sflag:s22] =	ssyncadd.s32 s3;
	_ =	sdelay $0x1  }
0xa1: {  	s23 =	simm.s32 $0x1B8B  }
0xa2: {  	_ =	swait.ge [sflag:s23], $0x1  }
0xa3: {  	[sflag:s23] =	ssyncset.done $0x0  }
0xa4: {  	s25 =	simm.s32 $0x1B8E;
	s24 =	sld [smem:$0x3FFE];
	[sflag:s23] =	ssyncadd.s32 $0xFFFFFFFF  }
0xa5: {  	s26 =	simm.s32 $execute0_lowered;
	[smem:$0x3FD2] =	sst s25  }
0xa6: {  	s4 =	sshll.u32 s26, $0x1;
	_ =	strace $0x8000005E;
	[dreg:$0x1] =	wrdreg $0xFFFFFFFF  }
0xa7: {  	s28 =	simm.s32 $_size_execute0_lowered;
	s2 =	sadd.s32 s2, s4;
	[dreg:$0x0] =	wrdreg $0x0  }
0xa8: {  	s4 =	sshll.u32 s28, $0x1;
	[dreg:$0x2] =	wrdreg s2  }
0xa9: {  	[dreg:$0x3] =	wrdreg s4  }
0xaa: {  	[dreg:$0x4] =	wrdreg $0xC0  }
0xab: {  	_ =	task [dreg:s6], $0x5FFFF  }
0xac: {  	[dreg:$0x1] =	wrdreg $0xFFFFFFFF  }
0xad: {  	[dreg:$0x0] =	wrdreg $0x60  }
0xae: {  	[dreg:$0x2] =	wrdreg s24  }
0xaf: {  	[dreg:$0x3] =	wrdreg $0x0  }
0xb0: {  	[dreg:$0x4] =	wrdreg $0x9  }
0xb1: {  	_ =	task.clear_ibuf [dreg:s6], $0x5FFFF;
	_ =	strace $0x9000005E  }
0xb2: {  	s29 =	simm.s32 $0x9;
	_ =	strace $0x80000060  }
0xb3: {  	_ =	swait.ge [sflag:s29], $0x1  }
0xb4: {  	[sflag:s29] =	ssyncadd.s32 $0xFFFFFFFF  }
0xb5: {  	_ =	strace $0x90000060  }
0xb6: {  	_ =	sfence  }
0xb7: {  	s30 =	sld [smem:$0x0];
	_ =	sdelay $0x2  }
0xb8: {  	s31 =	sshll.u32 s1, $0xD;
	s1 =	sshrl.u32 s1, $0x2  }
0xb9: {  	s3 =	sand.u32 $0x4000, s31;
	s1 =	sadd.s32 s1, s30  }
0xba: {  	s0 =	sor.u32 s3, s0;
	s1 =	sshll.u32 s1, $0x11  }
0xbb: {  	s0 =	sor.u32 s1, s0  }
0xbc: {  	s0 =	sadd.s32 $0x8F2B, s0  }
0xbd: {  	[sflag:s0] =	ssyncadd.remote.s32 $0x1  }
0xbe: {  	_ =	sfence.sel $0xFFFF  }
0xbf: {  	[dreg:$0x0] =	wrdreg $0xFFFFFFFF;
	(pc) =	sbr.abs _section_cstart, $3  }
0xc0: {  	[dreg:$0x1] =	wrdreg $0xFFFFFFFF  }
0xc1: {  	_ =	task.clear_ibuf [dreg:s6], $0x2FFFF;
	_ =	strace $0x9FFFFFFF  }
0xc2: {  	(tm) =	ssettm $0x7FFFFFFF  }
0xc3: {  	_ =	shalt  }
tec
execute0_lowered:
.L_overlay_start_1:
0x0: {  	(tag) =	ssettag $0x1  }
0x1: {  	s1 =	srdreg.scid  }
0x2: {  	s0 =	stileid.u32;
	s6 =	rddreg [dreg:$0x0]  }
0x3: {  	s2 =	rddreg [dreg:$0x1];
	s3 =	simm.s32 $0x0;
	s14 =	simm.s32 $0x11100  }
0x4: {  	s15 =	simm.s32 $0x80;
	s16 =	simm.s32 $0x13600;
	s17 =	simm.s32 $0x1  }
0x5: {  	s18 =	simm.s32 $0x15600;
	s19 =	simm.s32 $0x0;
	s5 =	sand.u32 $0x1, s1  }
0x6: {  	s28 =	sshll.u32 s0, $0x1;
	s8 =	smul.u32 $0xEC00, s0;
	[smem:$0x7FF] =	sst s3  }
0x7: {  	s4 =	sadd.s32 $0x9400, s6;
	s31 =	sshll.u32 s0, $0x6;
	s1 =	sor.u32 s5, s28  }
0x8: {  	s9 =	smul.u32 $0xEC000, s5;
	s30 =	ssub.s32 $0x2, s5;
	s5 =	sadd.s32 $0x33200, s6  }
0x9: {  	s7 =	smul.u32 $0x4A0, s1;
	s1 =	rddreg [dreg:$0x2];
	_ =	strace $0x8000005F  }
0xa: {  	s11 =	sshrl.u32 s30, $0x1;
	s13 =	sadd.s32 s8, s2;
	s29 =	sadd.s32 s8, s9  }
0xb: {  	s11 =	ssub.s32 s30, s11;
	s10 =	sadd.s32 s7, s6;
	s7 =	sshrl.u32 s29, $0x3  }
0xc: {  	s12 =	sadd.s32 s7, s6;
	s6 =	sor.u32 $0x1C02, s31;
	s7 =	sadd.s32 $0xB9E00, s10  }
0xd: {  	s8 =	sadd.s32 $0xC3200, s10;
	s10 =	smax.u32 s11, $0x1;
	s11 =	sshrl.u32 s13, $0x3  }
0xe: {  	s13 =	simm.s32 $0xEC00;
	s9 =	sadd.s32 $0x35000, s12;
	s12 =	simm.s32 $0x2  }
.LBB2_1:
0xf: {  	[spmem:s11], [sflag:s6] =	dma.local [hbm:s5], $0x1D80  }
0x10: {  	_ =	swait.ge [sflag:s12], $0x1D80  }
0x11: {  	[sflag:s12] =	ssyncset.done $0x0  }
0x12: {  	[sflag:s12] =	ssyncadd.s32 $0xFFFFE280  }
0x13: {  	[tilespmem:s13], [sflag:$0x2] =	stream.linear.gather [hbm4b:s7+s3], $0x2500, $0x38;
	[tilespmem:$0x17600] =	vst v63  }
0x14: {  	_ =	swait.ge [sflag:s12], $0x2500  }
0x15: {  	[sflag:s12] =	ssyncset.done $0x0  }
0x16: {  	[sflag:s12] =	ssyncadd.s32 $0xFFFFDB00  }
0x17: {  	[tilespmem:s14], [sflag:$0x2] =	stream.linear.gather [hbm4b:s8+s3], $0x2500, $0x38;
	[tilespmem:$0x17600] =	vst v63  }
0x18: {  	_ =	swait.ge [sflag:s12], $0x2500  }
0x19: {  	[sflag:s12] =	ssyncset.done $0x0  }
0x1a: {  	[sflag:s12] =	ssyncadd.s32 $0xFFFFDB00  }
0x1b: {  	s20 =	simm.s32 $0xEC00;
	[bflag:$0x0] =	sbarrier.arrive $0xFFFF  }
0x1c: {  	[tilespmem:s16], [sflag:$0x1] =	stream.indirect.gather [hbm4b:s4+s15], $0x40, s20, s15, $0xb8;
	[tilespmem:$0x17600] =	vst v63  }
0x1d: {  	_ =	swait.ge [sflag:s17], $0x2000  }
0x1e: {  	[sflag:s17] =	ssyncset.done $0x0  }
0x1f: {  	s30 =	simm.s32 $0x11100;
	[sflag:s17] =	ssyncadd.s32 $0xFFFFE000  }
0x20: {  	[spmem:s2] =	stream.indirect.scatter.add.f32 [tilespmem:s16], [sflag:$0x2], $0x40, s30, s15, $0xb8;
	[tilespmem:$0x17600] =	vst v63  }
0x21: {  	_ =	swait.ge [sflag:s12], $0x2000  }
0x22: {  	[sflag:s12] =	ssyncset.done $0x0  }
0x23: {  	s31 =	simm.s32 $0xEC80;
	[sflag:s12] =	ssyncadd.s32 $0xFFFFE000  }
0x24: {  	[tilespmem:s18], [sflag:$0x1] =	stream.indirect.gather [hbm4b:s4+s15], $0x40, s31, s15, $0xb8;
	[tilespmem:$0x17600] =	vst v63  }
0x25: {  	_ =	swait.ge [sflag:s17], $0x2000  }
0x26: {  	[sflag:s17] =	ssyncset.done $0x0  }
0x27: {  	s20 =	simm.s32 $0x11180;
	[sflag:s17] =	ssyncadd.s32 $0xFFFFE000  }
0x28: {  	[spmem:s2] =	stream.indirect.scatter.add.f32 [tilespmem:s18], [sflag:$0x2], $0x40, s20, s15, $0xb8;
	[tilespmem:$0x17600] =	vst v63  }
0x29: {  	_ =	swait.ge [sflag:s12], $0x2000  }
0x2a: {  	s21 =	simm.s32 $0x0;
	s22 =	simm.s32 $0xED80;
	[sflag:s12] =	ssyncset.done $0x0  }
.LBB2_2:
0x2b: {  	s23 =	sadd.s32 $0xFFFFFF80, s22;
	[sflag:s12] =	ssyncadd.s32 $0xFFFFE000  }
0x2c: {  	[tilespmem:s16], [sflag:$0x1] =	stream.indirect.gather [hbm4b:s4+s15], $0x40, s23, s15, $0xb8;
	[tilespmem:$0x17600] =	vst v63  }
0x2d: {  	_ =	swait.ge [sflag:s17], $0x2000  }
0x2e: {  	s20 =	sadd.s32 $0x100, s20;
	[sflag:s17] =	ssyncset.done $0x0  }
0x2f: {  	s23 =	sadd.s32 $0xFFFFFF80, s20;
	[sflag:s17] =	ssyncadd.s32 $0xFFFFE000  }
0x30: {  	[spmem:s2] =	stream.indirect.scatter.add.f32 [tilespmem:s16], [sflag:$0x2], $0x40, s23, s15, $0xb8;
	[tilespmem:$0x17600] =	vst v63  }
0x31: {  	_ =	swait.ge [sflag:s12], $0x2000  }
0x32: {  	s21 =	sadd.s32 $0x2, s21;
	[sflag:s12] =	ssyncset.done $0x0  }
0x33: {  	p0 =	slt.u32 s21, $0x48;
	[sflag:s12] =	ssyncadd.s32 $0xFFFFE000  }
0x34: {  	[tilespmem:s18], [sflag:$0x1] =	stream.indirect.gather [hbm4b:s4+s15], $0x40, s22, s15, $0xb8;
	[tilespmem:$0x17600] =	vst v63  }
0x35: {  	_ =	swait.ge [sflag:s17], $0x2000  }
.Ltmp0:
0x36: {  	[sflag:s17] =	ssyncset.done $0x0;
	(pc) =	sbr.rel @p0 .LBB2_2-.Ltmp0, $4  }
0x37: {  	[sflag:s17] =	ssyncadd.s32 $0xFFFFE000  }
0x38: {  	[spmem:s2] =	stream.indirect.scatter.add.f32 [tilespmem:s18], [sflag:$0x2], $0x40, s20, s15, $0xb8;
	[tilespmem:$0x17600] =	vst v63  }
0x39: {  	_ =	swait.ge [sflag:s12], $0x2000  }
0x3a: {  	s22 =	sadd.s32 $0x100, s22;
	[sflag:s12] =	ssyncset.done $0x0  }
0x3b: {  	s19 =	sadd.s32 $0x1, s19  }
0x3c: {  	[sflag:s12] =	ssyncadd.s32 $0xFFFFE000;
	p0 =	sne.s32 s19, s10  }
.Ltmp1:
0x3d: {  	[bflag:$0x0] =	sbarrier.arrive $0xFFFF;
	(pc) =	sbr.rel @p0 .LBB2_1-.Ltmp1, $4  }
0x3e: {  	[hbm:s9], [sflag:s6] =	dma.local [spmem:s11], $0x1D80  }
0x3f: {  	_ =	swait.ge [sflag:s12], $0x1D80  }
0x40: {  	[sflag:s12] =	ssyncset.done $0x0  }
0x41: {  	[sflag:s12] =	ssyncadd.s32 $0xFFFFE280  }
0x42: {  	_ =	sfence.sel $0x180000  }
0x43: {  	[bflag:$0x0] =	sbarrier.arrive $0xFFFF  }
0x44: {  	p0 =	sne.s32 s0, $0x0;
	_ =	strace $0x9000005F  }
0x45: {  	s0 =	sadd.s32 @!p0 $0x100000, s1;
	[bflag:$0x2] =	sbarrier.arrive $0xFFFF  }
0x46: {  	[sflag:s0] =	ssyncadd.tile.s32 @!p0 $0x1;
	_ =	shalt  }
.Lfunc_end2:
_tile_overlayer_lowered:
.L_overlay_start_2:
0x47: {  	(tag) =	ssettag $0x2  }
0x48: {  	s0 =	rddreg [dreg:$0x0];
	s2 =	stileid.u32  }
0x49: {  	s1 =	rddreg [dreg:$0x1];
	p0 =	sne.s32 s2, $0x0  }
0x4a: {  	s3 =	rddreg [dreg:$0x2];
	[bflag:$0x3] =	sbarrier.arrive $0xFFFF;
	s2 =	simm.s32 @!p0 $0x1C02  }
0x4b: {  	[timem:s3], [sflag:s2] =	dma.local @!p0 [hbm:s0], s1  }
0x4c: {  	s0 =	simm.s32 @!p0 $0x2  }
0x4d: {  	_ =	swait.ge @!p0 [sflag:s0], s1  }
0x4e: {  	s1 =	ssub.s32 @!p0 $0x0, s1;
	[sflag:s0] =	ssyncset.done @!p0 $0x0  }
0x4f: {  	[sflag:s0] =	ssyncadd.s32 @!p0 s1  }
0x50: {  	[bflag:$0x3] =	sbarrier.arrive $0xFFFF  }
0x51: {  	_ =	shalt  }

</sc_bundles>
